<compile_context>
chip_gen: v7x
topology: tpu7x:2x2x1
jax: 0.10.2.dev20260603
libtpu: 0.0.44.dev20260713+nightly
codegen_flags: <defaults>
</compile_context>

<pallas_src>
import functools

import jax
import jax.numpy as jnp
from jax import lax
from jax.experimental import pallas as pl
from jax.experimental.pallas import tpu as pltpu
from jax.experimental.pallas import tpu_sc as plsc

N = 262144
FEATURE_DIM = 64
TOKEN_DIM = 64
HIDDEN = 64
MAX_TOKENS = 1024
TILE = 8192


def _importance_body(feat_ref, c4_ref, mw1_ref, mb1_ref, mw2_ref, mb2_ref,
                     iw1f_ref, iw1c_ref, ib1_ref, g_ref, b_ref,
                     iw2_ref, ib2_ref, iw3_ref, ib3_ref, imp_ref):
    f = feat_ref[...]
    pf = jnp.maximum(jnp.dot(f, mw1_ref[...], preferred_element_type=jnp.float32) + mb1_ref[...], 0.0)
    pf = jnp.dot(pf, mw2_ref[...], preferred_element_type=jnp.float32) + mb2_ref[...]
    c4 = c4_ref[...]
    h = (jnp.dot(pf, iw1f_ref[...], preferred_element_type=jnp.float32)
         + jnp.dot(c4, iw1c_ref[...], preferred_element_type=jnp.float32)
         + ib1_ref[...])
    h = jnp.maximum(h, 0.0)
    mu = jnp.mean(h, axis=-1, keepdims=True)
    var = jnp.mean((h - mu) ** 2, axis=-1, keepdims=True)
    h = (h - mu) / jnp.sqrt(var + 1e-5) * g_ref[...] + b_ref[...]
    h = jnp.maximum(jnp.dot(h, iw2_ref[...], preferred_element_type=jnp.float32) + ib2_ref[...], 0.0)
    imp = jnp.dot(h, iw3_ref[...], preferred_element_type=jnp.float32) + ib3_ref[...]
    b = jax.lax.bitcast_convert_type(imp, jnp.uint32)
    neg = b >= jnp.uint32(0x80000000)
    imp_ref[...] = jnp.where(neg, b, (~b) & jnp.uint32(0x7FFFFFFF))


def _importance(features, coords4, mlp_W1, mlp_b1, mlp_W2, mlp_b2,
                imp_W1f, imp_W1c, imp_b1, ln_g, ln_b, imp_W2, imp_b2,
                imp_W3, imp_b3):
    grid = N // TILE
    wspec = lambda shape: pl.BlockSpec(shape, lambda i: tuple(0 for _ in shape))
    return pl.pallas_call(
        _importance_body,
        grid=(grid,),
        in_specs=[
            pl.BlockSpec((TILE, FEATURE_DIM), lambda i: (i, 0)),
            pl.BlockSpec((TILE, 4), lambda i: (i, 0)),
            wspec((FEATURE_DIM, HIDDEN)), wspec((HIDDEN,)),
            wspec((HIDDEN, TOKEN_DIM)), wspec((TOKEN_DIM,)),
            wspec((TOKEN_DIM, HIDDEN)), wspec((4, HIDDEN)), wspec((HIDDEN,)),
            wspec((HIDDEN,)), wspec((HIDDEN,)),
            wspec((HIDDEN, HIDDEN)), wspec((HIDDEN,)),
            wspec((HIDDEN, 1)), wspec((1,)),
        ],
        out_specs=pl.BlockSpec((TILE, 1), lambda i: (i, 0)),
        out_shape=jax.ShapeDtypeStruct((N, 1), jnp.uint32),
        compiler_params=pltpu.CompilerParams(
            dimension_semantics=("arbitrary",),
        ),
    )(features, coords4, mlp_W1, mlp_b1, mlp_W2, mlp_b2,
      imp_W1f, imp_W1c, imp_b1, ln_g, ln_b, imp_W2, imp_b2, imp_W3, imp_b3)


NSUB = 16
CHUNK = N // NSUB
NVREG = CHUNK // 16
OUTPAD = 1040
DUMP = OUTPAD - 1


def _lane_sum(v, pad_ref):
    r = v
    for s in (8, 4, 2, 1):
        pad_ref[pl.ds(0, 16)] = r
        r = r + pad_ref[pl.ds(s, 16)]
    return r[0]


def _lane_min_u32(v, pad_ref):
    r = v
    for s in (8, 4, 2, 1):
        pad_ref[pl.ds(0, 16)] = r
        r = jnp.minimum(r, pad_ref[pl.ds(s, 16)])
    return r[0]


def _sc_topk(keys):
    mesh = plsc.VectorSubcoreMesh(core_axis_name="c", subcore_axis_name="s",
                                  num_cores=1)

    @functools.partial(
        pl.kernel, mesh=mesh,
        out_type=jax.ShapeDtypeStruct((MAX_TOKENS,), jnp.int32),
        scratch_types=[
            pltpu.VMEM((CHUNK,), jnp.uint32),
            pltpu.VMEM((32,), jnp.int32),
            pltpu.VMEM((32,), jnp.uint32),
            pltpu.VMEM((16,), jnp.int32),
            pltpu.VMEM((NSUB, 16), jnp.int32),
            pltpu.VMEM((OUTPAD,), jnp.int32),
            pltpu.VMEM((OUTPAD + 8,), jnp.int32),
            pltpu.VMEM((MAX_TOKENS + 32,), jnp.int32),
            pltpu.VMEM_SHARED((NSUB, 16), jnp.int32),
            pltpu.VMEM_SHARED((2208,), jnp.int32),
        ],
    )
    def topk(key_hbm, sel_hbm, key_v, padi_v, padu_v, pub_v, cnts_v,
             outb_v, stage_v, outf_v, cnts_sh, sel_sh):
        tid = lax.axis_index("s")
        lanes = lax.iota(jnp.int32, 16)
        base = tid * CHUNK

        pltpu.sync_copy(key_hbm.at[pl.ds(base, CHUNK)], key_v)
        padi_v[pl.ds(16, 16)] = jnp.zeros((16,), jnp.int32)
        padu_v[pl.ds(16, 16)] = jnp.full((16,), 0xFFFFFFFF, jnp.uint32)

        def count_le(mid):
            def outer(i, tot):
                acc = jnp.zeros((16,), jnp.int32)
                for j in range(16):
                    k = key_v[pl.ds(i * 256 + j * 16, 16)]
                    acc = acc + jnp.where(k <= mid, 1, 0)
                return tot + _lane_sum(acc, padi_v)
            return lax.fori_loop(0, NVREG // 16, outer, jnp.int32(0))

        def publish_and_sum(val0, val1):
            pub_v[...] = jnp.where(lanes == 0, val0,
                                   jnp.where(lanes == 1, val1, 0))
            pltpu.sync_copy(pub_v, cnts_sh.at[tid])
            plsc.subcore_barrier()
            pltpu.sync_copy(cnts_sh, cnts_v)
            plsc.subcore_barrier()

        def round_(r, carry):
            lo, hi = carry
            mid = lo + lax.shift_right_logical(hi - lo, jnp.uint32(1))
            c_loc = count_le(mid)
            publish_and_sum(c_loc, jnp.int32(0))
            c_glob = jnp.int32(0)
            for j in range(NSUB):
                c_glob = c_glob + cnts_v[j, :][0]
            ge = c_glob >= jnp.int32(MAX_TOKENS)
            lo2 = jnp.where(ge, lo, mid + jnp.uint32(1))
            hi2 = jnp.where(ge, mid, hi)
            return lo2, hi2
        thr, _ = lax.fori_loop(0, 32, round_,
                               (jnp.uint32(0), jnp.uint32(0xFFFFFFFF)))

        def cnt_outer(i, carry):
            ts, tt = carry
            accs = jnp.zeros((16,), jnp.int32)
            acct = jnp.zeros((16,), jnp.int32)
            for j in range(16):
                k = key_v[pl.ds(i * 256 + j * 16, 16)]
                accs = accs + jnp.where(k < thr, 1, 0)
                acct = acct + jnp.where(k == thr, 1, 0)
            return (ts + _lane_sum(accs, padi_v), tt + _lane_sum(acct, padi_v))
        s_i, t_i = lax.fori_loop(0, NVREG // 16, cnt_outer,
                                 (jnp.int32(0), jnp.int32(0)))
        publish_and_sum(s_i, t_i)

        S_tot = jnp.int32(0)
        Tp_i = jnp.int32(0)
        for j in range(NSUB):
            row = cnts_v[j, :]
            S_tot = S_tot + row[0]
            Tp_i = Tp_i + jnp.where(jnp.int32(j) < tid, row[1], 0)
        n_eq_take = jnp.int32(MAX_TOKENS) - S_tot
        quota_i = jnp.clip(n_eq_take - Tp_i, 0, t_i)
        Op_i = jnp.int32(0)
        Tp_run = jnp.int32(0)
        for j in range(NSUB):
            row = cnts_v[j, :]
            cj = row[0] + jnp.clip(n_eq_take - Tp_run, 0, row[1])
            cpj = ((cj + 7) >> 3) << 3
            Op_i = Op_i + jnp.where(jnp.int32(j) < tid, cpj, 0)
            Tp_run = Tp_run + row[1]

        def comp(i, carry):
            def active(carry):
                p, nt = carry
                k = key_v[pl.ds(i * 16, 16)]
                for l in range(16):
                    kv = k[l]
                    is_tie = kv == thr
                    sel = jnp.logical_or(
                        kv < thr, jnp.logical_and(is_tie, nt < quota_i))
                    p_eff = jnp.where(sel, p, jnp.int32(DUMP))
                    b16 = p_eff & ~jnp.int32(15)
                    ln = p_eff & jnp.int32(15)
                    old = outb_v[pl.ds(b16, 16)]
                    outb_v[pl.ds(b16, 16)] = jnp.where(
                        lanes == ln, base + i * 16 + l, old)
                    p = p + jnp.where(sel, 1, 0)
                    nt = nt + jnp.where(is_tie, 1, 0)
                return p, nt
            k = key_v[pl.ds(i * 16, 16)]
            kmin = _lane_min_u32(k, padu_v)
            return lax.cond(kmin <= thr, active, lambda c: c, carry)
        lax.fori_loop(0, NVREG, comp, (jnp.int32(0), jnp.int32(0)))

        for t in range(NSUB):
            @pl.when(tid == jnp.int32(t))
            def _():
                pltpu.sync_copy(
                    outb_v, sel_sh.at[pl.ds(pl.multiple_of(Op_i, 8), OUTPAD)])
            plsc.subcore_barrier()

        @pl.when(tid == 0)
        def _():
            Oe = jnp.int32(0)
            Op = jnp.int32(0)
            Tp2 = jnp.int32(0)
            for j in range(NSUB):
                row = cnts_v[j, :]
                cj = row[0] + jnp.clip(n_eq_take - Tp2, 0, row[1])
                pltpu.sync_copy(
                    sel_sh.at[pl.ds(pl.multiple_of(Op, 8), OUTPAD + 8)],
                    stage_v)
                def mv(q, _, cj=cj, Oe=Oe):
                    outf_v[pl.ds(Oe + q * 16, 16)] = stage_v[pl.ds(q * 16, 16)]
                    return 0
                lax.fori_loop(0, (cj + 15) >> 4, mv, 0)
                Oe = Oe + cj
                Op = Op + (((cj + 7) >> 3) << 3)
                Tp2 = Tp2 + row[1]
            pltpu.sync_copy(outf_v.at[pl.ds(0, MAX_TOKENS)], sel_hbm)

    return topk(keys)


def kernel(coordinates, features, temperature, mlp_W1, mlp_b1, mlp_W2, mlp_b2,
           imp_W1, imp_b1, ln_g, ln_b, imp_W2, imp_b2, imp_W3, imp_b3,
           nb_W1, nb_b1, nb_W2, nb_b2):
    coords4 = coordinates[:, 1:5]
    importance = _importance(
        features, coords4, mlp_W1, mlp_b1, mlp_W2, mlp_b2,
        imp_W1[:TOKEN_DIM], imp_W1[TOKEN_DIM:], imp_b1, ln_g, ln_b,
        imp_W2, imp_b2, imp_W3, imp_b3).reshape(N)

    sel = _sc_topk(importance)
    cents = coords4[sel]
    fsel = features[sel]
    pf_sel = jnp.maximum(fsel @ mlp_W1 + mlp_b1, 0.0) @ mlp_W2 + mlp_b2
    toks = jnp.maximum(pf_sel @ nb_W1 + nb_b1, 0.0) @ nb_W2 + nb_b2
    order = jnp.argsort(cents[:, 3])
    cents = cents[order]
    toks = toks[order]
    tokens = toks[None]
    centroids = cents[None]
    masks = jnp.ones((1, MAX_TOKENS), dtype=bool)
    return tokens, centroids, masks

# --- scband reference (transcript-rebuilt; emitter-appended) ---
"""Pipeline reference for scband-gumbel-softmax-tokenizer-63522566308109 (READ-ONLY COPY).

The authoritative reference and input builder live on the scoring server;
editing this copy changes nothing except your own understanding.
"""

import jax, jax.numpy as jnp
import numpy as np

N = 262144
FEATURE_DIM = 64
TOKEN_DIM = 64
HIDDEN = 64
MAX_TOKENS = 1024


def _linear_init(key, fan_in, fan_out):
    return (jax.random.normal(key, (fan_in, fan_out), dtype=jnp.float32) / np.sqrt(fan_in)).astype(jnp.float32)


def setup_inputs(seed: int = 0):
    key = jax.random.key(seed)
    ks = jax.random.split(key, 12)
    coordinates = jax.random.uniform(ks[0], (N, 5), dtype=jnp.float32)
    features = jax.random.normal(ks[1], (N, FEATURE_DIM), dtype=jnp.float32)
    return {
        "coordinates": coordinates,
        "features": features,
        "temperature": jnp.asarray(1.0, dtype=jnp.float32),
        "mlp_W1": _linear_init(ks[2], FEATURE_DIM, HIDDEN),
        "mlp_b1": jnp.zeros((HIDDEN,), jnp.float32),
        "mlp_W2": _linear_init(ks[3], HIDDEN, TOKEN_DIM),
        "mlp_b2": jnp.zeros((TOKEN_DIM,), jnp.float32),
        "imp_W1": _linear_init(ks[4], TOKEN_DIM + 4, HIDDEN),
        "imp_b1": jnp.zeros((HIDDEN,), jnp.float32),
        "ln_g": jnp.ones((HIDDEN,), jnp.float32),
        "ln_b": jnp.zeros((HIDDEN,), jnp.float32),
        "imp_W2": _linear_init(ks[5], HIDDEN, HIDDEN),
        "imp_b2": jnp.zeros((HIDDEN,), jnp.float32),
        "imp_W3": _linear_init(ks[6], HIDDEN, 1),
        "imp_b3": jnp.zeros((1,), jnp.float32),
        "nb_W1": _linear_init(ks[7], TOKEN_DIM, TOKEN_DIM),
        "nb_b1": jnp.zeros((TOKEN_DIM,), jnp.float32),
        "nb_W2": _linear_init(ks[8], TOKEN_DIM, TOKEN_DIM),
        "nb_b2": jnp.zeros((TOKEN_DIM,), jnp.float32),
    }


def _forward(coordinates, features, temperature, mlp_W1, mlp_b1, mlp_W2, mlp_b2,
             imp_W1, imp_b1, ln_g, ln_b, imp_W2, imp_b2, imp_W3, imp_b3,
             nb_W1, nb_b1, nb_W2, nb_b2, batch_size):
    batch_indices = coordinates[:, 0].astype(jnp.int32)
    xyz = coordinates[:, 1:4]
    t = coordinates[:, 4:5]
    # point-feature MLP: Linear->ReLU->Linear (mlp_layers=[64], token_dim=64)
    pf = jax.nn.relu(features @ mlp_W1 + mlp_b1) @ mlp_W2 + mlp_b2
    coords_4d = jnp.concatenate([xyz, t], axis=-1)
    # importance encoder: Linear->ReLU->LayerNorm->Linear->ReLU->Linear
    comb = jnp.concatenate([pf, coords_4d], axis=-1)
    hi = jax.nn.relu(comb @ imp_W1 + imp_b1)
    mu = jnp.mean(hi, axis=-1, keepdims=True)
    var = jnp.var(hi, axis=-1, keepdims=True)
    hi = (hi - mu) / jnp.sqrt(var + 1e-5) * ln_g + ln_b
    hi = jax.nn.relu(hi @ imp_W2 + imp_b2)
    importance = (hi @ imp_W3 + imp_b3)[:, 0]
    n_pts = coordinates.shape[0]
    toks_l, cents_l, masks_l = [], [], []
    for b in range(batch_size):
        idxs = jnp.nonzero(batch_indices == b, size=n_pts)[0]
        bc = coords_4d[idxs]
        bf = pf[idxs]
        bi = importance[idxs]
        # select_and_aggregate (num_points > max_tokens path), eval mode: no Gumbel noise
        temp = jax.nn.softplus(temperature) + 0.1
        logits = (bi / temp)[None, :]
        _vals, topk_idx = jax.lax.top_k(logits, MAX_TOKENS)
        soft = jax.nn.softmax(logits, axis=-1)
        hard = jnp.zeros_like(logits).at[0, topk_idx[0]].set(1.0)
        weights = jax.lax.stop_gradient(hard) + soft - jax.lax.stop_gradient(soft)
        del weights  # computed for faithfulness; unused downstream (same as torch code)
        sel = topk_idx[0]
        cents = bc[sel]
        toks = bf[sel]
        toks = jax.nn.relu(toks @ nb_W1 + nb_b1) @ nb_W2 + nb_b2
        # sort selected tokens by time coordinate
        order = jnp.argsort(cents[:, 3])
        cents = cents[order]
        toks = toks[order]
        toks_l.append(toks)
        cents_l.append(cents)
        masks_l.append(jnp.ones((1, MAX_TOKENS), dtype=bool))
    tokens = jnp.stack(toks_l, axis=0)
    centroids = jnp.stack(cents_l, axis=0)
    masks = jnp.concatenate(masks_l, axis=0)
    return tokens, centroids, masks


def reference(coordinates, features, temperature, mlp_W1, mlp_b1, mlp_W2, mlp_b2,
              imp_W1, imp_b1, ln_g, ln_b, imp_W2, imp_b2, imp_W3, imp_b3,
              nb_W1, nb_b1, nb_W2, nb_b2):
    # coordinates[:, 0] is drawn from uniform [0, 1), so its int32 cast is
    # identically zero and max+1 is the constant 1; the traced batch-index
    # dependence on coordinates remains consumed inside _forward.
    batch_size = 1
    return _forward(coordinates, features, temperature, mlp_W1, mlp_b1, mlp_W2, mlp_b2,
                    imp_W1, imp_b1, ln_g, ln_b, imp_W2, imp_b2, imp_W3, imp_b3,
                    nb_W1, nb_b1, nb_W2, nb_b2, batch_size)

if __name__ == "__main__":
    import jax
    _d = setup_inputs()
    print(jax.jit(kernel)(*tuple(_d.values())))

</pallas_src>

<mosaic_0001>
#map = affine_map<(d0, d1) -> (0)>
module attributes {stable_mosaic.version = 14 : i64} {
  func.func @topk(%arg0: i32, %arg1: i32, %arg2: memref<262144xi32, #tpu.memory_space<hbm>>, %arg3: memref<1024xi32, #tpu.memory_space<hbm>>, %arg4: memref<16384xi32, #tpu.memory_space<vmem>>, %arg5: memref<32xi32, #tpu.memory_space<vmem>>, %arg6: memref<32xi32, #tpu.memory_space<vmem>>, %arg7: memref<16xi32, #tpu.memory_space<vmem>>, %arg8: memref<16x16xi32, #tpu.memory_space<vmem>>, %arg9: memref<1040xi32, #tpu.memory_space<vmem>>, %arg10: memref<1048xi32, #tpu.memory_space<vmem>>, %arg11: memref<1056xi32, #tpu.memory_space<vmem>>, %arg12: memref<16x16xi32, #tpu.memory_space<vmem_shared>>, %arg13: memref<2208xi32, #tpu.memory_space<vmem_shared>>) attributes {dimension_semantics = [#tpu.dimension_semantics<core_parallel>, #tpu.dimension_semantics<subcore_parallel>], iteration_bounds = array<i64: 1, 16>, scalar_prefetch = 0 : i64, scratch_operands = 10 : i64, tpu.core_type = #tpu.core_type<sc_vector_subcore>, window_params = [{transform_indices = #map}, {transform_indices = #map}]} {
    %iota3A = tpu.iota {dimensions = array<i32: 0>} : vector<16xi32>
    %mul3A = arith.constant 16384 : i32
    %mul3A_0 = arith.muli %arg1, %mul3A : i32
    "tpu.region"() ({
      %run_scoped3A = tpu.sem_alloc : memref<!tpu.dma_semaphore, #tpu.memory_space<semaphore_mem>>
      %dma_start3A = tpu.memref_slice %arg2[%mul3A_0] : memref<262144xi32, #tpu.memory_space<hbm>> -> memref<16384xi32, #tpu.memory_space<hbm>>
      %dma_start3A_836 = tpu.memref_slice %arg2[%mul3A_0] : memref<262144xi32, #tpu.memory_space<hbm>> -> memref<16384xi32, #tpu.memory_space<hbm>>
      tpu.enqueue_dma source(%dma_start3A_836 : memref<16384xi32, #tpu.memory_space<hbm>>) target(%arg4 : memref<16384xi32, #tpu.memory_space<vmem>>) target_semaphore(%run_scoped3A : memref<!tpu.dma_semaphore, #tpu.memory_space<semaphore_mem>>)
      %dma_wait3A = tpu.memref_slice %arg2[%mul3A_0] : memref<262144xi32, #tpu.memory_space<hbm>> -> memref<16384xi32, #tpu.memory_space<hbm>>
      %dma_wait3A_837 = tpu.memref_slice %arg2[%mul3A_0] : memref<262144xi32, #tpu.memory_space<hbm>> -> memref<16384xi32, #tpu.memory_space<hbm>>
      tpu.wait_dma2 semaphore(%run_scoped3A : memref<!tpu.dma_semaphore, #tpu.memory_space<semaphore_mem>>) src(%dma_wait3A_837 : memref<16384xi32, #tpu.memory_space<hbm>>) dst(%arg4 : memref<16384xi32, #tpu.memory_space<vmem>>)
      tpu.yield
    }) : () -> ()
    %broadcast_in_dim3A = arith.constant 0 : i32
    %broadcast_in_dim3A_1 = vector.broadcast %broadcast_in_dim3A : i32 to vector<16xi32>
    %swap3A = arith.constant 16 : index
    %swap3A_2 = tpu.vector_load %arg5[%swap3A] {strides = array<i32>} : memref<32xi32, #tpu.memory_space<vmem>>, vector<16xi32>,
    %swap3A_3 = vector.shape_cast %swap3A_2 : vector<16xi32> to vector<16xi32>
    %swap3A_4 = vector.shape_cast %broadcast_in_dim3A_1 : vector<16xi32> to vector<16xi32>
    tpu.vector_store %arg5[%swap3A], %swap3A_4 {strides = array<i32>} : memref<32xi32, #tpu.memory_space<vmem>>, vector<16xi32>,
    %broadcast_in_dim3A_5 = arith.constant -1 : i32
    %broadcast_in_dim3A_6 = vector.broadcast %broadcast_in_dim3A_5 : i32 to vector<16xi32>
    %swap3A_7 = arith.constant 16 : index
    %swap3A_8 = tpu.vector_load %arg6[%swap3A_7] {strides = array<i32>} : memref<32xi32, #tpu.memory_space<vmem>>, vector<16xi32>,
    %swap3A_9 = vector.shape_cast %swap3A_8 : vector<16xi32> to vector<16xi32>
    %swap3A_10 = vector.shape_cast %broadcast_in_dim3A_6 : vector<16xi32> to vector<16xi32>
    tpu.vector_store %arg6[%swap3A_7], %swap3A_10 {strides = array<i32>} : memref<32xi32, #tpu.memory_space<vmem>>, vector<16xi32>,
    %scan3A = arith.constant 0 : i32
    %scan3A_11 = arith.constant -1 : i32
    %scan3A_12 = arith.constant 0 : i32
    %scan3A_13 = arith.constant 32 : i32
    %scan3A_14 = arith.addi %scan3A_12, %scan3A_13 : i32
    %scan3A_15 = arith.constant 1 : i32
    %scan3A_16:2 = scf.for %scan3A_836 = %scan3A_12 to %scan3A_14 step %scan3A_15 iter_args(%scan3A_837 = %scan3A, %scan3A_838 = %scan3A_11) -> (i32, i32)  : i32 {
      %sub3A_839 = arith.subi %scan3A_838, %scan3A_837 : i32
      %shift_right_logical3A = arith.constant 1 : i32
      %shift_right_logical3A_840 = arith.shrui %sub3A_839, %shift_right_logical3A : i32
      %add3A_841 = arith.addi %scan3A_837, %shift_right_logical3A_840 : i32
      %scan3A_842 = arith.constant 0 : i32
      %scan3A_843 = arith.constant 0 : i32
      %scan3A_844 = arith.constant 64 : i32
      %scan3A_845 = arith.addi %scan3A_843, %scan3A_844 : i32
      %scan3A_846 = arith.constant 1 : i32
      %scan3A_847 = scf.for %scan3A_1002 = %scan3A_843 to %scan3A_845 step %scan3A_846 iter_args(%scan3A_1003 = %scan3A_842) -> (i32)  : i32 {
        %broadcast_in_dim3A_1004 = arith.constant 0 : i32
        %broadcast_in_dim3A_1005 = vector.broadcast %broadcast_in_dim3A_1004 : i32 to vector<16xi32>
        %mul3A_1006 = arith.constant 256 : i32
        %mul3A_1007 = arith.muli %scan3A_1002, %mul3A_1006 : i32
        %add3A_1008 = arith.constant 0 : i32
        %add3A_1009 = arith.addi %mul3A_1007, %add3A_1008 : i32
        %get3A_1010 = arith.index_cast %add3A_1009 : i32 to index
        %get3A_1011 = tpu.vector_load %arg4[%get3A_1010] {strides = array<i32>} : memref<16384xi32, #tpu.memory_space<vmem>>, vector<16xi32>,
        %get3A_1012 = vector.shape_cast %get3A_1011 : vector<16xi32> to vector<16xi32>
        %le3A = vector.broadcast %add3A_841 : i32 to vector<16xi32>
        %le3A_1013 = arith.cmpi ule, %get3A_1012, %le3A : vector<16xi32>
        %jit3A_1014 = arith.constant 1 : i32
        %jit3A_1015 = arith.constant 0 : i32
        %broadcast_in_dim3A_1016 = vector.broadcast %jit3A_1014 : i32 to vector<16xi32>
        %broadcast_in_dim3A_1017 = vector.broadcast %jit3A_1015 : i32 to vector<16xi32>
        %select_n3A_1018 = arith.select %le3A_1013, %broadcast_in_dim3A_1016, %broadcast_in_dim3A_1017 : vector<16xi1>, vector<16xi32>
        %add3A_1019 = arith.addi %broadcast_in_dim3A_1005, %select_n3A_1018 : vector<16xi32>
        %mul3A_1020 = arith.constant 256 : i32
        %mul3A_1021 = arith.muli %scan3A_1002, %mul3A_1020 : i32
        %add3A_1022 = arith.constant 16 : i32
        %add3A_1023 = arith.addi %mul3A_1021, %add3A_1022 : i32
        %get3A_1024 = arith.index_cast %add3A_1023 : i32 to index
        %get3A_1025 = tpu.vector_load %arg4[%get3A_1024] {strides = array<i32>} : memref<16384xi32, #tpu.memory_space<vmem>>, vector<16xi32>,
        %get3A_1026 = vector.shape_cast %get3A_1025 : vector<16xi32> to vector<16xi32>
        %le3A_1027 = vector.broadcast %add3A_841 : i32 to vector<16xi32>
        %le3A_1028 = arith.cmpi ule, %get3A_1026, %le3A_1027 : vector<16xi32>
        %jit3A_1029 = arith.constant 1 : i32
        %jit3A_1030 = arith.constant 0 : i32
        %broadcast_in_dim3A_1031 = vector.broadcast %jit3A_1029 : i32 to vector<16xi32>
        %broadcast_in_dim3A_1032 = vector.broadcast %jit3A_1030 : i32 to vector<16xi32>
        %select_n3A_1033 = arith.select %le3A_1028, %broadcast_in_dim3A_1031, %broadcast_in_dim3A_1032 : vector<16xi1>, vector<16xi32>
        %add3A_1034 = arith.addi %add3A_1019, %select_n3A_1033 : vector<16xi32>
        %mul3A_1035 = arith.constant 256 : i32
        %mul3A_1036 = arith.muli %scan3A_1002, %mul3A_1035 : i32
        %add3A_1037 = arith.constant 32 : i32
        %add3A_1038 = arith.addi %mul3A_1036, %add3A_1037 : i32
        %get3A_1039 = arith.index_cast %add3A_1038 : i32 to index
        %get3A_1040 = tpu.vector_load %arg4[%get3A_1039] {strides = array<i32>} : memref<16384xi32, #tpu.memory_space<vmem>>, vector<16xi32>,
        %get3A_1041 = vector.shape_cast %get3A_1040 : vector<16xi32> to vector<16xi32>
        %le3A_1042 = vector.broadcast %add3A_841 : i32 to vector<16xi32>
        %le3A_1043 = arith.cmpi ule, %get3A_1041, %le3A_1042 : vector<16xi32>
        %jit3A_1044 = arith.constant 1 : i32
        %jit3A_1045 = arith.constant 0 : i32
        %broadcast_in_dim3A_1046 = vector.broadcast %jit3A_1044 : i32 to vector<16xi32>
        %broadcast_in_dim3A_1047 = vector.broadcast %jit3A_1045 : i32 to vector<16xi32>
        %select_n3A_1048 = arith.select %le3A_1043, %broadcast_in_dim3A_1046, %broadcast_in_dim3A_1047 : vector<16xi1>, vector<16xi32>
        %add3A_1049 = arith.addi %add3A_1034, %select_n3A_1048 : vector<16xi32>
        %mul3A_1050 = arith.constant 256 : i32
        %mul3A_1051 = arith.muli %scan3A_1002, %mul3A_1050 : i32
        %add3A_1052 = arith.constant 48 : i32
        %add3A_1053 = arith.addi %mul3A_1051, %add3A_1052 : i32
        %get3A_1054 = arith.index_cast %add3A_1053 : i32 to index
        %get3A_1055 = tpu.vector_load %arg4[%get3A_1054] {strides = array<i32>} : memref<16384xi32, #tpu.memory_space<vmem>>, vector<16xi32>,
        %get3A_1056 = vector.shape_cast %get3A_1055 : vector<16xi32> to vector<16xi32>
        %le3A_1057 = vector.broadcast %add3A_841 : i32 to vector<16xi32>
        %le3A_1058 = arith.cmpi ule, %get3A_1056, %le3A_1057 : vector<16xi32>
        %jit3A_1059 = arith.constant 1 : i32
        %jit3A_1060 = arith.constant 0 : i32
        %broadcast_in_dim3A_1061 = vector.broadcast %jit3A_1059 : i32 to vector<16xi32>
        %broadcast_in_dim3A_1062 = vector.broadcast %jit3A_1060 : i32 to vector<16xi32>
        %select_n3A_1063 = arith.select %le3A_1058, %broadcast_in_dim3A_1061, %broadcast_in_dim3A_1062 : vector<16xi1>, vector<16xi32>
        %add3A_1064 = arith.addi %add3A_1049, %select_n3A_1063 : vector<16xi32>
        %mul3A_1065 = arith.constant 256 : i32
        %mul3A_1066 = arith.muli %scan3A_1002, %mul3A_1065 : i32
        %add3A_1067 = arith.constant 64 : i32
        %add3A_1068 = arith.addi %mul3A_1066, %add3A_1067 : i32
        %get3A_1069 = arith.index_cast %add3A_1068 : i32 to index
        %get3A_1070 = tpu.vector_load %arg4[%get3A_1069] {strides = array<i32>} : memref<16384xi32, #tpu.memory_space<vmem>>, vector<16xi32>,
        %get3A_1071 = vector.shape_cast %get3A_1070 : vector<16xi32> to vector<16xi32>
        %le3A_1072 = vector.broadcast %add3A_841 : i32 to vector<16xi32>
        %le3A_1073 = arith.cmpi ule, %get3A_1071, %le3A_1072 : vector<16xi32>
        %jit3A_1074 = arith.constant 1 : i32
        %jit3A_1075 = arith.constant 0 : i32
        %broadcast_in_dim3A_1076 = vector.broadcast %jit3A_1074 : i32 to vector<16xi32>
        %broadcast_in_dim3A_1077 = vector.broadcast %jit3A_1075 : i32 to vector<16xi32>
        %select_n3A_1078 = arith.select %le3A_1073, %broadcast_in_dim3A_1076, %broadcast_in_dim3A_1077 : vector<16xi1>, vector<16xi32>
        %add3A_1079 = arith.addi %add3A_1064, %select_n3A_1078 : vector<16xi32>
        %mul3A_1080 = arith.constant 256 : i32
        %mul3A_1081 = arith.muli %scan3A_1002, %mul3A_1080 : i32
        %add3A_1082 = arith.constant 80 : i32
        %add3A_1083 = arith.addi %mul3A_1081, %add3A_1082 : i32
        %get3A_1084 = arith.index_cast %add3A_1083 : i32 to index
        %get3A_1085 = tpu.vector_load %arg4[%get3A_1084] {strides = array<i32>} : memref<16384xi32, #tpu.memory_space<vmem>>, vector<16xi32>,
        %get3A_1086 = vector.shape_cast %get3A_1085 : vector<16xi32> to vector<16xi32>
        %le3A_1087 = vector.broadcast %add3A_841 : i32 to vector<16xi32>
        %le3A_1088 = arith.cmpi ule, %get3A_1086, %le3A_1087 : vector<16xi32>
        %jit3A_1089 = arith.constant 1 : i32
        %jit3A_1090 = arith.constant 0 : i32
        %broadcast_in_dim3A_1091 = vector.broadcast %jit3A_1089 : i32 to vector<16xi32>
        %broadcast_in_dim3A_1092 = vector.broadcast %jit3A_1090 : i32 to vector<16xi32>
        %select_n3A_1093 = arith.select %le3A_1088, %broadcast_in_dim3A_1091, %broadcast_in_dim3A_1092 : vector<16xi1>, vector<16xi32>
        %add3A_1094 = arith.addi %add3A_1079, %select_n3A_1093 : vector<16xi32>
        %mul3A_1095 = arith.constant 256 : i32
        %mul3A_1096 = arith.muli %scan3A_1002, %mul3A_1095 : i32
        %add3A_1097 = arith.constant 96 : i32
        %add3A_1098 = arith.addi %mul3A_1096, %add3A_1097 : i32
        %get3A_1099 = arith.index_cast %add3A_1098 : i32 to index
        %get3A_1100 = tpu.vector_load %arg4[%get3A_1099] {strides = array<i32>} : memref<16384xi32, #tpu.memory_space<vmem>>, vector<16xi32>,
        %get3A_1101 = vector.shape_cast %get3A_1100 : vector<16xi32> to vector<16xi32>
        %le3A_1102 = vector.broadcast %add3A_841 : i32 to vector<16xi32>
        %le3A_1103 = arith.cmpi ule, %get3A_1101, %le3A_1102 : vector<16xi32>
        %jit3A_1104 = arith.constant 1 : i32
        %jit3A_1105 = arith.constant 0 : i32
        %broadcast_in_dim3A_1106 = vector.broadcast %jit3A_1104 : i32 to vector<16xi32>
        %broadcast_in_dim3A_1107 = vector.broadcast %jit3A_1105 : i32 to vector<16xi32>
        %select_n3A_1108 = arith.select %le3A_1103, %broadcast_in_dim3A_1106, %broadcast_in_dim3A_1107 : vector<16xi1>, vector<16xi32>
        %add3A_1109 = arith.addi %add3A_1094, %select_n3A_1108 : vector<16xi32>
        %mul3A_1110 = arith.constant 256 : i32
        %mul3A_1111 = arith.muli %scan3A_1002, %mul3A_1110 : i32
        %add3A_1112 = arith.constant 112 : i32
        %add3A_1113 = arith.addi %mul3A_1111, %add3A_1112 : i32
        %get3A_1114 = arith.index_cast %add3A_1113 : i32 to index
        %get3A_1115 = tpu.vector_load %arg4[%get3A_1114] {strides = array<i32>} : memref<16384xi32, #tpu.memory_space<vmem>>, vector<16xi32>,
        %get3A_1116 = vector.shape_cast %get3A_1115 : vector<16xi32> to vector<16xi32>
        %le3A_1117 = vector.broadcast %add3A_841 : i32 to vector<16xi32>
        %le3A_1118 = arith.cmpi ule, %get3A_1116, %le3A_1117 : vector<16xi32>
        %jit3A_1119 = arith.constant 1 : i32
        %jit3A_1120 = arith.constant 0 : i32
        %broadcast_in_dim3A_1121 = vector.broadcast %jit3A_1119 : i32 to vector<16xi32>
        %broadcast_in_dim3A_1122 = vector.broadcast %jit3A_1120 : i32 to vector<16xi32>
        %select_n3A_1123 = arith.select %le3A_1118, %broadcast_in_dim3A_1121, %broadcast_in_dim3A_1122 : vector<16xi1>, vector<16xi32>
        %add3A_1124 = arith.addi %add3A_1109, %select_n3A_1123 : vector<16xi32>
        %mul3A_1125 = arith.constant 256 : i32
        %mul3A_1126 = arith.muli %scan3A_1002, %mul3A_1125 : i32
        %add3A_1127 = arith.constant 128 : i32
        %add3A_1128 = arith.addi %mul3A_1126, %add3A_1127 : i32
        %get3A_1129 = arith.index_cast %add3A_1128 : i32 to index
        %get3A_1130 = tpu.vector_load %arg4[%get3A_1129] {strides = array<i32>} : memref<16384xi32, #tpu.memory_space<vmem>>, vector<16xi32>,
        %get3A_1131 = vector.shape_cast %get3A_1130 : vector<16xi32> to vector<16xi32>
        %le3A_1132 = vector.broadcast %add3A_841 : i32 to vector<16xi32>
        %le3A_1133 = arith.cmpi ule, %get3A_1131, %le3A_1132 : vector<16xi32>
        %jit3A_1134 = arith.constant 1 : i32
        %jit3A_1135 = arith.constant 0 : i32
        %broadcast_in_dim3A_1136 = vector.broadcast %jit3A_1134 : i32 to vector<16xi32>
        %broadcast_in_dim3A_1137 = vector.broadcast %jit3A_1135 : i32 to vector<16xi32>
        %select_n3A_1138 = arith.select %le3A_1133, %broadcast_in_dim3A_1136, %broadcast_in_dim3A_1137 : vector<16xi1>, vector<16xi32>
        %add3A_1139 = arith.addi %add3A_1124, %select_n3A_1138 : vector<16xi32>
        %mul3A_1140 = arith.constant 256 : i32
        %mul3A_1141 = arith.muli %scan3A_1002, %mul3A_1140 : i32
        %add3A_1142 = arith.constant 144 : i32
        %add3A_1143 = arith.addi %mul3A_1141, %add3A_1142 : i32
        %get3A_1144 = arith.index_cast %add3A_1143 : i32 to index
        %get3A_1145 = tpu.vector_load %arg4[%get3A_1144] {strides = array<i32>} : memref<16384xi32, #tpu.memory_space<vmem>>, vector<16xi32>,
        %get3A_1146 = vector.shape_cast %get3A_1145 : vector<16xi32> to vector<16xi32>
        %le3A_1147 = vector.broadcast %add3A_841 : i32 to vector<16xi32>
        %le3A_1148 = arith.cmpi ule, %get3A_1146, %le3A_1147 : vector<16xi32>
        %jit3A_1149 = arith.constant 1 : i32
        %jit3A_1150 = arith.constant 0 : i32
        %broadcast_in_dim3A_1151 = vector.broadcast %jit3A_1149 : i32 to vector<16xi32>
        %broadcast_in_dim3A_1152 = vector.broadcast %jit3A_1150 : i32 to vector<16xi32>
        %select_n3A_1153 = arith.select %le3A_1148, %broadcast_in_dim3A_1151, %broadcast_in_dim3A_1152 : vector<16xi1>, vector<16xi32>
        %add3A_1154 = arith.addi %add3A_1139, %select_n3A_1153 : vector<16xi32>
        %mul3A_1155 = arith.constant 256 : i32
        %mul3A_1156 = arith.muli %scan3A_1002, %mul3A_1155 : i32
        %add3A_1157 = arith.constant 160 : i32
        %add3A_1158 = arith.addi %mul3A_1156, %add3A_1157 : i32
        %get3A_1159 = arith.index_cast %add3A_1158 : i32 to index
        %get3A_1160 = tpu.vector_load %arg4[%get3A_1159] {strides = array<i32>} : memref<16384xi32, #tpu.memory_space<vmem>>, vector<16xi32>,
        %get3A_1161 = vector.shape_cast %get3A_1160 : vector<16xi32> to vector<16xi32>
        %le3A_1162 = vector.broadcast %add3A_841 : i32 to vector<16xi32>
        %le3A_1163 = arith.cmpi ule, %get3A_1161, %le3A_1162 : vector<16xi32>
        %jit3A_1164 = arith.constant 1 : i32
        %jit3A_1165 = arith.constant 0 : i32
        %broadcast_in_dim3A_1166 = vector.broadcast %jit3A_1164 : i32 to vector<16xi32>
        %broadcast_in_dim3A_1167 = vector.broadcast %jit3A_1165 : i32 to vector<16xi32>
        %select_n3A_1168 = arith.select %le3A_1163, %broadcast_in_dim3A_1166, %broadcast_in_dim3A_1167 : vector<16xi1>, vector<16xi32>
        %add3A_1169 = arith.addi %add3A_1154, %select_n3A_1168 : vector<16xi32>
        %mul3A_1170 = arith.constant 256 : i32
        %mul3A_1171 = arith.muli %scan3A_1002, %mul3A_1170 : i32
        %add3A_1172 = arith.constant 176 : i32
        %add3A_1173 = arith.addi %mul3A_1171, %add3A_1172 : i32
        %get3A_1174 = arith.index_cast %add3A_1173 : i32 to index
        %get3A_1175 = tpu.vector_load %arg4[%get3A_1174] {strides = array<i32>} : memref<16384xi32, #tpu.memory_space<vmem>>, vector<16xi32>,
        %get3A_1176 = vector.shape_cast %get3A_1175 : vector<16xi32> to vector<16xi32>
        %le3A_1177 = vector.broadcast %add3A_841 : i32 to vector<16xi32>
        %le3A_1178 = arith.cmpi ule, %get3A_1176, %le3A_1177 : vector<16xi32>
        %jit3A_1179 = arith.constant 1 : i32
        %jit3A_1180 = arith.constant 0 : i32
        %broadcast_in_dim3A_1181 = vector.broadcast %jit3A_1179 : i32 to vector<16xi32>
        %broadcast_in_dim3A_1182 = vector.broadcast %jit3A_1180 : i32 to vector<16xi32>
        %select_n3A_1183 = arith.select %le3A_1178, %broadcast_in_dim3A_1181, %broadcast_in_dim3A_1182 : vector<16xi1>, vector<16xi32>
        %add3A_1184 = arith.addi %add3A_1169, %select_n3A_1183 : vector<16xi32>
        %mul3A_1185 = arith.constant 256 : i32
        %mul3A_1186 = arith.muli %scan3A_1002, %mul3A_1185 : i32
        %add3A_1187 = arith.constant 192 : i32
        %add3A_1188 = arith.addi %mul3A_1186, %add3A_1187 : i32
        %get3A_1189 = arith.index_cast %add3A_1188 : i32 to index
        %get3A_1190 = tpu.vector_load %arg4[%get3A_1189] {strides = array<i32>} : memref<16384xi32, #tpu.memory_space<vmem>>, vector<16xi32>,
        %get3A_1191 = vector.shape_cast %get3A_1190 : vector<16xi32> to vector<16xi32>
        %le3A_1192 = vector.broadcast %add3A_841 : i32 to vector<16xi32>
        %le3A_1193 = arith.cmpi ule, %get3A_1191, %le3A_1192 : vector<16xi32>
        %jit3A_1194 = arith.constant 1 : i32
        %jit3A_1195 = arith.constant 0 : i32
        %broadcast_in_dim3A_1196 = vector.broadcast %jit3A_1194 : i32 to vector<16xi32>
        %broadcast_in_dim3A_1197 = vector.broadcast %jit3A_1195 : i32 to vector<16xi32>
        %select_n3A_1198 = arith.select %le3A_1193, %broadcast_in_dim3A_1196, %broadcast_in_dim3A_1197 : vector<16xi1>, vector<16xi32>
        %add3A_1199 = arith.addi %add3A_1184, %select_n3A_1198 : vector<16xi32>
        %mul3A_1200 = arith.constant 256 : i32
        %mul3A_1201 = arith.muli %scan3A_1002, %mul3A_1200 : i32
        %add3A_1202 = arith.constant 208 : i32
        %add3A_1203 = arith.addi %mul3A_1201, %add3A_1202 : i32
        %get3A_1204 = arith.index_cast %add3A_1203 : i32 to index
        %get3A_1205 = tpu.vector_load %arg4[%get3A_1204] {strides = array<i32>} : memref<16384xi32, #tpu.memory_space<vmem>>, vector<16xi32>,
        %get3A_1206 = vector.shape_cast %get3A_1205 : vector<16xi32> to vector<16xi32>
        %le3A_1207 = vector.broadcast %add3A_841 : i32 to vector<16xi32>
        %le3A_1208 = arith.cmpi ule, %get3A_1206, %le3A_1207 : vector<16xi32>
        %jit3A_1209 = arith.constant 1 : i32
        %jit3A_1210 = arith.constant 0 : i32
        %broadcast_in_dim3A_1211 = vector.broadcast %jit3A_1209 : i32 to vector<16xi32>
        %broadcast_in_dim3A_1212 = vector.broadcast %jit3A_1210 : i32 to vector<16xi32>
        %select_n3A_1213 = arith.select %le3A_1208, %broadcast_in_dim3A_1211, %broadcast_in_dim3A_1212 : vector<16xi1>, vector<16xi32>
        %add3A_1214 = arith.addi %add3A_1199, %select_n3A_1213 : vector<16xi32>
        %mul3A_1215 = arith.constant 256 : i32
        %mul3A_1216 = arith.muli %scan3A_1002, %mul3A_1215 : i32
        %add3A_1217 = arith.constant 224 : i32
        %add3A_1218 = arith.addi %mul3A_1216, %add3A_1217 : i32
        %get3A_1219 = arith.index_cast %add3A_1218 : i32 to index
        %get3A_1220 = tpu.vector_load %arg4[%get3A_1219] {strides = array<i32>} : memref<16384xi32, #tpu.memory_space<vmem>>, vector<16xi32>,
        %get3A_1221 = vector.shape_cast %get3A_1220 : vector<16xi32> to vector<16xi32>
        %le3A_1222 = vector.broadcast %add3A_841 : i32 to vector<16xi32>
        %le3A_1223 = arith.cmpi ule, %get3A_1221, %le3A_1222 : vector<16xi32>
        %jit3A_1224 = arith.constant 1 : i32
        %jit3A_1225 = arith.constant 0 : i32
        %broadcast_in_dim3A_1226 = vector.broadcast %jit3A_1224 : i32 to vector<16xi32>
        %broadcast_in_dim3A_1227 = vector.broadcast %jit3A_1225 : i32 to vector<16xi32>
        %select_n3A_1228 = arith.select %le3A_1223, %broadcast_in_dim3A_1226, %broadcast_in_dim3A_1227 : vector<16xi1>, vector<16xi32>
        %add3A_1229 = arith.addi %add3A_1214, %select_n3A_1228 : vector<16xi32>
        %mul3A_1230 = arith.constant 256 : i32
        %mul3A_1231 = arith.muli %scan3A_1002, %mul3A_1230 : i32
        %add3A_1232 = arith.constant 240 : i32
        %add3A_1233 = arith.addi %mul3A_1231, %add3A_1232 : i32
        %get3A_1234 = arith.index_cast %add3A_1233 : i32 to index
        %get3A_1235 = tpu.vector_load %arg4[%get3A_1234] {strides = array<i32>} : memref<16384xi32, #tpu.memory_space<vmem>>, vector<16xi32>,
        %get3A_1236 = vector.shape_cast %get3A_1235 : vector<16xi32> to vector<16xi32>
        %le3A_1237 = vector.broadcast %add3A_841 : i32 to vector<16xi32>
        %le3A_1238 = arith.cmpi ule, %get3A_1236, %le3A_1237 : vector<16xi32>
        %jit3A_1239 = arith.constant 1 : i32
        %jit3A_1240 = arith.constant 0 : i32
        %broadcast_in_dim3A_1241 = vector.broadcast %jit3A_1239 : i32 to vector<16xi32>
        %broadcast_in_dim3A_1242 = vector.broadcast %jit3A_1240 : i32 to vector<16xi32>
        %select_n3A_1243 = arith.select %le3A_1238, %broadcast_in_dim3A_1241, %broadcast_in_dim3A_1242 : vector<16xi1>, vector<16xi32>
        %add3A_1244 = arith.addi %add3A_1229, %select_n3A_1243 : vector<16xi32>
        %swap3A_1245 = arith.constant 0 : index
        %swap3A_1246 = tpu.vector_load %arg5[%swap3A_1245] {strides = array<i32>} : memref<32xi32, #tpu.memory_space<vmem>>, vector<16xi32>,
        %swap3A_1247 = vector.shape_cast %swap3A_1246 : vector<16xi32> to vector<16xi32>
        %swap3A_1248 = vector.shape_cast %add3A_1244 : vector<16xi32> to vector<16xi32>
        tpu.vector_store %arg5[%swap3A_1245], %swap3A_1248 {strides = array<i32>} : memref<32xi32, #tpu.memory_space<vmem>>, vector<16xi32>,
        %get3A_1249 = arith.constant 8 : index
        %get3A_1250 = tpu.vector_load %arg5[%get3A_1249] {strides = array<i32>} : memref<32xi32, #tpu.memory_space<vmem>>, vector<16xi32>,
        %get3A_1251 = vector.shape_cast %get3A_1250 : vector<16xi32> to vector<16xi32>
        %add3A_1252 = arith.addi %add3A_1244, %get3A_1251 : vector<16xi32>
        %swap3A_1253 = arith.constant 0 : index
        %swap3A_1254 = tpu.vector_load %arg5[%swap3A_1253] {strides = array<i32>} : memref<32xi32, #tpu.memory_space<vmem>>, vector<16xi32>,
        %swap3A_1255 = vector.shape_cast %swap3A_1254 : vector<16xi32> to vector<16xi32>
        %swap3A_1256 = vector.shape_cast %add3A_1252 : vector<16xi32> to vector<16xi32>
        tpu.vector_store %arg5[%swap3A_1253], %swap3A_1256 {strides = array<i32>} : memref<32xi32, #tpu.memory_space<vmem>>, vector<16xi32>,
        %get3A_1257 = arith.constant 4 : index
        %get3A_1258 = tpu.vector_load %arg5[%get3A_1257] {strides = array<i32>} : memref<32xi32, #tpu.memory_space<vmem>>, vector<16xi32>,
        %get3A_1259 = vector.shape_cast %get3A_1258 : vector<16xi32> to vector<16xi32>
        %add3A_1260 = arith.addi %add3A_1252, %get3A_1259 : vector<16xi32>
        %swap3A_1261 = arith.constant 0 : index
        %swap3A_1262 = tpu.vector_load %arg5[%swap3A_1261] {strides = array<i32>} : memref<32xi32, #tpu.memory_space<vmem>>, vector<16xi32>,
        %swap3A_1263 = vector.shape_cast %swap3A_1262 : vector<16xi32> to vector<16xi32>
        %swap3A_1264 = vector.shape_cast %add3A_1260 : vector<16xi32> to vector<16xi32>
        tpu.vector_store %arg5[%swap3A_1261], %swap3A_1264 {strides = array<i32>} : memref<32xi32, #tpu.memory_space<vmem>>, vector<16xi32>,
        %get3A_1265 = arith.constant 2 : index
        %get3A_1266 = tpu.vector_load %arg5[%get3A_1265] {strides = array<i32>} : memref<32xi32, #tpu.memory_space<vmem>>, vector<16xi32>,
        %get3A_1267 = vector.shape_cast %get3A_1266 : vector<16xi32> to vector<16xi32>
        %add3A_1268 = arith.addi %add3A_1260, %get3A_1267 : vector<16xi32>
        %swap3A_1269 = arith.constant 0 : index
        %swap3A_1270 = tpu.vector_load %arg5[%swap3A_1269] {strides = array<i32>} : memref<32xi32, #tpu.memory_space<vmem>>, vector<16xi32>,
        %swap3A_1271 = vector.shape_cast %swap3A_1270 : vector<16xi32> to vector<16xi32>
        %swap3A_1272 = vector.shape_cast %add3A_1268 : vector<16xi32> to vector<16xi32>
        tpu.vector_store %arg5[%swap3A_1269], %swap3A_1272 {strides = array<i32>} : memref<32xi32, #tpu.memory_space<vmem>>, vector<16xi32>,
        %get3A_1273 = arith.constant 1 : index
        %get3A_1274 = tpu.vector_load %arg5[%get3A_1273] {strides = array<i32>} : memref<32xi32, #tpu.memory_space<vmem>>, vector<16xi32>,
        %get3A_1275 = vector.shape_cast %get3A_1274 : vector<16xi32> to vector<16xi32>
        %add3A_1276 = arith.addi %add3A_1268, %get3A_1275 : vector<16xi32>
        %slice3A_1277 = vector.extract_strided_slice %add3A_1276 {offsets = [0], sizes = [1], strides = [1]} : vector<16xi32> to vector<1xi32>
        %squeeze3A_1278 = vector.extract %slice3A_1277[0] : i32 from vector<1xi32>
        %add3A_1279 = arith.addi %scan3A_1003, %squeeze3A_1278 : i32
        scf.yield %add3A_1279 : i32
      }
      %scan3A_848 = arith.constant 64 : i32
      %eq3A_849 = arith.constant 0 : i32
      %eq3A_850 = vector.broadcast %eq3A_849 : i32 to vector<16xi32>
      %eq3A_851 = arith.cmpi eq, %iota3A, %eq3A_850 : vector<16xi32>
      %eq3A_852 = arith.constant 1 : i32
      %eq3A_853 = vector.broadcast %eq3A_852 : i32 to vector<16xi32>
      %eq3A_854 = arith.cmpi eq, %iota3A, %eq3A_853 : vector<16xi32>
      %jit3A_855 = arith.constant 0 : i32
      %jit3A_856 = arith.constant 0 : i32
      %broadcast_in_dim3A_857 = vector.broadcast %jit3A_855 : i32 to vector<16xi32>
      %broadcast_in_dim3A_858 = vector.broadcast %jit3A_856 : i32 to vector<16xi32>
      %select_n3A_859 = arith.select %eq3A_854, %broadcast_in_dim3A_857, %broadcast_in_dim3A_858 : vector<16xi1>, vector<16xi32>
      %broadcast_in_dim3A_860 = vector.broadcast %scan3A_847 : i32 to vector<16xi32>
      %select_n3A_861 = arith.select %eq3A_851, %broadcast_in_dim3A_860, %select_n3A_859 : vector<16xi1>, vector<16xi32>
      %swap3A_862 = arith.constant 0 : index
      %swap3A_863 = tpu.vector_load %arg7[%swap3A_862] {strides = array<i32>} : memref<16xi32, #tpu.memory_space<vmem>>, vector<16xi32>,
      %swap3A_864 = vector.shape_cast %swap3A_863 : vector<16xi32> to vector<16xi32>
      %swap3A_865 = vector.shape_cast %select_n3A_861 : vector<16xi32> to vector<16xi32>
      tpu.vector_store %arg7[%swap3A_862], %swap3A_865 {strides = array<i32>} : memref<16xi32, #tpu.memory_space<vmem>>, vector<16xi32>,
      "tpu.region"() ({
        %run_scoped3A = tpu.sem_alloc : memref<!tpu.dma_semaphore, #tpu.memory_space<semaphore_mem>>
        %dma_start3A = arith.constant 0 : i32
        %dma_start3A_1002 = tpu.memref_slice %arg12[%arg1, %dma_start3A] : memref<16x16xi32, #tpu.memory_space<vmem_shared>> -> memref<1x16xi32, #tpu.memory_space<vmem_shared>>
        %dma_start3A_1003 = tpu.memref_squeeze %dma_start3A_1002 : memref<1x16xi32, #tpu.memory_space<vmem_shared>> -> memref<16xi32, #tpu.memory_space<vmem_shared>>
        %dma_start3A_1004 = arith.constant 0 : i32
        %dma_start3A_1005 = tpu.memref_slice %arg12[%arg1, %dma_start3A_1004] : memref<16x16xi32, #tpu.memory_space<vmem_shared>> -> memref<1x16xi32, #tpu.memory_space<vmem_shared>>
        %dma_start3A_1006 = tpu.memref_squeeze %dma_start3A_1005 : memref<1x16xi32, #tpu.memory_space<vmem_shared>> -> memref<16xi32, #tpu.memory_space<vmem_shared>>
        tpu.enqueue_dma source(%arg7 : memref<16xi32, #tpu.memory_space<vmem>>) target(%dma_start3A_1006 : memref<16xi32, #tpu.memory_space<vmem_shared>>) target_semaphore(%run_scoped3A : memref<!tpu.dma_semaphore, #tpu.memory_space<semaphore_mem>>)
        %dma_wait3A = arith.constant 0 : i32
        %dma_wait3A_1007 = tpu.memref_slice %arg12[%arg1, %dma_wait3A] : memref<16x16xi32, #tpu.memory_space<vmem_shared>> -> memref<1x16xi32, #tpu.memory_space<vmem_shared>>
        %dma_wait3A_1008 = tpu.memref_squeeze %dma_wait3A_1007 : memref<1x16xi32, #tpu.memory_space<vmem_shared>> -> memref<16xi32, #tpu.memory_space<vmem_shared>>
        %dma_wait3A_1009 = arith.constant 0 : i32
        %dma_wait3A_1010 = tpu.memref_slice %arg12[%arg1, %dma_wait3A_1009] : memref<16x16xi32, #tpu.memory_space<vmem_shared>> -> memref<1x16xi32, #tpu.memory_space<vmem_shared>>
        %dma_wait3A_1011 = tpu.memref_squeeze %dma_wait3A_1010 : memref<1x16xi32, #tpu.memory_space<vmem_shared>> -> memref<16xi32, #tpu.memory_space<vmem_shared>>
        tpu.wait_dma2 semaphore(%run_scoped3A : memref<!tpu.dma_semaphore, #tpu.memory_space<semaphore_mem>>) src(%arg7 : memref<16xi32, #tpu.memory_space<vmem>>) dst(%dma_wait3A_1011 : memref<16xi32, #tpu.memory_space<vmem_shared>>)
        tpu.yield
      }) : () -> ()
      %barrier3A_866 = arith.constant 0 : index
      tpu.barrier barrier_id(%barrier3A_866)
      "tpu.region"() ({
        %run_scoped3A = tpu.sem_alloc : memref<!tpu.dma_semaphore, #tpu.memory_space<semaphore_mem>>
        tpu.enqueue_dma source(%arg12 : memref<16x16xi32, #tpu.memory_space<vmem_shared>>) target(%arg8 : memref<16x16xi32, #tpu.memory_space<vmem>>) target_semaphore(%run_scoped3A : memref<!tpu.dma_semaphore, #tpu.memory_space<semaphore_mem>>)
        tpu.wait_dma2 semaphore(%run_scoped3A : memref<!tpu.dma_semaphore, #tpu.memory_space<semaphore_mem>>) src(%arg12 : memref<16x16xi32, #tpu.memory_space<vmem_shared>>) dst(%arg8 : memref<16x16xi32, #tpu.memory_space<vmem>>)
        tpu.yield
      }) : () -> ()
      %barrier3A_867 = arith.constant 0 : index
      tpu.barrier barrier_id(%barrier3A_867)
      %get3A_868 = arith.constant 0 : i32
      %get3A_869 = arith.index_cast %get3A_868 : i32 to index
      %get3A_870 = arith.constant 0 : index
      %get3A_871 = tpu.vector_load %arg8[%get3A_869, %get3A_870] {strides = array<i32>} : memref<16x16xi32, #tpu.memory_space<vmem>>, vector<1x16xi32>,
      %get3A_872 = vector.shape_cast %get3A_871 : vector<1x16xi32> to vector<16xi32>
      %slice3A_873 = vector.extract_strided_slice %get3A_872 {offsets = [0], sizes = [1], strides = [1]} : vector<16xi32> to vector<1xi32>
      %squeeze3A_874 = vector.extract %slice3A_873[0] : i32 from vector<1xi32>
      %add3A_875 = arith.constant 0 : i32
      %add3A_876 = arith.addi %add3A_875, %squeeze3A_874 : i32
      %get3A_877 = arith.constant 1 : i32
      %get3A_878 = arith.index_cast %get3A_877 : i32 to index
      %get3A_879 = arith.constant 0 : index
      %get3A_880 = tpu.vector_load %arg8[%get3A_878, %get3A_879] {strides = array<i32>} : memref<16x16xi32, #tpu.memory_space<vmem>>, vector<1x16xi32>,
      %get3A_881 = vector.shape_cast %get3A_880 : vector<1x16xi32> to vector<16xi32>
      %slice3A_882 = vector.extract_strided_slice %get3A_881 {offsets = [0], sizes = [1], strides = [1]} : vector<16xi32> to vector<1xi32>
      %squeeze3A_883 = vector.extract %slice3A_882[0] : i32 from vector<1xi32>
      %add3A_884 = arith.addi %add3A_876, %squeeze3A_883 : i32
      %get3A_885 = arith.constant 2 : i32
      %get3A_886 = arith.index_cast %get3A_885 : i32 to index
      %get3A_887 = arith.constant 0 : index
      %get3A_888 = tpu.vector_load %arg8[%get3A_886, %get3A_887] {strides = array<i32>} : memref<16x16xi32, #tpu.memory_space<vmem>>, vector<1x16xi32>,
      %get3A_889 = vector.shape_cast %get3A_888 : vector<1x16xi32> to vector<16xi32>
      %slice3A_890 = vector.extract_strided_slice %get3A_889 {offsets = [0], sizes = [1], strides = [1]} : vector<16xi32> to vector<1xi32>
      %squeeze3A_891 = vector.extract %slice3A_890[0] : i32 from vector<1xi32>
      %add3A_892 = arith.addi %add3A_884, %squeeze3A_891 : i32
      %get3A_893 = arith.constant 3 : i32
      %get3A_894 = arith.index_cast %get3A_893 : i32 to index
      %get3A_895 = arith.constant 0 : index
      %get3A_896 = tpu.vector_load %arg8[%get3A_894, %get3A_895] {strides = array<i32>} : memref<16x16xi32, #tpu.memory_space<vmem>>, vector<1x16xi32>,
      %get3A_897 = vector.shape_cast %get3A_896 : vector<1x16xi32> to vector<16xi32>
      %slice3A_898 = vector.extract_strided_slice %get3A_897 {offsets = [0], sizes = [1], strides = [1]} : vector<16xi32> to vector<1xi32>
      %squeeze3A_899 = vector.extract %slice3A_898[0] : i32 from vector<1xi32>
      %add3A_900 = arith.addi %add3A_892, %squeeze3A_899 : i32
      %get3A_901 = arith.constant 4 : i32
      %get3A_902 = arith.index_cast %get3A_901 : i32 to index
      %get3A_903 = arith.constant 0 : index
      %get3A_904 = tpu.vector_load %arg8[%get3A_902, %get3A_903] {strides = array<i32>} : memref<16x16xi32, #tpu.memory_space<vmem>>, vector<1x16xi32>,
      %get3A_905 = vector.shape_cast %get3A_904 : vector<1x16xi32> to vector<16xi32>
      %slice3A_906 = vector.extract_strided_slice %get3A_905 {offsets = [0], sizes = [1], strides = [1]} : vector<16xi32> to vector<1xi32>
      %squeeze3A_907 = vector.extract %slice3A_906[0] : i32 from vector<1xi32>
      %add3A_908 = arith.addi %add3A_900, %squeeze3A_907 : i32
      %get3A_909 = arith.constant 5 : i32
      %get3A_910 = arith.index_cast %get3A_909 : i32 to index
      %get3A_911 = arith.constant 0 : index
      %get3A_912 = tpu.vector_load %arg8[%get3A_910, %get3A_911] {strides = array<i32>} : memref<16x16xi32, #tpu.memory_space<vmem>>, vector<1x16xi32>,
      %get3A_913 = vector.shape_cast %get3A_912 : vector<1x16xi32> to vector<16xi32>
      %slice3A_914 = vector.extract_strided_slice %get3A_913 {offsets = [0], sizes = [1], strides = [1]} : vector<16xi32> to vector<1xi32>
      %squeeze3A_915 = vector.extract %slice3A_914[0] : i32 from vector<1xi32>
      %add3A_916 = arith.addi %add3A_908, %squeeze3A_915 : i32
      %get3A_917 = arith.constant 6 : i32
      %get3A_918 = arith.index_cast %get3A_917 : i32 to index
      %get3A_919 = arith.constant 0 : index
      %get3A_920 = tpu.vector_load %arg8[%get3A_918, %get3A_919] {strides = array<i32>} : memref<16x16xi32, #tpu.memory_space<vmem>>, vector<1x16xi32>,
      %get3A_921 = vector.shape_cast %get3A_920 : vector<1x16xi32> to vector<16xi32>
      %slice3A_922 = vector.extract_strided_slice %get3A_921 {offsets = [0], sizes = [1], strides = [1]} : vector<16xi32> to vector<1xi32>
      %squeeze3A_923 = vector.extract %slice3A_922[0] : i32 from vector<1xi32>
      %add3A_924 = arith.addi %add3A_916, %squeeze3A_923 : i32
      %get3A_925 = arith.constant 7 : i32
      %get3A_926 = arith.index_cast %get3A_925 : i32 to index
      %get3A_927 = arith.constant 0 : index
      %get3A_928 = tpu.vector_load %arg8[%get3A_926, %get3A_927] {strides = array<i32>} : memref<16x16xi32, #tpu.memory_space<vmem>>, vector<1x16xi32>,
      %get3A_929 = vector.shape_cast %get3A_928 : vector<1x16xi32> to vector<16xi32>
      %slice3A_930 = vector.extract_strided_slice %get3A_929 {offsets = [0], sizes = [1], strides = [1]} : vector<16xi32> to vector<1xi32>
      %squeeze3A_931 = vector.extract %slice3A_930[0] : i32 from vector<1xi32>
      %add3A_932 = arith.addi %add3A_924, %squeeze3A_931 : i32
      %get3A_933 = arith.constant 8 : i32
      %get3A_934 = arith.index_cast %get3A_933 : i32 to index
      %get3A_935 = arith.constant 0 : index
      %get3A_936 = tpu.vector_load %arg8[%get3A_934, %get3A_935] {strides = array<i32>} : memref<16x16xi32, #tpu.memory_space<vmem>>, vector<1x16xi32>,
      %get3A_937 = vector.shape_cast %get3A_936 : vector<1x16xi32> to vector<16xi32>
      %slice3A_938 = vector.extract_strided_slice %get3A_937 {offsets = [0], sizes = [1], strides = [1]} : vector<16xi32> to vector<1xi32>
      %squeeze3A_939 = vector.extract %slice3A_938[0] : i32 from vector<1xi32>
      %add3A_940 = arith.addi %add3A_932, %squeeze3A_939 : i32
      %get3A_941 = arith.constant 9 : i32
      %get3A_942 = arith.index_cast %get3A_941 : i32 to index
      %get3A_943 = arith.constant 0 : index
      %get3A_944 = tpu.vector_load %arg8[%get3A_942, %get3A_943] {strides = array<i32>} : memref<16x16xi32, #tpu.memory_space<vmem>>, vector<1x16xi32>,
      %get3A_945 = vector.shape_cast %get3A_944 : vector<1x16xi32> to vector<16xi32>
      %slice3A_946 = vector.extract_strided_slice %get3A_945 {offsets = [0], sizes = [1], strides = [1]} : vector<16xi32> to vector<1xi32>
      %squeeze3A_947 = vector.extract %slice3A_946[0] : i32 from vector<1xi32>
      %add3A_948 = arith.addi %add3A_940, %squeeze3A_947 : i32
      %get3A_949 = arith.constant 10 : i32
      %get3A_950 = arith.index_cast %get3A_949 : i32 to index
      %get3A_951 = arith.constant 0 : index
      %get3A_952 = tpu.vector_load %arg8[%get3A_950, %get3A_951] {strides = array<i32>} : memref<16x16xi32, #tpu.memory_space<vmem>>, vector<1x16xi32>,
      %get3A_953 = vector.shape_cast %get3A_952 : vector<1x16xi32> to vector<16xi32>
      %slice3A_954 = vector.extract_strided_slice %get3A_953 {offsets = [0], sizes = [1], strides = [1]} : vector<16xi32> to vector<1xi32>
      %squeeze3A_955 = vector.extract %slice3A_954[0] : i32 from vector<1xi32>
      %add3A_956 = arith.addi %add3A_948, %squeeze3A_955 : i32
      %get3A_957 = arith.constant 11 : i32
      %get3A_958 = arith.index_cast %get3A_957 : i32 to index
      %get3A_959 = arith.constant 0 : index
      %get3A_960 = tpu.vector_load %arg8[%get3A_958, %get3A_959] {strides = array<i32>} : memref<16x16xi32, #tpu.memory_space<vmem>>, vector<1x16xi32>,
      %get3A_961 = vector.shape_cast %get3A_960 : vector<1x16xi32> to vector<16xi32>
      %slice3A_962 = vector.extract_strided_slice %get3A_961 {offsets = [0], sizes = [1], strides = [1]} : vector<16xi32> to vector<1xi32>
      %squeeze3A_963 = vector.extract %slice3A_962[0] : i32 from vector<1xi32>
      %add3A_964 = arith.addi %add3A_956, %squeeze3A_963 : i32
      %get3A_965 = arith.constant 12 : i32
      %get3A_966 = arith.index_cast %get3A_965 : i32 to index
      %get3A_967 = arith.constant 0 : index
      %get3A_968 = tpu.vector_load %arg8[%get3A_966, %get3A_967] {strides = array<i32>} : memref<16x16xi32, #tpu.memory_space<vmem>>, vector<1x16xi32>,
      %get3A_969 = vector.shape_cast %get3A_968 : vector<1x16xi32> to vector<16xi32>
      %slice3A_970 = vector.extract_strided_slice %get3A_969 {offsets = [0], sizes = [1], strides = [1]} : vector<16xi32> to vector<1xi32>
      %squeeze3A_971 = vector.extract %slice3A_970[0] : i32 from vector<1xi32>
      %add3A_972 = arith.addi %add3A_964, %squeeze3A_971 : i32
      %get3A_973 = arith.constant 13 : i32
      %get3A_974 = arith.index_cast %get3A_973 : i32 to index
      %get3A_975 = arith.constant 0 : index
      %get3A_976 = tpu.vector_load %arg8[%get3A_974, %get3A_975] {strides = array<i32>} : memref<16x16xi32, #tpu.memory_space<vmem>>, vector<1x16xi32>,
      %get3A_977 = vector.shape_cast %get3A_976 : vector<1x16xi32> to vector<16xi32>
      %slice3A_978 = vector.extract_strided_slice %get3A_977 {offsets = [0], sizes = [1], strides = [1]} : vector<16xi32> to vector<1xi32>
      %squeeze3A_979 = vector.extract %slice3A_978[0] : i32 from vector<1xi32>
      %add3A_980 = arith.addi %add3A_972, %squeeze3A_979 : i32
      %get3A_981 = arith.constant 14 : i32
      %get3A_982 = arith.index_cast %get3A_981 : i32 to index
      %get3A_983 = arith.constant 0 : index
      %get3A_984 = tpu.vector_load %arg8[%get3A_982, %get3A_983] {strides = array<i32>} : memref<16x16xi32, #tpu.memory_space<vmem>>, vector<1x16xi32>,
      %get3A_985 = vector.shape_cast %get3A_984 : vector<1x16xi32> to vector<16xi32>
      %slice3A_986 = vector.extract_strided_slice %get3A_985 {offsets = [0], sizes = [1], strides = [1]} : vector<16xi32> to vector<1xi32>
      %squeeze3A_987 = vector.extract %slice3A_986[0] : i32 from vector<1xi32>
      %add3A_988 = arith.addi %add3A_980, %squeeze3A_987 : i32
      %get3A_989 = arith.constant 15 : i32
      %get3A_990 = arith.index_cast %get3A_989 : i32 to index
      %get3A_991 = arith.constant 0 : index
      %get3A_992 = tpu.vector_load %arg8[%get3A_990, %get3A_991] {strides = array<i32>} : memref<16x16xi32, #tpu.memory_space<vmem>>, vector<1x16xi32>,
      %get3A_993 = vector.shape_cast %get3A_992 : vector<1x16xi32> to vector<16xi32>
      %slice3A_994 = vector.extract_strided_slice %get3A_993 {offsets = [0], sizes = [1], strides = [1]} : vector<16xi32> to vector<1xi32>
      %squeeze3A_995 = vector.extract %slice3A_994[0] : i32 from vector<1xi32>
      %add3A_996 = arith.addi %add3A_988, %squeeze3A_995 : i32
      %ge3A = arith.constant 1024 : i32
      %ge3A_997 = arith.cmpi sge, %add3A_996, %ge3A : i32
      %add3A_998 = arith.constant 1 : i32
      %add3A_999 = arith.addi %add3A_841, %add3A_998 : i32
      %select_n3A_1000 = arith.select %ge3A_997, %scan3A_837, %add3A_999 : i32
      %select_n3A_1001 = arith.select %ge3A_997, %add3A_841, %scan3A_838 : i32
      scf.yield %select_n3A_1000, %select_n3A_1001 : i32, i32
    }
    %scan3A_17 = arith.constant 32 : i32
    %scan3A_18 = arith.constant 0 : i32
    %scan3A_19 = arith.constant 0 : i32
    %scan3A_20 = arith.constant 0 : i32
    %scan3A_21 = arith.constant 64 : i32
    %scan3A_22 = arith.addi %scan3A_20, %scan3A_21 : i32
    %scan3A_23 = arith.constant 1 : i32
    %scan3A_24:2 = scf.for %scan3A_836 = %scan3A_20 to %scan3A_22 step %scan3A_23 iter_args(%scan3A_837 = %scan3A_18, %scan3A_838 = %scan3A_19) -> (i32, i32)  : i32 {
      %broadcast_in_dim3A_839 = arith.constant 0 : i32
      %broadcast_in_dim3A_840 = vector.broadcast %broadcast_in_dim3A_839 : i32 to vector<16xi32>
      %broadcast_in_dim3A_841 = arith.constant 0 : i32
      %broadcast_in_dim3A_842 = vector.broadcast %broadcast_in_dim3A_841 : i32 to vector<16xi32>
      %mul3A_843 = arith.constant 256 : i32
      %mul3A_844 = arith.muli %scan3A_836, %mul3A_843 : i32
      %add3A_845 = arith.constant 0 : i32
      %add3A_846 = arith.addi %mul3A_844, %add3A_845 : i32
      %get3A_847 = arith.index_cast %add3A_846 : i32 to index
      %get3A_848 = tpu.vector_load %arg4[%get3A_847] {strides = array<i32>} : memref<16384xi32, #tpu.memory_space<vmem>>, vector<16xi32>,
      %get3A_849 = vector.shape_cast %get3A_848 : vector<16xi32> to vector<16xi32>
      %lt3A_850 = vector.broadcast %scan3A_16#0 : i32 to vector<16xi32>
      %lt3A_851 = arith.cmpi ult, %get3A_849, %lt3A_850 : vector<16xi32>
      %jit3A_852 = arith.constant 1 : i32
      %jit3A_853 = arith.constant 0 : i32
      %broadcast_in_dim3A_854 = vector.broadcast %jit3A_852 : i32 to vector<16xi32>
      %broadcast_in_dim3A_855 = vector.broadcast %jit3A_853 : i32 to vector<16xi32>
      %select_n3A_856 = arith.select %lt3A_851, %broadcast_in_dim3A_854, %broadcast_in_dim3A_855 : vector<16xi1>, vector<16xi32>
      %add3A_857 = arith.addi %broadcast_in_dim3A_840, %select_n3A_856 : vector<16xi32>
      %eq3A_858 = vector.broadcast %scan3A_16#0 : i32 to vector<16xi32>
      %eq3A_859 = arith.cmpi eq, %get3A_849, %eq3A_858 : vector<16xi32>
      %jit3A_860 = arith.constant 1 : i32
      %jit3A_861 = arith.constant 0 : i32
      %broadcast_in_dim3A_862 = vector.broadcast %jit3A_860 : i32 to vector<16xi32>
      %broadcast_in_dim3A_863 = vector.broadcast %jit3A_861 : i32 to vector<16xi32>
      %select_n3A_864 = arith.select %eq3A_859, %broadcast_in_dim3A_862, %broadcast_in_dim3A_863 : vector<16xi1>, vector<16xi32>
      %add3A_865 = arith.addi %broadcast_in_dim3A_842, %select_n3A_864 : vector<16xi32>
      %mul3A_866 = arith.constant 256 : i32
      %mul3A_867 = arith.muli %scan3A_836, %mul3A_866 : i32
      %add3A_868 = arith.constant 16 : i32
      %add3A_869 = arith.addi %mul3A_867, %add3A_868 : i32
      %get3A_870 = arith.index_cast %add3A_869 : i32 to index
      %get3A_871 = tpu.vector_load %arg4[%get3A_870] {strides = array<i32>} : memref<16384xi32, #tpu.memory_space<vmem>>, vector<16xi32>,
      %get3A_872 = vector.shape_cast %get3A_871 : vector<16xi32> to vector<16xi32>
      %lt3A_873 = vector.broadcast %scan3A_16#0 : i32 to vector<16xi32>
      %lt3A_874 = arith.cmpi ult, %get3A_872, %lt3A_873 : vector<16xi32>
      %jit3A_875 = arith.constant 1 : i32
      %jit3A_876 = arith.constant 0 : i32
      %broadcast_in_dim3A_877 = vector.broadcast %jit3A_875 : i32 to vector<16xi32>
      %broadcast_in_dim3A_878 = vector.broadcast %jit3A_876 : i32 to vector<16xi32>
      %select_n3A_879 = arith.select %lt3A_874, %broadcast_in_dim3A_877, %broadcast_in_dim3A_878 : vector<16xi1>, vector<16xi32>
      %add3A_880 = arith.addi %add3A_857, %select_n3A_879 : vector<16xi32>
      %eq3A_881 = vector.broadcast %scan3A_16#0 : i32 to vector<16xi32>
      %eq3A_882 = arith.cmpi eq, %get3A_872, %eq3A_881 : vector<16xi32>
      %jit3A_883 = arith.constant 1 : i32
      %jit3A_884 = arith.constant 0 : i32
      %broadcast_in_dim3A_885 = vector.broadcast %jit3A_883 : i32 to vector<16xi32>
      %broadcast_in_dim3A_886 = vector.broadcast %jit3A_884 : i32 to vector<16xi32>
      %select_n3A_887 = arith.select %eq3A_882, %broadcast_in_dim3A_885, %broadcast_in_dim3A_886 : vector<16xi1>, vector<16xi32>
      %add3A_888 = arith.addi %add3A_865, %select_n3A_887 : vector<16xi32>
      %mul3A_889 = arith.constant 256 : i32
      %mul3A_890 = arith.muli %scan3A_836, %mul3A_889 : i32
      %add3A_891 = arith.constant 32 : i32
      %add3A_892 = arith.addi %mul3A_890, %add3A_891 : i32
      %get3A_893 = arith.index_cast %add3A_892 : i32 to index
      %get3A_894 = tpu.vector_load %arg4[%get3A_893] {strides = array<i32>} : memref<16384xi32, #tpu.memory_space<vmem>>, vector<16xi32>,
      %get3A_895 = vector.shape_cast %get3A_894 : vector<16xi32> to vector<16xi32>
      %lt3A_896 = vector.broadcast %scan3A_16#0 : i32 to vector<16xi32>
      %lt3A_897 = arith.cmpi ult, %get3A_895, %lt3A_896 : vector<16xi32>
      %jit3A_898 = arith.constant 1 : i32
      %jit3A_899 = arith.constant 0 : i32
      %broadcast_in_dim3A_900 = vector.broadcast %jit3A_898 : i32 to vector<16xi32>
      %broadcast_in_dim3A_901 = vector.broadcast %jit3A_899 : i32 to vector<16xi32>
      %select_n3A_902 = arith.select %lt3A_897, %broadcast_in_dim3A_900, %broadcast_in_dim3A_901 : vector<16xi1>, vector<16xi32>
      %add3A_903 = arith.addi %add3A_880, %select_n3A_902 : vector<16xi32>
      %eq3A_904 = vector.broadcast %scan3A_16#0 : i32 to vector<16xi32>
      %eq3A_905 = arith.cmpi eq, %get3A_895, %eq3A_904 : vector<16xi32>
      %jit3A_906 = arith.constant 1 : i32
      %jit3A_907 = arith.constant 0 : i32
      %broadcast_in_dim3A_908 = vector.broadcast %jit3A_906 : i32 to vector<16xi32>
      %broadcast_in_dim3A_909 = vector.broadcast %jit3A_907 : i32 to vector<16xi32>
      %select_n3A_910 = arith.select %eq3A_905, %broadcast_in_dim3A_908, %broadcast_in_dim3A_909 : vector<16xi1>, vector<16xi32>
      %add3A_911 = arith.addi %add3A_888, %select_n3A_910 : vector<16xi32>
      %mul3A_912 = arith.constant 256 : i32
      %mul3A_913 = arith.muli %scan3A_836, %mul3A_912 : i32
      %add3A_914 = arith.constant 48 : i32
      %add3A_915 = arith.addi %mul3A_913, %add3A_914 : i32
      %get3A_916 = arith.index_cast %add3A_915 : i32 to index
      %get3A_917 = tpu.vector_load %arg4[%get3A_916] {strides = array<i32>} : memref<16384xi32, #tpu.memory_space<vmem>>, vector<16xi32>,
      %get3A_918 = vector.shape_cast %get3A_917 : vector<16xi32> to vector<16xi32>
      %lt3A_919 = vector.broadcast %scan3A_16#0 : i32 to vector<16xi32>
      %lt3A_920 = arith.cmpi ult, %get3A_918, %lt3A_919 : vector<16xi32>
      %jit3A_921 = arith.constant 1 : i32
      %jit3A_922 = arith.constant 0 : i32
      %broadcast_in_dim3A_923 = vector.broadcast %jit3A_921 : i32 to vector<16xi32>
      %broadcast_in_dim3A_924 = vector.broadcast %jit3A_922 : i32 to vector<16xi32>
      %select_n3A_925 = arith.select %lt3A_920, %broadcast_in_dim3A_923, %broadcast_in_dim3A_924 : vector<16xi1>, vector<16xi32>
      %add3A_926 = arith.addi %add3A_903, %select_n3A_925 : vector<16xi32>
      %eq3A_927 = vector.broadcast %scan3A_16#0 : i32 to vector<16xi32>
      %eq3A_928 = arith.cmpi eq, %get3A_918, %eq3A_927 : vector<16xi32>
      %jit3A_929 = arith.constant 1 : i32
      %jit3A_930 = arith.constant 0 : i32
      %broadcast_in_dim3A_931 = vector.broadcast %jit3A_929 : i32 to vector<16xi32>
      %broadcast_in_dim3A_932 = vector.broadcast %jit3A_930 : i32 to vector<16xi32>
      %select_n3A_933 = arith.select %eq3A_928, %broadcast_in_dim3A_931, %broadcast_in_dim3A_932 : vector<16xi1>, vector<16xi32>
      %add3A_934 = arith.addi %add3A_911, %select_n3A_933 : vector<16xi32>
      %mul3A_935 = arith.constant 256 : i32
      %mul3A_936 = arith.muli %scan3A_836, %mul3A_935 : i32
      %add3A_937 = arith.constant 64 : i32
      %add3A_938 = arith.addi %mul3A_936, %add3A_937 : i32
      %get3A_939 = arith.index_cast %add3A_938 : i32 to index
      %get3A_940 = tpu.vector_load %arg4[%get3A_939] {strides = array<i32>} : memref<16384xi32, #tpu.memory_space<vmem>>, vector<16xi32>,
      %get3A_941 = vector.shape_cast %get3A_940 : vector<16xi32> to vector<16xi32>
      %lt3A_942 = vector.broadcast %scan3A_16#0 : i32 to vector<16xi32>
      %lt3A_943 = arith.cmpi ult, %get3A_941, %lt3A_942 : vector<16xi32>
      %jit3A_944 = arith.constant 1 : i32
      %jit3A_945 = arith.constant 0 : i32
      %broadcast_in_dim3A_946 = vector.broadcast %jit3A_944 : i32 to vector<16xi32>
      %broadcast_in_dim3A_947 = vector.broadcast %jit3A_945 : i32 to vector<16xi32>
      %select_n3A_948 = arith.select %lt3A_943, %broadcast_in_dim3A_946, %broadcast_in_dim3A_947 : vector<16xi1>, vector<16xi32>
      %add3A_949 = arith.addi %add3A_926, %select_n3A_948 : vector<16xi32>
      %eq3A_950 = vector.broadcast %scan3A_16#0 : i32 to vector<16xi32>
      %eq3A_951 = arith.cmpi eq, %get3A_941, %eq3A_950 : vector<16xi32>
      %jit3A_952 = arith.constant 1 : i32
      %jit3A_953 = arith.constant 0 : i32
      %broadcast_in_dim3A_954 = vector.broadcast %jit3A_952 : i32 to vector<16xi32>
      %broadcast_in_dim3A_955 = vector.broadcast %jit3A_953 : i32 to vector<16xi32>
      %select_n3A_956 = arith.select %eq3A_951, %broadcast_in_dim3A_954, %broadcast_in_dim3A_955 : vector<16xi1>, vector<16xi32>
      %add3A_957 = arith.addi %add3A_934, %select_n3A_956 : vector<16xi32>
      %mul3A_958 = arith.constant 256 : i32
      %mul3A_959 = arith.muli %scan3A_836, %mul3A_958 : i32
      %add3A_960 = arith.constant 80 : i32
      %add3A_961 = arith.addi %mul3A_959, %add3A_960 : i32
      %get3A_962 = arith.index_cast %add3A_961 : i32 to index
      %get3A_963 = tpu.vector_load %arg4[%get3A_962] {strides = array<i32>} : memref<16384xi32, #tpu.memory_space<vmem>>, vector<16xi32>,
      %get3A_964 = vector.shape_cast %get3A_963 : vector<16xi32> to vector<16xi32>
      %lt3A_965 = vector.broadcast %scan3A_16#0 : i32 to vector<16xi32>
      %lt3A_966 = arith.cmpi ult, %get3A_964, %lt3A_965 : vector<16xi32>
      %jit3A_967 = arith.constant 1 : i32
      %jit3A_968 = arith.constant 0 : i32
      %broadcast_in_dim3A_969 = vector.broadcast %jit3A_967 : i32 to vector<16xi32>
      %broadcast_in_dim3A_970 = vector.broadcast %jit3A_968 : i32 to vector<16xi32>
      %select_n3A_971 = arith.select %lt3A_966, %broadcast_in_dim3A_969, %broadcast_in_dim3A_970 : vector<16xi1>, vector<16xi32>
      %add3A_972 = arith.addi %add3A_949, %select_n3A_971 : vector<16xi32>
      %eq3A_973 = vector.broadcast %scan3A_16#0 : i32 to vector<16xi32>
      %eq3A_974 = arith.cmpi eq, %get3A_964, %eq3A_973 : vector<16xi32>
      %jit3A_975 = arith.constant 1 : i32
      %jit3A_976 = arith.constant 0 : i32
      %broadcast_in_dim3A_977 = vector.broadcast %jit3A_975 : i32 to vector<16xi32>
      %broadcast_in_dim3A_978 = vector.broadcast %jit3A_976 : i32 to vector<16xi32>
      %select_n3A_979 = arith.select %eq3A_974, %broadcast_in_dim3A_977, %broadcast_in_dim3A_978 : vector<16xi1>, vector<16xi32>
      %add3A_980 = arith.addi %add3A_957, %select_n3A_979 : vector<16xi32>
      %mul3A_981 = arith.constant 256 : i32
      %mul3A_982 = arith.muli %scan3A_836, %mul3A_981 : i32
      %add3A_983 = arith.constant 96 : i32
      %add3A_984 = arith.addi %mul3A_982, %add3A_983 : i32
      %get3A_985 = arith.index_cast %add3A_984 : i32 to index
      %get3A_986 = tpu.vector_load %arg4[%get3A_985] {strides = array<i32>} : memref<16384xi32, #tpu.memory_space<vmem>>, vector<16xi32>,
      %get3A_987 = vector.shape_cast %get3A_986 : vector<16xi32> to vector<16xi32>
      %lt3A_988 = vector.broadcast %scan3A_16#0 : i32 to vector<16xi32>
      %lt3A_989 = arith.cmpi ult, %get3A_987, %lt3A_988 : vector<16xi32>
      %jit3A_990 = arith.constant 1 : i32
      %jit3A_991 = arith.constant 0 : i32
      %broadcast_in_dim3A_992 = vector.broadcast %jit3A_990 : i32 to vector<16xi32>
      %broadcast_in_dim3A_993 = vector.broadcast %jit3A_991 : i32 to vector<16xi32>
      %select_n3A_994 = arith.select %lt3A_989, %broadcast_in_dim3A_992, %broadcast_in_dim3A_993 : vector<16xi1>, vector<16xi32>
      %add3A_995 = arith.addi %add3A_972, %select_n3A_994 : vector<16xi32>
      %eq3A_996 = vector.broadcast %scan3A_16#0 : i32 to vector<16xi32>
      %eq3A_997 = arith.cmpi eq, %get3A_987, %eq3A_996 : vector<16xi32>
      %jit3A_998 = arith.constant 1 : i32
      %jit3A_999 = arith.constant 0 : i32
      %broadcast_in_dim3A_1000 = vector.broadcast %jit3A_998 : i32 to vector<16xi32>
      %broadcast_in_dim3A_1001 = vector.broadcast %jit3A_999 : i32 to vector<16xi32>
      %select_n3A_1002 = arith.select %eq3A_997, %broadcast_in_dim3A_1000, %broadcast_in_dim3A_1001 : vector<16xi1>, vector<16xi32>
      %add3A_1003 = arith.addi %add3A_980, %select_n3A_1002 : vector<16xi32>
      %mul3A_1004 = arith.constant 256 : i32
      %mul3A_1005 = arith.muli %scan3A_836, %mul3A_1004 : i32
      %add3A_1006 = arith.constant 112 : i32
      %add3A_1007 = arith.addi %mul3A_1005, %add3A_1006 : i32
      %get3A_1008 = arith.index_cast %add3A_1007 : i32 to index
      %get3A_1009 = tpu.vector_load %arg4[%get3A_1008] {strides = array<i32>} : memref<16384xi32, #tpu.memory_space<vmem>>, vector<16xi32>,
      %get3A_1010 = vector.shape_cast %get3A_1009 : vector<16xi32> to vector<16xi32>
      %lt3A_1011 = vector.broadcast %scan3A_16#0 : i32 to vector<16xi32>
      %lt3A_1012 = arith.cmpi ult, %get3A_1010, %lt3A_1011 : vector<16xi32>
      %jit3A_1013 = arith.constant 1 : i32
      %jit3A_1014 = arith.constant 0 : i32
      %broadcast_in_dim3A_1015 = vector.broadcast %jit3A_1013 : i32 to vector<16xi32>
      %broadcast_in_dim3A_1016 = vector.broadcast %jit3A_1014 : i32 to vector<16xi32>
      %select_n3A_1017 = arith.select %lt3A_1012, %broadcast_in_dim3A_1015, %broadcast_in_dim3A_1016 : vector<16xi1>, vector<16xi32>
      %add3A_1018 = arith.addi %add3A_995, %select_n3A_1017 : vector<16xi32>
      %eq3A_1019 = vector.broadcast %scan3A_16#0 : i32 to vector<16xi32>
      %eq3A_1020 = arith.cmpi eq, %get3A_1010, %eq3A_1019 : vector<16xi32>
      %jit3A_1021 = arith.constant 1 : i32
      %jit3A_1022 = arith.constant 0 : i32
      %broadcast_in_dim3A_1023 = vector.broadcast %jit3A_1021 : i32 to vector<16xi32>
      %broadcast_in_dim3A_1024 = vector.broadcast %jit3A_1022 : i32 to vector<16xi32>
      %select_n3A_1025 = arith.select %eq3A_1020, %broadcast_in_dim3A_1023, %broadcast_in_dim3A_1024 : vector<16xi1>, vector<16xi32>
      %add3A_1026 = arith.addi %add3A_1003, %select_n3A_1025 : vector<16xi32>
      %mul3A_1027 = arith.constant 256 : i32
      %mul3A_1028 = arith.muli %scan3A_836, %mul3A_1027 : i32
      %add3A_1029 = arith.constant 128 : i32
      %add3A_1030 = arith.addi %mul3A_1028, %add3A_1029 : i32
      %get3A_1031 = arith.index_cast %add3A_1030 : i32 to index
      %get3A_1032 = tpu.vector_load %arg4[%get3A_1031] {strides = array<i32>} : memref<16384xi32, #tpu.memory_space<vmem>>, vector<16xi32>,
      %get3A_1033 = vector.shape_cast %get3A_1032 : vector<16xi32> to vector<16xi32>
      %lt3A_1034 = vector.broadcast %scan3A_16#0 : i32 to vector<16xi32>
      %lt3A_1035 = arith.cmpi ult, %get3A_1033, %lt3A_1034 : vector<16xi32>
      %jit3A_1036 = arith.constant 1 : i32
      %jit3A_1037 = arith.constant 0 : i32
      %broadcast_in_dim3A_1038 = vector.broadcast %jit3A_1036 : i32 to vector<16xi32>
      %broadcast_in_dim3A_1039 = vector.broadcast %jit3A_1037 : i32 to vector<16xi32>
      %select_n3A_1040 = arith.select %lt3A_1035, %broadcast_in_dim3A_1038, %broadcast_in_dim3A_1039 : vector<16xi1>, vector<16xi32>
      %add3A_1041 = arith.addi %add3A_1018, %select_n3A_1040 : vector<16xi32>
      %eq3A_1042 = vector.broadcast %scan3A_16#0 : i32 to vector<16xi32>
      %eq3A_1043 = arith.cmpi eq, %get3A_1033, %eq3A_1042 : vector<16xi32>
      %jit3A_1044 = arith.constant 1 : i32
      %jit3A_1045 = arith.constant 0 : i32
      %broadcast_in_dim3A_1046 = vector.broadcast %jit3A_1044 : i32 to vector<16xi32>
      %broadcast_in_dim3A_1047 = vector.broadcast %jit3A_1045 : i32 to vector<16xi32>
      %select_n3A_1048 = arith.select %eq3A_1043, %broadcast_in_dim3A_1046, %broadcast_in_dim3A_1047 : vector<16xi1>, vector<16xi32>
      %add3A_1049 = arith.addi %add3A_1026, %select_n3A_1048 : vector<16xi32>
      %mul3A_1050 = arith.constant 256 : i32
      %mul3A_1051 = arith.muli %scan3A_836, %mul3A_1050 : i32
      %add3A_1052 = arith.constant 144 : i32
      %add3A_1053 = arith.addi %mul3A_1051, %add3A_1052 : i32
      %get3A_1054 = arith.index_cast %add3A_1053 : i32 to index
      %get3A_1055 = tpu.vector_load %arg4[%get3A_1054] {strides = array<i32>} : memref<16384xi32, #tpu.memory_space<vmem>>, vector<16xi32>,
      %get3A_1056 = vector.shape_cast %get3A_1055 : vector<16xi32> to vector<16xi32>
      %lt3A_1057 = vector.broadcast %scan3A_16#0 : i32 to vector<16xi32>
      %lt3A_1058 = arith.cmpi ult, %get3A_1056, %lt3A_1057 : vector<16xi32>
      %jit3A_1059 = arith.constant 1 : i32
      %jit3A_1060 = arith.constant 0 : i32
      %broadcast_in_dim3A_1061 = vector.broadcast %jit3A_1059 : i32 to vector<16xi32>
      %broadcast_in_dim3A_1062 = vector.broadcast %jit3A_1060 : i32 to vector<16xi32>
      %select_n3A_1063 = arith.select %lt3A_1058, %broadcast_in_dim3A_1061, %broadcast_in_dim3A_1062 : vector<16xi1>, vector<16xi32>
      %add3A_1064 = arith.addi %add3A_1041, %select_n3A_1063 : vector<16xi32>
      %eq3A_1065 = vector.broadcast %scan3A_16#0 : i32 to vector<16xi32>
      %eq3A_1066 = arith.cmpi eq, %get3A_1056, %eq3A_1065 : vector<16xi32>
      %jit3A_1067 = arith.constant 1 : i32
      %jit3A_1068 = arith.constant 0 : i32
      %broadcast_in_dim3A_1069 = vector.broadcast %jit3A_1067 : i32 to vector<16xi32>
      %broadcast_in_dim3A_1070 = vector.broadcast %jit3A_1068 : i32 to vector<16xi32>
      %select_n3A_1071 = arith.select %eq3A_1066, %broadcast_in_dim3A_1069, %broadcast_in_dim3A_1070 : vector<16xi1>, vector<16xi32>
      %add3A_1072 = arith.addi %add3A_1049, %select_n3A_1071 : vector<16xi32>
      %mul3A_1073 = arith.constant 256 : i32
      %mul3A_1074 = arith.muli %scan3A_836, %mul3A_1073 : i32
      %add3A_1075 = arith.constant 160 : i32
      %add3A_1076 = arith.addi %mul3A_1074, %add3A_1075 : i32
      %get3A_1077 = arith.index_cast %add3A_1076 : i32 to index
      %get3A_1078 = tpu.vector_load %arg4[%get3A_1077] {strides = array<i32>} : memref<16384xi32, #tpu.memory_space<vmem>>, vector<16xi32>,
      %get3A_1079 = vector.shape_cast %get3A_1078 : vector<16xi32> to vector<16xi32>
      %lt3A_1080 = vector.broadcast %scan3A_16#0 : i32 to vector<16xi32>
      %lt3A_1081 = arith.cmpi ult, %get3A_1079, %lt3A_1080 : vector<16xi32>
      %jit3A_1082 = arith.constant 1 : i32
      %jit3A_1083 = arith.constant 0 : i32
      %broadcast_in_dim3A_1084 = vector.broadcast %jit3A_1082 : i32 to vector<16xi32>
      %broadcast_in_dim3A_1085 = vector.broadcast %jit3A_1083 : i32 to vector<16xi32>
      %select_n3A_1086 = arith.select %lt3A_1081, %broadcast_in_dim3A_1084, %broadcast_in_dim3A_1085 : vector<16xi1>, vector<16xi32>
      %add3A_1087 = arith.addi %add3A_1064, %select_n3A_1086 : vector<16xi32>
      %eq3A_1088 = vector.broadcast %scan3A_16#0 : i32 to vector<16xi32>
      %eq3A_1089 = arith.cmpi eq, %get3A_1079, %eq3A_1088 : vector<16xi32>
      %jit3A_1090 = arith.constant 1 : i32
      %jit3A_1091 = arith.constant 0 : i32
      %broadcast_in_dim3A_1092 = vector.broadcast %jit3A_1090 : i32 to vector<16xi32>
      %broadcast_in_dim3A_1093 = vector.broadcast %jit3A_1091 : i32 to vector<16xi32>
      %select_n3A_1094 = arith.select %eq3A_1089, %broadcast_in_dim3A_1092, %broadcast_in_dim3A_1093 : vector<16xi1>, vector<16xi32>
      %add3A_1095 = arith.addi %add3A_1072, %select_n3A_1094 : vector<16xi32>
      %mul3A_1096 = arith.constant 256 : i32
      %mul3A_1097 = arith.muli %scan3A_836, %mul3A_1096 : i32
      %add3A_1098 = arith.constant 176 : i32
      %add3A_1099 = arith.addi %mul3A_1097, %add3A_1098 : i32
      %get3A_1100 = arith.index_cast %add3A_1099 : i32 to index
      %get3A_1101 = tpu.vector_load %arg4[%get3A_1100] {strides = array<i32>} : memref<16384xi32, #tpu.memory_space<vmem>>, vector<16xi32>,
      %get3A_1102 = vector.shape_cast %get3A_1101 : vector<16xi32> to vector<16xi32>
      %lt3A_1103 = vector.broadcast %scan3A_16#0 : i32 to vector<16xi32>
      %lt3A_1104 = arith.cmpi ult, %get3A_1102, %lt3A_1103 : vector<16xi32>
      %jit3A_1105 = arith.constant 1 : i32
      %jit3A_1106 = arith.constant 0 : i32
      %broadcast_in_dim3A_1107 = vector.broadcast %jit3A_1105 : i32 to vector<16xi32>
      %broadcast_in_dim3A_1108 = vector.broadcast %jit3A_1106 : i32 to vector<16xi32>
      %select_n3A_1109 = arith.select %lt3A_1104, %broadcast_in_dim3A_1107, %broadcast_in_dim3A_1108 : vector<16xi1>, vector<16xi32>
      %add3A_1110 = arith.addi %add3A_1087, %select_n3A_1109 : vector<16xi32>
      %eq3A_1111 = vector.broadcast %scan3A_16#0 : i32 to vector<16xi32>
      %eq3A_1112 = arith.cmpi eq, %get3A_1102, %eq3A_1111 : vector<16xi32>
      %jit3A_1113 = arith.constant 1 : i32
      %jit3A_1114 = arith.constant 0 : i32
      %broadcast_in_dim3A_1115 = vector.broadcast %jit3A_1113 : i32 to vector<16xi32>
      %broadcast_in_dim3A_1116 = vector.broadcast %jit3A_1114 : i32 to vector<16xi32>
      %select_n3A_1117 = arith.select %eq3A_1112, %broadcast_in_dim3A_1115, %broadcast_in_dim3A_1116 : vector<16xi1>, vector<16xi32>
      %add3A_1118 = arith.addi %add3A_1095, %select_n3A_1117 : vector<16xi32>
      %mul3A_1119 = arith.constant 256 : i32
      %mul3A_1120 = arith.muli %scan3A_836, %mul3A_1119 : i32
      %add3A_1121 = arith.constant 192 : i32
      %add3A_1122 = arith.addi %mul3A_1120, %add3A_1121 : i32
      %get3A_1123 = arith.index_cast %add3A_1122 : i32 to index
      %get3A_1124 = tpu.vector_load %arg4[%get3A_1123] {strides = array<i32>} : memref<16384xi32, #tpu.memory_space<vmem>>, vector<16xi32>,
      %get3A_1125 = vector.shape_cast %get3A_1124 : vector<16xi32> to vector<16xi32>
      %lt3A_1126 = vector.broadcast %scan3A_16#0 : i32 to vector<16xi32>
      %lt3A_1127 = arith.cmpi ult, %get3A_1125, %lt3A_1126 : vector<16xi32>
      %jit3A_1128 = arith.constant 1 : i32
      %jit3A_1129 = arith.constant 0 : i32
      %broadcast_in_dim3A_1130 = vector.broadcast %jit3A_1128 : i32 to vector<16xi32>
      %broadcast_in_dim3A_1131 = vector.broadcast %jit3A_1129 : i32 to vector<16xi32>
      %select_n3A_1132 = arith.select %lt3A_1127, %broadcast_in_dim3A_1130, %broadcast_in_dim3A_1131 : vector<16xi1>, vector<16xi32>
      %add3A_1133 = arith.addi %add3A_1110, %select_n3A_1132 : vector<16xi32>
      %eq3A_1134 = vector.broadcast %scan3A_16#0 : i32 to vector<16xi32>
      %eq3A_1135 = arith.cmpi eq, %get3A_1125, %eq3A_1134 : vector<16xi32>
      %jit3A_1136 = arith.constant 1 : i32
      %jit3A_1137 = arith.constant 0 : i32
      %broadcast_in_dim3A_1138 = vector.broadcast %jit3A_1136 : i32 to vector<16xi32>
      %broadcast_in_dim3A_1139 = vector.broadcast %jit3A_1137 : i32 to vector<16xi32>
      %select_n3A_1140 = arith.select %eq3A_1135, %broadcast_in_dim3A_1138, %broadcast_in_dim3A_1139 : vector<16xi1>, vector<16xi32>
      %add3A_1141 = arith.addi %add3A_1118, %select_n3A_1140 : vector<16xi32>
      %mul3A_1142 = arith.constant 256 : i32
      %mul3A_1143 = arith.muli %scan3A_836, %mul3A_1142 : i32
      %add3A_1144 = arith.constant 208 : i32
      %add3A_1145 = arith.addi %mul3A_1143, %add3A_1144 : i32
      %get3A_1146 = arith.index_cast %add3A_1145 : i32 to index
      %get3A_1147 = tpu.vector_load %arg4[%get3A_1146] {strides = array<i32>} : memref<16384xi32, #tpu.memory_space<vmem>>, vector<16xi32>,
      %get3A_1148 = vector.shape_cast %get3A_1147 : vector<16xi32> to vector<16xi32>
      %lt3A_1149 = vector.broadcast %scan3A_16#0 : i32 to vector<16xi32>
      %lt3A_1150 = arith.cmpi ult, %get3A_1148, %lt3A_1149 : vector<16xi32>
      %jit3A_1151 = arith.constant 1 : i32
      %jit3A_1152 = arith.constant 0 : i32
      %broadcast_in_dim3A_1153 = vector.broadcast %jit3A_1151 : i32 to vector<16xi32>
      %broadcast_in_dim3A_1154 = vector.broadcast %jit3A_1152 : i32 to vector<16xi32>
      %select_n3A_1155 = arith.select %lt3A_1150, %broadcast_in_dim3A_1153, %broadcast_in_dim3A_1154 : vector<16xi1>, vector<16xi32>
      %add3A_1156 = arith.addi %add3A_1133, %select_n3A_1155 : vector<16xi32>
      %eq3A_1157 = vector.broadcast %scan3A_16#0 : i32 to vector<16xi32>
      %eq3A_1158 = arith.cmpi eq, %get3A_1148, %eq3A_1157 : vector<16xi32>
      %jit3A_1159 = arith.constant 1 : i32
      %jit3A_1160 = arith.constant 0 : i32
      %broadcast_in_dim3A_1161 = vector.broadcast %jit3A_1159 : i32 to vector<16xi32>
      %broadcast_in_dim3A_1162 = vector.broadcast %jit3A_1160 : i32 to vector<16xi32>
      %select_n3A_1163 = arith.select %eq3A_1158, %broadcast_in_dim3A_1161, %broadcast_in_dim3A_1162 : vector<16xi1>, vector<16xi32>
      %add3A_1164 = arith.addi %add3A_1141, %select_n3A_1163 : vector<16xi32>
      %mul3A_1165 = arith.constant 256 : i32
      %mul3A_1166 = arith.muli %scan3A_836, %mul3A_1165 : i32
      %add3A_1167 = arith.constant 224 : i32
      %add3A_1168 = arith.addi %mul3A_1166, %add3A_1167 : i32
      %get3A_1169 = arith.index_cast %add3A_1168 : i32 to index
      %get3A_1170 = tpu.vector_load %arg4[%get3A_1169] {strides = array<i32>} : memref<16384xi32, #tpu.memory_space<vmem>>, vector<16xi32>,
      %get3A_1171 = vector.shape_cast %get3A_1170 : vector<16xi32> to vector<16xi32>
      %lt3A_1172 = vector.broadcast %scan3A_16#0 : i32 to vector<16xi32>
      %lt3A_1173 = arith.cmpi ult, %get3A_1171, %lt3A_1172 : vector<16xi32>
      %jit3A_1174 = arith.constant 1 : i32
      %jit3A_1175 = arith.constant 0 : i32
      %broadcast_in_dim3A_1176 = vector.broadcast %jit3A_1174 : i32 to vector<16xi32>
      %broadcast_in_dim3A_1177 = vector.broadcast %jit3A_1175 : i32 to vector<16xi32>
      %select_n3A_1178 = arith.select %lt3A_1173, %broadcast_in_dim3A_1176, %broadcast_in_dim3A_1177 : vector<16xi1>, vector<16xi32>
      %add3A_1179 = arith.addi %add3A_1156, %select_n3A_1178 : vector<16xi32>
      %eq3A_1180 = vector.broadcast %scan3A_16#0 : i32 to vector<16xi32>
      %eq3A_1181 = arith.cmpi eq, %get3A_1171, %eq3A_1180 : vector<16xi32>
      %jit3A_1182 = arith.constant 1 : i32
      %jit3A_1183 = arith.constant 0 : i32
      %broadcast_in_dim3A_1184 = vector.broadcast %jit3A_1182 : i32 to vector<16xi32>
      %broadcast_in_dim3A_1185 = vector.broadcast %jit3A_1183 : i32 to vector<16xi32>
      %select_n3A_1186 = arith.select %eq3A_1181, %broadcast_in_dim3A_1184, %broadcast_in_dim3A_1185 : vector<16xi1>, vector<16xi32>
      %add3A_1187 = arith.addi %add3A_1164, %select_n3A_1186 : vector<16xi32>
      %mul3A_1188 = arith.constant 256 : i32
      %mul3A_1189 = arith.muli %scan3A_836, %mul3A_1188 : i32
      %add3A_1190 = arith.constant 240 : i32
      %add3A_1191 = arith.addi %mul3A_1189, %add3A_1190 : i32
      %get3A_1192 = arith.index_cast %add3A_1191 : i32 to index
      %get3A_1193 = tpu.vector_load %arg4[%get3A_1192] {strides = array<i32>} : memref<16384xi32, #tpu.memory_space<vmem>>, vector<16xi32>,
      %get3A_1194 = vector.shape_cast %get3A_1193 : vector<16xi32> to vector<16xi32>
      %lt3A_1195 = vector.broadcast %scan3A_16#0 : i32 to vector<16xi32>
      %lt3A_1196 = arith.cmpi ult, %get3A_1194, %lt3A_1195 : vector<16xi32>
      %jit3A_1197 = arith.constant 1 : i32
      %jit3A_1198 = arith.constant 0 : i32
      %broadcast_in_dim3A_1199 = vector.broadcast %jit3A_1197 : i32 to vector<16xi32>
      %broadcast_in_dim3A_1200 = vector.broadcast %jit3A_1198 : i32 to vector<16xi32>
      %select_n3A_1201 = arith.select %lt3A_1196, %broadcast_in_dim3A_1199, %broadcast_in_dim3A_1200 : vector<16xi1>, vector<16xi32>
      %add3A_1202 = arith.addi %add3A_1179, %select_n3A_1201 : vector<16xi32>
      %eq3A_1203 = vector.broadcast %scan3A_16#0 : i32 to vector<16xi32>
      %eq3A_1204 = arith.cmpi eq, %get3A_1194, %eq3A_1203 : vector<16xi32>
      %jit3A_1205 = arith.constant 1 : i32
      %jit3A_1206 = arith.constant 0 : i32
      %broadcast_in_dim3A_1207 = vector.broadcast %jit3A_1205 : i32 to vector<16xi32>
      %broadcast_in_dim3A_1208 = vector.broadcast %jit3A_1206 : i32 to vector<16xi32>
      %select_n3A_1209 = arith.select %eq3A_1204, %broadcast_in_dim3A_1207, %broadcast_in_dim3A_1208 : vector<16xi1>, vector<16xi32>
      %add3A_1210 = arith.addi %add3A_1187, %select_n3A_1209 : vector<16xi32>
      %swap3A_1211 = arith.constant 0 : index
      %swap3A_1212 = tpu.vector_load %arg5[%swap3A_1211] {strides = array<i32>} : memref<32xi32, #tpu.memory_space<vmem>>, vector<16xi32>,
      %swap3A_1213 = vector.shape_cast %swap3A_1212 : vector<16xi32> to vector<16xi32>
      %swap3A_1214 = vector.shape_cast %add3A_1202 : vector<16xi32> to vector<16xi32>
      tpu.vector_store %arg5[%swap3A_1211], %swap3A_1214 {strides = array<i32>} : memref<32xi32, #tpu.memory_space<vmem>>, vector<16xi32>,
      %get3A_1215 = arith.constant 8 : index
      %get3A_1216 = tpu.vector_load %arg5[%get3A_1215] {strides = array<i32>} : memref<32xi32, #tpu.memory_space<vmem>>, vector<16xi32>,
      %get3A_1217 = vector.shape_cast %get3A_1216 : vector<16xi32> to vector<16xi32>
      %add3A_1218 = arith.addi %add3A_1202, %get3A_1217 : vector<16xi32>
      %swap3A_1219 = arith.constant 0 : index
      %swap3A_1220 = tpu.vector_load %arg5[%swap3A_1219] {strides = array<i32>} : memref<32xi32, #tpu.memory_space<vmem>>, vector<16xi32>,
      %swap3A_1221 = vector.shape_cast %swap3A_1220 : vector<16xi32> to vector<16xi32>
      %swap3A_1222 = vector.shape_cast %add3A_1218 : vector<16xi32> to vector<16xi32>
      tpu.vector_store %arg5[%swap3A_1219], %swap3A_1222 {strides = array<i32>} : memref<32xi32, #tpu.memory_space<vmem>>, vector<16xi32>,
      %get3A_1223 = arith.constant 4 : index
      %get3A_1224 = tpu.vector_load %arg5[%get3A_1223] {strides = array<i32>} : memref<32xi32, #tpu.memory_space<vmem>>, vector<16xi32>,
      %get3A_1225 = vector.shape_cast %get3A_1224 : vector<16xi32> to vector<16xi32>
      %add3A_1226 = arith.addi %add3A_1218, %get3A_1225 : vector<16xi32>
      %swap3A_1227 = arith.constant 0 : index
      %swap3A_1228 = tpu.vector_load %arg5[%swap3A_1227] {strides = array<i32>} : memref<32xi32, #tpu.memory_space<vmem>>, vector<16xi32>,
      %swap3A_1229 = vector.shape_cast %swap3A_1228 : vector<16xi32> to vector<16xi32>
      %swap3A_1230 = vector.shape_cast %add3A_1226 : vector<16xi32> to vector<16xi32>
      tpu.vector_store %arg5[%swap3A_1227], %swap3A_1230 {strides = array<i32>} : memref<32xi32, #tpu.memory_space<vmem>>, vector<16xi32>,
      %get3A_1231 = arith.constant 2 : index
      %get3A_1232 = tpu.vector_load %arg5[%get3A_1231] {strides = array<i32>} : memref<32xi32, #tpu.memory_space<vmem>>, vector<16xi32>,
      %get3A_1233 = vector.shape_cast %get3A_1232 : vector<16xi32> to vector<16xi32>
      %add3A_1234 = arith.addi %add3A_1226, %get3A_1233 : vector<16xi32>
      %swap3A_1235 = arith.constant 0 : index
      %swap3A_1236 = tpu.vector_load %arg5[%swap3A_1235] {strides = array<i32>} : memref<32xi32, #tpu.memory_space<vmem>>, vector<16xi32>,
      %swap3A_1237 = vector.shape_cast %swap3A_1236 : vector<16xi32> to vector<16xi32>
      %swap3A_1238 = vector.shape_cast %add3A_1234 : vector<16xi32> to vector<16xi32>
      tpu.vector_store %arg5[%swap3A_1235], %swap3A_1238 {strides = array<i32>} : memref<32xi32, #tpu.memory_space<vmem>>, vector<16xi32>,
      %get3A_1239 = arith.constant 1 : index
      %get3A_1240 = tpu.vector_load %arg5[%get3A_1239] {strides = array<i32>} : memref<32xi32, #tpu.memory_space<vmem>>, vector<16xi32>,
      %get3A_1241 = vector.shape_cast %get3A_1240 : vector<16xi32> to vector<16xi32>
      %add3A_1242 = arith.addi %add3A_1234, %get3A_1241 : vector<16xi32>
      %slice3A_1243 = vector.extract_strided_slice %add3A_1242 {offsets = [0], sizes = [1], strides = [1]} : vector<16xi32> to vector<1xi32>
      %squeeze3A_1244 = vector.extract %slice3A_1243[0] : i32 from vector<1xi32>
      %add3A_1245 = arith.addi %scan3A_837, %squeeze3A_1244 : i32
      %swap3A_1246 = arith.constant 0 : index
      %swap3A_1247 = tpu.vector_load %arg5[%swap3A_1246] {strides = array<i32>} : memref<32xi32, #tpu.memory_space<vmem>>, vector<16xi32>,
      %swap3A_1248 = vector.shape_cast %swap3A_1247 : vector<16xi32> to vector<16xi32>
      %swap3A_1249 = vector.shape_cast %add3A_1210 : vector<16xi32> to vector<16xi32>
      tpu.vector_store %arg5[%swap3A_1246], %swap3A_1249 {strides = array<i32>} : memref<32xi32, #tpu.memory_space<vmem>>, vector<16xi32>,
      %get3A_1250 = arith.constant 8 : index
      %get3A_1251 = tpu.vector_load %arg5[%get3A_1250] {strides = array<i32>} : memref<32xi32, #tpu.memory_space<vmem>>, vector<16xi32>,
      %get3A_1252 = vector.shape_cast %get3A_1251 : vector<16xi32> to vector<16xi32>
      %add3A_1253 = arith.addi %add3A_1210, %get3A_1252 : vector<16xi32>
      %swap3A_1254 = arith.constant 0 : index
      %swap3A_1255 = tpu.vector_load %arg5[%swap3A_1254] {strides = array<i32>} : memref<32xi32, #tpu.memory_space<vmem>>, vector<16xi32>,
      %swap3A_1256 = vector.shape_cast %swap3A_1255 : vector<16xi32> to vector<16xi32>
      %swap3A_1257 = vector.shape_cast %add3A_1253 : vector<16xi32> to vector<16xi32>
      tpu.vector_store %arg5[%swap3A_1254], %swap3A_1257 {strides = array<i32>} : memref<32xi32, #tpu.memory_space<vmem>>, vector<16xi32>,
      %get3A_1258 = arith.constant 4 : index
      %get3A_1259 = tpu.vector_load %arg5[%get3A_1258] {strides = array<i32>} : memref<32xi32, #tpu.memory_space<vmem>>, vector<16xi32>,
      %get3A_1260 = vector.shape_cast %get3A_1259 : vector<16xi32> to vector<16xi32>
      %add3A_1261 = arith.addi %add3A_1253, %get3A_1260 : vector<16xi32>
      %swap3A_1262 = arith.constant 0 : index
      %swap3A_1263 = tpu.vector_load %arg5[%swap3A_1262] {strides = array<i32>} : memref<32xi32, #tpu.memory_space<vmem>>, vector<16xi32>,
      %swap3A_1264 = vector.shape_cast %swap3A_1263 : vector<16xi32> to vector<16xi32>
      %swap3A_1265 = vector.shape_cast %add3A_1261 : vector<16xi32> to vector<16xi32>
      tpu.vector_store %arg5[%swap3A_1262], %swap3A_1265 {strides = array<i32>} : memref<32xi32, #tpu.memory_space<vmem>>, vector<16xi32>,
      %get3A_1266 = arith.constant 2 : index
      %get3A_1267 = tpu.vector_load %arg5[%get3A_1266] {strides = array<i32>} : memref<32xi32, #tpu.memory_space<vmem>>, vector<16xi32>,
      %get3A_1268 = vector.shape_cast %get3A_1267 : vector<16xi32> to vector<16xi32>
      %add3A_1269 = arith.addi %add3A_1261, %get3A_1268 : vector<16xi32>
      %swap3A_1270 = arith.constant 0 : index
      %swap3A_1271 = tpu.vector_load %arg5[%swap3A_1270] {strides = array<i32>} : memref<32xi32, #tpu.memory_space<vmem>>, vector<16xi32>,
      %swap3A_1272 = vector.shape_cast %swap3A_1271 : vector<16xi32> to vector<16xi32>
      %swap3A_1273 = vector.shape_cast %add3A_1269 : vector<16xi32> to vector<16xi32>
      tpu.vector_store %arg5[%swap3A_1270], %swap3A_1273 {strides = array<i32>} : memref<32xi32, #tpu.memory_space<vmem>>, vector<16xi32>,
      %get3A_1274 = arith.constant 1 : index
      %get3A_1275 = tpu.vector_load %arg5[%get3A_1274] {strides = array<i32>} : memref<32xi32, #tpu.memory_space<vmem>>, vector<16xi32>,
      %get3A_1276 = vector.shape_cast %get3A_1275 : vector<16xi32> to vector<16xi32>
      %add3A_1277 = arith.addi %add3A_1269, %get3A_1276 : vector<16xi32>
      %slice3A_1278 = vector.extract_strided_slice %add3A_1277 {offsets = [0], sizes = [1], strides = [1]} : vector<16xi32> to vector<1xi32>
      %squeeze3A_1279 = vector.extract %slice3A_1278[0] : i32 from vector<1xi32>
      %add3A_1280 = arith.addi %scan3A_838, %squeeze3A_1279 : i32
      scf.yield %add3A_1245, %add3A_1280 : i32, i32
    }
    %scan3A_25 = arith.constant 64 : i32
    %eq3A = arith.constant 0 : i32
    %eq3A_26 = vector.broadcast %eq3A : i32 to vector<16xi32>
    %eq3A_27 = arith.cmpi eq, %iota3A, %eq3A_26 : vector<16xi32>
    %eq3A_28 = arith.constant 1 : i32
    %eq3A_29 = vector.broadcast %eq3A_28 : i32 to vector<16xi32>
    %eq3A_30 = arith.cmpi eq, %iota3A, %eq3A_29 : vector<16xi32>
    %jit3A = arith.constant 0 : i32
    %broadcast_in_dim3A_31 = vector.broadcast %scan3A_24#1 : i32 to vector<16xi32>
    %broadcast_in_dim3A_32 = vector.broadcast %jit3A : i32 to vector<16xi32>
    %select_n3A = arith.select %eq3A_30, %broadcast_in_dim3A_31, %broadcast_in_dim3A_32 : vector<16xi1>, vector<16xi32>
    %broadcast_in_dim3A_33 = vector.broadcast %scan3A_24#0 : i32 to vector<16xi32>
    %select_n3A_34 = arith.select %eq3A_27, %broadcast_in_dim3A_33, %select_n3A : vector<16xi1>, vector<16xi32>
    %swap3A_35 = arith.constant 0 : index
    %swap3A_36 = tpu.vector_load %arg7[%swap3A_35] {strides = array<i32>} : memref<16xi32, #tpu.memory_space<vmem>>, vector<16xi32>,
    %swap3A_37 = vector.shape_cast %swap3A_36 : vector<16xi32> to vector<16xi32>
    %swap3A_38 = vector.shape_cast %select_n3A_34 : vector<16xi32> to vector<16xi32>
    tpu.vector_store %arg7[%swap3A_35], %swap3A_38 {strides = array<i32>} : memref<16xi32, #tpu.memory_space<vmem>>, vector<16xi32>,
    "tpu.region"() ({
      %run_scoped3A = tpu.sem_alloc : memref<!tpu.dma_semaphore, #tpu.memory_space<semaphore_mem>>
      %dma_start3A = arith.constant 0 : i32
      %dma_start3A_836 = tpu.memref_slice %arg12[%arg1, %dma_start3A] : memref<16x16xi32, #tpu.memory_space<vmem_shared>> -> memref<1x16xi32, #tpu.memory_space<vmem_shared>>
      %dma_start3A_837 = tpu.memref_squeeze %dma_start3A_836 : memref<1x16xi32, #tpu.memory_space<vmem_shared>> -> memref<16xi32, #tpu.memory_space<vmem_shared>>
      %dma_start3A_838 = arith.constant 0 : i32
      %dma_start3A_839 = tpu.memref_slice %arg12[%arg1, %dma_start3A_838] : memref<16x16xi32, #tpu.memory_space<vmem_shared>> -> memref<1x16xi32, #tpu.memory_space<vmem_shared>>
      %dma_start3A_840 = tpu.memref_squeeze %dma_start3A_839 : memref<1x16xi32, #tpu.memory_space<vmem_shared>> -> memref<16xi32, #tpu.memory_space<vmem_shared>>
      tpu.enqueue_dma source(%arg7 : memref<16xi32, #tpu.memory_space<vmem>>) target(%dma_start3A_840 : memref<16xi32, #tpu.memory_space<vmem_shared>>) target_semaphore(%run_scoped3A : memref<!tpu.dma_semaphore, #tpu.memory_space<semaphore_mem>>)
      %dma_wait3A = arith.constant 0 : i32
      %dma_wait3A_841 = tpu.memref_slice %arg12[%arg1, %dma_wait3A] : memref<16x16xi32, #tpu.memory_space<vmem_shared>> -> memref<1x16xi32, #tpu.memory_space<vmem_shared>>
      %dma_wait3A_842 = tpu.memref_squeeze %dma_wait3A_841 : memref<1x16xi32, #tpu.memory_space<vmem_shared>> -> memref<16xi32, #tpu.memory_space<vmem_shared>>
      %dma_wait3A_843 = arith.constant 0 : i32
      %dma_wait3A_844 = tpu.memref_slice %arg12[%arg1, %dma_wait3A_843] : memref<16x16xi32, #tpu.memory_space<vmem_shared>> -> memref<1x16xi32, #tpu.memory_space<vmem_shared>>
      %dma_wait3A_845 = tpu.memref_squeeze %dma_wait3A_844 : memref<1x16xi32, #tpu.memory_space<vmem_shared>> -> memref<16xi32, #tpu.memory_space<vmem_shared>>
      tpu.wait_dma2 semaphore(%run_scoped3A : memref<!tpu.dma_semaphore, #tpu.memory_space<semaphore_mem>>) src(%arg7 : memref<16xi32, #tpu.memory_space<vmem>>) dst(%dma_wait3A_845 : memref<16xi32, #tpu.memory_space<vmem_shared>>)
      tpu.yield
    }) : () -> ()
    %barrier3A = arith.constant 0 : index
    tpu.barrier barrier_id(%barrier3A)
    "tpu.region"() ({
      %run_scoped3A = tpu.sem_alloc : memref<!tpu.dma_semaphore, #tpu.memory_space<semaphore_mem>>
      tpu.enqueue_dma source(%arg12 : memref<16x16xi32, #tpu.memory_space<vmem_shared>>) target(%arg8 : memref<16x16xi32, #tpu.memory_space<vmem>>) target_semaphore(%run_scoped3A : memref<!tpu.dma_semaphore, #tpu.memory_space<semaphore_mem>>)
      tpu.wait_dma2 semaphore(%run_scoped3A : memref<!tpu.dma_semaphore, #tpu.memory_space<semaphore_mem>>) src(%arg12 : memref<16x16xi32, #tpu.memory_space<vmem_shared>>) dst(%arg8 : memref<16x16xi32, #tpu.memory_space<vmem>>)
      tpu.yield
    }) : () -> ()
    %barrier3A_39 = arith.constant 0 : index
    tpu.barrier barrier_id(%barrier3A_39)
    %get3A = arith.constant 0 : i32
    %get3A_40 = arith.index_cast %get3A : i32 to index
    %get3A_41 = arith.constant 0 : index
    %get3A_42 = tpu.vector_load %arg8[%get3A_40, %get3A_41] {strides = array<i32>} : memref<16x16xi32, #tpu.memory_space<vmem>>, vector<1x16xi32>,
    %get3A_43 = vector.shape_cast %get3A_42 : vector<1x16xi32> to vector<16xi32>
    %slice3A = vector.extract_strided_slice %get3A_43 {offsets = [0], sizes = [1], strides = [1]} : vector<16xi32> to vector<1xi32>
    %squeeze3A = vector.extract %slice3A[0] : i32 from vector<1xi32>
    %add3A = arith.constant 0 : i32
    %add3A_44 = arith.addi %add3A, %squeeze3A : i32
    %lt3A = arith.constant 0 : i32
    %lt3A_45 = arith.cmpi slt, %lt3A, %arg1 : i32
    %slice3A_46 = vector.extract_strided_slice %get3A_43 {offsets = [1], sizes = [1], strides = [1]} : vector<16xi32> to vector<1xi32>
    %squeeze3A_47 = vector.extract %slice3A_46[0] : i32 from vector<1xi32>
    %jit3A_48 = arith.constant 0 : i32
    %select_n3A_49 = arith.select %lt3A_45, %squeeze3A_47, %jit3A_48 : i32
    %add3A_50 = arith.constant 0 : i32
    %add3A_51 = arith.addi %add3A_50, %select_n3A_49 : i32
    %get3A_52 = arith.constant 1 : i32
    %get3A_53 = arith.index_cast %get3A_52 : i32 to index
    %get3A_54 = arith.constant 0 : index
    %get3A_55 = tpu.vector_load %arg8[%get3A_53, %get3A_54] {strides = array<i32>} : memref<16x16xi32, #tpu.memory_space<vmem>>, vector<1x16xi32>,
    %get3A_56 = vector.shape_cast %get3A_55 : vector<1x16xi32> to vector<16xi32>
    %slice3A_57 = vector.extract_strided_slice %get3A_56 {offsets = [0], sizes = [1], strides = [1]} : vector<16xi32> to vector<1xi32>
    %squeeze3A_58 = vector.extract %slice3A_57[0] : i32 from vector<1xi32>
    %add3A_59 = arith.addi %add3A_44, %squeeze3A_58 : i32
    %lt3A_60 = arith.constant 1 : i32
    %lt3A_61 = arith.cmpi slt, %lt3A_60, %arg1 : i32
    %slice3A_62 = vector.extract_strided_slice %get3A_56 {offsets = [1], sizes = [1], strides = [1]} : vector<16xi32> to vector<1xi32>
    %squeeze3A_63 = vector.extract %slice3A_62[0] : i32 from vector<1xi32>
    %jit3A_64 = arith.constant 0 : i32
    %select_n3A_65 = arith.select %lt3A_61, %squeeze3A_63, %jit3A_64 : i32
    %add3A_66 = arith.addi %add3A_51, %select_n3A_65 : i32
    %get3A_67 = arith.constant 2 : i32
    %get3A_68 = arith.index_cast %get3A_67 : i32 to index
    %get3A_69 = arith.constant 0 : index
    %get3A_70 = tpu.vector_load %arg8[%get3A_68, %get3A_69] {strides = array<i32>} : memref<16x16xi32, #tpu.memory_space<vmem>>, vector<1x16xi32>,
    %get3A_71 = vector.shape_cast %get3A_70 : vector<1x16xi32> to vector<16xi32>
    %slice3A_72 = vector.extract_strided_slice %get3A_71 {offsets = [0], sizes = [1], strides = [1]} : vector<16xi32> to vector<1xi32>
    %squeeze3A_73 = vector.extract %slice3A_72[0] : i32 from vector<1xi32>
    %add3A_74 = arith.addi %add3A_59, %squeeze3A_73 : i32
    %lt3A_75 = arith.constant 2 : i32
    %lt3A_76 = arith.cmpi slt, %lt3A_75, %arg1 : i32
    %slice3A_77 = vector.extract_strided_slice %get3A_71 {offsets = [1], sizes = [1], strides = [1]} : vector<16xi32> to vector<1xi32>
    %squeeze3A_78 = vector.extract %slice3A_77[0] : i32 from vector<1xi32>
    %jit3A_79 = arith.constant 0 : i32
    %select_n3A_80 = arith.select %lt3A_76, %squeeze3A_78, %jit3A_79 : i32
    %add3A_81 = arith.addi %add3A_66, %select_n3A_80 : i32
    %get3A_82 = arith.constant 3 : i32
    %get3A_83 = arith.index_cast %get3A_82 : i32 to index
    %get3A_84 = arith.constant 0 : index
    %get3A_85 = tpu.vector_load %arg8[%get3A_83, %get3A_84] {strides = array<i32>} : memref<16x16xi32, #tpu.memory_space<vmem>>, vector<1x16xi32>,
    %get3A_86 = vector.shape_cast %get3A_85 : vector<1x16xi32> to vector<16xi32>
    %slice3A_87 = vector.extract_strided_slice %get3A_86 {offsets = [0], sizes = [1], strides = [1]} : vector<16xi32> to vector<1xi32>
    %squeeze3A_88 = vector.extract %slice3A_87[0] : i32 from vector<1xi32>
    %add3A_89 = arith.addi %add3A_74, %squeeze3A_88 : i32
    %lt3A_90 = arith.constant 3 : i32
    %lt3A_91 = arith.cmpi slt, %lt3A_90, %arg1 : i32
    %slice3A_92 = vector.extract_strided_slice %get3A_86 {offsets = [1], sizes = [1], strides = [1]} : vector<16xi32> to vector<1xi32>
    %squeeze3A_93 = vector.extract %slice3A_92[0] : i32 from vector<1xi32>
    %jit3A_94 = arith.constant 0 : i32
    %select_n3A_95 = arith.select %lt3A_91, %squeeze3A_93, %jit3A_94 : i32
    %add3A_96 = arith.addi %add3A_81, %select_n3A_95 : i32
    %get3A_97 = arith.constant 4 : i32
    %get3A_98 = arith.index_cast %get3A_97 : i32 to index
    %get3A_99 = arith.constant 0 : index
    %get3A_100 = tpu.vector_load %arg8[%get3A_98, %get3A_99] {strides = array<i32>} : memref<16x16xi32, #tpu.memory_space<vmem>>, vector<1x16xi32>,
    %get3A_101 = vector.shape_cast %get3A_100 : vector<1x16xi32> to vector<16xi32>
    %slice3A_102 = vector.extract_strided_slice %get3A_101 {offsets = [0], sizes = [1], strides = [1]} : vector<16xi32> to vector<1xi32>
    %squeeze3A_103 = vector.extract %slice3A_102[0] : i32 from vector<1xi32>
    %add3A_104 = arith.addi %add3A_89, %squeeze3A_103 : i32
    %lt3A_105 = arith.constant 4 : i32
    %lt3A_106 = arith.cmpi slt, %lt3A_105, %arg1 : i32
    %slice3A_107 = vector.extract_strided_slice %get3A_101 {offsets = [1], sizes = [1], strides = [1]} : vector<16xi32> to vector<1xi32>
    %squeeze3A_108 = vector.extract %slice3A_107[0] : i32 from vector<1xi32>
    %jit3A_109 = arith.constant 0 : i32
    %select_n3A_110 = arith.select %lt3A_106, %squeeze3A_108, %jit3A_109 : i32
    %add3A_111 = arith.addi %add3A_96, %select_n3A_110 : i32
    %get3A_112 = arith.constant 5 : i32
    %get3A_113 = arith.index_cast %get3A_112 : i32 to index
    %get3A_114 = arith.constant 0 : index
    %get3A_115 = tpu.vector_load %arg8[%get3A_113, %get3A_114] {strides = array<i32>} : memref<16x16xi32, #tpu.memory_space<vmem>>, vector<1x16xi32>,
    %get3A_116 = vector.shape_cast %get3A_115 : vector<1x16xi32> to vector<16xi32>
    %slice3A_117 = vector.extract_strided_slice %get3A_116 {offsets = [0], sizes = [1], strides = [1]} : vector<16xi32> to vector<1xi32>
    %squeeze3A_118 = vector.extract %slice3A_117[0] : i32 from vector<1xi32>
    %add3A_119 = arith.addi %add3A_104, %squeeze3A_118 : i32
    %lt3A_120 = arith.constant 5 : i32
    %lt3A_121 = arith.cmpi slt, %lt3A_120, %arg1 : i32
    %slice3A_122 = vector.extract_strided_slice %get3A_116 {offsets = [1], sizes = [1], strides = [1]} : vector<16xi32> to vector<1xi32>
    %squeeze3A_123 = vector.extract %slice3A_122[0] : i32 from vector<1xi32>
    %jit3A_124 = arith.constant 0 : i32
    %select_n3A_125 = arith.select %lt3A_121, %squeeze3A_123, %jit3A_124 : i32
    %add3A_126 = arith.addi %add3A_111, %select_n3A_125 : i32
    %get3A_127 = arith.constant 6 : i32
    %get3A_128 = arith.index_cast %get3A_127 : i32 to index
    %get3A_129 = arith.constant 0 : index
    %get3A_130 = tpu.vector_load %arg8[%get3A_128, %get3A_129] {strides = array<i32>} : memref<16x16xi32, #tpu.memory_space<vmem>>, vector<1x16xi32>,
    %get3A_131 = vector.shape_cast %get3A_130 : vector<1x16xi32> to vector<16xi32>
    %slice3A_132 = vector.extract_strided_slice %get3A_131 {offsets = [0], sizes = [1], strides = [1]} : vector<16xi32> to vector<1xi32>
    %squeeze3A_133 = vector.extract %slice3A_132[0] : i32 from vector<1xi32>
    %add3A_134 = arith.addi %add3A_119, %squeeze3A_133 : i32
    %lt3A_135 = arith.constant 6 : i32
    %lt3A_136 = arith.cmpi slt, %lt3A_135, %arg1 : i32
    %slice3A_137 = vector.extract_strided_slice %get3A_131 {offsets = [1], sizes = [1], strides = [1]} : vector<16xi32> to vector<1xi32>
    %squeeze3A_138 = vector.extract %slice3A_137[0] : i32 from vector<1xi32>
    %jit3A_139 = arith.constant 0 : i32
    %select_n3A_140 = arith.select %lt3A_136, %squeeze3A_138, %jit3A_139 : i32
    %add3A_141 = arith.addi %add3A_126, %select_n3A_140 : i32
    %get3A_142 = arith.constant 7 : i32
    %get3A_143 = arith.index_cast %get3A_142 : i32 to index
    %get3A_144 = arith.constant 0 : index
    %get3A_145 = tpu.vector_load %arg8[%get3A_143, %get3A_144] {strides = array<i32>} : memref<16x16xi32, #tpu.memory_space<vmem>>, vector<1x16xi32>,
    %get3A_146 = vector.shape_cast %get3A_145 : vector<1x16xi32> to vector<16xi32>
    %slice3A_147 = vector.extract_strided_slice %get3A_146 {offsets = [0], sizes = [1], strides = [1]} : vector<16xi32> to vector<1xi32>
    %squeeze3A_148 = vector.extract %slice3A_147[0] : i32 from vector<1xi32>
    %add3A_149 = arith.addi %add3A_134, %squeeze3A_148 : i32
    %lt3A_150 = arith.constant 7 : i32
    %lt3A_151 = arith.cmpi slt, %lt3A_150, %arg1 : i32
    %slice3A_152 = vector.extract_strided_slice %get3A_146 {offsets = [1], sizes = [1], strides = [1]} : vector<16xi32> to vector<1xi32>
    %squeeze3A_153 = vector.extract %slice3A_152[0] : i32 from vector<1xi32>
    %jit3A_154 = arith.constant 0 : i32
    %select_n3A_155 = arith.select %lt3A_151, %squeeze3A_153, %jit3A_154 : i32
    %add3A_156 = arith.addi %add3A_141, %select_n3A_155 : i32
    %get3A_157 = arith.constant 8 : i32
    %get3A_158 = arith.index_cast %get3A_157 : i32 to index
    %get3A_159 = arith.constant 0 : index
    %get3A_160 = tpu.vector_load %arg8[%get3A_158, %get3A_159] {strides = array<i32>} : memref<16x16xi32, #tpu.memory_space<vmem>>, vector<1x16xi32>,
    %get3A_161 = vector.shape_cast %get3A_160 : vector<1x16xi32> to vector<16xi32>
    %slice3A_162 = vector.extract_strided_slice %get3A_161 {offsets = [0], sizes = [1], strides = [1]} : vector<16xi32> to vector<1xi32>
    %squeeze3A_163 = vector.extract %slice3A_162[0] : i32 from vector<1xi32>
    %add3A_164 = arith.addi %add3A_149, %squeeze3A_163 : i32
    %lt3A_165 = arith.constant 8 : i32
    %lt3A_166 = arith.cmpi slt, %lt3A_165, %arg1 : i32
    %slice3A_167 = vector.extract_strided_slice %get3A_161 {offsets = [1], sizes = [1], strides = [1]} : vector<16xi32> to vector<1xi32>
    %squeeze3A_168 = vector.extract %slice3A_167[0] : i32 from vector<1xi32>
    %jit3A_169 = arith.constant 0 : i32
    %select_n3A_170 = arith.select %lt3A_166, %squeeze3A_168, %jit3A_169 : i32
    %add3A_171 = arith.addi %add3A_156, %select_n3A_170 : i32
    %get3A_172 = arith.constant 9 : i32
    %get3A_173 = arith.index_cast %get3A_172 : i32 to index
    %get3A_174 = arith.constant 0 : index
    %get3A_175 = tpu.vector_load %arg8[%get3A_173, %get3A_174] {strides = array<i32>} : memref<16x16xi32, #tpu.memory_space<vmem>>, vector<1x16xi32>,
    %get3A_176 = vector.shape_cast %get3A_175 : vector<1x16xi32> to vector<16xi32>
    %slice3A_177 = vector.extract_strided_slice %get3A_176 {offsets = [0], sizes = [1], strides = [1]} : vector<16xi32> to vector<1xi32>
    %squeeze3A_178 = vector.extract %slice3A_177[0] : i32 from vector<1xi32>
    %add3A_179 = arith.addi %add3A_164, %squeeze3A_178 : i32
    %lt3A_180 = arith.constant 9 : i32
    %lt3A_181 = arith.cmpi slt, %lt3A_180, %arg1 : i32
    %slice3A_182 = vector.extract_strided_slice %get3A_176 {offsets = [1], sizes = [1], strides = [1]} : vector<16xi32> to vector<1xi32>
    %squeeze3A_183 = vector.extract %slice3A_182[0] : i32 from vector<1xi32>
    %jit3A_184 = arith.constant 0 : i32
    %select_n3A_185 = arith.select %lt3A_181, %squeeze3A_183, %jit3A_184 : i32
    %add3A_186 = arith.addi %add3A_171, %select_n3A_185 : i32
    %get3A_187 = arith.constant 10 : i32
    %get3A_188 = arith.index_cast %get3A_187 : i32 to index
    %get3A_189 = arith.constant 0 : index
    %get3A_190 = tpu.vector_load %arg8[%get3A_188, %get3A_189] {strides = array<i32>} : memref<16x16xi32, #tpu.memory_space<vmem>>, vector<1x16xi32>,
    %get3A_191 = vector.shape_cast %get3A_190 : vector<1x16xi32> to vector<16xi32>
    %slice3A_192 = vector.extract_strided_slice %get3A_191 {offsets = [0], sizes = [1], strides = [1]} : vector<16xi32> to vector<1xi32>
    %squeeze3A_193 = vector.extract %slice3A_192[0] : i32 from vector<1xi32>
    %add3A_194 = arith.addi %add3A_179, %squeeze3A_193 : i32
    %lt3A_195 = arith.constant 10 : i32
    %lt3A_196 = arith.cmpi slt, %lt3A_195, %arg1 : i32
    %slice3A_197 = vector.extract_strided_slice %get3A_191 {offsets = [1], sizes = [1], strides = [1]} : vector<16xi32> to vector<1xi32>
    %squeeze3A_198 = vector.extract %slice3A_197[0] : i32 from vector<1xi32>
    %jit3A_199 = arith.constant 0 : i32
    %select_n3A_200 = arith.select %lt3A_196, %squeeze3A_198, %jit3A_199 : i32
    %add3A_201 = arith.addi %add3A_186, %select_n3A_200 : i32
    %get3A_202 = arith.constant 11 : i32
    %get3A_203 = arith.index_cast %get3A_202 : i32 to index
    %get3A_204 = arith.constant 0 : index
    %get3A_205 = tpu.vector_load %arg8[%get3A_203, %get3A_204] {strides = array<i32>} : memref<16x16xi32, #tpu.memory_space<vmem>>, vector<1x16xi32>,
    %get3A_206 = vector.shape_cast %get3A_205 : vector<1x16xi32> to vector<16xi32>
    %slice3A_207 = vector.extract_strided_slice %get3A_206 {offsets = [0], sizes = [1], strides = [1]} : vector<16xi32> to vector<1xi32>
    %squeeze3A_208 = vector.extract %slice3A_207[0] : i32 from vector<1xi32>
    %add3A_209 = arith.addi %add3A_194, %squeeze3A_208 : i32
    %lt3A_210 = arith.constant 11 : i32
    %lt3A_211 = arith.cmpi slt, %lt3A_210, %arg1 : i32
    %slice3A_212 = vector.extract_strided_slice %get3A_206 {offsets = [1], sizes = [1], strides = [1]} : vector<16xi32> to vector<1xi32>
    %squeeze3A_213 = vector.extract %slice3A_212[0] : i32 from vector<1xi32>
    %jit3A_214 = arith.constant 0 : i32
    %select_n3A_215 = arith.select %lt3A_211, %squeeze3A_213, %jit3A_214 : i32
    %add3A_216 = arith.addi %add3A_201, %select_n3A_215 : i32
    %get3A_217 = arith.constant 12 : i32
    %get3A_218 = arith.index_cast %get3A_217 : i32 to index
    %get3A_219 = arith.constant 0 : index
    %get3A_220 = tpu.vector_load %arg8[%get3A_218, %get3A_219] {strides = array<i32>} : memref<16x16xi32, #tpu.memory_space<vmem>>, vector<1x16xi32>,
    %get3A_221 = vector.shape_cast %get3A_220 : vector<1x16xi32> to vector<16xi32>
    %slice3A_222 = vector.extract_strided_slice %get3A_221 {offsets = [0], sizes = [1], strides = [1]} : vector<16xi32> to vector<1xi32>
    %squeeze3A_223 = vector.extract %slice3A_222[0] : i32 from vector<1xi32>
    %add3A_224 = arith.addi %add3A_209, %squeeze3A_223 : i32
    %lt3A_225 = arith.constant 12 : i32
    %lt3A_226 = arith.cmpi slt, %lt3A_225, %arg1 : i32
    %slice3A_227 = vector.extract_strided_slice %get3A_221 {offsets = [1], sizes = [1], strides = [1]} : vector<16xi32> to vector<1xi32>
    %squeeze3A_228 = vector.extract %slice3A_227[0] : i32 from vector<1xi32>
    %jit3A_229 = arith.constant 0 : i32
    %select_n3A_230 = arith.select %lt3A_226, %squeeze3A_228, %jit3A_229 : i32
    %add3A_231 = arith.addi %add3A_216, %select_n3A_230 : i32
    %get3A_232 = arith.constant 13 : i32
    %get3A_233 = arith.index_cast %get3A_232 : i32 to index
    %get3A_234 = arith.constant 0 : index
    %get3A_235 = tpu.vector_load %arg8[%get3A_233, %get3A_234] {strides = array<i32>} : memref<16x16xi32, #tpu.memory_space<vmem>>, vector<1x16xi32>,
    %get3A_236 = vector.shape_cast %get3A_235 : vector<1x16xi32> to vector<16xi32>
    %slice3A_237 = vector.extract_strided_slice %get3A_236 {offsets = [0], sizes = [1], strides = [1]} : vector<16xi32> to vector<1xi32>
    %squeeze3A_238 = vector.extract %slice3A_237[0] : i32 from vector<1xi32>
    %add3A_239 = arith.addi %add3A_224, %squeeze3A_238 : i32
    %lt3A_240 = arith.constant 13 : i32
    %lt3A_241 = arith.cmpi slt, %lt3A_240, %arg1 : i32
    %slice3A_242 = vector.extract_strided_slice %get3A_236 {offsets = [1], sizes = [1], strides = [1]} : vector<16xi32> to vector<1xi32>
    %squeeze3A_243 = vector.extract %slice3A_242[0] : i32 from vector<1xi32>
    %jit3A_244 = arith.constant 0 : i32
    %select_n3A_245 = arith.select %lt3A_241, %squeeze3A_243, %jit3A_244 : i32
    %add3A_246 = arith.addi %add3A_231, %select_n3A_245 : i32
    %get3A_247 = arith.constant 14 : i32
    %get3A_248 = arith.index_cast %get3A_247 : i32 to index
    %get3A_249 = arith.constant 0 : index
    %get3A_250 = tpu.vector_load %arg8[%get3A_248, %get3A_249] {strides = array<i32>} : memref<16x16xi32, #tpu.memory_space<vmem>>, vector<1x16xi32>,
    %get3A_251 = vector.shape_cast %get3A_250 : vector<1x16xi32> to vector<16xi32>
    %slice3A_252 = vector.extract_strided_slice %get3A_251 {offsets = [0], sizes = [1], strides = [1]} : vector<16xi32> to vector<1xi32>
    %squeeze3A_253 = vector.extract %slice3A_252[0] : i32 from vector<1xi32>
    %add3A_254 = arith.addi %add3A_239, %squeeze3A_253 : i32
    %lt3A_255 = arith.constant 14 : i32
    %lt3A_256 = arith.cmpi slt, %lt3A_255, %arg1 : i32
    %slice3A_257 = vector.extract_strided_slice %get3A_251 {offsets = [1], sizes = [1], strides = [1]} : vector<16xi32> to vector<1xi32>
    %squeeze3A_258 = vector.extract %slice3A_257[0] : i32 from vector<1xi32>
    %jit3A_259 = arith.constant 0 : i32
    %select_n3A_260 = arith.select %lt3A_256, %squeeze3A_258, %jit3A_259 : i32
    %add3A_261 = arith.addi %add3A_246, %select_n3A_260 : i32
    %get3A_262 = arith.constant 15 : i32
    %get3A_263 = arith.index_cast %get3A_262 : i32 to index
    %get3A_264 = arith.constant 0 : index
    %get3A_265 = tpu.vector_load %arg8[%get3A_263, %get3A_264] {strides = array<i32>} : memref<16x16xi32, #tpu.memory_space<vmem>>, vector<1x16xi32>,
    %get3A_266 = vector.shape_cast %get3A_265 : vector<1x16xi32> to vector<16xi32>
    %slice3A_267 = vector.extract_strided_slice %get3A_266 {offsets = [0], sizes = [1], strides = [1]} : vector<16xi32> to vector<1xi32>
    %squeeze3A_268 = vector.extract %slice3A_267[0] : i32 from vector<1xi32>
    %add3A_269 = arith.addi %add3A_254, %squeeze3A_268 : i32
    %lt3A_270 = arith.constant 15 : i32
    %lt3A_271 = arith.cmpi slt, %lt3A_270, %arg1 : i32
    %slice3A_272 = vector.extract_strided_slice %get3A_266 {offsets = [1], sizes = [1], strides = [1]} : vector<16xi32> to vector<1xi32>
    %squeeze3A_273 = vector.extract %slice3A_272[0] : i32 from vector<1xi32>
    %jit3A_274 = arith.constant 0 : i32
    %select_n3A_275 = arith.select %lt3A_271, %squeeze3A_273, %jit3A_274 : i32
    %add3A_276 = arith.addi %add3A_261, %select_n3A_275 : i32
    %sub3A = arith.constant 1024 : i32
    %sub3A_277 = arith.subi %sub3A, %add3A_269 : i32
    %sub3A_278 = arith.subi %sub3A_277, %add3A_276 : i32
    %jit3A_279 = arith.constant 0 : i32
    %max3A = arith.maxsi %jit3A_279, %sub3A_278 : i32
    %min3A = arith.minsi %scan3A_24#1, %max3A : i32
    %get3A_280 = arith.constant 0 : i32
    %get3A_281 = arith.index_cast %get3A_280 : i32 to index
    %get3A_282 = arith.constant 0 : index
    %get3A_283 = tpu.vector_load %arg8[%get3A_281, %get3A_282] {strides = array<i32>} : memref<16x16xi32, #tpu.memory_space<vmem>>, vector<1x16xi32>,
    %get3A_284 = vector.shape_cast %get3A_283 : vector<1x16xi32> to vector<16xi32>
    %slice3A_285 = vector.extract_strided_slice %get3A_284 {offsets = [0], sizes = [1], strides = [1]} : vector<16xi32> to vector<1xi32>
    %squeeze3A_286 = vector.extract %slice3A_285[0] : i32 from vector<1xi32>
    %sub3A_287 = arith.constant 0 : i32
    %sub3A_288 = arith.subi %sub3A_277, %sub3A_287 : i32
    %slice3A_289 = vector.extract_strided_slice %get3A_284 {offsets = [1], sizes = [1], strides = [1]} : vector<16xi32> to vector<1xi32>
    %squeeze3A_290 = vector.extract %slice3A_289[0] : i32 from vector<1xi32>
    %jit3A_291 = arith.constant 0 : i32
    %max3A_292 = arith.maxsi %jit3A_291, %sub3A_288 : i32
    %min3A_293 = arith.minsi %squeeze3A_290, %max3A_292 : i32
    %add3A_294 = arith.addi %squeeze3A_286, %min3A_293 : i32
    %add3A_295 = arith.constant 7 : i32
    %add3A_296 = arith.addi %add3A_294, %add3A_295 : i32
    %shift_right_arithmetic3A = arith.constant 3 : i32
    %shift_right_arithmetic3A_297 = arith.shrsi %add3A_296, %shift_right_arithmetic3A : i32
    %shift_left3A = arith.constant 3 : i32
    %shift_left3A_298 = arith.shli %shift_right_arithmetic3A_297, %shift_left3A : i32
    %lt3A_299 = arith.constant 0 : i32
    %lt3A_300 = arith.cmpi slt, %lt3A_299, %arg1 : i32
    %jit3A_301 = arith.constant 0 : i32
    %select_n3A_302 = arith.select %lt3A_300, %shift_left3A_298, %jit3A_301 : i32
    %add3A_303 = arith.constant 0 : i32
    %add3A_304 = arith.addi %add3A_303, %select_n3A_302 : i32
    %slice3A_305 = vector.extract_strided_slice %get3A_284 {offsets = [1], sizes = [1], strides = [1]} : vector<16xi32> to vector<1xi32>
    %squeeze3A_306 = vector.extract %slice3A_305[0] : i32 from vector<1xi32>
    %add3A_307 = arith.constant 0 : i32
    %add3A_308 = arith.addi %add3A_307, %squeeze3A_306 : i32
    %get3A_309 = arith.constant 1 : i32
    %get3A_310 = arith.index_cast %get3A_309 : i32 to index
    %get3A_311 = arith.constant 0 : index
    %get3A_312 = tpu.vector_load %arg8[%get3A_310, %get3A_311] {strides = array<i32>} : memref<16x16xi32, #tpu.memory_space<vmem>>, vector<1x16xi32>,
    %get3A_313 = vector.shape_cast %get3A_312 : vector<1x16xi32> to vector<16xi32>
    %slice3A_314 = vector.extract_strided_slice %get3A_313 {offsets = [0], sizes = [1], strides = [1]} : vector<16xi32> to vector<1xi32>
    %squeeze3A_315 = vector.extract %slice3A_314[0] : i32 from vector<1xi32>
    %sub3A_316 = arith.subi %sub3A_277, %add3A_308 : i32
    %slice3A_317 = vector.extract_strided_slice %get3A_313 {offsets = [1], sizes = [1], strides = [1]} : vector<16xi32> to vector<1xi32>
    %squeeze3A_318 = vector.extract %slice3A_317[0] : i32 from vector<1xi32>
    %jit3A_319 = arith.constant 0 : i32
    %max3A_320 = arith.maxsi %jit3A_319, %sub3A_316 : i32
    %min3A_321 = arith.minsi %squeeze3A_318, %max3A_320 : i32
    %add3A_322 = arith.addi %squeeze3A_315, %min3A_321 : i32
    %add3A_323 = arith.constant 7 : i32
    %add3A_324 = arith.addi %add3A_322, %add3A_323 : i32
    %shift_right_arithmetic3A_325 = arith.constant 3 : i32
    %shift_right_arithmetic3A_326 = arith.shrsi %add3A_324, %shift_right_arithmetic3A_325 : i32
    %shift_left3A_327 = arith.constant 3 : i32
    %shift_left3A_328 = arith.shli %shift_right_arithmetic3A_326, %shift_left3A_327 : i32
    %lt3A_329 = arith.constant 1 : i32
    %lt3A_330 = arith.cmpi slt, %lt3A_329, %arg1 : i32
    %jit3A_331 = arith.constant 0 : i32
    %select_n3A_332 = arith.select %lt3A_330, %shift_left3A_328, %jit3A_331 : i32
    %add3A_333 = arith.addi %add3A_304, %select_n3A_332 : i32
    %slice3A_334 = vector.extract_strided_slice %get3A_313 {offsets = [1], sizes = [1], strides = [1]} : vector<16xi32> to vector<1xi32>
    %squeeze3A_335 = vector.extract %slice3A_334[0] : i32 from vector<1xi32>
    %add3A_336 = arith.addi %add3A_308, %squeeze3A_335 : i32
    %get3A_337 = arith.constant 2 : i32
    %get3A_338 = arith.index_cast %get3A_337 : i32 to index
    %get3A_339 = arith.constant 0 : index
    %get3A_340 = tpu.vector_load %arg8[%get3A_338, %get3A_339] {strides = array<i32>} : memref<16x16xi32, #tpu.memory_space<vmem>>, vector<1x16xi32>,
    %get3A_341 = vector.shape_cast %get3A_340 : vector<1x16xi32> to vector<16xi32>
    %slice3A_342 = vector.extract_strided_slice %get3A_341 {offsets = [0], sizes = [1], strides = [1]} : vector<16xi32> to vector<1xi32>
    %squeeze3A_343 = vector.extract %slice3A_342[0] : i32 from vector<1xi32>
    %sub3A_344 = arith.subi %sub3A_277, %add3A_336 : i32
    %slice3A_345 = vector.extract_strided_slice %get3A_341 {offsets = [1], sizes = [1], strides = [1]} : vector<16xi32> to vector<1xi32>
    %squeeze3A_346 = vector.extract %slice3A_345[0] : i32 from vector<1xi32>
    %jit3A_347 = arith.constant 0 : i32
    %max3A_348 = arith.maxsi %jit3A_347, %sub3A_344 : i32
    %min3A_349 = arith.minsi %squeeze3A_346, %max3A_348 : i32
    %add3A_350 = arith.addi %squeeze3A_343, %min3A_349 : i32
    %add3A_351 = arith.constant 7 : i32
    %add3A_352 = arith.addi %add3A_350, %add3A_351 : i32
    %shift_right_arithmetic3A_353 = arith.constant 3 : i32
    %shift_right_arithmetic3A_354 = arith.shrsi %add3A_352, %shift_right_arithmetic3A_353 : i32
    %shift_left3A_355 = arith.constant 3 : i32
    %shift_left3A_356 = arith.shli %shift_right_arithmetic3A_354, %shift_left3A_355 : i32
    %lt3A_357 = arith.constant 2 : i32
    %lt3A_358 = arith.cmpi slt, %lt3A_357, %arg1 : i32
    %jit3A_359 = arith.constant 0 : i32
    %select_n3A_360 = arith.select %lt3A_358, %shift_left3A_356, %jit3A_359 : i32
    %add3A_361 = arith.addi %add3A_333, %select_n3A_360 : i32
    %slice3A_362 = vector.extract_strided_slice %get3A_341 {offsets = [1], sizes = [1], strides = [1]} : vector<16xi32> to vector<1xi32>
    %squeeze3A_363 = vector.extract %slice3A_362[0] : i32 from vector<1xi32>
    %add3A_364 = arith.addi %add3A_336, %squeeze3A_363 : i32
    %get3A_365 = arith.constant 3 : i32
    %get3A_366 = arith.index_cast %get3A_365 : i32 to index
    %get3A_367 = arith.constant 0 : index
    %get3A_368 = tpu.vector_load %arg8[%get3A_366, %get3A_367] {strides = array<i32>} : memref<16x16xi32, #tpu.memory_space<vmem>>, vector<1x16xi32>,
    %get3A_369 = vector.shape_cast %get3A_368 : vector<1x16xi32> to vector<16xi32>
    %slice3A_370 = vector.extract_strided_slice %get3A_369 {offsets = [0], sizes = [1], strides = [1]} : vector<16xi32> to vector<1xi32>
    %squeeze3A_371 = vector.extract %slice3A_370[0] : i32 from vector<1xi32>
    %sub3A_372 = arith.subi %sub3A_277, %add3A_364 : i32
    %slice3A_373 = vector.extract_strided_slice %get3A_369 {offsets = [1], sizes = [1], strides = [1]} : vector<16xi32> to vector<1xi32>
    %squeeze3A_374 = vector.extract %slice3A_373[0] : i32 from vector<1xi32>
    %jit3A_375 = arith.constant 0 : i32
    %max3A_376 = arith.maxsi %jit3A_375, %sub3A_372 : i32
    %min3A_377 = arith.minsi %squeeze3A_374, %max3A_376 : i32
    %add3A_378 = arith.addi %squeeze3A_371, %min3A_377 : i32
    %add3A_379 = arith.constant 7 : i32
    %add3A_380 = arith.addi %add3A_378, %add3A_379 : i32
    %shift_right_arithmetic3A_381 = arith.constant 3 : i32
    %shift_right_arithmetic3A_382 = arith.shrsi %add3A_380, %shift_right_arithmetic3A_381 : i32
    %shift_left3A_383 = arith.constant 3 : i32
    %shift_left3A_384 = arith.shli %shift_right_arithmetic3A_382, %shift_left3A_383 : i32
    %lt3A_385 = arith.constant 3 : i32
    %lt3A_386 = arith.cmpi slt, %lt3A_385, %arg1 : i32
    %jit3A_387 = arith.constant 0 : i32
    %select_n3A_388 = arith.select %lt3A_386, %shift_left3A_384, %jit3A_387 : i32
    %add3A_389 = arith.addi %add3A_361, %select_n3A_388 : i32
    %slice3A_390 = vector.extract_strided_slice %get3A_369 {offsets = [1], sizes = [1], strides = [1]} : vector<16xi32> to vector<1xi32>
    %squeeze3A_391 = vector.extract %slice3A_390[0] : i32 from vector<1xi32>
    %add3A_392 = arith.addi %add3A_364, %squeeze3A_391 : i32
    %get3A_393 = arith.constant 4 : i32
    %get3A_394 = arith.index_cast %get3A_393 : i32 to index
    %get3A_395 = arith.constant 0 : index
    %get3A_396 = tpu.vector_load %arg8[%get3A_394, %get3A_395] {strides = array<i32>} : memref<16x16xi32, #tpu.memory_space<vmem>>, vector<1x16xi32>,
    %get3A_397 = vector.shape_cast %get3A_396 : vector<1x16xi32> to vector<16xi32>
    %slice3A_398 = vector.extract_strided_slice %get3A_397 {offsets = [0], sizes = [1], strides = [1]} : vector<16xi32> to vector<1xi32>
    %squeeze3A_399 = vector.extract %slice3A_398[0] : i32 from vector<1xi32>
    %sub3A_400 = arith.subi %sub3A_277, %add3A_392 : i32
    %slice3A_401 = vector.extract_strided_slice %get3A_397 {offsets = [1], sizes = [1], strides = [1]} : vector<16xi32> to vector<1xi32>
    %squeeze3A_402 = vector.extract %slice3A_401[0] : i32 from vector<1xi32>
    %jit3A_403 = arith.constant 0 : i32
    %max3A_404 = arith.maxsi %jit3A_403, %sub3A_400 : i32
    %min3A_405 = arith.minsi %squeeze3A_402, %max3A_404 : i32
    %add3A_406 = arith.addi %squeeze3A_399, %min3A_405 : i32
    %add3A_407 = arith.constant 7 : i32
    %add3A_408 = arith.addi %add3A_406, %add3A_407 : i32
    %shift_right_arithmetic3A_409 = arith.constant 3 : i32
    %shift_right_arithmetic3A_410 = arith.shrsi %add3A_408, %shift_right_arithmetic3A_409 : i32
    %shift_left3A_411 = arith.constant 3 : i32
    %shift_left3A_412 = arith.shli %shift_right_arithmetic3A_410, %shift_left3A_411 : i32
    %lt3A_413 = arith.constant 4 : i32
    %lt3A_414 = arith.cmpi slt, %lt3A_413, %arg1 : i32
    %jit3A_415 = arith.constant 0 : i32
    %select_n3A_416 = arith.select %lt3A_414, %shift_left3A_412, %jit3A_415 : i32
    %add3A_417 = arith.addi %add3A_389, %select_n3A_416 : i32
    %slice3A_418 = vector.extract_strided_slice %get3A_397 {offsets = [1], sizes = [1], strides = [1]} : vector<16xi32> to vector<1xi32>
    %squeeze3A_419 = vector.extract %slice3A_418[0] : i32 from vector<1xi32>
    %add3A_420 = arith.addi %add3A_392, %squeeze3A_419 : i32
    %get3A_421 = arith.constant 5 : i32
    %get3A_422 = arith.index_cast %get3A_421 : i32 to index
    %get3A_423 = arith.constant 0 : index
    %get3A_424 = tpu.vector_load %arg8[%get3A_422, %get3A_423] {strides = array<i32>} : memref<16x16xi32, #tpu.memory_space<vmem>>, vector<1x16xi32>,
    %get3A_425 = vector.shape_cast %get3A_424 : vector<1x16xi32> to vector<16xi32>
    %slice3A_426 = vector.extract_strided_slice %get3A_425 {offsets = [0], sizes = [1], strides = [1]} : vector<16xi32> to vector<1xi32>
    %squeeze3A_427 = vector.extract %slice3A_426[0] : i32 from vector<1xi32>
    %sub3A_428 = arith.subi %sub3A_277, %add3A_420 : i32
    %slice3A_429 = vector.extract_strided_slice %get3A_425 {offsets = [1], sizes = [1], strides = [1]} : vector<16xi32> to vector<1xi32>
    %squeeze3A_430 = vector.extract %slice3A_429[0] : i32 from vector<1xi32>
    %jit3A_431 = arith.constant 0 : i32
    %max3A_432 = arith.maxsi %jit3A_431, %sub3A_428 : i32
    %min3A_433 = arith.minsi %squeeze3A_430, %max3A_432 : i32
    %add3A_434 = arith.addi %squeeze3A_427, %min3A_433 : i32
    %add3A_435 = arith.constant 7 : i32
    %add3A_436 = arith.addi %add3A_434, %add3A_435 : i32
    %shift_right_arithmetic3A_437 = arith.constant 3 : i32
    %shift_right_arithmetic3A_438 = arith.shrsi %add3A_436, %shift_right_arithmetic3A_437 : i32
    %shift_left3A_439 = arith.constant 3 : i32
    %shift_left3A_440 = arith.shli %shift_right_arithmetic3A_438, %shift_left3A_439 : i32
    %lt3A_441 = arith.constant 5 : i32
    %lt3A_442 = arith.cmpi slt, %lt3A_441, %arg1 : i32
    %jit3A_443 = arith.constant 0 : i32
    %select_n3A_444 = arith.select %lt3A_442, %shift_left3A_440, %jit3A_443 : i32
    %add3A_445 = arith.addi %add3A_417, %select_n3A_444 : i32
    %slice3A_446 = vector.extract_strided_slice %get3A_425 {offsets = [1], sizes = [1], strides = [1]} : vector<16xi32> to vector<1xi32>
    %squeeze3A_447 = vector.extract %slice3A_446[0] : i32 from vector<1xi32>
    %add3A_448 = arith.addi %add3A_420, %squeeze3A_447 : i32
    %get3A_449 = arith.constant 6 : i32
    %get3A_450 = arith.index_cast %get3A_449 : i32 to index
    %get3A_451 = arith.constant 0 : index
    %get3A_452 = tpu.vector_load %arg8[%get3A_450, %get3A_451] {strides = array<i32>} : memref<16x16xi32, #tpu.memory_space<vmem>>, vector<1x16xi32>,
    %get3A_453 = vector.shape_cast %get3A_452 : vector<1x16xi32> to vector<16xi32>
    %slice3A_454 = vector.extract_strided_slice %get3A_453 {offsets = [0], sizes = [1], strides = [1]} : vector<16xi32> to vector<1xi32>
    %squeeze3A_455 = vector.extract %slice3A_454[0] : i32 from vector<1xi32>
    %sub3A_456 = arith.subi %sub3A_277, %add3A_448 : i32
    %slice3A_457 = vector.extract_strided_slice %get3A_453 {offsets = [1], sizes = [1], strides = [1]} : vector<16xi32> to vector<1xi32>
    %squeeze3A_458 = vector.extract %slice3A_457[0] : i32 from vector<1xi32>
    %jit3A_459 = arith.constant 0 : i32
    %max3A_460 = arith.maxsi %jit3A_459, %sub3A_456 : i32
    %min3A_461 = arith.minsi %squeeze3A_458, %max3A_460 : i32
    %add3A_462 = arith.addi %squeeze3A_455, %min3A_461 : i32
    %add3A_463 = arith.constant 7 : i32
    %add3A_464 = arith.addi %add3A_462, %add3A_463 : i32
    %shift_right_arithmetic3A_465 = arith.constant 3 : i32
    %shift_right_arithmetic3A_466 = arith.shrsi %add3A_464, %shift_right_arithmetic3A_465 : i32
    %shift_left3A_467 = arith.constant 3 : i32
    %shift_left3A_468 = arith.shli %shift_right_arithmetic3A_466, %shift_left3A_467 : i32
    %lt3A_469 = arith.constant 6 : i32
    %lt3A_470 = arith.cmpi slt, %lt3A_469, %arg1 : i32
    %jit3A_471 = arith.constant 0 : i32
    %select_n3A_472 = arith.select %lt3A_470, %shift_left3A_468, %jit3A_471 : i32
    %add3A_473 = arith.addi %add3A_445, %select_n3A_472 : i32
    %slice3A_474 = vector.extract_strided_slice %get3A_453 {offsets = [1], sizes = [1], strides = [1]} : vector<16xi32> to vector<1xi32>
    %squeeze3A_475 = vector.extract %slice3A_474[0] : i32 from vector<1xi32>
    %add3A_476 = arith.addi %add3A_448, %squeeze3A_475 : i32
    %get3A_477 = arith.constant 7 : i32
    %get3A_478 = arith.index_cast %get3A_477 : i32 to index
    %get3A_479 = arith.constant 0 : index
    %get3A_480 = tpu.vector_load %arg8[%get3A_478, %get3A_479] {strides = array<i32>} : memref<16x16xi32, #tpu.memory_space<vmem>>, vector<1x16xi32>,
    %get3A_481 = vector.shape_cast %get3A_480 : vector<1x16xi32> to vector<16xi32>
    %slice3A_482 = vector.extract_strided_slice %get3A_481 {offsets = [0], sizes = [1], strides = [1]} : vector<16xi32> to vector<1xi32>
    %squeeze3A_483 = vector.extract %slice3A_482[0] : i32 from vector<1xi32>
    %sub3A_484 = arith.subi %sub3A_277, %add3A_476 : i32
    %slice3A_485 = vector.extract_strided_slice %get3A_481 {offsets = [1], sizes = [1], strides = [1]} : vector<16xi32> to vector<1xi32>
    %squeeze3A_486 = vector.extract %slice3A_485[0] : i32 from vector<1xi32>
    %jit3A_487 = arith.constant 0 : i32
    %max3A_488 = arith.maxsi %jit3A_487, %sub3A_484 : i32
    %min3A_489 = arith.minsi %squeeze3A_486, %max3A_488 : i32
    %add3A_490 = arith.addi %squeeze3A_483, %min3A_489 : i32
    %add3A_491 = arith.constant 7 : i32
    %add3A_492 = arith.addi %add3A_490, %add3A_491 : i32
    %shift_right_arithmetic3A_493 = arith.constant 3 : i32
    %shift_right_arithmetic3A_494 = arith.shrsi %add3A_492, %shift_right_arithmetic3A_493 : i32
    %shift_left3A_495 = arith.constant 3 : i32
    %shift_left3A_496 = arith.shli %shift_right_arithmetic3A_494, %shift_left3A_495 : i32
    %lt3A_497 = arith.constant 7 : i32
    %lt3A_498 = arith.cmpi slt, %lt3A_497, %arg1 : i32
    %jit3A_499 = arith.constant 0 : i32
    %select_n3A_500 = arith.select %lt3A_498, %shift_left3A_496, %jit3A_499 : i32
    %add3A_501 = arith.addi %add3A_473, %select_n3A_500 : i32
    %slice3A_502 = vector.extract_strided_slice %get3A_481 {offsets = [1], sizes = [1], strides = [1]} : vector<16xi32> to vector<1xi32>
    %squeeze3A_503 = vector.extract %slice3A_502[0] : i32 from vector<1xi32>
    %add3A_504 = arith.addi %add3A_476, %squeeze3A_503 : i32
    %get3A_505 = arith.constant 8 : i32
    %get3A_506 = arith.index_cast %get3A_505 : i32 to index
    %get3A_507 = arith.constant 0 : index
    %get3A_508 = tpu.vector_load %arg8[%get3A_506, %get3A_507] {strides = array<i32>} : memref<16x16xi32, #tpu.memory_space<vmem>>, vector<1x16xi32>,
    %get3A_509 = vector.shape_cast %get3A_508 : vector<1x16xi32> to vector<16xi32>
    %slice3A_510 = vector.extract_strided_slice %get3A_509 {offsets = [0], sizes = [1], strides = [1]} : vector<16xi32> to vector<1xi32>
    %squeeze3A_511 = vector.extract %slice3A_510[0] : i32 from vector<1xi32>
    %sub3A_512 = arith.subi %sub3A_277, %add3A_504 : i32
    %slice3A_513 = vector.extract_strided_slice %get3A_509 {offsets = [1], sizes = [1], strides = [1]} : vector<16xi32> to vector<1xi32>
    %squeeze3A_514 = vector.extract %slice3A_513[0] : i32 from vector<1xi32>
    %jit3A_515 = arith.constant 0 : i32
    %max3A_516 = arith.maxsi %jit3A_515, %sub3A_512 : i32
    %min3A_517 = arith.minsi %squeeze3A_514, %max3A_516 : i32
    %add3A_518 = arith.addi %squeeze3A_511, %min3A_517 : i32
    %add3A_519 = arith.constant 7 : i32
    %add3A_520 = arith.addi %add3A_518, %add3A_519 : i32
    %shift_right_arithmetic3A_521 = arith.constant 3 : i32
    %shift_right_arithmetic3A_522 = arith.shrsi %add3A_520, %shift_right_arithmetic3A_521 : i32
    %shift_left3A_523 = arith.constant 3 : i32
    %shift_left3A_524 = arith.shli %shift_right_arithmetic3A_522, %shift_left3A_523 : i32
    %lt3A_525 = arith.constant 8 : i32
    %lt3A_526 = arith.cmpi slt, %lt3A_525, %arg1 : i32
    %jit3A_527 = arith.constant 0 : i32
    %select_n3A_528 = arith.select %lt3A_526, %shift_left3A_524, %jit3A_527 : i32
    %add3A_529 = arith.addi %add3A_501, %select_n3A_528 : i32
    %slice3A_530 = vector.extract_strided_slice %get3A_509 {offsets = [1], sizes = [1], strides = [1]} : vector<16xi32> to vector<1xi32>
    %squeeze3A_531 = vector.extract %slice3A_530[0] : i32 from vector<1xi32>
    %add3A_532 = arith.addi %add3A_504, %squeeze3A_531 : i32
    %get3A_533 = arith.constant 9 : i32
    %get3A_534 = arith.index_cast %get3A_533 : i32 to index
    %get3A_535 = arith.constant 0 : index
    %get3A_536 = tpu.vector_load %arg8[%get3A_534, %get3A_535] {strides = array<i32>} : memref<16x16xi32, #tpu.memory_space<vmem>>, vector<1x16xi32>,
    %get3A_537 = vector.shape_cast %get3A_536 : vector<1x16xi32> to vector<16xi32>
    %slice3A_538 = vector.extract_strided_slice %get3A_537 {offsets = [0], sizes = [1], strides = [1]} : vector<16xi32> to vector<1xi32>
    %squeeze3A_539 = vector.extract %slice3A_538[0] : i32 from vector<1xi32>
    %sub3A_540 = arith.subi %sub3A_277, %add3A_532 : i32
    %slice3A_541 = vector.extract_strided_slice %get3A_537 {offsets = [1], sizes = [1], strides = [1]} : vector<16xi32> to vector<1xi32>
    %squeeze3A_542 = vector.extract %slice3A_541[0] : i32 from vector<1xi32>
    %jit3A_543 = arith.constant 0 : i32
    %max3A_544 = arith.maxsi %jit3A_543, %sub3A_540 : i32
    %min3A_545 = arith.minsi %squeeze3A_542, %max3A_544 : i32
    %add3A_546 = arith.addi %squeeze3A_539, %min3A_545 : i32
    %add3A_547 = arith.constant 7 : i32
    %add3A_548 = arith.addi %add3A_546, %add3A_547 : i32
    %shift_right_arithmetic3A_549 = arith.constant 3 : i32
    %shift_right_arithmetic3A_550 = arith.shrsi %add3A_548, %shift_right_arithmetic3A_549 : i32
    %shift_left3A_551 = arith.constant 3 : i32
    %shift_left3A_552 = arith.shli %shift_right_arithmetic3A_550, %shift_left3A_551 : i32
    %lt3A_553 = arith.constant 9 : i32
    %lt3A_554 = arith.cmpi slt, %lt3A_553, %arg1 : i32
    %jit3A_555 = arith.constant 0 : i32
    %select_n3A_556 = arith.select %lt3A_554, %shift_left3A_552, %jit3A_555 : i32
    %add3A_557 = arith.addi %add3A_529, %select_n3A_556 : i32
    %slice3A_558 = vector.extract_strided_slice %get3A_537 {offsets = [1], sizes = [1], strides = [1]} : vector<16xi32> to vector<1xi32>
    %squeeze3A_559 = vector.extract %slice3A_558[0] : i32 from vector<1xi32>
    %add3A_560 = arith.addi %add3A_532, %squeeze3A_559 : i32
    %get3A_561 = arith.constant 10 : i32
    %get3A_562 = arith.index_cast %get3A_561 : i32 to index
    %get3A_563 = arith.constant 0 : index
    %get3A_564 = tpu.vector_load %arg8[%get3A_562, %get3A_563] {strides = array<i32>} : memref<16x16xi32, #tpu.memory_space<vmem>>, vector<1x16xi32>,
    %get3A_565 = vector.shape_cast %get3A_564 : vector<1x16xi32> to vector<16xi32>
    %slice3A_566 = vector.extract_strided_slice %get3A_565 {offsets = [0], sizes = [1], strides = [1]} : vector<16xi32> to vector<1xi32>
    %squeeze3A_567 = vector.extract %slice3A_566[0] : i32 from vector<1xi32>
    %sub3A_568 = arith.subi %sub3A_277, %add3A_560 : i32
    %slice3A_569 = vector.extract_strided_slice %get3A_565 {offsets = [1], sizes = [1], strides = [1]} : vector<16xi32> to vector<1xi32>
    %squeeze3A_570 = vector.extract %slice3A_569[0] : i32 from vector<1xi32>
    %jit3A_571 = arith.constant 0 : i32
    %max3A_572 = arith.maxsi %jit3A_571, %sub3A_568 : i32
    %min3A_573 = arith.minsi %squeeze3A_570, %max3A_572 : i32
    %add3A_574 = arith.addi %squeeze3A_567, %min3A_573 : i32
    %add3A_575 = arith.constant 7 : i32
    %add3A_576 = arith.addi %add3A_574, %add3A_575 : i32
    %shift_right_arithmetic3A_577 = arith.constant 3 : i32
    %shift_right_arithmetic3A_578 = arith.shrsi %add3A_576, %shift_right_arithmetic3A_577 : i32
    %shift_left3A_579 = arith.constant 3 : i32
    %shift_left3A_580 = arith.shli %shift_right_arithmetic3A_578, %shift_left3A_579 : i32
    %lt3A_581 = arith.constant 10 : i32
    %lt3A_582 = arith.cmpi slt, %lt3A_581, %arg1 : i32
    %jit3A_583 = arith.constant 0 : i32
    %select_n3A_584 = arith.select %lt3A_582, %shift_left3A_580, %jit3A_583 : i32
    %add3A_585 = arith.addi %add3A_557, %select_n3A_584 : i32
    %slice3A_586 = vector.extract_strided_slice %get3A_565 {offsets = [1], sizes = [1], strides = [1]} : vector<16xi32> to vector<1xi32>
    %squeeze3A_587 = vector.extract %slice3A_586[0] : i32 from vector<1xi32>
    %add3A_588 = arith.addi %add3A_560, %squeeze3A_587 : i32
    %get3A_589 = arith.constant 11 : i32
    %get3A_590 = arith.index_cast %get3A_589 : i32 to index
    %get3A_591 = arith.constant 0 : index
    %get3A_592 = tpu.vector_load %arg8[%get3A_590, %get3A_591] {strides = array<i32>} : memref<16x16xi32, #tpu.memory_space<vmem>>, vector<1x16xi32>,
    %get3A_593 = vector.shape_cast %get3A_592 : vector<1x16xi32> to vector<16xi32>
    %slice3A_594 = vector.extract_strided_slice %get3A_593 {offsets = [0], sizes = [1], strides = [1]} : vector<16xi32> to vector<1xi32>
    %squeeze3A_595 = vector.extract %slice3A_594[0] : i32 from vector<1xi32>
    %sub3A_596 = arith.subi %sub3A_277, %add3A_588 : i32
    %slice3A_597 = vector.extract_strided_slice %get3A_593 {offsets = [1], sizes = [1], strides = [1]} : vector<16xi32> to vector<1xi32>
    %squeeze3A_598 = vector.extract %slice3A_597[0] : i32 from vector<1xi32>
    %jit3A_599 = arith.constant 0 : i32
    %max3A_600 = arith.maxsi %jit3A_599, %sub3A_596 : i32
    %min3A_601 = arith.minsi %squeeze3A_598, %max3A_600 : i32
    %add3A_602 = arith.addi %squeeze3A_595, %min3A_601 : i32
    %add3A_603 = arith.constant 7 : i32
    %add3A_604 = arith.addi %add3A_602, %add3A_603 : i32
    %shift_right_arithmetic3A_605 = arith.constant 3 : i32
    %shift_right_arithmetic3A_606 = arith.shrsi %add3A_604, %shift_right_arithmetic3A_605 : i32
    %shift_left3A_607 = arith.constant 3 : i32
    %shift_left3A_608 = arith.shli %shift_right_arithmetic3A_606, %shift_left3A_607 : i32
    %lt3A_609 = arith.constant 11 : i32
    %lt3A_610 = arith.cmpi slt, %lt3A_609, %arg1 : i32
    %jit3A_611 = arith.constant 0 : i32
    %select_n3A_612 = arith.select %lt3A_610, %shift_left3A_608, %jit3A_611 : i32
    %add3A_613 = arith.addi %add3A_585, %select_n3A_612 : i32
    %slice3A_614 = vector.extract_strided_slice %get3A_593 {offsets = [1], sizes = [1], strides = [1]} : vector<16xi32> to vector<1xi32>
    %squeeze3A_615 = vector.extract %slice3A_614[0] : i32 from vector<1xi32>
    %add3A_616 = arith.addi %add3A_588, %squeeze3A_615 : i32
    %get3A_617 = arith.constant 12 : i32
    %get3A_618 = arith.index_cast %get3A_617 : i32 to index
    %get3A_619 = arith.constant 0 : index
    %get3A_620 = tpu.vector_load %arg8[%get3A_618, %get3A_619] {strides = array<i32>} : memref<16x16xi32, #tpu.memory_space<vmem>>, vector<1x16xi32>,
    %get3A_621 = vector.shape_cast %get3A_620 : vector<1x16xi32> to vector<16xi32>
    %slice3A_622 = vector.extract_strided_slice %get3A_621 {offsets = [0], sizes = [1], strides = [1]} : vector<16xi32> to vector<1xi32>
    %squeeze3A_623 = vector.extract %slice3A_622[0] : i32 from vector<1xi32>
    %sub3A_624 = arith.subi %sub3A_277, %add3A_616 : i32
    %slice3A_625 = vector.extract_strided_slice %get3A_621 {offsets = [1], sizes = [1], strides = [1]} : vector<16xi32> to vector<1xi32>
    %squeeze3A_626 = vector.extract %slice3A_625[0] : i32 from vector<1xi32>
    %jit3A_627 = arith.constant 0 : i32
    %max3A_628 = arith.maxsi %jit3A_627, %sub3A_624 : i32
    %min3A_629 = arith.minsi %squeeze3A_626, %max3A_628 : i32
    %add3A_630 = arith.addi %squeeze3A_623, %min3A_629 : i32
    %add3A_631 = arith.constant 7 : i32
    %add3A_632 = arith.addi %add3A_630, %add3A_631 : i32
    %shift_right_arithmetic3A_633 = arith.constant 3 : i32
    %shift_right_arithmetic3A_634 = arith.shrsi %add3A_632, %shift_right_arithmetic3A_633 : i32
    %shift_left3A_635 = arith.constant 3 : i32
    %shift_left3A_636 = arith.shli %shift_right_arithmetic3A_634, %shift_left3A_635 : i32
    %lt3A_637 = arith.constant 12 : i32
    %lt3A_638 = arith.cmpi slt, %lt3A_637, %arg1 : i32
    %jit3A_639 = arith.constant 0 : i32
    %select_n3A_640 = arith.select %lt3A_638, %shift_left3A_636, %jit3A_639 : i32
    %add3A_641 = arith.addi %add3A_613, %select_n3A_640 : i32
    %slice3A_642 = vector.extract_strided_slice %get3A_621 {offsets = [1], sizes = [1], strides = [1]} : vector<16xi32> to vector<1xi32>
    %squeeze3A_643 = vector.extract %slice3A_642[0] : i32 from vector<1xi32>
    %add3A_644 = arith.addi %add3A_616, %squeeze3A_643 : i32
    %get3A_645 = arith.constant 13 : i32
    %get3A_646 = arith.index_cast %get3A_645 : i32 to index
    %get3A_647 = arith.constant 0 : index
    %get3A_648 = tpu.vector_load %arg8[%get3A_646, %get3A_647] {strides = array<i32>} : memref<16x16xi32, #tpu.memory_space<vmem>>, vector<1x16xi32>,
    %get3A_649 = vector.shape_cast %get3A_648 : vector<1x16xi32> to vector<16xi32>
    %slice3A_650 = vector.extract_strided_slice %get3A_649 {offsets = [0], sizes = [1], strides = [1]} : vector<16xi32> to vector<1xi32>
    %squeeze3A_651 = vector.extract %slice3A_650[0] : i32 from vector<1xi32>
    %sub3A_652 = arith.subi %sub3A_277, %add3A_644 : i32
    %slice3A_653 = vector.extract_strided_slice %get3A_649 {offsets = [1], sizes = [1], strides = [1]} : vector<16xi32> to vector<1xi32>
    %squeeze3A_654 = vector.extract %slice3A_653[0] : i32 from vector<1xi32>
    %jit3A_655 = arith.constant 0 : i32
    %max3A_656 = arith.maxsi %jit3A_655, %sub3A_652 : i32
    %min3A_657 = arith.minsi %squeeze3A_654, %max3A_656 : i32
    %add3A_658 = arith.addi %squeeze3A_651, %min3A_657 : i32
    %add3A_659 = arith.constant 7 : i32
    %add3A_660 = arith.addi %add3A_658, %add3A_659 : i32
    %shift_right_arithmetic3A_661 = arith.constant 3 : i32
    %shift_right_arithmetic3A_662 = arith.shrsi %add3A_660, %shift_right_arithmetic3A_661 : i32
    %shift_left3A_663 = arith.constant 3 : i32
    %shift_left3A_664 = arith.shli %shift_right_arithmetic3A_662, %shift_left3A_663 : i32
    %lt3A_665 = arith.constant 13 : i32
    %lt3A_666 = arith.cmpi slt, %lt3A_665, %arg1 : i32
    %jit3A_667 = arith.constant 0 : i32
    %select_n3A_668 = arith.select %lt3A_666, %shift_left3A_664, %jit3A_667 : i32
    %add3A_669 = arith.addi %add3A_641, %select_n3A_668 : i32
    %slice3A_670 = vector.extract_strided_slice %get3A_649 {offsets = [1], sizes = [1], strides = [1]} : vector<16xi32> to vector<1xi32>
    %squeeze3A_671 = vector.extract %slice3A_670[0] : i32 from vector<1xi32>
    %add3A_672 = arith.addi %add3A_644, %squeeze3A_671 : i32
    %get3A_673 = arith.constant 14 : i32
    %get3A_674 = arith.index_cast %get3A_673 : i32 to index
    %get3A_675 = arith.constant 0 : index
    %get3A_676 = tpu.vector_load %arg8[%get3A_674, %get3A_675] {strides = array<i32>} : memref<16x16xi32, #tpu.memory_space<vmem>>, vector<1x16xi32>,
    %get3A_677 = vector.shape_cast %get3A_676 : vector<1x16xi32> to vector<16xi32>
    %slice3A_678 = vector.extract_strided_slice %get3A_677 {offsets = [0], sizes = [1], strides = [1]} : vector<16xi32> to vector<1xi32>
    %squeeze3A_679 = vector.extract %slice3A_678[0] : i32 from vector<1xi32>
    %sub3A_680 = arith.subi %sub3A_277, %add3A_672 : i32
    %slice3A_681 = vector.extract_strided_slice %get3A_677 {offsets = [1], sizes = [1], strides = [1]} : vector<16xi32> to vector<1xi32>
    %squeeze3A_682 = vector.extract %slice3A_681[0] : i32 from vector<1xi32>
    %jit3A_683 = arith.constant 0 : i32
    %max3A_684 = arith.maxsi %jit3A_683, %sub3A_680 : i32
    %min3A_685 = arith.minsi %squeeze3A_682, %max3A_684 : i32
    %add3A_686 = arith.addi %squeeze3A_679, %min3A_685 : i32
    %add3A_687 = arith.constant 7 : i32
    %add3A_688 = arith.addi %add3A_686, %add3A_687 : i32
    %shift_right_arithmetic3A_689 = arith.constant 3 : i32
    %shift_right_arithmetic3A_690 = arith.shrsi %add3A_688, %shift_right_arithmetic3A_689 : i32
    %shift_left3A_691 = arith.constant 3 : i32
    %shift_left3A_692 = arith.shli %shift_right_arithmetic3A_690, %shift_left3A_691 : i32
    %lt3A_693 = arith.constant 14 : i32
    %lt3A_694 = arith.cmpi slt, %lt3A_693, %arg1 : i32
    %jit3A_695 = arith.constant 0 : i32
    %select_n3A_696 = arith.select %lt3A_694, %shift_left3A_692, %jit3A_695 : i32
    %add3A_697 = arith.addi %add3A_669, %select_n3A_696 : i32
    %slice3A_698 = vector.extract_strided_slice %get3A_677 {offsets = [1], sizes = [1], strides = [1]} : vector<16xi32> to vector<1xi32>
    %squeeze3A_699 = vector.extract %slice3A_698[0] : i32 from vector<1xi32>
    %add3A_700 = arith.addi %add3A_672, %squeeze3A_699 : i32
    %get3A_701 = arith.constant 15 : i32
    %get3A_702 = arith.index_cast %get3A_701 : i32 to index
    %get3A_703 = arith.constant 0 : index
    %get3A_704 = tpu.vector_load %arg8[%get3A_702, %get3A_703] {strides = array<i32>} : memref<16x16xi32, #tpu.memory_space<vmem>>, vector<1x16xi32>,
    %get3A_705 = vector.shape_cast %get3A_704 : vector<1x16xi32> to vector<16xi32>
    %slice3A_706 = vector.extract_strided_slice %get3A_705 {offsets = [0], sizes = [1], strides = [1]} : vector<16xi32> to vector<1xi32>
    %squeeze3A_707 = vector.extract %slice3A_706[0] : i32 from vector<1xi32>
    %sub3A_708 = arith.subi %sub3A_277, %add3A_700 : i32
    %slice3A_709 = vector.extract_strided_slice %get3A_705 {offsets = [1], sizes = [1], strides = [1]} : vector<16xi32> to vector<1xi32>
    %squeeze3A_710 = vector.extract %slice3A_709[0] : i32 from vector<1xi32>
    %jit3A_711 = arith.constant 0 : i32
    %max3A_712 = arith.maxsi %jit3A_711, %sub3A_708 : i32
    %min3A_713 = arith.minsi %squeeze3A_710, %max3A_712 : i32
    %add3A_714 = arith.addi %squeeze3A_707, %min3A_713 : i32
    %add3A_715 = arith.constant 7 : i32
    %add3A_716 = arith.addi %add3A_714, %add3A_715 : i32
    %shift_right_arithmetic3A_717 = arith.constant 3 : i32
    %shift_right_arithmetic3A_718 = arith.shrsi %add3A_716, %shift_right_arithmetic3A_717 : i32
    %shift_left3A_719 = arith.constant 3 : i32
    %shift_left3A_720 = arith.shli %shift_right_arithmetic3A_718, %shift_left3A_719 : i32
    %lt3A_721 = arith.constant 15 : i32
    %lt3A_722 = arith.cmpi slt, %lt3A_721, %arg1 : i32
    %jit3A_723 = arith.constant 0 : i32
    %select_n3A_724 = arith.select %lt3A_722, %shift_left3A_720, %jit3A_723 : i32
    %add3A_725 = arith.addi %add3A_697, %select_n3A_724 : i32
    %slice3A_726 = vector.extract_strided_slice %get3A_705 {offsets = [1], sizes = [1], strides = [1]} : vector<16xi32> to vector<1xi32>
    %squeeze3A_727 = vector.extract %slice3A_726[0] : i32 from vector<1xi32>
    %add3A_728 = arith.addi %add3A_700, %squeeze3A_727 : i32
    %scan3A_729 = arith.constant 0 : i32
    %scan3A_730 = arith.constant 0 : i32
    %scan3A_731 = arith.constant 0 : i32
    %scan3A_732 = arith.constant 1024 : i32
    %scan3A_733 = arith.addi %scan3A_731, %scan3A_732 : i32
    %scan3A_734 = arith.constant 1 : i32
    %scan3A_735:2 = scf.for %scan3A_836 = %scan3A_731 to %scan3A_733 step %scan3A_734 iter_args(%scan3A_837 = %scan3A_729, %scan3A_838 = %scan3A_730) -> (i32, i32)  : i32 {
      %mul3A_839 = arith.constant 16 : i32
      %mul3A_840 = arith.muli %scan3A_836, %mul3A_839 : i32
      %get3A_841 = arith.index_cast %mul3A_840 : i32 to index
      %get3A_842 = tpu.vector_load %arg4[%get3A_841] {strides = array<i32>} : memref<16384xi32, #tpu.memory_space<vmem>>, vector<16xi32>,
      %get3A_843 = vector.shape_cast %get3A_842 : vector<16xi32> to vector<16xi32>
      %swap3A_844 = arith.constant 0 : index
      %swap3A_845 = tpu.vector_load %arg6[%swap3A_844] {strides = array<i32>} : memref<32xi32, #tpu.memory_space<vmem>>, vector<16xi32>,
      %swap3A_846 = vector.shape_cast %swap3A_845 : vector<16xi32> to vector<16xi32>
      %swap3A_847 = vector.shape_cast %get3A_843 : vector<16xi32> to vector<16xi32>
      tpu.vector_store %arg6[%swap3A_844], %swap3A_847 {strides = array<i32>} : memref<32xi32, #tpu.memory_space<vmem>>, vector<16xi32>,
      %get3A_848 = arith.constant 8 : index
      %get3A_849 = tpu.vector_load %arg6[%get3A_848] {strides = array<i32>} : memref<32xi32, #tpu.memory_space<vmem>>, vector<16xi32>,
      %get3A_850 = vector.shape_cast %get3A_849 : vector<16xi32> to vector<16xi32>
      %min3A_851 = arith.minui %get3A_843, %get3A_850 : vector<16xi32>
      %swap3A_852 = arith.constant 0 : index
      %swap3A_853 = tpu.vector_load %arg6[%swap3A_852] {strides = array<i32>} : memref<32xi32, #tpu.memory_space<vmem>>, vector<16xi32>,
      %swap3A_854 = vector.shape_cast %swap3A_853 : vector<16xi32> to vector<16xi32>
      %swap3A_855 = vector.shape_cast %min3A_851 : vector<16xi32> to vector<16xi32>
      tpu.vector_store %arg6[%swap3A_852], %swap3A_855 {strides = array<i32>} : memref<32xi32, #tpu.memory_space<vmem>>, vector<16xi32>,
      %get3A_856 = arith.constant 4 : index
      %get3A_857 = tpu.vector_load %arg6[%get3A_856] {strides = array<i32>} : memref<32xi32, #tpu.memory_space<vmem>>, vector<16xi32>,
      %get3A_858 = vector.shape_cast %get3A_857 : vector<16xi32> to vector<16xi32>
      %min3A_859 = arith.minui %min3A_851, %get3A_858 : vector<16xi32>
      %swap3A_860 = arith.constant 0 : index
      %swap3A_861 = tpu.vector_load %arg6[%swap3A_860] {strides = array<i32>} : memref<32xi32, #tpu.memory_space<vmem>>, vector<16xi32>,
      %swap3A_862 = vector.shape_cast %swap3A_861 : vector<16xi32> to vector<16xi32>
      %swap3A_863 = vector.shape_cast %min3A_859 : vector<16xi32> to vector<16xi32>
      tpu.vector_store %arg6[%swap3A_860], %swap3A_863 {strides = array<i32>} : memref<32xi32, #tpu.memory_space<vmem>>, vector<16xi32>,
      %get3A_864 = arith.constant 2 : index
      %get3A_865 = tpu.vector_load %arg6[%get3A_864] {strides = array<i32>} : memref<32xi32, #tpu.memory_space<vmem>>, vector<16xi32>,
      %get3A_866 = vector.shape_cast %get3A_865 : vector<16xi32> to vector<16xi32>
      %min3A_867 = arith.minui %min3A_859, %get3A_866 : vector<16xi32>
      %swap3A_868 = arith.constant 0 : index
      %swap3A_869 = tpu.vector_load %arg6[%swap3A_868] {strides = array<i32>} : memref<32xi32, #tpu.memory_space<vmem>>, vector<16xi32>,
      %swap3A_870 = vector.shape_cast %swap3A_869 : vector<16xi32> to vector<16xi32>
      %swap3A_871 = vector.shape_cast %min3A_867 : vector<16xi32> to vector<16xi32>
      tpu.vector_store %arg6[%swap3A_868], %swap3A_871 {strides = array<i32>} : memref<32xi32, #tpu.memory_space<vmem>>, vector<16xi32>,
      %get3A_872 = arith.constant 1 : index
      %get3A_873 = tpu.vector_load %arg6[%get3A_872] {strides = array<i32>} : memref<32xi32, #tpu.memory_space<vmem>>, vector<16xi32>,
      %get3A_874 = vector.shape_cast %get3A_873 : vector<16xi32> to vector<16xi32>
      %min3A_875 = arith.minui %min3A_867, %get3A_874 : vector<16xi32>
      %slice3A_876 = vector.extract_strided_slice %min3A_875 {offsets = [0], sizes = [1], strides = [1]} : vector<16xi32> to vector<1xi32>
      %squeeze3A_877 = vector.extract %slice3A_876[0] : i32 from vector<1xi32>
      %le3A = arith.cmpi ule, %squeeze3A_877, %scan3A_16#0 : i32
      %convert_element_type3A_878 = arith.extui %le3A : i1 to i32
      %cond3A_879 = arith.constant 0 : i32
      %cond3A_880 = arith.cmpi ne, %convert_element_type3A_878, %cond3A_879 : i32
      %cond3A_881:2 = scf.if %cond3A_880 -> (i32, i32) {
        %mul3A_882 = arith.constant 16 : i32
        %mul3A_883 = arith.muli %scan3A_836, %mul3A_882 : i32
        %get3A_884 = arith.index_cast %mul3A_883 : i32 to index
        %get3A_885 = tpu.vector_load %arg4[%get3A_884] {strides = array<i32>} : memref<16384xi32, #tpu.memory_space<vmem>>, vector<16xi32>,
        %get3A_886 = vector.shape_cast %get3A_885 : vector<16xi32> to vector<16xi32>
        %slice3A_887 = vector.extract_strided_slice %get3A_886 {offsets = [0], sizes = [1], strides = [1]} : vector<16xi32> to vector<1xi32>
        %squeeze3A_888 = vector.extract %slice3A_887[0] : i32 from vector<1xi32>
        %eq3A_889 = arith.cmpi eq, %squeeze3A_888, %scan3A_16#0 : i32
        %lt3A_890 = arith.cmpi ult, %squeeze3A_888, %scan3A_16#0 : i32
        %lt3A_891 = arith.cmpi slt, %scan3A_838, %min3A : i32
        %and3A = arith.andi %eq3A_889, %lt3A_891 : i1
        %or3A = arith.ori %lt3A_890, %and3A : i1
        %jit3A_892 = arith.constant 1039 : i32
        %select_n3A_893 = arith.select %or3A, %scan3A_837, %jit3A_892 : i32
        %not3A = arith.constant 15 : i32
        %not3A_894 = arith.constant -1 : i32
        %not3A_895 = arith.xori %not3A, %not3A_894 : i32
        %and3A_896 = arith.andi %select_n3A_893, %not3A_895 : i32
        %and3A_897 = arith.constant 15 : i32
        %and3A_898 = arith.andi %select_n3A_893, %and3A_897 : i32
        %get3A_899 = arith.index_cast %and3A_896 : i32 to index
        %get3A_900 = tpu.vector_load %arg9[%get3A_899] {strides = array<i32>} : memref<1040xi32, #tpu.memory_space<vmem>>, vector<16xi32>,
        %get3A_901 = vector.shape_cast %get3A_900 : vector<16xi32> to vector<16xi32>
        %eq3A_902 = vector.broadcast %and3A_898 : i32 to vector<16xi32>
        %eq3A_903 = arith.cmpi eq, %iota3A, %eq3A_902 : vector<16xi32>
        %mul3A_904 = arith.constant 16 : i32
        %mul3A_905 = arith.muli %scan3A_836, %mul3A_904 : i32
        %add3A_906 = arith.addi %mul3A_0, %mul3A_905 : i32
        %add3A_907 = arith.constant 0 : i32
        %add3A_908 = arith.addi %add3A_906, %add3A_907 : i32
        %broadcast_in_dim3A_909 = vector.broadcast %add3A_908 : i32 to vector<16xi32>
        %select_n3A_910 = arith.select %eq3A_903, %broadcast_in_dim3A_909, %get3A_901 : vector<16xi1>, vector<16xi32>
        %swap3A_911 = arith.index_cast %and3A_896 : i32 to index
        %swap3A_912 = tpu.vector_load %arg9[%swap3A_911] {strides = array<i32>} : memref<1040xi32, #tpu.memory_space<vmem>>, vector<16xi32>,
        %swap3A_913 = vector.shape_cast %swap3A_912 : vector<16xi32> to vector<16xi32>
        %swap3A_914 = vector.shape_cast %select_n3A_910 : vector<16xi32> to vector<16xi32>
        tpu.vector_store %arg9[%swap3A_911], %swap3A_914 {strides = array<i32>} : memref<1040xi32, #tpu.memory_space<vmem>>, vector<16xi32>,
        %jit3A_915 = arith.constant 1 : i32
        %jit3A_916 = arith.constant 0 : i32
        %select_n3A_917 = arith.select %or3A, %jit3A_915, %jit3A_916 : i32
        %add3A_918 = arith.addi %scan3A_837, %select_n3A_917 : i32
        %jit3A_919 = arith.constant 1 : i32
        %jit3A_920 = arith.constant 0 : i32
        %select_n3A_921 = arith.select %eq3A_889, %jit3A_919, %jit3A_920 : i32
        %add3A_922 = arith.addi %scan3A_838, %select_n3A_921 : i32
        %slice3A_923 = vector.extract_strided_slice %get3A_886 {offsets = [1], sizes = [1], strides = [1]} : vector<16xi32> to vector<1xi32>
        %squeeze3A_924 = vector.extract %slice3A_923[0] : i32 from vector<1xi32>
        %eq3A_925 = arith.cmpi eq, %squeeze3A_924, %scan3A_16#0 : i32
        %lt3A_926 = arith.cmpi ult, %squeeze3A_924, %scan3A_16#0 : i32
        %lt3A_927 = arith.cmpi slt, %add3A_922, %min3A : i32
        %and3A_928 = arith.andi %eq3A_925, %lt3A_927 : i1
        %or3A_929 = arith.ori %lt3A_926, %and3A_928 : i1
        %jit3A_930 = arith.constant 1039 : i32
        %select_n3A_931 = arith.select %or3A_929, %add3A_918, %jit3A_930 : i32
        %not3A_932 = arith.constant 15 : i32
        %not3A_933 = arith.constant -1 : i32
        %not3A_934 = arith.xori %not3A_932, %not3A_933 : i32
        %and3A_935 = arith.andi %select_n3A_931, %not3A_934 : i32
        %and3A_936 = arith.constant 15 : i32
        %and3A_937 = arith.andi %select_n3A_931, %and3A_936 : i32
        %get3A_938 = arith.index_cast %and3A_935 : i32 to index
        %get3A_939 = tpu.vector_load %arg9[%get3A_938] {strides = array<i32>} : memref<1040xi32, #tpu.memory_space<vmem>>, vector<16xi32>,
        %get3A_940 = vector.shape_cast %get3A_939 : vector<16xi32> to vector<16xi32>
        %eq3A_941 = vector.broadcast %and3A_937 : i32 to vector<16xi32>
        %eq3A_942 = arith.cmpi eq, %iota3A, %eq3A_941 : vector<16xi32>
        %mul3A_943 = arith.constant 16 : i32
        %mul3A_944 = arith.muli %scan3A_836, %mul3A_943 : i32
        %add3A_945 = arith.addi %mul3A_0, %mul3A_944 : i32
        %add3A_946 = arith.constant 1 : i32
        %add3A_947 = arith.addi %add3A_945, %add3A_946 : i32
        %broadcast_in_dim3A_948 = vector.broadcast %add3A_947 : i32 to vector<16xi32>
        %select_n3A_949 = arith.select %eq3A_942, %broadcast_in_dim3A_948, %get3A_940 : vector<16xi1>, vector<16xi32>
        %swap3A_950 = arith.index_cast %and3A_935 : i32 to index
        %swap3A_951 = tpu.vector_load %arg9[%swap3A_950] {strides = array<i32>} : memref<1040xi32, #tpu.memory_space<vmem>>, vector<16xi32>,
        %swap3A_952 = vector.shape_cast %swap3A_951 : vector<16xi32> to vector<16xi32>
        %swap3A_953 = vector.shape_cast %select_n3A_949 : vector<16xi32> to vector<16xi32>
        tpu.vector_store %arg9[%swap3A_950], %swap3A_953 {strides = array<i32>} : memref<1040xi32, #tpu.memory_space<vmem>>, vector<16xi32>,
        %jit3A_954 = arith.constant 1 : i32
        %jit3A_955 = arith.constant 0 : i32
        %select_n3A_956 = arith.select %or3A_929, %jit3A_954, %jit3A_955 : i32
        %add3A_957 = arith.addi %add3A_918, %select_n3A_956 : i32
        %jit3A_958 = arith.constant 1 : i32
        %jit3A_959 = arith.constant 0 : i32
        %select_n3A_960 = arith.select %eq3A_925, %jit3A_958, %jit3A_959 : i32
        %add3A_961 = arith.addi %add3A_922, %select_n3A_960 : i32
        %slice3A_962 = vector.extract_strided_slice %get3A_886 {offsets = [2], sizes = [1], strides = [1]} : vector<16xi32> to vector<1xi32>
        %squeeze3A_963 = vector.extract %slice3A_962[0] : i32 from vector<1xi32>
        %eq3A_964 = arith.cmpi eq, %squeeze3A_963, %scan3A_16#0 : i32
        %lt3A_965 = arith.cmpi ult, %squeeze3A_963, %scan3A_16#0 : i32
        %lt3A_966 = arith.cmpi slt, %add3A_961, %min3A : i32
        %and3A_967 = arith.andi %eq3A_964, %lt3A_966 : i1
        %or3A_968 = arith.ori %lt3A_965, %and3A_967 : i1
        %jit3A_969 = arith.constant 1039 : i32
        %select_n3A_970 = arith.select %or3A_968, %add3A_957, %jit3A_969 : i32
        %not3A_971 = arith.constant 15 : i32
        %not3A_972 = arith.constant -1 : i32
        %not3A_973 = arith.xori %not3A_971, %not3A_972 : i32
        %and3A_974 = arith.andi %select_n3A_970, %not3A_973 : i32
        %and3A_975 = arith.constant 15 : i32
        %and3A_976 = arith.andi %select_n3A_970, %and3A_975 : i32
        %get3A_977 = arith.index_cast %and3A_974 : i32 to index
        %get3A_978 = tpu.vector_load %arg9[%get3A_977] {strides = array<i32>} : memref<1040xi32, #tpu.memory_space<vmem>>, vector<16xi32>,
        %get3A_979 = vector.shape_cast %get3A_978 : vector<16xi32> to vector<16xi32>
        %eq3A_980 = vector.broadcast %and3A_976 : i32 to vector<16xi32>
        %eq3A_981 = arith.cmpi eq, %iota3A, %eq3A_980 : vector<16xi32>
        %mul3A_982 = arith.constant 16 : i32
        %mul3A_983 = arith.muli %scan3A_836, %mul3A_982 : i32
        %add3A_984 = arith.addi %mul3A_0, %mul3A_983 : i32
        %add3A_985 = arith.constant 2 : i32
        %add3A_986 = arith.addi %add3A_984, %add3A_985 : i32
        %broadcast_in_dim3A_987 = vector.broadcast %add3A_986 : i32 to vector<16xi32>
        %select_n3A_988 = arith.select %eq3A_981, %broadcast_in_dim3A_987, %get3A_979 : vector<16xi1>, vector<16xi32>
        %swap3A_989 = arith.index_cast %and3A_974 : i32 to index
        %swap3A_990 = tpu.vector_load %arg9[%swap3A_989] {strides = array<i32>} : memref<1040xi32, #tpu.memory_space<vmem>>, vector<16xi32>,
        %swap3A_991 = vector.shape_cast %swap3A_990 : vector<16xi32> to vector<16xi32>
        %swap3A_992 = vector.shape_cast %select_n3A_988 : vector<16xi32> to vector<16xi32>
        tpu.vector_store %arg9[%swap3A_989], %swap3A_992 {strides = array<i32>} : memref<1040xi32, #tpu.memory_space<vmem>>, vector<16xi32>,
        %jit3A_993 = arith.constant 1 : i32
        %jit3A_994 = arith.constant 0 : i32
        %select_n3A_995 = arith.select %or3A_968, %jit3A_993, %jit3A_994 : i32
        %add3A_996 = arith.addi %add3A_957, %select_n3A_995 : i32
        %jit3A_997 = arith.constant 1 : i32
        %jit3A_998 = arith.constant 0 : i32
        %select_n3A_999 = arith.select %eq3A_964, %jit3A_997, %jit3A_998 : i32
        %add3A_1000 = arith.addi %add3A_961, %select_n3A_999 : i32
        %slice3A_1001 = vector.extract_strided_slice %get3A_886 {offsets = [3], sizes = [1], strides = [1]} : vector<16xi32> to vector<1xi32>
        %squeeze3A_1002 = vector.extract %slice3A_1001[0] : i32 from vector<1xi32>
        %eq3A_1003 = arith.cmpi eq, %squeeze3A_1002, %scan3A_16#0 : i32
        %lt3A_1004 = arith.cmpi ult, %squeeze3A_1002, %scan3A_16#0 : i32
        %lt3A_1005 = arith.cmpi slt, %add3A_1000, %min3A : i32
        %and3A_1006 = arith.andi %eq3A_1003, %lt3A_1005 : i1
        %or3A_1007 = arith.ori %lt3A_1004, %and3A_1006 : i1
        %jit3A_1008 = arith.constant 1039 : i32
        %select_n3A_1009 = arith.select %or3A_1007, %add3A_996, %jit3A_1008 : i32
        %not3A_1010 = arith.constant 15 : i32
        %not3A_1011 = arith.constant -1 : i32
        %not3A_1012 = arith.xori %not3A_1010, %not3A_1011 : i32
        %and3A_1013 = arith.andi %select_n3A_1009, %not3A_1012 : i32
        %and3A_1014 = arith.constant 15 : i32
        %and3A_1015 = arith.andi %select_n3A_1009, %and3A_1014 : i32
        %get3A_1016 = arith.index_cast %and3A_1013 : i32 to index
        %get3A_1017 = tpu.vector_load %arg9[%get3A_1016] {strides = array<i32>} : memref<1040xi32, #tpu.memory_space<vmem>>, vector<16xi32>,
        %get3A_1018 = vector.shape_cast %get3A_1017 : vector<16xi32> to vector<16xi32>
        %eq3A_1019 = vector.broadcast %and3A_1015 : i32 to vector<16xi32>
        %eq3A_1020 = arith.cmpi eq, %iota3A, %eq3A_1019 : vector<16xi32>
        %mul3A_1021 = arith.constant 16 : i32
        %mul3A_1022 = arith.muli %scan3A_836, %mul3A_1021 : i32
        %add3A_1023 = arith.addi %mul3A_0, %mul3A_1022 : i32
        %add3A_1024 = arith.constant 3 : i32
        %add3A_1025 = arith.addi %add3A_1023, %add3A_1024 : i32
        %broadcast_in_dim3A_1026 = vector.broadcast %add3A_1025 : i32 to vector<16xi32>
        %select_n3A_1027 = arith.select %eq3A_1020, %broadcast_in_dim3A_1026, %get3A_1018 : vector<16xi1>, vector<16xi32>
        %swap3A_1028 = arith.index_cast %and3A_1013 : i32 to index
        %swap3A_1029 = tpu.vector_load %arg9[%swap3A_1028] {strides = array<i32>} : memref<1040xi32, #tpu.memory_space<vmem>>, vector<16xi32>,
        %swap3A_1030 = vector.shape_cast %swap3A_1029 : vector<16xi32> to vector<16xi32>
        %swap3A_1031 = vector.shape_cast %select_n3A_1027 : vector<16xi32> to vector<16xi32>
        tpu.vector_store %arg9[%swap3A_1028], %swap3A_1031 {strides = array<i32>} : memref<1040xi32, #tpu.memory_space<vmem>>, vector<16xi32>,
        %jit3A_1032 = arith.constant 1 : i32
        %jit3A_1033 = arith.constant 0 : i32
        %select_n3A_1034 = arith.select %or3A_1007, %jit3A_1032, %jit3A_1033 : i32
        %add3A_1035 = arith.addi %add3A_996, %select_n3A_1034 : i32
        %jit3A_1036 = arith.constant 1 : i32
        %jit3A_1037 = arith.constant 0 : i32
        %select_n3A_1038 = arith.select %eq3A_1003, %jit3A_1036, %jit3A_1037 : i32
        %add3A_1039 = arith.addi %add3A_1000, %select_n3A_1038 : i32
        %slice3A_1040 = vector.extract_strided_slice %get3A_886 {offsets = [4], sizes = [1], strides = [1]} : vector<16xi32> to vector<1xi32>
        %squeeze3A_1041 = vector.extract %slice3A_1040[0] : i32 from vector<1xi32>
        %eq3A_1042 = arith.cmpi eq, %squeeze3A_1041, %scan3A_16#0 : i32
        %lt3A_1043 = arith.cmpi ult, %squeeze3A_1041, %scan3A_16#0 : i32
        %lt3A_1044 = arith.cmpi slt, %add3A_1039, %min3A : i32
        %and3A_1045 = arith.andi %eq3A_1042, %lt3A_1044 : i1
        %or3A_1046 = arith.ori %lt3A_1043, %and3A_1045 : i1
        %jit3A_1047 = arith.constant 1039 : i32
        %select_n3A_1048 = arith.select %or3A_1046, %add3A_1035, %jit3A_1047 : i32
        %not3A_1049 = arith.constant 15 : i32
        %not3A_1050 = arith.constant -1 : i32
        %not3A_1051 = arith.xori %not3A_1049, %not3A_1050 : i32
        %and3A_1052 = arith.andi %select_n3A_1048, %not3A_1051 : i32
        %and3A_1053 = arith.constant 15 : i32
        %and3A_1054 = arith.andi %select_n3A_1048, %and3A_1053 : i32
        %get3A_1055 = arith.index_cast %and3A_1052 : i32 to index
        %get3A_1056 = tpu.vector_load %arg9[%get3A_1055] {strides = array<i32>} : memref<1040xi32, #tpu.memory_space<vmem>>, vector<16xi32>,
        %get3A_1057 = vector.shape_cast %get3A_1056 : vector<16xi32> to vector<16xi32>
        %eq3A_1058 = vector.broadcast %and3A_1054 : i32 to vector<16xi32>
        %eq3A_1059 = arith.cmpi eq, %iota3A, %eq3A_1058 : vector<16xi32>
        %mul3A_1060 = arith.constant 16 : i32
        %mul3A_1061 = arith.muli %scan3A_836, %mul3A_1060 : i32
        %add3A_1062 = arith.addi %mul3A_0, %mul3A_1061 : i32
        %add3A_1063 = arith.constant 4 : i32
        %add3A_1064 = arith.addi %add3A_1062, %add3A_1063 : i32
        %broadcast_in_dim3A_1065 = vector.broadcast %add3A_1064 : i32 to vector<16xi32>
        %select_n3A_1066 = arith.select %eq3A_1059, %broadcast_in_dim3A_1065, %get3A_1057 : vector<16xi1>, vector<16xi32>
        %swap3A_1067 = arith.index_cast %and3A_1052 : i32 to index
        %swap3A_1068 = tpu.vector_load %arg9[%swap3A_1067] {strides = array<i32>} : memref<1040xi32, #tpu.memory_space<vmem>>, vector<16xi32>,
        %swap3A_1069 = vector.shape_cast %swap3A_1068 : vector<16xi32> to vector<16xi32>
        %swap3A_1070 = vector.shape_cast %select_n3A_1066 : vector<16xi32> to vector<16xi32>
        tpu.vector_store %arg9[%swap3A_1067], %swap3A_1070 {strides = array<i32>} : memref<1040xi32, #tpu.memory_space<vmem>>, vector<16xi32>,
        %jit3A_1071 = arith.constant 1 : i32
        %jit3A_1072 = arith.constant 0 : i32
        %select_n3A_1073 = arith.select %or3A_1046, %jit3A_1071, %jit3A_1072 : i32
        %add3A_1074 = arith.addi %add3A_1035, %select_n3A_1073 : i32
        %jit3A_1075 = arith.constant 1 : i32
        %jit3A_1076 = arith.constant 0 : i32
        %select_n3A_1077 = arith.select %eq3A_1042, %jit3A_1075, %jit3A_1076 : i32
        %add3A_1078 = arith.addi %add3A_1039, %select_n3A_1077 : i32
        %slice3A_1079 = vector.extract_strided_slice %get3A_886 {offsets = [5], sizes = [1], strides = [1]} : vector<16xi32> to vector<1xi32>
        %squeeze3A_1080 = vector.extract %slice3A_1079[0] : i32 from vector<1xi32>
        %eq3A_1081 = arith.cmpi eq, %squeeze3A_1080, %scan3A_16#0 : i32
        %lt3A_1082 = arith.cmpi ult, %squeeze3A_1080, %scan3A_16#0 : i32
        %lt3A_1083 = arith.cmpi slt, %add3A_1078, %min3A : i32
        %and3A_1084 = arith.andi %eq3A_1081, %lt3A_1083 : i1
        %or3A_1085 = arith.ori %lt3A_1082, %and3A_1084 : i1
        %jit3A_1086 = arith.constant 1039 : i32
        %select_n3A_1087 = arith.select %or3A_1085, %add3A_1074, %jit3A_1086 : i32
        %not3A_1088 = arith.constant 15 : i32
        %not3A_1089 = arith.constant -1 : i32
        %not3A_1090 = arith.xori %not3A_1088, %not3A_1089 : i32
        %and3A_1091 = arith.andi %select_n3A_1087, %not3A_1090 : i32
        %and3A_1092 = arith.constant 15 : i32
        %and3A_1093 = arith.andi %select_n3A_1087, %and3A_1092 : i32
        %get3A_1094 = arith.index_cast %and3A_1091 : i32 to index
        %get3A_1095 = tpu.vector_load %arg9[%get3A_1094] {strides = array<i32>} : memref<1040xi32, #tpu.memory_space<vmem>>, vector<16xi32>,
        %get3A_1096 = vector.shape_cast %get3A_1095 : vector<16xi32> to vector<16xi32>
        %eq3A_1097 = vector.broadcast %and3A_1093 : i32 to vector<16xi32>
        %eq3A_1098 = arith.cmpi eq, %iota3A, %eq3A_1097 : vector<16xi32>
        %mul3A_1099 = arith.constant 16 : i32
        %mul3A_1100 = arith.muli %scan3A_836, %mul3A_1099 : i32
        %add3A_1101 = arith.addi %mul3A_0, %mul3A_1100 : i32
        %add3A_1102 = arith.constant 5 : i32
        %add3A_1103 = arith.addi %add3A_1101, %add3A_1102 : i32
        %broadcast_in_dim3A_1104 = vector.broadcast %add3A_1103 : i32 to vector<16xi32>
        %select_n3A_1105 = arith.select %eq3A_1098, %broadcast_in_dim3A_1104, %get3A_1096 : vector<16xi1>, vector<16xi32>
        %swap3A_1106 = arith.index_cast %and3A_1091 : i32 to index
        %swap3A_1107 = tpu.vector_load %arg9[%swap3A_1106] {strides = array<i32>} : memref<1040xi32, #tpu.memory_space<vmem>>, vector<16xi32>,
        %swap3A_1108 = vector.shape_cast %swap3A_1107 : vector<16xi32> to vector<16xi32>
        %swap3A_1109 = vector.shape_cast %select_n3A_1105 : vector<16xi32> to vector<16xi32>
        tpu.vector_store %arg9[%swap3A_1106], %swap3A_1109 {strides = array<i32>} : memref<1040xi32, #tpu.memory_space<vmem>>, vector<16xi32>,
        %jit3A_1110 = arith.constant 1 : i32
        %jit3A_1111 = arith.constant 0 : i32
        %select_n3A_1112 = arith.select %or3A_1085, %jit3A_1110, %jit3A_1111 : i32
        %add3A_1113 = arith.addi %add3A_1074, %select_n3A_1112 : i32
        %jit3A_1114 = arith.constant 1 : i32
        %jit3A_1115 = arith.constant 0 : i32
        %select_n3A_1116 = arith.select %eq3A_1081, %jit3A_1114, %jit3A_1115 : i32
        %add3A_1117 = arith.addi %add3A_1078, %select_n3A_1116 : i32
        %slice3A_1118 = vector.extract_strided_slice %get3A_886 {offsets = [6], sizes = [1], strides = [1]} : vector<16xi32> to vector<1xi32>
        %squeeze3A_1119 = vector.extract %slice3A_1118[0] : i32 from vector<1xi32>
        %eq3A_1120 = arith.cmpi eq, %squeeze3A_1119, %scan3A_16#0 : i32
        %lt3A_1121 = arith.cmpi ult, %squeeze3A_1119, %scan3A_16#0 : i32
        %lt3A_1122 = arith.cmpi slt, %add3A_1117, %min3A : i32
        %and3A_1123 = arith.andi %eq3A_1120, %lt3A_1122 : i1
        %or3A_1124 = arith.ori %lt3A_1121, %and3A_1123 : i1
        %jit3A_1125 = arith.constant 1039 : i32
        %select_n3A_1126 = arith.select %or3A_1124, %add3A_1113, %jit3A_1125 : i32
        %not3A_1127 = arith.constant 15 : i32
        %not3A_1128 = arith.constant -1 : i32
        %not3A_1129 = arith.xori %not3A_1127, %not3A_1128 : i32
        %and3A_1130 = arith.andi %select_n3A_1126, %not3A_1129 : i32
        %and3A_1131 = arith.constant 15 : i32
        %and3A_1132 = arith.andi %select_n3A_1126, %and3A_1131 : i32
        %get3A_1133 = arith.index_cast %and3A_1130 : i32 to index
        %get3A_1134 = tpu.vector_load %arg9[%get3A_1133] {strides = array<i32>} : memref<1040xi32, #tpu.memory_space<vmem>>, vector<16xi32>,
        %get3A_1135 = vector.shape_cast %get3A_1134 : vector<16xi32> to vector<16xi32>
        %eq3A_1136 = vector.broadcast %and3A_1132 : i32 to vector<16xi32>
        %eq3A_1137 = arith.cmpi eq, %iota3A, %eq3A_1136 : vector<16xi32>
        %mul3A_1138 = arith.constant 16 : i32
        %mul3A_1139 = arith.muli %scan3A_836, %mul3A_1138 : i32
        %add3A_1140 = arith.addi %mul3A_0, %mul3A_1139 : i32
        %add3A_1141 = arith.constant 6 : i32
        %add3A_1142 = arith.addi %add3A_1140, %add3A_1141 : i32
        %broadcast_in_dim3A_1143 = vector.broadcast %add3A_1142 : i32 to vector<16xi32>
        %select_n3A_1144 = arith.select %eq3A_1137, %broadcast_in_dim3A_1143, %get3A_1135 : vector<16xi1>, vector<16xi32>
        %swap3A_1145 = arith.index_cast %and3A_1130 : i32 to index
        %swap3A_1146 = tpu.vector_load %arg9[%swap3A_1145] {strides = array<i32>} : memref<1040xi32, #tpu.memory_space<vmem>>, vector<16xi32>,
        %swap3A_1147 = vector.shape_cast %swap3A_1146 : vector<16xi32> to vector<16xi32>
        %swap3A_1148 = vector.shape_cast %select_n3A_1144 : vector<16xi32> to vector<16xi32>
        tpu.vector_store %arg9[%swap3A_1145], %swap3A_1148 {strides = array<i32>} : memref<1040xi32, #tpu.memory_space<vmem>>, vector<16xi32>,
        %jit3A_1149 = arith.constant 1 : i32
        %jit3A_1150 = arith.constant 0 : i32
        %select_n3A_1151 = arith.select %or3A_1124, %jit3A_1149, %jit3A_1150 : i32
        %add3A_1152 = arith.addi %add3A_1113, %select_n3A_1151 : i32
        %jit3A_1153 = arith.constant 1 : i32
        %jit3A_1154 = arith.constant 0 : i32
        %select_n3A_1155 = arith.select %eq3A_1120, %jit3A_1153, %jit3A_1154 : i32
        %add3A_1156 = arith.addi %add3A_1117, %select_n3A_1155 : i32
        %slice3A_1157 = vector.extract_strided_slice %get3A_886 {offsets = [7], sizes = [1], strides = [1]} : vector<16xi32> to vector<1xi32>
        %squeeze3A_1158 = vector.extract %slice3A_1157[0] : i32 from vector<1xi32>
        %eq3A_1159 = arith.cmpi eq, %squeeze3A_1158, %scan3A_16#0 : i32
        %lt3A_1160 = arith.cmpi ult, %squeeze3A_1158, %scan3A_16#0 : i32
        %lt3A_1161 = arith.cmpi slt, %add3A_1156, %min3A : i32
        %and3A_1162 = arith.andi %eq3A_1159, %lt3A_1161 : i1
        %or3A_1163 = arith.ori %lt3A_1160, %and3A_1162 : i1
        %jit3A_1164 = arith.constant 1039 : i32
        %select_n3A_1165 = arith.select %or3A_1163, %add3A_1152, %jit3A_1164 : i32
        %not3A_1166 = arith.constant 15 : i32
        %not3A_1167 = arith.constant -1 : i32
        %not3A_1168 = arith.xori %not3A_1166, %not3A_1167 : i32
        %and3A_1169 = arith.andi %select_n3A_1165, %not3A_1168 : i32
        %and3A_1170 = arith.constant 15 : i32
        %and3A_1171 = arith.andi %select_n3A_1165, %and3A_1170 : i32
        %get3A_1172 = arith.index_cast %and3A_1169 : i32 to index
        %get3A_1173 = tpu.vector_load %arg9[%get3A_1172] {strides = array<i32>} : memref<1040xi32, #tpu.memory_space<vmem>>, vector<16xi32>,
        %get3A_1174 = vector.shape_cast %get3A_1173 : vector<16xi32> to vector<16xi32>
        %eq3A_1175 = vector.broadcast %and3A_1171 : i32 to vector<16xi32>
        %eq3A_1176 = arith.cmpi eq, %iota3A, %eq3A_1175 : vector<16xi32>
        %mul3A_1177 = arith.constant 16 : i32
        %mul3A_1178 = arith.muli %scan3A_836, %mul3A_1177 : i32
        %add3A_1179 = arith.addi %mul3A_0, %mul3A_1178 : i32
        %add3A_1180 = arith.constant 7 : i32
        %add3A_1181 = arith.addi %add3A_1179, %add3A_1180 : i32
        %broadcast_in_dim3A_1182 = vector.broadcast %add3A_1181 : i32 to vector<16xi32>
        %select_n3A_1183 = arith.select %eq3A_1176, %broadcast_in_dim3A_1182, %get3A_1174 : vector<16xi1>, vector<16xi32>
        %swap3A_1184 = arith.index_cast %and3A_1169 : i32 to index
        %swap3A_1185 = tpu.vector_load %arg9[%swap3A_1184] {strides = array<i32>} : memref<1040xi32, #tpu.memory_space<vmem>>, vector<16xi32>,
        %swap3A_1186 = vector.shape_cast %swap3A_1185 : vector<16xi32> to vector<16xi32>
        %swap3A_1187 = vector.shape_cast %select_n3A_1183 : vector<16xi32> to vector<16xi32>
        tpu.vector_store %arg9[%swap3A_1184], %swap3A_1187 {strides = array<i32>} : memref<1040xi32, #tpu.memory_space<vmem>>, vector<16xi32>,
        %jit3A_1188 = arith.constant 1 : i32
        %jit3A_1189 = arith.constant 0 : i32
        %select_n3A_1190 = arith.select %or3A_1163, %jit3A_1188, %jit3A_1189 : i32
        %add3A_1191 = arith.addi %add3A_1152, %select_n3A_1190 : i32
        %jit3A_1192 = arith.constant 1 : i32
        %jit3A_1193 = arith.constant 0 : i32
        %select_n3A_1194 = arith.select %eq3A_1159, %jit3A_1192, %jit3A_1193 : i32
        %add3A_1195 = arith.addi %add3A_1156, %select_n3A_1194 : i32
        %slice3A_1196 = vector.extract_strided_slice %get3A_886 {offsets = [8], sizes = [1], strides = [1]} : vector<16xi32> to vector<1xi32>
        %squeeze3A_1197 = vector.extract %slice3A_1196[0] : i32 from vector<1xi32>
        %eq3A_1198 = arith.cmpi eq, %squeeze3A_1197, %scan3A_16#0 : i32
        %lt3A_1199 = arith.cmpi ult, %squeeze3A_1197, %scan3A_16#0 : i32
        %lt3A_1200 = arith.cmpi slt, %add3A_1195, %min3A : i32
        %and3A_1201 = arith.andi %eq3A_1198, %lt3A_1200 : i1
        %or3A_1202 = arith.ori %lt3A_1199, %and3A_1201 : i1
        %jit3A_1203 = arith.constant 1039 : i32
        %select_n3A_1204 = arith.select %or3A_1202, %add3A_1191, %jit3A_1203 : i32
        %not3A_1205 = arith.constant 15 : i32
        %not3A_1206 = arith.constant -1 : i32
        %not3A_1207 = arith.xori %not3A_1205, %not3A_1206 : i32
        %and3A_1208 = arith.andi %select_n3A_1204, %not3A_1207 : i32
        %and3A_1209 = arith.constant 15 : i32
        %and3A_1210 = arith.andi %select_n3A_1204, %and3A_1209 : i32
        %get3A_1211 = arith.index_cast %and3A_1208 : i32 to index
        %get3A_1212 = tpu.vector_load %arg9[%get3A_1211] {strides = array<i32>} : memref<1040xi32, #tpu.memory_space<vmem>>, vector<16xi32>,
        %get3A_1213 = vector.shape_cast %get3A_1212 : vector<16xi32> to vector<16xi32>
        %eq3A_1214 = vector.broadcast %and3A_1210 : i32 to vector<16xi32>
        %eq3A_1215 = arith.cmpi eq, %iota3A, %eq3A_1214 : vector<16xi32>
        %mul3A_1216 = arith.constant 16 : i32
        %mul3A_1217 = arith.muli %scan3A_836, %mul3A_1216 : i32
        %add3A_1218 = arith.addi %mul3A_0, %mul3A_1217 : i32
        %add3A_1219 = arith.constant 8 : i32
        %add3A_1220 = arith.addi %add3A_1218, %add3A_1219 : i32
        %broadcast_in_dim3A_1221 = vector.broadcast %add3A_1220 : i32 to vector<16xi32>
        %select_n3A_1222 = arith.select %eq3A_1215, %broadcast_in_dim3A_1221, %get3A_1213 : vector<16xi1>, vector<16xi32>
        %swap3A_1223 = arith.index_cast %and3A_1208 : i32 to index
        %swap3A_1224 = tpu.vector_load %arg9[%swap3A_1223] {strides = array<i32>} : memref<1040xi32, #tpu.memory_space<vmem>>, vector<16xi32>,
        %swap3A_1225 = vector.shape_cast %swap3A_1224 : vector<16xi32> to vector<16xi32>
        %swap3A_1226 = vector.shape_cast %select_n3A_1222 : vector<16xi32> to vector<16xi32>
        tpu.vector_store %arg9[%swap3A_1223], %swap3A_1226 {strides = array<i32>} : memref<1040xi32, #tpu.memory_space<vmem>>, vector<16xi32>,
        %jit3A_1227 = arith.constant 1 : i32
        %jit3A_1228 = arith.constant 0 : i32
        %select_n3A_1229 = arith.select %or3A_1202, %jit3A_1227, %jit3A_1228 : i32
        %add3A_1230 = arith.addi %add3A_1191, %select_n3A_1229 : i32
        %jit3A_1231 = arith.constant 1 : i32
        %jit3A_1232 = arith.constant 0 : i32
        %select_n3A_1233 = arith.select %eq3A_1198, %jit3A_1231, %jit3A_1232 : i32
        %add3A_1234 = arith.addi %add3A_1195, %select_n3A_1233 : i32
        %slice3A_1235 = vector.extract_strided_slice %get3A_886 {offsets = [9], sizes = [1], strides = [1]} : vector<16xi32> to vector<1xi32>
        %squeeze3A_1236 = vector.extract %slice3A_1235[0] : i32 from vector<1xi32>
        %eq3A_1237 = arith.cmpi eq, %squeeze3A_1236, %scan3A_16#0 : i32
        %lt3A_1238 = arith.cmpi ult, %squeeze3A_1236, %scan3A_16#0 : i32
        %lt3A_1239 = arith.cmpi slt, %add3A_1234, %min3A : i32
        %and3A_1240 = arith.andi %eq3A_1237, %lt3A_1239 : i1
        %or3A_1241 = arith.ori %lt3A_1238, %and3A_1240 : i1
        %jit3A_1242 = arith.constant 1039 : i32
        %select_n3A_1243 = arith.select %or3A_1241, %add3A_1230, %jit3A_1242 : i32
        %not3A_1244 = arith.constant 15 : i32
        %not3A_1245 = arith.constant -1 : i32
        %not3A_1246 = arith.xori %not3A_1244, %not3A_1245 : i32
        %and3A_1247 = arith.andi %select_n3A_1243, %not3A_1246 : i32
        %and3A_1248 = arith.constant 15 : i32
        %and3A_1249 = arith.andi %select_n3A_1243, %and3A_1248 : i32
        %get3A_1250 = arith.index_cast %and3A_1247 : i32 to index
        %get3A_1251 = tpu.vector_load %arg9[%get3A_1250] {strides = array<i32>} : memref<1040xi32, #tpu.memory_space<vmem>>, vector<16xi32>,
        %get3A_1252 = vector.shape_cast %get3A_1251 : vector<16xi32> to vector<16xi32>
        %eq3A_1253 = vector.broadcast %and3A_1249 : i32 to vector<16xi32>
        %eq3A_1254 = arith.cmpi eq, %iota3A, %eq3A_1253 : vector<16xi32>
        %mul3A_1255 = arith.constant 16 : i32
        %mul3A_1256 = arith.muli %scan3A_836, %mul3A_1255 : i32
        %add3A_1257 = arith.addi %mul3A_0, %mul3A_1256 : i32
        %add3A_1258 = arith.constant 9 : i32
        %add3A_1259 = arith.addi %add3A_1257, %add3A_1258 : i32
        %broadcast_in_dim3A_1260 = vector.broadcast %add3A_1259 : i32 to vector<16xi32>
        %select_n3A_1261 = arith.select %eq3A_1254, %broadcast_in_dim3A_1260, %get3A_1252 : vector<16xi1>, vector<16xi32>
        %swap3A_1262 = arith.index_cast %and3A_1247 : i32 to index
        %swap3A_1263 = tpu.vector_load %arg9[%swap3A_1262] {strides = array<i32>} : memref<1040xi32, #tpu.memory_space<vmem>>, vector<16xi32>,
        %swap3A_1264 = vector.shape_cast %swap3A_1263 : vector<16xi32> to vector<16xi32>
        %swap3A_1265 = vector.shape_cast %select_n3A_1261 : vector<16xi32> to vector<16xi32>
        tpu.vector_store %arg9[%swap3A_1262], %swap3A_1265 {strides = array<i32>} : memref<1040xi32, #tpu.memory_space<vmem>>, vector<16xi32>,
        %jit3A_1266 = arith.constant 1 : i32
        %jit3A_1267 = arith.constant 0 : i32
        %select_n3A_1268 = arith.select %or3A_1241, %jit3A_1266, %jit3A_1267 : i32
        %add3A_1269 = arith.addi %add3A_1230, %select_n3A_1268 : i32
        %jit3A_1270 = arith.constant 1 : i32
        %jit3A_1271 = arith.constant 0 : i32
        %select_n3A_1272 = arith.select %eq3A_1237, %jit3A_1270, %jit3A_1271 : i32
        %add3A_1273 = arith.addi %add3A_1234, %select_n3A_1272 : i32
        %slice3A_1274 = vector.extract_strided_slice %get3A_886 {offsets = [10], sizes = [1], strides = [1]} : vector<16xi32> to vector<1xi32>
        %squeeze3A_1275 = vector.extract %slice3A_1274[0] : i32 from vector<1xi32>
        %eq3A_1276 = arith.cmpi eq, %squeeze3A_1275, %scan3A_16#0 : i32
        %lt3A_1277 = arith.cmpi ult, %squeeze3A_1275, %scan3A_16#0 : i32
        %lt3A_1278 = arith.cmpi slt, %add3A_1273, %min3A : i32
        %and3A_1279 = arith.andi %eq3A_1276, %lt3A_1278 : i1
        %or3A_1280 = arith.ori %lt3A_1277, %and3A_1279 : i1
        %jit3A_1281 = arith.constant 1039 : i32
        %select_n3A_1282 = arith.select %or3A_1280, %add3A_1269, %jit3A_1281 : i32
        %not3A_1283 = arith.constant 15 : i32
        %not3A_1284 = arith.constant -1 : i32
        %not3A_1285 = arith.xori %not3A_1283, %not3A_1284 : i32
        %and3A_1286 = arith.andi %select_n3A_1282, %not3A_1285 : i32
        %and3A_1287 = arith.constant 15 : i32
        %and3A_1288 = arith.andi %select_n3A_1282, %and3A_1287 : i32
        %get3A_1289 = arith.index_cast %and3A_1286 : i32 to index
        %get3A_1290 = tpu.vector_load %arg9[%get3A_1289] {strides = array<i32>} : memref<1040xi32, #tpu.memory_space<vmem>>, vector<16xi32>,
        %get3A_1291 = vector.shape_cast %get3A_1290 : vector<16xi32> to vector<16xi32>
        %eq3A_1292 = vector.broadcast %and3A_1288 : i32 to vector<16xi32>
        %eq3A_1293 = arith.cmpi eq, %iota3A, %eq3A_1292 : vector<16xi32>
        %mul3A_1294 = arith.constant 16 : i32
        %mul3A_1295 = arith.muli %scan3A_836, %mul3A_1294 : i32
        %add3A_1296 = arith.addi %mul3A_0, %mul3A_1295 : i32
        %add3A_1297 = arith.constant 10 : i32
        %add3A_1298 = arith.addi %add3A_1296, %add3A_1297 : i32
        %broadcast_in_dim3A_1299 = vector.broadcast %add3A_1298 : i32 to vector<16xi32>
        %select_n3A_1300 = arith.select %eq3A_1293, %broadcast_in_dim3A_1299, %get3A_1291 : vector<16xi1>, vector<16xi32>
        %swap3A_1301 = arith.index_cast %and3A_1286 : i32 to index
        %swap3A_1302 = tpu.vector_load %arg9[%swap3A_1301] {strides = array<i32>} : memref<1040xi32, #tpu.memory_space<vmem>>, vector<16xi32>,
        %swap3A_1303 = vector.shape_cast %swap3A_1302 : vector<16xi32> to vector<16xi32>
        %swap3A_1304 = vector.shape_cast %select_n3A_1300 : vector<16xi32> to vector<16xi32>
        tpu.vector_store %arg9[%swap3A_1301], %swap3A_1304 {strides = array<i32>} : memref<1040xi32, #tpu.memory_space<vmem>>, vector<16xi32>,
        %jit3A_1305 = arith.constant 1 : i32
        %jit3A_1306 = arith.constant 0 : i32
        %select_n3A_1307 = arith.select %or3A_1280, %jit3A_1305, %jit3A_1306 : i32
        %add3A_1308 = arith.addi %add3A_1269, %select_n3A_1307 : i32
        %jit3A_1309 = arith.constant 1 : i32
        %jit3A_1310 = arith.constant 0 : i32
        %select_n3A_1311 = arith.select %eq3A_1276, %jit3A_1309, %jit3A_1310 : i32
        %add3A_1312 = arith.addi %add3A_1273, %select_n3A_1311 : i32
        %slice3A_1313 = vector.extract_strided_slice %get3A_886 {offsets = [11], sizes = [1], strides = [1]} : vector<16xi32> to vector<1xi32>
        %squeeze3A_1314 = vector.extract %slice3A_1313[0] : i32 from vector<1xi32>
        %eq3A_1315 = arith.cmpi eq, %squeeze3A_1314, %scan3A_16#0 : i32
        %lt3A_1316 = arith.cmpi ult, %squeeze3A_1314, %scan3A_16#0 : i32
        %lt3A_1317 = arith.cmpi slt, %add3A_1312, %min3A : i32
        %and3A_1318 = arith.andi %eq3A_1315, %lt3A_1317 : i1
        %or3A_1319 = arith.ori %lt3A_1316, %and3A_1318 : i1
        %jit3A_1320 = arith.constant 1039 : i32
        %select_n3A_1321 = arith.select %or3A_1319, %add3A_1308, %jit3A_1320 : i32
        %not3A_1322 = arith.constant 15 : i32
        %not3A_1323 = arith.constant -1 : i32
        %not3A_1324 = arith.xori %not3A_1322, %not3A_1323 : i32
        %and3A_1325 = arith.andi %select_n3A_1321, %not3A_1324 : i32
        %and3A_1326 = arith.constant 15 : i32
        %and3A_1327 = arith.andi %select_n3A_1321, %and3A_1326 : i32
        %get3A_1328 = arith.index_cast %and3A_1325 : i32 to index
        %get3A_1329 = tpu.vector_load %arg9[%get3A_1328] {strides = array<i32>} : memref<1040xi32, #tpu.memory_space<vmem>>, vector<16xi32>,
        %get3A_1330 = vector.shape_cast %get3A_1329 : vector<16xi32> to vector<16xi32>
        %eq3A_1331 = vector.broadcast %and3A_1327 : i32 to vector<16xi32>
        %eq3A_1332 = arith.cmpi eq, %iota3A, %eq3A_1331 : vector<16xi32>
        %mul3A_1333 = arith.constant 16 : i32
        %mul3A_1334 = arith.muli %scan3A_836, %mul3A_1333 : i32
        %add3A_1335 = arith.addi %mul3A_0, %mul3A_1334 : i32
        %add3A_1336 = arith.constant 11 : i32
        %add3A_1337 = arith.addi %add3A_1335, %add3A_1336 : i32
        %broadcast_in_dim3A_1338 = vector.broadcast %add3A_1337 : i32 to vector<16xi32>
        %select_n3A_1339 = arith.select %eq3A_1332, %broadcast_in_dim3A_1338, %get3A_1330 : vector<16xi1>, vector<16xi32>
        %swap3A_1340 = arith.index_cast %and3A_1325 : i32 to index
        %swap3A_1341 = tpu.vector_load %arg9[%swap3A_1340] {strides = array<i32>} : memref<1040xi32, #tpu.memory_space<vmem>>, vector<16xi32>,
        %swap3A_1342 = vector.shape_cast %swap3A_1341 : vector<16xi32> to vector<16xi32>
        %swap3A_1343 = vector.shape_cast %select_n3A_1339 : vector<16xi32> to vector<16xi32>
        tpu.vector_store %arg9[%swap3A_1340], %swap3A_1343 {strides = array<i32>} : memref<1040xi32, #tpu.memory_space<vmem>>, vector<16xi32>,
        %jit3A_1344 = arith.constant 1 : i32
        %jit3A_1345 = arith.constant 0 : i32
        %select_n3A_1346 = arith.select %or3A_1319, %jit3A_1344, %jit3A_1345 : i32
        %add3A_1347 = arith.addi %add3A_1308, %select_n3A_1346 : i32
        %jit3A_1348 = arith.constant 1 : i32
        %jit3A_1349 = arith.constant 0 : i32
        %select_n3A_1350 = arith.select %eq3A_1315, %jit3A_1348, %jit3A_1349 : i32
        %add3A_1351 = arith.addi %add3A_1312, %select_n3A_1350 : i32
        %slice3A_1352 = vector.extract_strided_slice %get3A_886 {offsets = [12], sizes = [1], strides = [1]} : vector<16xi32> to vector<1xi32>
        %squeeze3A_1353 = vector.extract %slice3A_1352[0] : i32 from vector<1xi32>
        %eq3A_1354 = arith.cmpi eq, %squeeze3A_1353, %scan3A_16#0 : i32
        %lt3A_1355 = arith.cmpi ult, %squeeze3A_1353, %scan3A_16#0 : i32
        %lt3A_1356 = arith.cmpi slt, %add3A_1351, %min3A : i32
        %and3A_1357 = arith.andi %eq3A_1354, %lt3A_1356 : i1
        %or3A_1358 = arith.ori %lt3A_1355, %and3A_1357 : i1
        %jit3A_1359 = arith.constant 1039 : i32
        %select_n3A_1360 = arith.select %or3A_1358, %add3A_1347, %jit3A_1359 : i32
        %not3A_1361 = arith.constant 15 : i32
        %not3A_1362 = arith.constant -1 : i32
        %not3A_1363 = arith.xori %not3A_1361, %not3A_1362 : i32
        %and3A_1364 = arith.andi %select_n3A_1360, %not3A_1363 : i32
        %and3A_1365 = arith.constant 15 : i32
        %and3A_1366 = arith.andi %select_n3A_1360, %and3A_1365 : i32
        %get3A_1367 = arith.index_cast %and3A_1364 : i32 to index
        %get3A_1368 = tpu.vector_load %arg9[%get3A_1367] {strides = array<i32>} : memref<1040xi32, #tpu.memory_space<vmem>>, vector<16xi32>,
        %get3A_1369 = vector.shape_cast %get3A_1368 : vector<16xi32> to vector<16xi32>
        %eq3A_1370 = vector.broadcast %and3A_1366 : i32 to vector<16xi32>
        %eq3A_1371 = arith.cmpi eq, %iota3A, %eq3A_1370 : vector<16xi32>
        %mul3A_1372 = arith.constant 16 : i32
        %mul3A_1373 = arith.muli %scan3A_836, %mul3A_1372 : i32
        %add3A_1374 = arith.addi %mul3A_0, %mul3A_1373 : i32
        %add3A_1375 = arith.constant 12 : i32
        %add3A_1376 = arith.addi %add3A_1374, %add3A_1375 : i32
        %broadcast_in_dim3A_1377 = vector.broadcast %add3A_1376 : i32 to vector<16xi32>
        %select_n3A_1378 = arith.select %eq3A_1371, %broadcast_in_dim3A_1377, %get3A_1369 : vector<16xi1>, vector<16xi32>
        %swap3A_1379 = arith.index_cast %and3A_1364 : i32 to index
        %swap3A_1380 = tpu.vector_load %arg9[%swap3A_1379] {strides = array<i32>} : memref<1040xi32, #tpu.memory_space<vmem>>, vector<16xi32>,
        %swap3A_1381 = vector.shape_cast %swap3A_1380 : vector<16xi32> to vector<16xi32>
        %swap3A_1382 = vector.shape_cast %select_n3A_1378 : vector<16xi32> to vector<16xi32>
        tpu.vector_store %arg9[%swap3A_1379], %swap3A_1382 {strides = array<i32>} : memref<1040xi32, #tpu.memory_space<vmem>>, vector<16xi32>,
        %jit3A_1383 = arith.constant 1 : i32
        %jit3A_1384 = arith.constant 0 : i32
        %select_n3A_1385 = arith.select %or3A_1358, %jit3A_1383, %jit3A_1384 : i32
        %add3A_1386 = arith.addi %add3A_1347, %select_n3A_1385 : i32
        %jit3A_1387 = arith.constant 1 : i32
        %jit3A_1388 = arith.constant 0 : i32
        %select_n3A_1389 = arith.select %eq3A_1354, %jit3A_1387, %jit3A_1388 : i32
        %add3A_1390 = arith.addi %add3A_1351, %select_n3A_1389 : i32
        %slice3A_1391 = vector.extract_strided_slice %get3A_886 {offsets = [13], sizes = [1], strides = [1]} : vector<16xi32> to vector<1xi32>
        %squeeze3A_1392 = vector.extract %slice3A_1391[0] : i32 from vector<1xi32>
        %eq3A_1393 = arith.cmpi eq, %squeeze3A_1392, %scan3A_16#0 : i32
        %lt3A_1394 = arith.cmpi ult, %squeeze3A_1392, %scan3A_16#0 : i32
        %lt3A_1395 = arith.cmpi slt, %add3A_1390, %min3A : i32
        %and3A_1396 = arith.andi %eq3A_1393, %lt3A_1395 : i1
        %or3A_1397 = arith.ori %lt3A_1394, %and3A_1396 : i1
        %jit3A_1398 = arith.constant 1039 : i32
        %select_n3A_1399 = arith.select %or3A_1397, %add3A_1386, %jit3A_1398 : i32
        %not3A_1400 = arith.constant 15 : i32
        %not3A_1401 = arith.constant -1 : i32
        %not3A_1402 = arith.xori %not3A_1400, %not3A_1401 : i32
        %and3A_1403 = arith.andi %select_n3A_1399, %not3A_1402 : i32
        %and3A_1404 = arith.constant 15 : i32
        %and3A_1405 = arith.andi %select_n3A_1399, %and3A_1404 : i32
        %get3A_1406 = arith.index_cast %and3A_1403 : i32 to index
        %get3A_1407 = tpu.vector_load %arg9[%get3A_1406] {strides = array<i32>} : memref<1040xi32, #tpu.memory_space<vmem>>, vector<16xi32>,
        %get3A_1408 = vector.shape_cast %get3A_1407 : vector<16xi32> to vector<16xi32>
        %eq3A_1409 = vector.broadcast %and3A_1405 : i32 to vector<16xi32>
        %eq3A_1410 = arith.cmpi eq, %iota3A, %eq3A_1409 : vector<16xi32>
        %mul3A_1411 = arith.constant 16 : i32
        %mul3A_1412 = arith.muli %scan3A_836, %mul3A_1411 : i32
        %add3A_1413 = arith.addi %mul3A_0, %mul3A_1412 : i32
        %add3A_1414 = arith.constant 13 : i32
        %add3A_1415 = arith.addi %add3A_1413, %add3A_1414 : i32
        %broadcast_in_dim3A_1416 = vector.broadcast %add3A_1415 : i32 to vector<16xi32>
        %select_n3A_1417 = arith.select %eq3A_1410, %broadcast_in_dim3A_1416, %get3A_1408 : vector<16xi1>, vector<16xi32>
        %swap3A_1418 = arith.index_cast %and3A_1403 : i32 to index
        %swap3A_1419 = tpu.vector_load %arg9[%swap3A_1418] {strides = array<i32>} : memref<1040xi32, #tpu.memory_space<vmem>>, vector<16xi32>,
        %swap3A_1420 = vector.shape_cast %swap3A_1419 : vector<16xi32> to vector<16xi32>
        %swap3A_1421 = vector.shape_cast %select_n3A_1417 : vector<16xi32> to vector<16xi32>
        tpu.vector_store %arg9[%swap3A_1418], %swap3A_1421 {strides = array<i32>} : memref<1040xi32, #tpu.memory_space<vmem>>, vector<16xi32>,
        %jit3A_1422 = arith.constant 1 : i32
        %jit3A_1423 = arith.constant 0 : i32
        %select_n3A_1424 = arith.select %or3A_1397, %jit3A_1422, %jit3A_1423 : i32
        %add3A_1425 = arith.addi %add3A_1386, %select_n3A_1424 : i32
        %jit3A_1426 = arith.constant 1 : i32
        %jit3A_1427 = arith.constant 0 : i32
        %select_n3A_1428 = arith.select %eq3A_1393, %jit3A_1426, %jit3A_1427 : i32
        %add3A_1429 = arith.addi %add3A_1390, %select_n3A_1428 : i32
        %slice3A_1430 = vector.extract_strided_slice %get3A_886 {offsets = [14], sizes = [1], strides = [1]} : vector<16xi32> to vector<1xi32>
        %squeeze3A_1431 = vector.extract %slice3A_1430[0] : i32 from vector<1xi32>
        %eq3A_1432 = arith.cmpi eq, %squeeze3A_1431, %scan3A_16#0 : i32
        %lt3A_1433 = arith.cmpi ult, %squeeze3A_1431, %scan3A_16#0 : i32
        %lt3A_1434 = arith.cmpi slt, %add3A_1429, %min3A : i32
        %and3A_1435 = arith.andi %eq3A_1432, %lt3A_1434 : i1
        %or3A_1436 = arith.ori %lt3A_1433, %and3A_1435 : i1
        %jit3A_1437 = arith.constant 1039 : i32
        %select_n3A_1438 = arith.select %or3A_1436, %add3A_1425, %jit3A_1437 : i32
        %not3A_1439 = arith.constant 15 : i32
        %not3A_1440 = arith.constant -1 : i32
        %not3A_1441 = arith.xori %not3A_1439, %not3A_1440 : i32
        %and3A_1442 = arith.andi %select_n3A_1438, %not3A_1441 : i32
        %and3A_1443 = arith.constant 15 : i32
        %and3A_1444 = arith.andi %select_n3A_1438, %and3A_1443 : i32
        %get3A_1445 = arith.index_cast %and3A_1442 : i32 to index
        %get3A_1446 = tpu.vector_load %arg9[%get3A_1445] {strides = array<i32>} : memref<1040xi32, #tpu.memory_space<vmem>>, vector<16xi32>,
        %get3A_1447 = vector.shape_cast %get3A_1446 : vector<16xi32> to vector<16xi32>
        %eq3A_1448 = vector.broadcast %and3A_1444 : i32 to vector<16xi32>
        %eq3A_1449 = arith.cmpi eq, %iota3A, %eq3A_1448 : vector<16xi32>
        %mul3A_1450 = arith.constant 16 : i32
        %mul3A_1451 = arith.muli %scan3A_836, %mul3A_1450 : i32
        %add3A_1452 = arith.addi %mul3A_0, %mul3A_1451 : i32
        %add3A_1453 = arith.constant 14 : i32
        %add3A_1454 = arith.addi %add3A_1452, %add3A_1453 : i32
        %broadcast_in_dim3A_1455 = vector.broadcast %add3A_1454 : i32 to vector<16xi32>
        %select_n3A_1456 = arith.select %eq3A_1449, %broadcast_in_dim3A_1455, %get3A_1447 : vector<16xi1>, vector<16xi32>
        %swap3A_1457 = arith.index_cast %and3A_1442 : i32 to index
        %swap3A_1458 = tpu.vector_load %arg9[%swap3A_1457] {strides = array<i32>} : memref<1040xi32, #tpu.memory_space<vmem>>, vector<16xi32>,
        %swap3A_1459 = vector.shape_cast %swap3A_1458 : vector<16xi32> to vector<16xi32>
        %swap3A_1460 = vector.shape_cast %select_n3A_1456 : vector<16xi32> to vector<16xi32>
        tpu.vector_store %arg9[%swap3A_1457], %swap3A_1460 {strides = array<i32>} : memref<1040xi32, #tpu.memory_space<vmem>>, vector<16xi32>,
        %jit3A_1461 = arith.constant 1 : i32
        %jit3A_1462 = arith.constant 0 : i32
        %select_n3A_1463 = arith.select %or3A_1436, %jit3A_1461, %jit3A_1462 : i32
        %add3A_1464 = arith.addi %add3A_1425, %select_n3A_1463 : i32
        %jit3A_1465 = arith.constant 1 : i32
        %jit3A_1466 = arith.constant 0 : i32
        %select_n3A_1467 = arith.select %eq3A_1432, %jit3A_1465, %jit3A_1466 : i32
        %add3A_1468 = arith.addi %add3A_1429, %select_n3A_1467 : i32
        %slice3A_1469 = vector.extract_strided_slice %get3A_886 {offsets = [15], sizes = [1], strides = [1]} : vector<16xi32> to vector<1xi32>
        %squeeze3A_1470 = vector.extract %slice3A_1469[0] : i32 from vector<1xi32>
        %eq3A_1471 = arith.cmpi eq, %squeeze3A_1470, %scan3A_16#0 : i32
        %lt3A_1472 = arith.cmpi ult, %squeeze3A_1470, %scan3A_16#0 : i32
        %lt3A_1473 = arith.cmpi slt, %add3A_1468, %min3A : i32
        %and3A_1474 = arith.andi %eq3A_1471, %lt3A_1473 : i1
        %or3A_1475 = arith.ori %lt3A_1472, %and3A_1474 : i1
        %jit3A_1476 = arith.constant 1039 : i32
        %select_n3A_1477 = arith.select %or3A_1475, %add3A_1464, %jit3A_1476 : i32
        %not3A_1478 = arith.constant 15 : i32
        %not3A_1479 = arith.constant -1 : i32
        %not3A_1480 = arith.xori %not3A_1478, %not3A_1479 : i32
        %and3A_1481 = arith.andi %select_n3A_1477, %not3A_1480 : i32
        %and3A_1482 = arith.constant 15 : i32
        %and3A_1483 = arith.andi %select_n3A_1477, %and3A_1482 : i32
        %get3A_1484 = arith.index_cast %and3A_1481 : i32 to index
        %get3A_1485 = tpu.vector_load %arg9[%get3A_1484] {strides = array<i32>} : memref<1040xi32, #tpu.memory_space<vmem>>, vector<16xi32>,
        %get3A_1486 = vector.shape_cast %get3A_1485 : vector<16xi32> to vector<16xi32>
        %eq3A_1487 = vector.broadcast %and3A_1483 : i32 to vector<16xi32>
        %eq3A_1488 = arith.cmpi eq, %iota3A, %eq3A_1487 : vector<16xi32>
        %mul3A_1489 = arith.constant 16 : i32
        %mul3A_1490 = arith.muli %scan3A_836, %mul3A_1489 : i32
        %add3A_1491 = arith.addi %mul3A_0, %mul3A_1490 : i32
        %add3A_1492 = arith.constant 15 : i32
        %add3A_1493 = arith.addi %add3A_1491, %add3A_1492 : i32
        %broadcast_in_dim3A_1494 = vector.broadcast %add3A_1493 : i32 to vector<16xi32>
        %select_n3A_1495 = arith.select %eq3A_1488, %broadcast_in_dim3A_1494, %get3A_1486 : vector<16xi1>, vector<16xi32>
        %swap3A_1496 = arith.index_cast %and3A_1481 : i32 to index
        %swap3A_1497 = tpu.vector_load %arg9[%swap3A_1496] {strides = array<i32>} : memref<1040xi32, #tpu.memory_space<vmem>>, vector<16xi32>,
        %swap3A_1498 = vector.shape_cast %swap3A_1497 : vector<16xi32> to vector<16xi32>
        %swap3A_1499 = vector.shape_cast %select_n3A_1495 : vector<16xi32> to vector<16xi32>
        tpu.vector_store %arg9[%swap3A_1496], %swap3A_1499 {strides = array<i32>} : memref<1040xi32, #tpu.memory_space<vmem>>, vector<16xi32>,
        %jit3A_1500 = arith.constant 1 : i32
        %jit3A_1501 = arith.constant 0 : i32
        %select_n3A_1502 = arith.select %or3A_1475, %jit3A_1500, %jit3A_1501 : i32
        %add3A_1503 = arith.addi %add3A_1464, %select_n3A_1502 : i32
        %jit3A_1504 = arith.constant 1 : i32
        %jit3A_1505 = arith.constant 0 : i32
        %select_n3A_1506 = arith.select %eq3A_1471, %jit3A_1504, %jit3A_1505 : i32
        %add3A_1507 = arith.addi %add3A_1468, %select_n3A_1506 : i32
        scf.yield %add3A_1503, %add3A_1507 : i32, i32
      } else {
        scf.yield %scan3A_837, %scan3A_838 : i32, i32
      }
      scf.yield %cond3A_881#0, %cond3A_881#1 : i32, i32
    }
    %scan3A_736 = arith.constant 1024 : i32
    %eq3A_737 = arith.constant 0 : i32
    %eq3A_738 = arith.cmpi eq, %arg1, %eq3A_737 : i32
    %convert_element_type3A = arith.extui %eq3A_738 : i1 to i32
    %cond3A = arith.constant 0 : i32
    %cond3A_739 = arith.cmpi ne, %convert_element_type3A, %cond3A : i32
    scf.if %cond3A_739 {
      %multiple_of3A = tpu.assume_multiple %add3A_725, 8 : i32
      "tpu.region"() ({
        %run_scoped3A = tpu.sem_alloc : memref<!tpu.dma_semaphore, #tpu.memory_space<semaphore_mem>>
        %dma_start3A = tpu.memref_slice %arg13[%multiple_of3A] : memref<2208xi32, #tpu.memory_space<vmem_shared>> -> memref<1040xi32, #tpu.memory_space<vmem_shared>>
        %dma_start3A_836 = tpu.memref_slice %arg13[%multiple_of3A] : memref<2208xi32, #tpu.memory_space<vmem_shared>> -> memref<1040xi32, #tpu.memory_space<vmem_shared>>
        tpu.enqueue_dma source(%arg9 : memref<1040xi32, #tpu.memory_space<vmem>>) target(%dma_start3A_836 : memref<1040xi32, #tpu.memory_space<vmem_shared>>) target_semaphore(%run_scoped3A : memref<!tpu.dma_semaphore, #tpu.memory_space<semaphore_mem>>)
        %dma_wait3A = tpu.memref_slice %arg13[%multiple_of3A] : memref<2208xi32, #tpu.memory_space<vmem_shared>> -> memref<1040xi32, #tpu.memory_space<vmem_shared>>
        %dma_wait3A_837 = tpu.memref_slice %arg13[%multiple_of3A] : memref<2208xi32, #tpu.memory_space<vmem_shared>> -> memref<1040xi32, #tpu.memory_space<vmem_shared>>
        tpu.wait_dma2 semaphore(%run_scoped3A : memref<!tpu.dma_semaphore, #tpu.memory_space<semaphore_mem>>) src(%arg9 : memref<1040xi32, #tpu.memory_space<vmem>>) dst(%dma_wait3A_837 : memref<1040xi32, #tpu.memory_space<vmem_shared>>)
        tpu.yield
      }) : () -> ()
    } else {
    }
    %barrier3A_740 = arith.constant 0 : index
    tpu.barrier barrier_id(%barrier3A_740)
    %eq3A_741 = arith.constant 1 : i32
    %eq3A_742 = arith.cmpi eq, %arg1, %eq3A_741 : i32
    %convert_element_type3A_743 = arith.extui %eq3A_742 : i1 to i32
    %cond3A_744 = arith.constant 0 : i32
    %cond3A_745 = arith.cmpi ne, %convert_element_type3A_743, %cond3A_744 : i32
    scf.if %cond3A_745 {
      %multiple_of3A = tpu.assume_multiple %add3A_725, 8 : i32
      "tpu.region"() ({
        %run_scoped3A = tpu.sem_alloc : memref<!tpu.dma_semaphore, #tpu.memory_space<semaphore_mem>>
        %dma_start3A = tpu.memref_slice %arg13[%multiple_of3A] : memref<2208xi32, #tpu.memory_space<vmem_shared>> -> memref<1040xi32, #tpu.memory_space<vmem_shared>>
        %dma_start3A_836 = tpu.memref_slice %arg13[%multiple_of3A] : memref<2208xi32, #tpu.memory_space<vmem_shared>> -> memref<1040xi32, #tpu.memory_space<vmem_shared>>
        tpu.enqueue_dma source(%arg9 : memref<1040xi32, #tpu.memory_space<vmem>>) target(%dma_start3A_836 : memref<1040xi32, #tpu.memory_space<vmem_shared>>) target_semaphore(%run_scoped3A : memref<!tpu.dma_semaphore, #tpu.memory_space<semaphore_mem>>)
        %dma_wait3A = tpu.memref_slice %arg13[%multiple_of3A] : memref<2208xi32, #tpu.memory_space<vmem_shared>> -> memref<1040xi32, #tpu.memory_space<vmem_shared>>
        %dma_wait3A_837 = tpu.memref_slice %arg13[%multiple_of3A] : memref<2208xi32, #tpu.memory_space<vmem_shared>> -> memref<1040xi32, #tpu.memory_space<vmem_shared>>
        tpu.wait_dma2 semaphore(%run_scoped3A : memref<!tpu.dma_semaphore, #tpu.memory_space<semaphore_mem>>) src(%arg9 : memref<1040xi32, #tpu.memory_space<vmem>>) dst(%dma_wait3A_837 : memref<1040xi32, #tpu.memory_space<vmem_shared>>)
        tpu.yield
      }) : () -> ()
    } else {
    }
    %barrier3A_746 = arith.constant 0 : index
    tpu.barrier barrier_id(%barrier3A_746)
    %eq3A_747 = arith.constant 2 : i32
    %eq3A_748 = arith.cmpi eq, %arg1, %eq3A_747 : i32
    %convert_element_type3A_749 = arith.extui %eq3A_748 : i1 to i32
    %cond3A_750 = arith.constant 0 : i32
    %cond3A_751 = arith.cmpi ne, %convert_element_type3A_749, %cond3A_750 : i32
    scf.if %cond3A_751 {
      %multiple_of3A = tpu.assume_multiple %add3A_725, 8 : i32
      "tpu.region"() ({
        %run_scoped3A = tpu.sem_alloc : memref<!tpu.dma_semaphore, #tpu.memory_space<semaphore_mem>>
        %dma_start3A = tpu.memref_slice %arg13[%multiple_of3A] : memref<2208xi32, #tpu.memory_space<vmem_shared>> -> memref<1040xi32, #tpu.memory_space<vmem_shared>>
        %dma_start3A_836 = tpu.memref_slice %arg13[%multiple_of3A] : memref<2208xi32, #tpu.memory_space<vmem_shared>> -> memref<1040xi32, #tpu.memory_space<vmem_shared>>
        tpu.enqueue_dma source(%arg9 : memref<1040xi32, #tpu.memory_space<vmem>>) target(%dma_start3A_836 : memref<1040xi32, #tpu.memory_space<vmem_shared>>) target_semaphore(%run_scoped3A : memref<!tpu.dma_semaphore, #tpu.memory_space<semaphore_mem>>)
        %dma_wait3A = tpu.memref_slice %arg13[%multiple_of3A] : memref<2208xi32, #tpu.memory_space<vmem_shared>> -> memref<1040xi32, #tpu.memory_space<vmem_shared>>
        %dma_wait3A_837 = tpu.memref_slice %arg13[%multiple_of3A] : memref<2208xi32, #tpu.memory_space<vmem_shared>> -> memref<1040xi32, #tpu.memory_space<vmem_shared>>
        tpu.wait_dma2 semaphore(%run_scoped3A : memref<!tpu.dma_semaphore, #tpu.memory_space<semaphore_mem>>) src(%arg9 : memref<1040xi32, #tpu.memory_space<vmem>>) dst(%dma_wait3A_837 : memref<1040xi32, #tpu.memory_space<vmem_shared>>)
        tpu.yield
      }) : () -> ()
    } else {
    }
    %barrier3A_752 = arith.constant 0 : index
    tpu.barrier barrier_id(%barrier3A_752)
    %eq3A_753 = arith.constant 3 : i32
    %eq3A_754 = arith.cmpi eq, %arg1, %eq3A_753 : i32
    %convert_element_type3A_755 = arith.extui %eq3A_754 : i1 to i32
    %cond3A_756 = arith.constant 0 : i32
    %cond3A_757 = arith.cmpi ne, %convert_element_type3A_755, %cond3A_756 : i32
    scf.if %cond3A_757 {
      %multiple_of3A = tpu.assume_multiple %add3A_725, 8 : i32
      "tpu.region"() ({
        %run_scoped3A = tpu.sem_alloc : memref<!tpu.dma_semaphore, #tpu.memory_space<semaphore_mem>>
        %dma_start3A = tpu.memref_slice %arg13[%multiple_of3A] : memref<2208xi32, #tpu.memory_space<vmem_shared>> -> memref<1040xi32, #tpu.memory_space<vmem_shared>>
        %dma_start3A_836 = tpu.memref_slice %arg13[%multiple_of3A] : memref<2208xi32, #tpu.memory_space<vmem_shared>> -> memref<1040xi32, #tpu.memory_space<vmem_shared>>
        tpu.enqueue_dma source(%arg9 : memref<1040xi32, #tpu.memory_space<vmem>>) target(%dma_start3A_836 : memref<1040xi32, #tpu.memory_space<vmem_shared>>) target_semaphore(%run_scoped3A : memref<!tpu.dma_semaphore, #tpu.memory_space<semaphore_mem>>)
        %dma_wait3A = tpu.memref_slice %arg13[%multiple_of3A] : memref<2208xi32, #tpu.memory_space<vmem_shared>> -> memref<1040xi32, #tpu.memory_space<vmem_shared>>
        %dma_wait3A_837 = tpu.memref_slice %arg13[%multiple_of3A] : memref<2208xi32, #tpu.memory_space<vmem_shared>> -> memref<1040xi32, #tpu.memory_space<vmem_shared>>
        tpu.wait_dma2 semaphore(%run_scoped3A : memref<!tpu.dma_semaphore, #tpu.memory_space<semaphore_mem>>) src(%arg9 : memref<1040xi32, #tpu.memory_space<vmem>>) dst(%dma_wait3A_837 : memref<1040xi32, #tpu.memory_space<vmem_shared>>)
        tpu.yield
      }) : () -> ()
    } else {
    }
    %barrier3A_758 = arith.constant 0 : index
    tpu.barrier barrier_id(%barrier3A_758)
    %eq3A_759 = arith.constant 4 : i32
    %eq3A_760 = arith.cmpi eq, %arg1, %eq3A_759 : i32
    %convert_element_type3A_761 = arith.extui %eq3A_760 : i1 to i32
    %cond3A_762 = arith.constant 0 : i32
    %cond3A_763 = arith.cmpi ne, %convert_element_type3A_761, %cond3A_762 : i32
    scf.if %cond3A_763 {
      %multiple_of3A = tpu.assume_multiple %add3A_725, 8 : i32
      "tpu.region"() ({
        %run_scoped3A = tpu.sem_alloc : memref<!tpu.dma_semaphore, #tpu.memory_space<semaphore_mem>>
        %dma_start3A = tpu.memref_slice %arg13[%multiple_of3A] : memref<2208xi32, #tpu.memory_space<vmem_shared>> -> memref<1040xi32, #tpu.memory_space<vmem_shared>>
        %dma_start3A_836 = tpu.memref_slice %arg13[%multiple_of3A] : memref<2208xi32, #tpu.memory_space<vmem_shared>> -> memref<1040xi32, #tpu.memory_space<vmem_shared>>
        tpu.enqueue_dma source(%arg9 : memref<1040xi32, #tpu.memory_space<vmem>>) target(%dma_start3A_836 : memref<1040xi32, #tpu.memory_space<vmem_shared>>) target_semaphore(%run_scoped3A : memref<!tpu.dma_semaphore, #tpu.memory_space<semaphore_mem>>)
        %dma_wait3A = tpu.memref_slice %arg13[%multiple_of3A] : memref<2208xi32, #tpu.memory_space<vmem_shared>> -> memref<1040xi32, #tpu.memory_space<vmem_shared>>
        %dma_wait3A_837 = tpu.memref_slice %arg13[%multiple_of3A] : memref<2208xi32, #tpu.memory_space<vmem_shared>> -> memref<1040xi32, #tpu.memory_space<vmem_shared>>
        tpu.wait_dma2 semaphore(%run_scoped3A : memref<!tpu.dma_semaphore, #tpu.memory_space<semaphore_mem>>) src(%arg9 : memref<1040xi32, #tpu.memory_space<vmem>>) dst(%dma_wait3A_837 : memref<1040xi32, #tpu.memory_space<vmem_shared>>)
        tpu.yield
      }) : () -> ()
    } else {
    }
    %barrier3A_764 = arith.constant 0 : index
    tpu.barrier barrier_id(%barrier3A_764)
    %eq3A_765 = arith.constant 5 : i32
    %eq3A_766 = arith.cmpi eq, %arg1, %eq3A_765 : i32
    %convert_element_type3A_767 = arith.extui %eq3A_766 : i1 to i32
    %cond3A_768 = arith.constant 0 : i32
    %cond3A_769 = arith.cmpi ne, %convert_element_type3A_767, %cond3A_768 : i32
    scf.if %cond3A_769 {
      %multiple_of3A = tpu.assume_multiple %add3A_725, 8 : i32
      "tpu.region"() ({
        %run_scoped3A = tpu.sem_alloc : memref<!tpu.dma_semaphore, #tpu.memory_space<semaphore_mem>>
        %dma_start3A = tpu.memref_slice %arg13[%multiple_of3A] : memref<2208xi32, #tpu.memory_space<vmem_shared>> -> memref<1040xi32, #tpu.memory_space<vmem_shared>>
        %dma_start3A_836 = tpu.memref_slice %arg13[%multiple_of3A] : memref<2208xi32, #tpu.memory_space<vmem_shared>> -> memref<1040xi32, #tpu.memory_space<vmem_shared>>
        tpu.enqueue_dma source(%arg9 : memref<1040xi32, #tpu.memory_space<vmem>>) target(%dma_start3A_836 : memref<1040xi32, #tpu.memory_space<vmem_shared>>) target_semaphore(%run_scoped3A : memref<!tpu.dma_semaphore, #tpu.memory_space<semaphore_mem>>)
        %dma_wait3A = tpu.memref_slice %arg13[%multiple_of3A] : memref<2208xi32, #tpu.memory_space<vmem_shared>> -> memref<1040xi32, #tpu.memory_space<vmem_shared>>
        %dma_wait3A_837 = tpu.memref_slice %arg13[%multiple_of3A] : memref<2208xi32, #tpu.memory_space<vmem_shared>> -> memref<1040xi32, #tpu.memory_space<vmem_shared>>
        tpu.wait_dma2 semaphore(%run_scoped3A : memref<!tpu.dma_semaphore, #tpu.memory_space<semaphore_mem>>) src(%arg9 : memref<1040xi32, #tpu.memory_space<vmem>>) dst(%dma_wait3A_837 : memref<1040xi32, #tpu.memory_space<vmem_shared>>)
        tpu.yield
      }) : () -> ()
    } else {
    }
    %barrier3A_770 = arith.constant 0 : index
    tpu.barrier barrier_id(%barrier3A_770)
    %eq3A_771 = arith.constant 6 : i32
    %eq3A_772 = arith.cmpi eq, %arg1, %eq3A_771 : i32
    %convert_element_type3A_773 = arith.extui %eq3A_772 : i1 to i32
    %cond3A_774 = arith.constant 0 : i32
    %cond3A_775 = arith.cmpi ne, %convert_element_type3A_773, %cond3A_774 : i32
    scf.if %cond3A_775 {
      %multiple_of3A = tpu.assume_multiple %add3A_725, 8 : i32
      "tpu.region"() ({
        %run_scoped3A = tpu.sem_alloc : memref<!tpu.dma_semaphore, #tpu.memory_space<semaphore_mem>>
        %dma_start3A = tpu.memref_slice %arg13[%multiple_of3A] : memref<2208xi32, #tpu.memory_space<vmem_shared>> -> memref<1040xi32, #tpu.memory_space<vmem_shared>>
        %dma_start3A_836 = tpu.memref_slice %arg13[%multiple_of3A] : memref<2208xi32, #tpu.memory_space<vmem_shared>> -> memref<1040xi32, #tpu.memory_space<vmem_shared>>
        tpu.enqueue_dma source(%arg9 : memref<1040xi32, #tpu.memory_space<vmem>>) target(%dma_start3A_836 : memref<1040xi32, #tpu.memory_space<vmem_shared>>) target_semaphore(%run_scoped3A : memref<!tpu.dma_semaphore, #tpu.memory_space<semaphore_mem>>)
        %dma_wait3A = tpu.memref_slice %arg13[%multiple_of3A] : memref<2208xi32, #tpu.memory_space<vmem_shared>> -> memref<1040xi32, #tpu.memory_space<vmem_shared>>
        %dma_wait3A_837 = tpu.memref_slice %arg13[%multiple_of3A] : memref<2208xi32, #tpu.memory_space<vmem_shared>> -> memref<1040xi32, #tpu.memory_space<vmem_shared>>
        tpu.wait_dma2 semaphore(%run_scoped3A : memref<!tpu.dma_semaphore, #tpu.memory_space<semaphore_mem>>) src(%arg9 : memref<1040xi32, #tpu.memory_space<vmem>>) dst(%dma_wait3A_837 : memref<1040xi32, #tpu.memory_space<vmem_shared>>)
        tpu.yield
      }) : () -> ()
    } else {
    }
    %barrier3A_776 = arith.constant 0 : index
    tpu.barrier barrier_id(%barrier3A_776)
    %eq3A_777 = arith.constant 7 : i32
    %eq3A_778 = arith.cmpi eq, %arg1, %eq3A_777 : i32
    %convert_element_type3A_779 = arith.extui %eq3A_778 : i1 to i32
    %cond3A_780 = arith.constant 0 : i32
    %cond3A_781 = arith.cmpi ne, %convert_element_type3A_779, %cond3A_780 : i32
    scf.if %cond3A_781 {
      %multiple_of3A = tpu.assume_multiple %add3A_725, 8 : i32
      "tpu.region"() ({
        %run_scoped3A = tpu.sem_alloc : memref<!tpu.dma_semaphore, #tpu.memory_space<semaphore_mem>>
        %dma_start3A = tpu.memref_slice %arg13[%multiple_of3A] : memref<2208xi32, #tpu.memory_space<vmem_shared>> -> memref<1040xi32, #tpu.memory_space<vmem_shared>>
        %dma_start3A_836 = tpu.memref_slice %arg13[%multiple_of3A] : memref<2208xi32, #tpu.memory_space<vmem_shared>> -> memref<1040xi32, #tpu.memory_space<vmem_shared>>
        tpu.enqueue_dma source(%arg9 : memref<1040xi32, #tpu.memory_space<vmem>>) target(%dma_start3A_836 : memref<1040xi32, #tpu.memory_space<vmem_shared>>) target_semaphore(%run_scoped3A : memref<!tpu.dma_semaphore, #tpu.memory_space<semaphore_mem>>)
        %dma_wait3A = tpu.memref_slice %arg13[%multiple_of3A] : memref<2208xi32, #tpu.memory_space<vmem_shared>> -> memref<1040xi32, #tpu.memory_space<vmem_shared>>
        %dma_wait3A_837 = tpu.memref_slice %arg13[%multiple_of3A] : memref<2208xi32, #tpu.memory_space<vmem_shared>> -> memref<1040xi32, #tpu.memory_space<vmem_shared>>
        tpu.wait_dma2 semaphore(%run_scoped3A : memref<!tpu.dma_semaphore, #tpu.memory_space<semaphore_mem>>) src(%arg9 : memref<1040xi32, #tpu.memory_space<vmem>>) dst(%dma_wait3A_837 : memref<1040xi32, #tpu.memory_space<vmem_shared>>)
        tpu.yield
      }) : () -> ()
    } else {
    }
    %barrier3A_782 = arith.constant 0 : index
    tpu.barrier barrier_id(%barrier3A_782)
    %eq3A_783 = arith.constant 8 : i32
    %eq3A_784 = arith.cmpi eq, %arg1, %eq3A_783 : i32
    %convert_element_type3A_785 = arith.extui %eq3A_784 : i1 to i32
    %cond3A_786 = arith.constant 0 : i32
    %cond3A_787 = arith.cmpi ne, %convert_element_type3A_785, %cond3A_786 : i32
    scf.if %cond3A_787 {
      %multiple_of3A = tpu.assume_multiple %add3A_725, 8 : i32
      "tpu.region"() ({
        %run_scoped3A = tpu.sem_alloc : memref<!tpu.dma_semaphore, #tpu.memory_space<semaphore_mem>>
        %dma_start3A = tpu.memref_slice %arg13[%multiple_of3A] : memref<2208xi32, #tpu.memory_space<vmem_shared>> -> memref<1040xi32, #tpu.memory_space<vmem_shared>>
        %dma_start3A_836 = tpu.memref_slice %arg13[%multiple_of3A] : memref<2208xi32, #tpu.memory_space<vmem_shared>> -> memref<1040xi32, #tpu.memory_space<vmem_shared>>
        tpu.enqueue_dma source(%arg9 : memref<1040xi32, #tpu.memory_space<vmem>>) target(%dma_start3A_836 : memref<1040xi32, #tpu.memory_space<vmem_shared>>) target_semaphore(%run_scoped3A : memref<!tpu.dma_semaphore, #tpu.memory_space<semaphore_mem>>)
        %dma_wait3A = tpu.memref_slice %arg13[%multiple_of3A] : memref<2208xi32, #tpu.memory_space<vmem_shared>> -> memref<1040xi32, #tpu.memory_space<vmem_shared>>
        %dma_wait3A_837 = tpu.memref_slice %arg13[%multiple_of3A] : memref<2208xi32, #tpu.memory_space<vmem_shared>> -> memref<1040xi32, #tpu.memory_space<vmem_shared>>
        tpu.wait_dma2 semaphore(%run_scoped3A : memref<!tpu.dma_semaphore, #tpu.memory_space<semaphore_mem>>) src(%arg9 : memref<1040xi32, #tpu.memory_space<vmem>>) dst(%dma_wait3A_837 : memref<1040xi32, #tpu.memory_space<vmem_shared>>)
        tpu.yield
      }) : () -> ()
    } else {
    }
    %barrier3A_788 = arith.constant 0 : index
    tpu.barrier barrier_id(%barrier3A_788)
    %eq3A_789 = arith.constant 9 : i32
    %eq3A_790 = arith.cmpi eq, %arg1, %eq3A_789 : i32
    %convert_element_type3A_791 = arith.extui %eq3A_790 : i1 to i32
    %cond3A_792 = arith.constant 0 : i32
    %cond3A_793 = arith.cmpi ne, %convert_element_type3A_791, %cond3A_792 : i32
    scf.if %cond3A_793 {
      %multiple_of3A = tpu.assume_multiple %add3A_725, 8 : i32
      "tpu.region"() ({
        %run_scoped3A = tpu.sem_alloc : memref<!tpu.dma_semaphore, #tpu.memory_space<semaphore_mem>>
        %dma_start3A = tpu.memref_slice %arg13[%multiple_of3A] : memref<2208xi32, #tpu.memory_space<vmem_shared>> -> memref<1040xi32, #tpu.memory_space<vmem_shared>>
        %dma_start3A_836 = tpu.memref_slice %arg13[%multiple_of3A] : memref<2208xi32, #tpu.memory_space<vmem_shared>> -> memref<1040xi32, #tpu.memory_space<vmem_shared>>
        tpu.enqueue_dma source(%arg9 : memref<1040xi32, #tpu.memory_space<vmem>>) target(%dma_start3A_836 : memref<1040xi32, #tpu.memory_space<vmem_shared>>) target_semaphore(%run_scoped3A : memref<!tpu.dma_semaphore, #tpu.memory_space<semaphore_mem>>)
        %dma_wait3A = tpu.memref_slice %arg13[%multiple_of3A] : memref<2208xi32, #tpu.memory_space<vmem_shared>> -> memref<1040xi32, #tpu.memory_space<vmem_shared>>
        %dma_wait3A_837 = tpu.memref_slice %arg13[%multiple_of3A] : memref<2208xi32, #tpu.memory_space<vmem_shared>> -> memref<1040xi32, #tpu.memory_space<vmem_shared>>
        tpu.wait_dma2 semaphore(%run_scoped3A : memref<!tpu.dma_semaphore, #tpu.memory_space<semaphore_mem>>) src(%arg9 : memref<1040xi32, #tpu.memory_space<vmem>>) dst(%dma_wait3A_837 : memref<1040xi32, #tpu.memory_space<vmem_shared>>)
        tpu.yield
      }) : () -> ()
    } else {
    }
    %barrier3A_794 = arith.constant 0 : index
    tpu.barrier barrier_id(%barrier3A_794)
    %eq3A_795 = arith.constant 10 : i32
    %eq3A_796 = arith.cmpi eq, %arg1, %eq3A_795 : i32
    %convert_element_type3A_797 = arith.extui %eq3A_796 : i1 to i32
    %cond3A_798 = arith.constant 0 : i32
    %cond3A_799 = arith.cmpi ne, %convert_element_type3A_797, %cond3A_798 : i32
    scf.if %cond3A_799 {
      %multiple_of3A = tpu.assume_multiple %add3A_725, 8 : i32
      "tpu.region"() ({
        %run_scoped3A = tpu.sem_alloc : memref<!tpu.dma_semaphore, #tpu.memory_space<semaphore_mem>>
        %dma_start3A = tpu.memref_slice %arg13[%multiple_of3A] : memref<2208xi32, #tpu.memory_space<vmem_shared>> -> memref<1040xi32, #tpu.memory_space<vmem_shared>>
        %dma_start3A_836 = tpu.memref_slice %arg13[%multiple_of3A] : memref<2208xi32, #tpu.memory_space<vmem_shared>> -> memref<1040xi32, #tpu.memory_space<vmem_shared>>
        tpu.enqueue_dma source(%arg9 : memref<1040xi32, #tpu.memory_space<vmem>>) target(%dma_start3A_836 : memref<1040xi32, #tpu.memory_space<vmem_shared>>) target_semaphore(%run_scoped3A : memref<!tpu.dma_semaphore, #tpu.memory_space<semaphore_mem>>)
        %dma_wait3A = tpu.memref_slice %arg13[%multiple_of3A] : memref<2208xi32, #tpu.memory_space<vmem_shared>> -> memref<1040xi32, #tpu.memory_space<vmem_shared>>
        %dma_wait3A_837 = tpu.memref_slice %arg13[%multiple_of3A] : memref<2208xi32, #tpu.memory_space<vmem_shared>> -> memref<1040xi32, #tpu.memory_space<vmem_shared>>
        tpu.wait_dma2 semaphore(%run_scoped3A : memref<!tpu.dma_semaphore, #tpu.memory_space<semaphore_mem>>) src(%arg9 : memref<1040xi32, #tpu.memory_space<vmem>>) dst(%dma_wait3A_837 : memref<1040xi32, #tpu.memory_space<vmem_shared>>)
        tpu.yield
      }) : () -> ()
    } else {
    }
    %barrier3A_800 = arith.constant 0 : index
    tpu.barrier barrier_id(%barrier3A_800)
    %eq3A_801 = arith.constant 11 : i32
    %eq3A_802 = arith.cmpi eq, %arg1, %eq3A_801 : i32
    %convert_element_type3A_803 = arith.extui %eq3A_802 : i1 to i32
    %cond3A_804 = arith.constant 0 : i32
    %cond3A_805 = arith.cmpi ne, %convert_element_type3A_803, %cond3A_804 : i32
    scf.if %cond3A_805 {
      %multiple_of3A = tpu.assume_multiple %add3A_725, 8 : i32
      "tpu.region"() ({
        %run_scoped3A = tpu.sem_alloc : memref<!tpu.dma_semaphore, #tpu.memory_space<semaphore_mem>>
        %dma_start3A = tpu.memref_slice %arg13[%multiple_of3A] : memref<2208xi32, #tpu.memory_space<vmem_shared>> -> memref<1040xi32, #tpu.memory_space<vmem_shared>>
        %dma_start3A_836 = tpu.memref_slice %arg13[%multiple_of3A] : memref<2208xi32, #tpu.memory_space<vmem_shared>> -> memref<1040xi32, #tpu.memory_space<vmem_shared>>
        tpu.enqueue_dma source(%arg9 : memref<1040xi32, #tpu.memory_space<vmem>>) target(%dma_start3A_836 : memref<1040xi32, #tpu.memory_space<vmem_shared>>) target_semaphore(%run_scoped3A : memref<!tpu.dma_semaphore, #tpu.memory_space<semaphore_mem>>)
        %dma_wait3A = tpu.memref_slice %arg13[%multiple_of3A] : memref<2208xi32, #tpu.memory_space<vmem_shared>> -> memref<1040xi32, #tpu.memory_space<vmem_shared>>
        %dma_wait3A_837 = tpu.memref_slice %arg13[%multiple_of3A] : memref<2208xi32, #tpu.memory_space<vmem_shared>> -> memref<1040xi32, #tpu.memory_space<vmem_shared>>
        tpu.wait_dma2 semaphore(%run_scoped3A : memref<!tpu.dma_semaphore, #tpu.memory_space<semaphore_mem>>) src(%arg9 : memref<1040xi32, #tpu.memory_space<vmem>>) dst(%dma_wait3A_837 : memref<1040xi32, #tpu.memory_space<vmem_shared>>)
        tpu.yield
      }) : () -> ()
    } else {
    }
    %barrier3A_806 = arith.constant 0 : index
    tpu.barrier barrier_id(%barrier3A_806)
    %eq3A_807 = arith.constant 12 : i32
    %eq3A_808 = arith.cmpi eq, %arg1, %eq3A_807 : i32
    %convert_element_type3A_809 = arith.extui %eq3A_808 : i1 to i32
    %cond3A_810 = arith.constant 0 : i32
    %cond3A_811 = arith.cmpi ne, %convert_element_type3A_809, %cond3A_810 : i32
    scf.if %cond3A_811 {
      %multiple_of3A = tpu.assume_multiple %add3A_725, 8 : i32
      "tpu.region"() ({
        %run_scoped3A = tpu.sem_alloc : memref<!tpu.dma_semaphore, #tpu.memory_space<semaphore_mem>>
        %dma_start3A = tpu.memref_slice %arg13[%multiple_of3A] : memref<2208xi32, #tpu.memory_space<vmem_shared>> -> memref<1040xi32, #tpu.memory_space<vmem_shared>>
        %dma_start3A_836 = tpu.memref_slice %arg13[%multiple_of3A] : memref<2208xi32, #tpu.memory_space<vmem_shared>> -> memref<1040xi32, #tpu.memory_space<vmem_shared>>
        tpu.enqueue_dma source(%arg9 : memref<1040xi32, #tpu.memory_space<vmem>>) target(%dma_start3A_836 : memref<1040xi32, #tpu.memory_space<vmem_shared>>) target_semaphore(%run_scoped3A : memref<!tpu.dma_semaphore, #tpu.memory_space<semaphore_mem>>)
        %dma_wait3A = tpu.memref_slice %arg13[%multiple_of3A] : memref<2208xi32, #tpu.memory_space<vmem_shared>> -> memref<1040xi32, #tpu.memory_space<vmem_shared>>
        %dma_wait3A_837 = tpu.memref_slice %arg13[%multiple_of3A] : memref<2208xi32, #tpu.memory_space<vmem_shared>> -> memref<1040xi32, #tpu.memory_space<vmem_shared>>
        tpu.wait_dma2 semaphore(%run_scoped3A : memref<!tpu.dma_semaphore, #tpu.memory_space<semaphore_mem>>) src(%arg9 : memref<1040xi32, #tpu.memory_space<vmem>>) dst(%dma_wait3A_837 : memref<1040xi32, #tpu.memory_space<vmem_shared>>)
        tpu.yield
      }) : () -> ()
    } else {
    }
    %barrier3A_812 = arith.constant 0 : index
    tpu.barrier barrier_id(%barrier3A_812)
    %eq3A_813 = arith.constant 13 : i32
    %eq3A_814 = arith.cmpi eq, %arg1, %eq3A_813 : i32
    %convert_element_type3A_815 = arith.extui %eq3A_814 : i1 to i32
    %cond3A_816 = arith.constant 0 : i32
    %cond3A_817 = arith.cmpi ne, %convert_element_type3A_815, %cond3A_816 : i32
    scf.if %cond3A_817 {
      %multiple_of3A = tpu.assume_multiple %add3A_725, 8 : i32
      "tpu.region"() ({
        %run_scoped3A = tpu.sem_alloc : memref<!tpu.dma_semaphore, #tpu.memory_space<semaphore_mem>>
        %dma_start3A = tpu.memref_slice %arg13[%multiple_of3A] : memref<2208xi32, #tpu.memory_space<vmem_shared>> -> memref<1040xi32, #tpu.memory_space<vmem_shared>>
        %dma_start3A_836 = tpu.memref_slice %arg13[%multiple_of3A] : memref<2208xi32, #tpu.memory_space<vmem_shared>> -> memref<1040xi32, #tpu.memory_space<vmem_shared>>
        tpu.enqueue_dma source(%arg9 : memref<1040xi32, #tpu.memory_space<vmem>>) target(%dma_start3A_836 : memref<1040xi32, #tpu.memory_space<vmem_shared>>) target_semaphore(%run_scoped3A : memref<!tpu.dma_semaphore, #tpu.memory_space<semaphore_mem>>)
        %dma_wait3A = tpu.memref_slice %arg13[%multiple_of3A] : memref<2208xi32, #tpu.memory_space<vmem_shared>> -> memref<1040xi32, #tpu.memory_space<vmem_shared>>
        %dma_wait3A_837 = tpu.memref_slice %arg13[%multiple_of3A] : memref<2208xi32, #tpu.memory_space<vmem_shared>> -> memref<1040xi32, #tpu.memory_space<vmem_shared>>
        tpu.wait_dma2 semaphore(%run_scoped3A : memref<!tpu.dma_semaphore, #tpu.memory_space<semaphore_mem>>) src(%arg9 : memref<1040xi32, #tpu.memory_space<vmem>>) dst(%dma_wait3A_837 : memref<1040xi32, #tpu.memory_space<vmem_shared>>)
        tpu.yield
      }) : () -> ()
    } else {
    }
    %barrier3A_818 = arith.constant 0 : index
    tpu.barrier barrier_id(%barrier3A_818)
    %eq3A_819 = arith.constant 14 : i32
    %eq3A_820 = arith.cmpi eq, %arg1, %eq3A_819 : i32
    %convert_element_type3A_821 = arith.extui %eq3A_820 : i1 to i32
    %cond3A_822 = arith.constant 0 : i32
    %cond3A_823 = arith.cmpi ne, %convert_element_type3A_821, %cond3A_822 : i32
    scf.if %cond3A_823 {
      %multiple_of3A = tpu.assume_multiple %add3A_725, 8 : i32
      "tpu.region"() ({
        %run_scoped3A = tpu.sem_alloc : memref<!tpu.dma_semaphore, #tpu.memory_space<semaphore_mem>>
        %dma_start3A = tpu.memref_slice %arg13[%multiple_of3A] : memref<2208xi32, #tpu.memory_space<vmem_shared>> -> memref<1040xi32, #tpu.memory_space<vmem_shared>>
        %dma_start3A_836 = tpu.memref_slice %arg13[%multiple_of3A] : memref<2208xi32, #tpu.memory_space<vmem_shared>> -> memref<1040xi32, #tpu.memory_space<vmem_shared>>
        tpu.enqueue_dma source(%arg9 : memref<1040xi32, #tpu.memory_space<vmem>>) target(%dma_start3A_836 : memref<1040xi32, #tpu.memory_space<vmem_shared>>) target_semaphore(%run_scoped3A : memref<!tpu.dma_semaphore, #tpu.memory_space<semaphore_mem>>)
        %dma_wait3A = tpu.memref_slice %arg13[%multiple_of3A] : memref<2208xi32, #tpu.memory_space<vmem_shared>> -> memref<1040xi32, #tpu.memory_space<vmem_shared>>
        %dma_wait3A_837 = tpu.memref_slice %arg13[%multiple_of3A] : memref<2208xi32, #tpu.memory_space<vmem_shared>> -> memref<1040xi32, #tpu.memory_space<vmem_shared>>
        tpu.wait_dma2 semaphore(%run_scoped3A : memref<!tpu.dma_semaphore, #tpu.memory_space<semaphore_mem>>) src(%arg9 : memref<1040xi32, #tpu.memory_space<vmem>>) dst(%dma_wait3A_837 : memref<1040xi32, #tpu.memory_space<vmem_shared>>)
        tpu.yield
      }) : () -> ()
    } else {
    }
    %barrier3A_824 = arith.constant 0 : index
    tpu.barrier barrier_id(%barrier3A_824)
    %eq3A_825 = arith.constant 15 : i32
    %eq3A_826 = arith.cmpi eq, %arg1, %eq3A_825 : i32
    %convert_element_type3A_827 = arith.extui %eq3A_826 : i1 to i32
    %cond3A_828 = arith.constant 0 : i32
    %cond3A_829 = arith.cmpi ne, %convert_element_type3A_827, %cond3A_828 : i32
    scf.if %cond3A_829 {
      %multiple_of3A = tpu.assume_multiple %add3A_725, 8 : i32
      "tpu.region"() ({
        %run_scoped3A = tpu.sem_alloc : memref<!tpu.dma_semaphore, #tpu.memory_space<semaphore_mem>>
        %dma_start3A = tpu.memref_slice %arg13[%multiple_of3A] : memref<2208xi32, #tpu.memory_space<vmem_shared>> -> memref<1040xi32, #tpu.memory_space<vmem_shared>>
        %dma_start3A_836 = tpu.memref_slice %arg13[%multiple_of3A] : memref<2208xi32, #tpu.memory_space<vmem_shared>> -> memref<1040xi32, #tpu.memory_space<vmem_shared>>
        tpu.enqueue_dma source(%arg9 : memref<1040xi32, #tpu.memory_space<vmem>>) target(%dma_start3A_836 : memref<1040xi32, #tpu.memory_space<vmem_shared>>) target_semaphore(%run_scoped3A : memref<!tpu.dma_semaphore, #tpu.memory_space<semaphore_mem>>)
        %dma_wait3A = tpu.memref_slice %arg13[%multiple_of3A] : memref<2208xi32, #tpu.memory_space<vmem_shared>> -> memref<1040xi32, #tpu.memory_space<vmem_shared>>
        %dma_wait3A_837 = tpu.memref_slice %arg13[%multiple_of3A] : memref<2208xi32, #tpu.memory_space<vmem_shared>> -> memref<1040xi32, #tpu.memory_space<vmem_shared>>
        tpu.wait_dma2 semaphore(%run_scoped3A : memref<!tpu.dma_semaphore, #tpu.memory_space<semaphore_mem>>) src(%arg9 : memref<1040xi32, #tpu.memory_space<vmem>>) dst(%dma_wait3A_837 : memref<1040xi32, #tpu.memory_space<vmem_shared>>)
        tpu.yield
      }) : () -> ()
    } else {
    }
    %barrier3A_830 = arith.constant 0 : index
    tpu.barrier barrier_id(%barrier3A_830)
    %eq3A_831 = arith.constant 0 : i32
    %eq3A_832 = arith.cmpi eq, %arg1, %eq3A_831 : i32
    %convert_element_type3A_833 = arith.extui %eq3A_832 : i1 to i32
    %cond3A_834 = arith.constant 0 : i32
    %cond3A_835 = arith.cmpi ne, %convert_element_type3A_833, %cond3A_834 : i32
    scf.if %cond3A_835 {
      %get3A_836 = arith.constant 0 : i32
      %get3A_837 = arith.index_cast %get3A_836 : i32 to index
      %get3A_838 = arith.constant 0 : index
      %get3A_839 = tpu.vector_load %arg8[%get3A_837, %get3A_838] {strides = array<i32>} : memref<16x16xi32, #tpu.memory_space<vmem>>, vector<1x16xi32>,
      %get3A_840 = vector.shape_cast %get3A_839 : vector<1x16xi32> to vector<16xi32>
      %slice3A_841 = vector.extract_strided_slice %get3A_840 {offsets = [0], sizes = [1], strides = [1]} : vector<16xi32> to vector<1xi32>
      %squeeze3A_842 = vector.extract %slice3A_841[0] : i32 from vector<1xi32>
      %sub3A_843 = arith.constant 0 : i32
      %sub3A_844 = arith.subi %sub3A_277, %sub3A_843 : i32
      %slice3A_845 = vector.extract_strided_slice %get3A_840 {offsets = [1], sizes = [1], strides = [1]} : vector<16xi32> to vector<1xi32>
      %squeeze3A_846 = vector.extract %slice3A_845[0] : i32 from vector<1xi32>
      %jit3A_847 = arith.constant 0 : i32
      %max3A_848 = arith.maxsi %jit3A_847, %sub3A_844 : i32
      %min3A_849 = arith.minsi %squeeze3A_846, %max3A_848 : i32
      %add3A_850 = arith.addi %squeeze3A_842, %min3A_849 : i32
      %multiple_of3A = arith.constant 0 : i32
      %multiple_of3A_851 = tpu.assume_multiple %multiple_of3A, 8 : i32
      "tpu.region"() ({
        %run_scoped3A = tpu.sem_alloc : memref<!tpu.dma_semaphore, #tpu.memory_space<semaphore_mem>>
        %dma_start3A = tpu.memref_slice %arg13[%multiple_of3A_851] : memref<2208xi32, #tpu.memory_space<vmem_shared>> -> memref<1048xi32, #tpu.memory_space<vmem_shared>>
        %dma_start3A_1512 = tpu.memref_slice %arg13[%multiple_of3A_851] : memref<2208xi32, #tpu.memory_space<vmem_shared>> -> memref<1048xi32, #tpu.memory_space<vmem_shared>>
        tpu.enqueue_dma source(%dma_start3A_1512 : memref<1048xi32, #tpu.memory_space<vmem_shared>>) target(%arg10 : memref<1048xi32, #tpu.memory_space<vmem>>) target_semaphore(%run_scoped3A : memref<!tpu.dma_semaphore, #tpu.memory_space<semaphore_mem>>)
        %dma_wait3A = tpu.memref_slice %arg13[%multiple_of3A_851] : memref<2208xi32, #tpu.memory_space<vmem_shared>> -> memref<1048xi32, #tpu.memory_space<vmem_shared>>
        %dma_wait3A_1513 = tpu.memref_slice %arg13[%multiple_of3A_851] : memref<2208xi32, #tpu.memory_space<vmem_shared>> -> memref<1048xi32, #tpu.memory_space<vmem_shared>>
        tpu.wait_dma2 semaphore(%run_scoped3A : memref<!tpu.dma_semaphore, #tpu.memory_space<semaphore_mem>>) src(%dma_wait3A_1513 : memref<1048xi32, #tpu.memory_space<vmem_shared>>) dst(%arg10 : memref<1048xi32, #tpu.memory_space<vmem>>)
        tpu.yield
      }) : () -> ()
      %add3A_852 = arith.constant 15 : i32
      %add3A_853 = arith.addi %add3A_850, %add3A_852 : i32
      %shift_right_arithmetic3A_854 = arith.constant 4 : i32
      %shift_right_arithmetic3A_855 = arith.shrsi %add3A_853, %shift_right_arithmetic3A_854 : i32
      %while3A = arith.constant 0 : i32
      %while3A_856 = arith.constant 0 : i32
      %while3A_857 = arith.constant 0 : i32
      %while3A_858 = arith.subi %shift_right_arithmetic3A_855, %while3A_856 : i32
      %while3A_859 = arith.addi %while3A_856, %while3A_858 : i32
      %while3A_860 = arith.constant 1 : i32
      %while3A_861 = arith.divsi %while3A_858, %while3A_860 : i32
      %while3A_862 = arith.muli %while3A_861, %while3A_860 : i32
      %while3A_863 = arith.addi %while3A_856, %while3A_862 : i32
      %while3A_864 = arith.constant 1 : i32
      %while3A_865 = scf.for %while3A_1512 = %while3A_856 to %while3A_863 step %while3A_864 iter_args(%while3A_1513 = %while3A_857) -> (i32)  : i32 {
        %mul3A_1514 = arith.constant 16 : i32
        %mul3A_1515 = arith.muli %while3A_1512, %mul3A_1514 : i32
        %get3A_1516 = arith.index_cast %mul3A_1515 : i32 to index
        %get3A_1517 = tpu.vector_load %arg10[%get3A_1516] {strides = array<i32>} : memref<1048xi32, #tpu.memory_space<vmem>>, vector<16xi32>,
        %get3A_1518 = vector.shape_cast %get3A_1517 : vector<16xi32> to vector<16xi32>
        %mul3A_1519 = arith.constant 16 : i32
        %mul3A_1520 = arith.muli %while3A_1512, %mul3A_1519 : i32
        %add3A_1521 = arith.addi %while3A, %mul3A_1520 : i32
        %swap3A_1522 = arith.index_cast %add3A_1521 : i32 to index
        %swap3A_1523 = tpu.vector_load %arg11[%swap3A_1522] {strides = array<i32>} : memref<1056xi32, #tpu.memory_space<vmem>>, vector<16xi32>,
        %swap3A_1524 = vector.shape_cast %swap3A_1523 : vector<16xi32> to vector<16xi32>
        %swap3A_1525 = vector.shape_cast %get3A_1518 : vector<16xi32> to vector<16xi32>
        tpu.vector_store %arg11[%swap3A_1522], %swap3A_1525 {strides = array<i32>} : memref<1056xi32, #tpu.memory_space<vmem>>, vector<16xi32>,
        %while3A_1526 = arith.constant 0 : i32
        scf.yield %while3A_1526 : i32
      }
      %while3A_866 = arith.constant 1 : i32
      %while3A_867 = scf.for %while3A_1512 = %while3A_863 to %while3A_859 step %while3A_866 iter_args(%while3A_1513 = %while3A_865) -> (i32)  : i32 {
        %mul3A_1514 = arith.constant 16 : i32
        %mul3A_1515 = arith.muli %while3A_1512, %mul3A_1514 : i32
        %get3A_1516 = arith.index_cast %mul3A_1515 : i32 to index
        %get3A_1517 = tpu.vector_load %arg10[%get3A_1516] {strides = array<i32>} : memref<1048xi32, #tpu.memory_space<vmem>>, vector<16xi32>,
        %get3A_1518 = vector.shape_cast %get3A_1517 : vector<16xi32> to vector<16xi32>
        %mul3A_1519 = arith.constant 16 : i32
        %mul3A_1520 = arith.muli %while3A_1512, %mul3A_1519 : i32
        %add3A_1521 = arith.addi %while3A, %mul3A_1520 : i32
        %swap3A_1522 = arith.index_cast %add3A_1521 : i32 to index
        %swap3A_1523 = tpu.vector_load %arg11[%swap3A_1522] {strides = array<i32>} : memref<1056xi32, #tpu.memory_space<vmem>>, vector<16xi32>,
        %swap3A_1524 = vector.shape_cast %swap3A_1523 : vector<16xi32> to vector<16xi32>
        %swap3A_1525 = vector.shape_cast %get3A_1518 : vector<16xi32> to vector<16xi32>
        tpu.vector_store %arg11[%swap3A_1522], %swap3A_1525 {strides = array<i32>} : memref<1056xi32, #tpu.memory_space<vmem>>, vector<16xi32>,
        %while3A_1526 = arith.constant 0 : i32
        scf.yield %while3A_1526 : i32
      }
      %add3A_868 = arith.constant 0 : i32
      %add3A_869 = arith.addi %add3A_868, %add3A_850 : i32
      %add3A_870 = arith.constant 7 : i32
      %add3A_871 = arith.addi %add3A_850, %add3A_870 : i32
      %shift_right_arithmetic3A_872 = arith.constant 3 : i32
      %shift_right_arithmetic3A_873 = arith.shrsi %add3A_871, %shift_right_arithmetic3A_872 : i32
      %shift_left3A_874 = arith.constant 3 : i32
      %shift_left3A_875 = arith.shli %shift_right_arithmetic3A_873, %shift_left3A_874 : i32
      %add3A_876 = arith.constant 0 : i32
      %add3A_877 = arith.addi %add3A_876, %shift_left3A_875 : i32
      %slice3A_878 = vector.extract_strided_slice %get3A_840 {offsets = [1], sizes = [1], strides = [1]} : vector<16xi32> to vector<1xi32>
      %squeeze3A_879 = vector.extract %slice3A_878[0] : i32 from vector<1xi32>
      %add3A_880 = arith.constant 0 : i32
      %add3A_881 = arith.addi %add3A_880, %squeeze3A_879 : i32
      %get3A_882 = arith.constant 1 : i32
      %get3A_883 = arith.index_cast %get3A_882 : i32 to index
      %get3A_884 = arith.constant 0 : index
      %get3A_885 = tpu.vector_load %arg8[%get3A_883, %get3A_884] {strides = array<i32>} : memref<16x16xi32, #tpu.memory_space<vmem>>, vector<1x16xi32>,
      %get3A_886 = vector.shape_cast %get3A_885 : vector<1x16xi32> to vector<16xi32>
      %slice3A_887 = vector.extract_strided_slice %get3A_886 {offsets = [0], sizes = [1], strides = [1]} : vector<16xi32> to vector<1xi32>
      %squeeze3A_888 = vector.extract %slice3A_887[0] : i32 from vector<1xi32>
      %sub3A_889 = arith.subi %sub3A_277, %add3A_881 : i32
      %slice3A_890 = vector.extract_strided_slice %get3A_886 {offsets = [1], sizes = [1], strides = [1]} : vector<16xi32> to vector<1xi32>
      %squeeze3A_891 = vector.extract %slice3A_890[0] : i32 from vector<1xi32>
      %jit3A_892 = arith.constant 0 : i32
      %max3A_893 = arith.maxsi %jit3A_892, %sub3A_889 : i32
      %min3A_894 = arith.minsi %squeeze3A_891, %max3A_893 : i32
      %add3A_895 = arith.addi %squeeze3A_888, %min3A_894 : i32
      %multiple_of3A_896 = tpu.assume_multiple %add3A_877, 8 : i32
      "tpu.region"() ({
        %run_scoped3A = tpu.sem_alloc : memref<!tpu.dma_semaphore, #tpu.memory_space<semaphore_mem>>
        %dma_start3A = tpu.memref_slice %arg13[%multiple_of3A_896] : memref<2208xi32, #tpu.memory_space<vmem_shared>> -> memref<1048xi32, #tpu.memory_space<vmem_shared>>
        %dma_start3A_1512 = tpu.memref_slice %arg13[%multiple_of3A_896] : memref<2208xi32, #tpu.memory_space<vmem_shared>> -> memref<1048xi32, #tpu.memory_space<vmem_shared>>
        tpu.enqueue_dma source(%dma_start3A_1512 : memref<1048xi32, #tpu.memory_space<vmem_shared>>) target(%arg10 : memref<1048xi32, #tpu.memory_space<vmem>>) target_semaphore(%run_scoped3A : memref<!tpu.dma_semaphore, #tpu.memory_space<semaphore_mem>>)
        %dma_wait3A = tpu.memref_slice %arg13[%multiple_of3A_896] : memref<2208xi32, #tpu.memory_space<vmem_shared>> -> memref<1048xi32, #tpu.memory_space<vmem_shared>>
        %dma_wait3A_1513 = tpu.memref_slice %arg13[%multiple_of3A_896] : memref<2208xi32, #tpu.memory_space<vmem_shared>> -> memref<1048xi32, #tpu.memory_space<vmem_shared>>
        tpu.wait_dma2 semaphore(%run_scoped3A : memref<!tpu.dma_semaphore, #tpu.memory_space<semaphore_mem>>) src(%dma_wait3A_1513 : memref<1048xi32, #tpu.memory_space<vmem_shared>>) dst(%arg10 : memref<1048xi32, #tpu.memory_space<vmem>>)
        tpu.yield
      }) : () -> ()
      %add3A_897 = arith.constant 15 : i32
      %add3A_898 = arith.addi %add3A_895, %add3A_897 : i32
      %shift_right_arithmetic3A_899 = arith.constant 4 : i32
      %shift_right_arithmetic3A_900 = arith.shrsi %add3A_898, %shift_right_arithmetic3A_899 : i32
      %while3A_901 = arith.constant 0 : i32
      %while3A_902 = arith.constant 0 : i32
      %while3A_903 = arith.subi %shift_right_arithmetic3A_900, %while3A_901 : i32
      %while3A_904 = arith.addi %while3A_901, %while3A_903 : i32
      %while3A_905 = arith.constant 1 : i32
      %while3A_906 = arith.divsi %while3A_903, %while3A_905 : i32
      %while3A_907 = arith.muli %while3A_906, %while3A_905 : i32
      %while3A_908 = arith.addi %while3A_901, %while3A_907 : i32
      %while3A_909 = arith.constant 1 : i32
      %while3A_910 = scf.for %while3A_1512 = %while3A_901 to %while3A_908 step %while3A_909 iter_args(%while3A_1513 = %while3A_902) -> (i32)  : i32 {
        %mul3A_1514 = arith.constant 16 : i32
        %mul3A_1515 = arith.muli %while3A_1512, %mul3A_1514 : i32
        %get3A_1516 = arith.index_cast %mul3A_1515 : i32 to index
        %get3A_1517 = tpu.vector_load %arg10[%get3A_1516] {strides = array<i32>} : memref<1048xi32, #tpu.memory_space<vmem>>, vector<16xi32>,
        %get3A_1518 = vector.shape_cast %get3A_1517 : vector<16xi32> to vector<16xi32>
        %mul3A_1519 = arith.constant 16 : i32
        %mul3A_1520 = arith.muli %while3A_1512, %mul3A_1519 : i32
        %add3A_1521 = arith.addi %add3A_869, %mul3A_1520 : i32
        %swap3A_1522 = arith.index_cast %add3A_1521 : i32 to index
        %swap3A_1523 = tpu.vector_load %arg11[%swap3A_1522] {strides = array<i32>} : memref<1056xi32, #tpu.memory_space<vmem>>, vector<16xi32>,
        %swap3A_1524 = vector.shape_cast %swap3A_1523 : vector<16xi32> to vector<16xi32>
        %swap3A_1525 = vector.shape_cast %get3A_1518 : vector<16xi32> to vector<16xi32>
        tpu.vector_store %arg11[%swap3A_1522], %swap3A_1525 {strides = array<i32>} : memref<1056xi32, #tpu.memory_space<vmem>>, vector<16xi32>,
        %while3A_1526 = arith.constant 0 : i32
        scf.yield %while3A_1526 : i32
      }
      %while3A_911 = arith.constant 1 : i32
      %while3A_912 = scf.for %while3A_1512 = %while3A_908 to %while3A_904 step %while3A_911 iter_args(%while3A_1513 = %while3A_910) -> (i32)  : i32 {
        %mul3A_1514 = arith.constant 16 : i32
        %mul3A_1515 = arith.muli %while3A_1512, %mul3A_1514 : i32
        %get3A_1516 = arith.index_cast %mul3A_1515 : i32 to index
        %get3A_1517 = tpu.vector_load %arg10[%get3A_1516] {strides = array<i32>} : memref<1048xi32, #tpu.memory_space<vmem>>, vector<16xi32>,
        %get3A_1518 = vector.shape_cast %get3A_1517 : vector<16xi32> to vector<16xi32>
        %mul3A_1519 = arith.constant 16 : i32
        %mul3A_1520 = arith.muli %while3A_1512, %mul3A_1519 : i32
        %add3A_1521 = arith.addi %add3A_869, %mul3A_1520 : i32
        %swap3A_1522 = arith.index_cast %add3A_1521 : i32 to index
        %swap3A_1523 = tpu.vector_load %arg11[%swap3A_1522] {strides = array<i32>} : memref<1056xi32, #tpu.memory_space<vmem>>, vector<16xi32>,
        %swap3A_1524 = vector.shape_cast %swap3A_1523 : vector<16xi32> to vector<16xi32>
        %swap3A_1525 = vector.shape_cast %get3A_1518 : vector<16xi32> to vector<16xi32>
        tpu.vector_store %arg11[%swap3A_1522], %swap3A_1525 {strides = array<i32>} : memref<1056xi32, #tpu.memory_space<vmem>>, vector<16xi32>,
        %while3A_1526 = arith.constant 0 : i32
        scf.yield %while3A_1526 : i32
      }
      %add3A_913 = arith.addi %add3A_869, %add3A_895 : i32
      %add3A_914 = arith.constant 7 : i32
      %add3A_915 = arith.addi %add3A_895, %add3A_914 : i32
      %shift_right_arithmetic3A_916 = arith.constant 3 : i32
      %shift_right_arithmetic3A_917 = arith.shrsi %add3A_915, %shift_right_arithmetic3A_916 : i32
      %shift_left3A_918 = arith.constant 3 : i32
      %shift_left3A_919 = arith.shli %shift_right_arithmetic3A_917, %shift_left3A_918 : i32
      %add3A_920 = arith.addi %add3A_877, %shift_left3A_919 : i32
      %slice3A_921 = vector.extract_strided_slice %get3A_886 {offsets = [1], sizes = [1], strides = [1]} : vector<16xi32> to vector<1xi32>
      %squeeze3A_922 = vector.extract %slice3A_921[0] : i32 from vector<1xi32>
      %add3A_923 = arith.addi %add3A_881, %squeeze3A_922 : i32
      %get3A_924 = arith.constant 2 : i32
      %get3A_925 = arith.index_cast %get3A_924 : i32 to index
      %get3A_926 = arith.constant 0 : index
      %get3A_927 = tpu.vector_load %arg8[%get3A_925, %get3A_926] {strides = array<i32>} : memref<16x16xi32, #tpu.memory_space<vmem>>, vector<1x16xi32>,
      %get3A_928 = vector.shape_cast %get3A_927 : vector<1x16xi32> to vector<16xi32>
      %slice3A_929 = vector.extract_strided_slice %get3A_928 {offsets = [0], sizes = [1], strides = [1]} : vector<16xi32> to vector<1xi32>
      %squeeze3A_930 = vector.extract %slice3A_929[0] : i32 from vector<1xi32>
      %sub3A_931 = arith.subi %sub3A_277, %add3A_923 : i32
      %slice3A_932 = vector.extract_strided_slice %get3A_928 {offsets = [1], sizes = [1], strides = [1]} : vector<16xi32> to vector<1xi32>
      %squeeze3A_933 = vector.extract %slice3A_932[0] : i32 from vector<1xi32>
      %jit3A_934 = arith.constant 0 : i32
      %max3A_935 = arith.maxsi %jit3A_934, %sub3A_931 : i32
      %min3A_936 = arith.minsi %squeeze3A_933, %max3A_935 : i32
      %add3A_937 = arith.addi %squeeze3A_930, %min3A_936 : i32
      %multiple_of3A_938 = tpu.assume_multiple %add3A_920, 8 : i32
      "tpu.region"() ({
        %run_scoped3A = tpu.sem_alloc : memref<!tpu.dma_semaphore, #tpu.memory_space<semaphore_mem>>
        %dma_start3A = tpu.memref_slice %arg13[%multiple_of3A_938] : memref<2208xi32, #tpu.memory_space<vmem_shared>> -> memref<1048xi32, #tpu.memory_space<vmem_shared>>
        %dma_start3A_1512 = tpu.memref_slice %arg13[%multiple_of3A_938] : memref<2208xi32, #tpu.memory_space<vmem_shared>> -> memref<1048xi32, #tpu.memory_space<vmem_shared>>
        tpu.enqueue_dma source(%dma_start3A_1512 : memref<1048xi32, #tpu.memory_space<vmem_shared>>) target(%arg10 : memref<1048xi32, #tpu.memory_space<vmem>>) target_semaphore(%run_scoped3A : memref<!tpu.dma_semaphore, #tpu.memory_space<semaphore_mem>>)
        %dma_wait3A = tpu.memref_slice %arg13[%multiple_of3A_938] : memref<2208xi32, #tpu.memory_space<vmem_shared>> -> memref<1048xi32, #tpu.memory_space<vmem_shared>>
        %dma_wait3A_1513 = tpu.memref_slice %arg13[%multiple_of3A_938] : memref<2208xi32, #tpu.memory_space<vmem_shared>> -> memref<1048xi32, #tpu.memory_space<vmem_shared>>
        tpu.wait_dma2 semaphore(%run_scoped3A : memref<!tpu.dma_semaphore, #tpu.memory_space<semaphore_mem>>) src(%dma_wait3A_1513 : memref<1048xi32, #tpu.memory_space<vmem_shared>>) dst(%arg10 : memref<1048xi32, #tpu.memory_space<vmem>>)
        tpu.yield
      }) : () -> ()
      %add3A_939 = arith.constant 15 : i32
      %add3A_940 = arith.addi %add3A_937, %add3A_939 : i32
      %shift_right_arithmetic3A_941 = arith.constant 4 : i32
      %shift_right_arithmetic3A_942 = arith.shrsi %add3A_940, %shift_right_arithmetic3A_941 : i32
      %while3A_943 = arith.constant 0 : i32
      %while3A_944 = arith.constant 0 : i32
      %while3A_945 = arith.subi %shift_right_arithmetic3A_942, %while3A_943 : i32
      %while3A_946 = arith.addi %while3A_943, %while3A_945 : i32
      %while3A_947 = arith.constant 1 : i32
      %while3A_948 = arith.divsi %while3A_945, %while3A_947 : i32
      %while3A_949 = arith.muli %while3A_948, %while3A_947 : i32
      %while3A_950 = arith.addi %while3A_943, %while3A_949 : i32
      %while3A_951 = arith.constant 1 : i32
      %while3A_952 = scf.for %while3A_1512 = %while3A_943 to %while3A_950 step %while3A_951 iter_args(%while3A_1513 = %while3A_944) -> (i32)  : i32 {
        %mul3A_1514 = arith.constant 16 : i32
        %mul3A_1515 = arith.muli %while3A_1512, %mul3A_1514 : i32
        %get3A_1516 = arith.index_cast %mul3A_1515 : i32 to index
        %get3A_1517 = tpu.vector_load %arg10[%get3A_1516] {strides = array<i32>} : memref<1048xi32, #tpu.memory_space<vmem>>, vector<16xi32>,
        %get3A_1518 = vector.shape_cast %get3A_1517 : vector<16xi32> to vector<16xi32>
        %mul3A_1519 = arith.constant 16 : i32
        %mul3A_1520 = arith.muli %while3A_1512, %mul3A_1519 : i32
        %add3A_1521 = arith.addi %add3A_913, %mul3A_1520 : i32
        %swap3A_1522 = arith.index_cast %add3A_1521 : i32 to index
        %swap3A_1523 = tpu.vector_load %arg11[%swap3A_1522] {strides = array<i32>} : memref<1056xi32, #tpu.memory_space<vmem>>, vector<16xi32>,
        %swap3A_1524 = vector.shape_cast %swap3A_1523 : vector<16xi32> to vector<16xi32>
        %swap3A_1525 = vector.shape_cast %get3A_1518 : vector<16xi32> to vector<16xi32>
        tpu.vector_store %arg11[%swap3A_1522], %swap3A_1525 {strides = array<i32>} : memref<1056xi32, #tpu.memory_space<vmem>>, vector<16xi32>,
        %while3A_1526 = arith.constant 0 : i32
        scf.yield %while3A_1526 : i32
      }
      %while3A_953 = arith.constant 1 : i32
      %while3A_954 = scf.for %while3A_1512 = %while3A_950 to %while3A_946 step %while3A_953 iter_args(%while3A_1513 = %while3A_952) -> (i32)  : i32 {
        %mul3A_1514 = arith.constant 16 : i32
        %mul3A_1515 = arith.muli %while3A_1512, %mul3A_1514 : i32
        %get3A_1516 = arith.index_cast %mul3A_1515 : i32 to index
        %get3A_1517 = tpu.vector_load %arg10[%get3A_1516] {strides = array<i32>} : memref<1048xi32, #tpu.memory_space<vmem>>, vector<16xi32>,
        %get3A_1518 = vector.shape_cast %get3A_1517 : vector<16xi32> to vector<16xi32>
        %mul3A_1519 = arith.constant 16 : i32
        %mul3A_1520 = arith.muli %while3A_1512, %mul3A_1519 : i32
        %add3A_1521 = arith.addi %add3A_913, %mul3A_1520 : i32
        %swap3A_1522 = arith.index_cast %add3A_1521 : i32 to index
        %swap3A_1523 = tpu.vector_load %arg11[%swap3A_1522] {strides = array<i32>} : memref<1056xi32, #tpu.memory_space<vmem>>, vector<16xi32>,
        %swap3A_1524 = vector.shape_cast %swap3A_1523 : vector<16xi32> to vector<16xi32>
        %swap3A_1525 = vector.shape_cast %get3A_1518 : vector<16xi32> to vector<16xi32>
        tpu.vector_store %arg11[%swap3A_1522], %swap3A_1525 {strides = array<i32>} : memref<1056xi32, #tpu.memory_space<vmem>>, vector<16xi32>,
        %while3A_1526 = arith.constant 0 : i32
        scf.yield %while3A_1526 : i32
      }
      %add3A_955 = arith.addi %add3A_913, %add3A_937 : i32
      %add3A_956 = arith.constant 7 : i32
      %add3A_957 = arith.addi %add3A_937, %add3A_956 : i32
      %shift_right_arithmetic3A_958 = arith.constant 3 : i32
      %shift_right_arithmetic3A_959 = arith.shrsi %add3A_957, %shift_right_arithmetic3A_958 : i32
      %shift_left3A_960 = arith.constant 3 : i32
      %shift_left3A_961 = arith.shli %shift_right_arithmetic3A_959, %shift_left3A_960 : i32
      %add3A_962 = arith.addi %add3A_920, %shift_left3A_961 : i32
      %slice3A_963 = vector.extract_strided_slice %get3A_928 {offsets = [1], sizes = [1], strides = [1]} : vector<16xi32> to vector<1xi32>
      %squeeze3A_964 = vector.extract %slice3A_963[0] : i32 from vector<1xi32>
      %add3A_965 = arith.addi %add3A_923, %squeeze3A_964 : i32
      %get3A_966 = arith.constant 3 : i32
      %get3A_967 = arith.index_cast %get3A_966 : i32 to index
      %get3A_968 = arith.constant 0 : index
      %get3A_969 = tpu.vector_load %arg8[%get3A_967, %get3A_968] {strides = array<i32>} : memref<16x16xi32, #tpu.memory_space<vmem>>, vector<1x16xi32>,
      %get3A_970 = vector.shape_cast %get3A_969 : vector<1x16xi32> to vector<16xi32>
      %slice3A_971 = vector.extract_strided_slice %get3A_970 {offsets = [0], sizes = [1], strides = [1]} : vector<16xi32> to vector<1xi32>
      %squeeze3A_972 = vector.extract %slice3A_971[0] : i32 from vector<1xi32>
      %sub3A_973 = arith.subi %sub3A_277, %add3A_965 : i32
      %slice3A_974 = vector.extract_strided_slice %get3A_970 {offsets = [1], sizes = [1], strides = [1]} : vector<16xi32> to vector<1xi32>
      %squeeze3A_975 = vector.extract %slice3A_974[0] : i32 from vector<1xi32>
      %jit3A_976 = arith.constant 0 : i32
      %max3A_977 = arith.maxsi %jit3A_976, %sub3A_973 : i32
      %min3A_978 = arith.minsi %squeeze3A_975, %max3A_977 : i32
      %add3A_979 = arith.addi %squeeze3A_972, %min3A_978 : i32
      %multiple_of3A_980 = tpu.assume_multiple %add3A_962, 8 : i32
      "tpu.region"() ({
        %run_scoped3A = tpu.sem_alloc : memref<!tpu.dma_semaphore, #tpu.memory_space<semaphore_mem>>
        %dma_start3A = tpu.memref_slice %arg13[%multiple_of3A_980] : memref<2208xi32, #tpu.memory_space<vmem_shared>> -> memref<1048xi32, #tpu.memory_space<vmem_shared>>
        %dma_start3A_1512 = tpu.memref_slice %arg13[%multiple_of3A_980] : memref<2208xi32, #tpu.memory_space<vmem_shared>> -> memref<1048xi32, #tpu.memory_space<vmem_shared>>
        tpu.enqueue_dma source(%dma_start3A_1512 : memref<1048xi32, #tpu.memory_space<vmem_shared>>) target(%arg10 : memref<1048xi32, #tpu.memory_space<vmem>>) target_semaphore(%run_scoped3A : memref<!tpu.dma_semaphore, #tpu.memory_space<semaphore_mem>>)
        %dma_wait3A = tpu.memref_slice %arg13[%multiple_of3A_980] : memref<2208xi32, #tpu.memory_space<vmem_shared>> -> memref<1048xi32, #tpu.memory_space<vmem_shared>>
        %dma_wait3A_1513 = tpu.memref_slice %arg13[%multiple_of3A_980] : memref<2208xi32, #tpu.memory_space<vmem_shared>> -> memref<1048xi32, #tpu.memory_space<vmem_shared>>
        tpu.wait_dma2 semaphore(%run_scoped3A : memref<!tpu.dma_semaphore, #tpu.memory_space<semaphore_mem>>) src(%dma_wait3A_1513 : memref<1048xi32, #tpu.memory_space<vmem_shared>>) dst(%arg10 : memref<1048xi32, #tpu.memory_space<vmem>>)
        tpu.yield
      }) : () -> ()
      %add3A_981 = arith.constant 15 : i32
      %add3A_982 = arith.addi %add3A_979, %add3A_981 : i32
      %shift_right_arithmetic3A_983 = arith.constant 4 : i32
      %shift_right_arithmetic3A_984 = arith.shrsi %add3A_982, %shift_right_arithmetic3A_983 : i32
      %while3A_985 = arith.constant 0 : i32
      %while3A_986 = arith.constant 0 : i32
      %while3A_987 = arith.subi %shift_right_arithmetic3A_984, %while3A_985 : i32
      %while3A_988 = arith.addi %while3A_985, %while3A_987 : i32
      %while3A_989 = arith.constant 1 : i32
      %while3A_990 = arith.divsi %while3A_987, %while3A_989 : i32
      %while3A_991 = arith.muli %while3A_990, %while3A_989 : i32
      %while3A_992 = arith.addi %while3A_985, %while3A_991 : i32
      %while3A_993 = arith.constant 1 : i32
      %while3A_994 = scf.for %while3A_1512 = %while3A_985 to %while3A_992 step %while3A_993 iter_args(%while3A_1513 = %while3A_986) -> (i32)  : i32 {
        %mul3A_1514 = arith.constant 16 : i32
        %mul3A_1515 = arith.muli %while3A_1512, %mul3A_1514 : i32
        %get3A_1516 = arith.index_cast %mul3A_1515 : i32 to index
        %get3A_1517 = tpu.vector_load %arg10[%get3A_1516] {strides = array<i32>} : memref<1048xi32, #tpu.memory_space<vmem>>, vector<16xi32>,
        %get3A_1518 = vector.shape_cast %get3A_1517 : vector<16xi32> to vector<16xi32>
        %mul3A_1519 = arith.constant 16 : i32
        %mul3A_1520 = arith.muli %while3A_1512, %mul3A_1519 : i32
        %add3A_1521 = arith.addi %add3A_955, %mul3A_1520 : i32
        %swap3A_1522 = arith.index_cast %add3A_1521 : i32 to index
        %swap3A_1523 = tpu.vector_load %arg11[%swap3A_1522] {strides = array<i32>} : memref<1056xi32, #tpu.memory_space<vmem>>, vector<16xi32>,
        %swap3A_1524 = vector.shape_cast %swap3A_1523 : vector<16xi32> to vector<16xi32>
        %swap3A_1525 = vector.shape_cast %get3A_1518 : vector<16xi32> to vector<16xi32>
        tpu.vector_store %arg11[%swap3A_1522], %swap3A_1525 {strides = array<i32>} : memref<1056xi32, #tpu.memory_space<vmem>>, vector<16xi32>,
        %while3A_1526 = arith.constant 0 : i32
        scf.yield %while3A_1526 : i32
      }
      %while3A_995 = arith.constant 1 : i32
      %while3A_996 = scf.for %while3A_1512 = %while3A_992 to %while3A_988 step %while3A_995 iter_args(%while3A_1513 = %while3A_994) -> (i32)  : i32 {
        %mul3A_1514 = arith.constant 16 : i32
        %mul3A_1515 = arith.muli %while3A_1512, %mul3A_1514 : i32
        %get3A_1516 = arith.index_cast %mul3A_1515 : i32 to index
        %get3A_1517 = tpu.vector_load %arg10[%get3A_1516] {strides = array<i32>} : memref<1048xi32, #tpu.memory_space<vmem>>, vector<16xi32>,
        %get3A_1518 = vector.shape_cast %get3A_1517 : vector<16xi32> to vector<16xi32>
        %mul3A_1519 = arith.constant 16 : i32
        %mul3A_1520 = arith.muli %while3A_1512, %mul3A_1519 : i32
        %add3A_1521 = arith.addi %add3A_955, %mul3A_1520 : i32
        %swap3A_1522 = arith.index_cast %add3A_1521 : i32 to index
        %swap3A_1523 = tpu.vector_load %arg11[%swap3A_1522] {strides = array<i32>} : memref<1056xi32, #tpu.memory_space<vmem>>, vector<16xi32>,
        %swap3A_1524 = vector.shape_cast %swap3A_1523 : vector<16xi32> to vector<16xi32>
        %swap3A_1525 = vector.shape_cast %get3A_1518 : vector<16xi32> to vector<16xi32>
        tpu.vector_store %arg11[%swap3A_1522], %swap3A_1525 {strides = array<i32>} : memref<1056xi32, #tpu.memory_space<vmem>>, vector<16xi32>,
        %while3A_1526 = arith.constant 0 : i32
        scf.yield %while3A_1526 : i32
      }
      %add3A_997 = arith.addi %add3A_955, %add3A_979 : i32
      %add3A_998 = arith.constant 7 : i32
      %add3A_999 = arith.addi %add3A_979, %add3A_998 : i32
      %shift_right_arithmetic3A_1000 = arith.constant 3 : i32
      %shift_right_arithmetic3A_1001 = arith.shrsi %add3A_999, %shift_right_arithmetic3A_1000 : i32
      %shift_left3A_1002 = arith.constant 3 : i32
      %shift_left3A_1003 = arith.shli %shift_right_arithmetic3A_1001, %shift_left3A_1002 : i32
      %add3A_1004 = arith.addi %add3A_962, %shift_left3A_1003 : i32
      %slice3A_1005 = vector.extract_strided_slice %get3A_970 {offsets = [1], sizes = [1], strides = [1]} : vector<16xi32> to vector<1xi32>
      %squeeze3A_1006 = vector.extract %slice3A_1005[0] : i32 from vector<1xi32>
      %add3A_1007 = arith.addi %add3A_965, %squeeze3A_1006 : i32
      %get3A_1008 = arith.constant 4 : i32
      %get3A_1009 = arith.index_cast %get3A_1008 : i32 to index
      %get3A_1010 = arith.constant 0 : index
      %get3A_1011 = tpu.vector_load %arg8[%get3A_1009, %get3A_1010] {strides = array<i32>} : memref<16x16xi32, #tpu.memory_space<vmem>>, vector<1x16xi32>,
      %get3A_1012 = vector.shape_cast %get3A_1011 : vector<1x16xi32> to vector<16xi32>
      %slice3A_1013 = vector.extract_strided_slice %get3A_1012 {offsets = [0], sizes = [1], strides = [1]} : vector<16xi32> to vector<1xi32>
      %squeeze3A_1014 = vector.extract %slice3A_1013[0] : i32 from vector<1xi32>
      %sub3A_1015 = arith.subi %sub3A_277, %add3A_1007 : i32
      %slice3A_1016 = vector.extract_strided_slice %get3A_1012 {offsets = [1], sizes = [1], strides = [1]} : vector<16xi32> to vector<1xi32>
      %squeeze3A_1017 = vector.extract %slice3A_1016[0] : i32 from vector<1xi32>
      %jit3A_1018 = arith.constant 0 : i32
      %max3A_1019 = arith.maxsi %jit3A_1018, %sub3A_1015 : i32
      %min3A_1020 = arith.minsi %squeeze3A_1017, %max3A_1019 : i32
      %add3A_1021 = arith.addi %squeeze3A_1014, %min3A_1020 : i32
      %multiple_of3A_1022 = tpu.assume_multiple %add3A_1004, 8 : i32
      "tpu.region"() ({
        %run_scoped3A = tpu.sem_alloc : memref<!tpu.dma_semaphore, #tpu.memory_space<semaphore_mem>>
        %dma_start3A = tpu.memref_slice %arg13[%multiple_of3A_1022] : memref<2208xi32, #tpu.memory_space<vmem_shared>> -> memref<1048xi32, #tpu.memory_space<vmem_shared>>
        %dma_start3A_1512 = tpu.memref_slice %arg13[%multiple_of3A_1022] : memref<2208xi32, #tpu.memory_space<vmem_shared>> -> memref<1048xi32, #tpu.memory_space<vmem_shared>>
        tpu.enqueue_dma source(%dma_start3A_1512 : memref<1048xi32, #tpu.memory_space<vmem_shared>>) target(%arg10 : memref<1048xi32, #tpu.memory_space<vmem>>) target_semaphore(%run_scoped3A : memref<!tpu.dma_semaphore, #tpu.memory_space<semaphore_mem>>)
        %dma_wait3A = tpu.memref_slice %arg13[%multiple_of3A_1022] : memref<2208xi32, #tpu.memory_space<vmem_shared>> -> memref<1048xi32, #tpu.memory_space<vmem_shared>>
        %dma_wait3A_1513 = tpu.memref_slice %arg13[%multiple_of3A_1022] : memref<2208xi32, #tpu.memory_space<vmem_shared>> -> memref<1048xi32, #tpu.memory_space<vmem_shared>>
        tpu.wait_dma2 semaphore(%run_scoped3A : memref<!tpu.dma_semaphore, #tpu.memory_space<semaphore_mem>>) src(%dma_wait3A_1513 : memref<1048xi32, #tpu.memory_space<vmem_shared>>) dst(%arg10 : memref<1048xi32, #tpu.memory_space<vmem>>)
        tpu.yield
      }) : () -> ()
      %add3A_1023 = arith.constant 15 : i32
      %add3A_1024 = arith.addi %add3A_1021, %add3A_1023 : i32
      %shift_right_arithmetic3A_1025 = arith.constant 4 : i32
      %shift_right_arithmetic3A_1026 = arith.shrsi %add3A_1024, %shift_right_arithmetic3A_1025 : i32
      %while3A_1027 = arith.constant 0 : i32
      %while3A_1028 = arith.constant 0 : i32
      %while3A_1029 = arith.subi %shift_right_arithmetic3A_1026, %while3A_1027 : i32
      %while3A_1030 = arith.addi %while3A_1027, %while3A_1029 : i32
      %while3A_1031 = arith.constant 1 : i32
      %while3A_1032 = arith.divsi %while3A_1029, %while3A_1031 : i32
      %while3A_1033 = arith.muli %while3A_1032, %while3A_1031 : i32
      %while3A_1034 = arith.addi %while3A_1027, %while3A_1033 : i32
      %while3A_1035 = arith.constant 1 : i32
      %while3A_1036 = scf.for %while3A_1512 = %while3A_1027 to %while3A_1034 step %while3A_1035 iter_args(%while3A_1513 = %while3A_1028) -> (i32)  : i32 {
        %mul3A_1514 = arith.constant 16 : i32
        %mul3A_1515 = arith.muli %while3A_1512, %mul3A_1514 : i32
        %get3A_1516 = arith.index_cast %mul3A_1515 : i32 to index
        %get3A_1517 = tpu.vector_load %arg10[%get3A_1516] {strides = array<i32>} : memref<1048xi32, #tpu.memory_space<vmem>>, vector<16xi32>,
        %get3A_1518 = vector.shape_cast %get3A_1517 : vector<16xi32> to vector<16xi32>
        %mul3A_1519 = arith.constant 16 : i32
        %mul3A_1520 = arith.muli %while3A_1512, %mul3A_1519 : i32
        %add3A_1521 = arith.addi %add3A_997, %mul3A_1520 : i32
        %swap3A_1522 = arith.index_cast %add3A_1521 : i32 to index
        %swap3A_1523 = tpu.vector_load %arg11[%swap3A_1522] {strides = array<i32>} : memref<1056xi32, #tpu.memory_space<vmem>>, vector<16xi32>,
        %swap3A_1524 = vector.shape_cast %swap3A_1523 : vector<16xi32> to vector<16xi32>
        %swap3A_1525 = vector.shape_cast %get3A_1518 : vector<16xi32> to vector<16xi32>
        tpu.vector_store %arg11[%swap3A_1522], %swap3A_1525 {strides = array<i32>} : memref<1056xi32, #tpu.memory_space<vmem>>, vector<16xi32>,
        %while3A_1526 = arith.constant 0 : i32
        scf.yield %while3A_1526 : i32
      }
      %while3A_1037 = arith.constant 1 : i32
      %while3A_1038 = scf.for %while3A_1512 = %while3A_1034 to %while3A_1030 step %while3A_1037 iter_args(%while3A_1513 = %while3A_1036) -> (i32)  : i32 {
        %mul3A_1514 = arith.constant 16 : i32
        %mul3A_1515 = arith.muli %while3A_1512, %mul3A_1514 : i32
        %get3A_1516 = arith.index_cast %mul3A_1515 : i32 to index
        %get3A_1517 = tpu.vector_load %arg10[%get3A_1516] {strides = array<i32>} : memref<1048xi32, #tpu.memory_space<vmem>>, vector<16xi32>,
        %get3A_1518 = vector.shape_cast %get3A_1517 : vector<16xi32> to vector<16xi32>
        %mul3A_1519 = arith.constant 16 : i32
        %mul3A_1520 = arith.muli %while3A_1512, %mul3A_1519 : i32
        %add3A_1521 = arith.addi %add3A_997, %mul3A_1520 : i32
        %swap3A_1522 = arith.index_cast %add3A_1521 : i32 to index
        %swap3A_1523 = tpu.vector_load %arg11[%swap3A_1522] {strides = array<i32>} : memref<1056xi32, #tpu.memory_space<vmem>>, vector<16xi32>,
        %swap3A_1524 = vector.shape_cast %swap3A_1523 : vector<16xi32> to vector<16xi32>
        %swap3A_1525 = vector.shape_cast %get3A_1518 : vector<16xi32> to vector<16xi32>
        tpu.vector_store %arg11[%swap3A_1522], %swap3A_1525 {strides = array<i32>} : memref<1056xi32, #tpu.memory_space<vmem>>, vector<16xi32>,
        %while3A_1526 = arith.constant 0 : i32
        scf.yield %while3A_1526 : i32
      }
      %add3A_1039 = arith.addi %add3A_997, %add3A_1021 : i32
      %add3A_1040 = arith.constant 7 : i32
      %add3A_1041 = arith.addi %add3A_1021, %add3A_1040 : i32
      %shift_right_arithmetic3A_1042 = arith.constant 3 : i32
      %shift_right_arithmetic3A_1043 = arith.shrsi %add3A_1041, %shift_right_arithmetic3A_1042 : i32
      %shift_left3A_1044 = arith.constant 3 : i32
      %shift_left3A_1045 = arith.shli %shift_right_arithmetic3A_1043, %shift_left3A_1044 : i32
      %add3A_1046 = arith.addi %add3A_1004, %shift_left3A_1045 : i32
      %slice3A_1047 = vector.extract_strided_slice %get3A_1012 {offsets = [1], sizes = [1], strides = [1]} : vector<16xi32> to vector<1xi32>
      %squeeze3A_1048 = vector.extract %slice3A_1047[0] : i32 from vector<1xi32>
      %add3A_1049 = arith.addi %add3A_1007, %squeeze3A_1048 : i32
      %get3A_1050 = arith.constant 5 : i32
      %get3A_1051 = arith.index_cast %get3A_1050 : i32 to index
      %get3A_1052 = arith.constant 0 : index
      %get3A_1053 = tpu.vector_load %arg8[%get3A_1051, %get3A_1052] {strides = array<i32>} : memref<16x16xi32, #tpu.memory_space<vmem>>, vector<1x16xi32>,
      %get3A_1054 = vector.shape_cast %get3A_1053 : vector<1x16xi32> to vector<16xi32>
      %slice3A_1055 = vector.extract_strided_slice %get3A_1054 {offsets = [0], sizes = [1], strides = [1]} : vector<16xi32> to vector<1xi32>
      %squeeze3A_1056 = vector.extract %slice3A_1055[0] : i32 from vector<1xi32>
      %sub3A_1057 = arith.subi %sub3A_277, %add3A_1049 : i32
      %slice3A_1058 = vector.extract_strided_slice %get3A_1054 {offsets = [1], sizes = [1], strides = [1]} : vector<16xi32> to vector<1xi32>
      %squeeze3A_1059 = vector.extract %slice3A_1058[0] : i32 from vector<1xi32>
      %jit3A_1060 = arith.constant 0 : i32
      %max3A_1061 = arith.maxsi %jit3A_1060, %sub3A_1057 : i32
      %min3A_1062 = arith.minsi %squeeze3A_1059, %max3A_1061 : i32
      %add3A_1063 = arith.addi %squeeze3A_1056, %min3A_1062 : i32
      %multiple_of3A_1064 = tpu.assume_multiple %add3A_1046, 8 : i32
      "tpu.region"() ({
        %run_scoped3A = tpu.sem_alloc : memref<!tpu.dma_semaphore, #tpu.memory_space<semaphore_mem>>
        %dma_start3A = tpu.memref_slice %arg13[%multiple_of3A_1064] : memref<2208xi32, #tpu.memory_space<vmem_shared>> -> memref<1048xi32, #tpu.memory_space<vmem_shared>>
        %dma_start3A_1512 = tpu.memref_slice %arg13[%multiple_of3A_1064] : memref<2208xi32, #tpu.memory_space<vmem_shared>> -> memref<1048xi32, #tpu.memory_space<vmem_shared>>
        tpu.enqueue_dma source(%dma_start3A_1512 : memref<1048xi32, #tpu.memory_space<vmem_shared>>) target(%arg10 : memref<1048xi32, #tpu.memory_space<vmem>>) target_semaphore(%run_scoped3A : memref<!tpu.dma_semaphore, #tpu.memory_space<semaphore_mem>>)
        %dma_wait3A = tpu.memref_slice %arg13[%multiple_of3A_1064] : memref<2208xi32, #tpu.memory_space<vmem_shared>> -> memref<1048xi32, #tpu.memory_space<vmem_shared>>
        %dma_wait3A_1513 = tpu.memref_slice %arg13[%multiple_of3A_1064] : memref<2208xi32, #tpu.memory_space<vmem_shared>> -> memref<1048xi32, #tpu.memory_space<vmem_shared>>
        tpu.wait_dma2 semaphore(%run_scoped3A : memref<!tpu.dma_semaphore, #tpu.memory_space<semaphore_mem>>) src(%dma_wait3A_1513 : memref<1048xi32, #tpu.memory_space<vmem_shared>>) dst(%arg10 : memref<1048xi32, #tpu.memory_space<vmem>>)
        tpu.yield
      }) : () -> ()
      %add3A_1065 = arith.constant 15 : i32
      %add3A_1066 = arith.addi %add3A_1063, %add3A_1065 : i32
      %shift_right_arithmetic3A_1067 = arith.constant 4 : i32
      %shift_right_arithmetic3A_1068 = arith.shrsi %add3A_1066, %shift_right_arithmetic3A_1067 : i32
      %while3A_1069 = arith.constant 0 : i32
      %while3A_1070 = arith.constant 0 : i32
      %while3A_1071 = arith.subi %shift_right_arithmetic3A_1068, %while3A_1069 : i32
      %while3A_1072 = arith.addi %while3A_1069, %while3A_1071 : i32
      %while3A_1073 = arith.constant 1 : i32
      %while3A_1074 = arith.divsi %while3A_1071, %while3A_1073 : i32
      %while3A_1075 = arith.muli %while3A_1074, %while3A_1073 : i32
      %while3A_1076 = arith.addi %while3A_1069, %while3A_1075 : i32
      %while3A_1077 = arith.constant 1 : i32
      %while3A_1078 = scf.for %while3A_1512 = %while3A_1069 to %while3A_1076 step %while3A_1077 iter_args(%while3A_1513 = %while3A_1070) -> (i32)  : i32 {
        %mul3A_1514 = arith.constant 16 : i32
        %mul3A_1515 = arith.muli %while3A_1512, %mul3A_1514 : i32
        %get3A_1516 = arith.index_cast %mul3A_1515 : i32 to index
        %get3A_1517 = tpu.vector_load %arg10[%get3A_1516] {strides = array<i32>} : memref<1048xi32, #tpu.memory_space<vmem>>, vector<16xi32>,
        %get3A_1518 = vector.shape_cast %get3A_1517 : vector<16xi32> to vector<16xi32>
        %mul3A_1519 = arith.constant 16 : i32
        %mul3A_1520 = arith.muli %while3A_1512, %mul3A_1519 : i32
        %add3A_1521 = arith.addi %add3A_1039, %mul3A_1520 : i32
        %swap3A_1522 = arith.index_cast %add3A_1521 : i32 to index
        %swap3A_1523 = tpu.vector_load %arg11[%swap3A_1522] {strides = array<i32>} : memref<1056xi32, #tpu.memory_space<vmem>>, vector<16xi32>,
        %swap3A_1524 = vector.shape_cast %swap3A_1523 : vector<16xi32> to vector<16xi32>
        %swap3A_1525 = vector.shape_cast %get3A_1518 : vector<16xi32> to vector<16xi32>
        tpu.vector_store %arg11[%swap3A_1522], %swap3A_1525 {strides = array<i32>} : memref<1056xi32, #tpu.memory_space<vmem>>, vector<16xi32>,
        %while3A_1526 = arith.constant 0 : i32
        scf.yield %while3A_1526 : i32
      }
      %while3A_1079 = arith.constant 1 : i32
      %while3A_1080 = scf.for %while3A_1512 = %while3A_1076 to %while3A_1072 step %while3A_1079 iter_args(%while3A_1513 = %while3A_1078) -> (i32)  : i32 {
        %mul3A_1514 = arith.constant 16 : i32
        %mul3A_1515 = arith.muli %while3A_1512, %mul3A_1514 : i32
        %get3A_1516 = arith.index_cast %mul3A_1515 : i32 to index
        %get3A_1517 = tpu.vector_load %arg10[%get3A_1516] {strides = array<i32>} : memref<1048xi32, #tpu.memory_space<vmem>>, vector<16xi32>,
        %get3A_1518 = vector.shape_cast %get3A_1517 : vector<16xi32> to vector<16xi32>
        %mul3A_1519 = arith.constant 16 : i32
        %mul3A_1520 = arith.muli %while3A_1512, %mul3A_1519 : i32
        %add3A_1521 = arith.addi %add3A_1039, %mul3A_1520 : i32
        %swap3A_1522 = arith.index_cast %add3A_1521 : i32 to index
        %swap3A_1523 = tpu.vector_load %arg11[%swap3A_1522] {strides = array<i32>} : memref<1056xi32, #tpu.memory_space<vmem>>, vector<16xi32>,
        %swap3A_1524 = vector.shape_cast %swap3A_1523 : vector<16xi32> to vector<16xi32>
        %swap3A_1525 = vector.shape_cast %get3A_1518 : vector<16xi32> to vector<16xi32>
        tpu.vector_store %arg11[%swap3A_1522], %swap3A_1525 {strides = array<i32>} : memref<1056xi32, #tpu.memory_space<vmem>>, vector<16xi32>,
        %while3A_1526 = arith.constant 0 : i32
        scf.yield %while3A_1526 : i32
      }
      %add3A_1081 = arith.addi %add3A_1039, %add3A_1063 : i32
      %add3A_1082 = arith.constant 7 : i32
      %add3A_1083 = arith.addi %add3A_1063, %add3A_1082 : i32
      %shift_right_arithmetic3A_1084 = arith.constant 3 : i32
      %shift_right_arithmetic3A_1085 = arith.shrsi %add3A_1083, %shift_right_arithmetic3A_1084 : i32
      %shift_left3A_1086 = arith.constant 3 : i32
      %shift_left3A_1087 = arith.shli %shift_right_arithmetic3A_1085, %shift_left3A_1086 : i32
      %add3A_1088 = arith.addi %add3A_1046, %shift_left3A_1087 : i32
      %slice3A_1089 = vector.extract_strided_slice %get3A_1054 {offsets = [1], sizes = [1], strides = [1]} : vector<16xi32> to vector<1xi32>
      %squeeze3A_1090 = vector.extract %slice3A_1089[0] : i32 from vector<1xi32>
      %add3A_1091 = arith.addi %add3A_1049, %squeeze3A_1090 : i32
      %get3A_1092 = arith.constant 6 : i32
      %get3A_1093 = arith.index_cast %get3A_1092 : i32 to index
      %get3A_1094 = arith.constant 0 : index
      %get3A_1095 = tpu.vector_load %arg8[%get3A_1093, %get3A_1094] {strides = array<i32>} : memref<16x16xi32, #tpu.memory_space<vmem>>, vector<1x16xi32>,
      %get3A_1096 = vector.shape_cast %get3A_1095 : vector<1x16xi32> to vector<16xi32>
      %slice3A_1097 = vector.extract_strided_slice %get3A_1096 {offsets = [0], sizes = [1], strides = [1]} : vector<16xi32> to vector<1xi32>
      %squeeze3A_1098 = vector.extract %slice3A_1097[0] : i32 from vector<1xi32>
      %sub3A_1099 = arith.subi %sub3A_277, %add3A_1091 : i32
      %slice3A_1100 = vector.extract_strided_slice %get3A_1096 {offsets = [1], sizes = [1], strides = [1]} : vector<16xi32> to vector<1xi32>
      %squeeze3A_1101 = vector.extract %slice3A_1100[0] : i32 from vector<1xi32>
      %jit3A_1102 = arith.constant 0 : i32
      %max3A_1103 = arith.maxsi %jit3A_1102, %sub3A_1099 : i32
      %min3A_1104 = arith.minsi %squeeze3A_1101, %max3A_1103 : i32
      %add3A_1105 = arith.addi %squeeze3A_1098, %min3A_1104 : i32
      %multiple_of3A_1106 = tpu.assume_multiple %add3A_1088, 8 : i32
      "tpu.region"() ({
        %run_scoped3A = tpu.sem_alloc : memref<!tpu.dma_semaphore, #tpu.memory_space<semaphore_mem>>
        %dma_start3A = tpu.memref_slice %arg13[%multiple_of3A_1106] : memref<2208xi32, #tpu.memory_space<vmem_shared>> -> memref<1048xi32, #tpu.memory_space<vmem_shared>>
        %dma_start3A_1512 = tpu.memref_slice %arg13[%multiple_of3A_1106] : memref<2208xi32, #tpu.memory_space<vmem_shared>> -> memref<1048xi32, #tpu.memory_space<vmem_shared>>
        tpu.enqueue_dma source(%dma_start3A_1512 : memref<1048xi32, #tpu.memory_space<vmem_shared>>) target(%arg10 : memref<1048xi32, #tpu.memory_space<vmem>>) target_semaphore(%run_scoped3A : memref<!tpu.dma_semaphore, #tpu.memory_space<semaphore_mem>>)
        %dma_wait3A = tpu.memref_slice %arg13[%multiple_of3A_1106] : memref<2208xi32, #tpu.memory_space<vmem_shared>> -> memref<1048xi32, #tpu.memory_space<vmem_shared>>
        %dma_wait3A_1513 = tpu.memref_slice %arg13[%multiple_of3A_1106] : memref<2208xi32, #tpu.memory_space<vmem_shared>> -> memref<1048xi32, #tpu.memory_space<vmem_shared>>
        tpu.wait_dma2 semaphore(%run_scoped3A : memref<!tpu.dma_semaphore, #tpu.memory_space<semaphore_mem>>) src(%dma_wait3A_1513 : memref<1048xi32, #tpu.memory_space<vmem_shared>>) dst(%arg10 : memref<1048xi32, #tpu.memory_space<vmem>>)
        tpu.yield
      }) : () -> ()
      %add3A_1107 = arith.constant 15 : i32
      %add3A_1108 = arith.addi %add3A_1105, %add3A_1107 : i32
      %shift_right_arithmetic3A_1109 = arith.constant 4 : i32
      %shift_right_arithmetic3A_1110 = arith.shrsi %add3A_1108, %shift_right_arithmetic3A_1109 : i32
      %while3A_1111 = arith.constant 0 : i32
      %while3A_1112 = arith.constant 0 : i32
      %while3A_1113 = arith.subi %shift_right_arithmetic3A_1110, %while3A_1111 : i32
      %while3A_1114 = arith.addi %while3A_1111, %while3A_1113 : i32
      %while3A_1115 = arith.constant 1 : i32
      %while3A_1116 = arith.divsi %while3A_1113, %while3A_1115 : i32
      %while3A_1117 = arith.muli %while3A_1116, %while3A_1115 : i32
      %while3A_1118 = arith.addi %while3A_1111, %while3A_1117 : i32
      %while3A_1119 = arith.constant 1 : i32
      %while3A_1120 = scf.for %while3A_1512 = %while3A_1111 to %while3A_1118 step %while3A_1119 iter_args(%while3A_1513 = %while3A_1112) -> (i32)  : i32 {
        %mul3A_1514 = arith.constant 16 : i32
        %mul3A_1515 = arith.muli %while3A_1512, %mul3A_1514 : i32
        %get3A_1516 = arith.index_cast %mul3A_1515 : i32 to index
        %get3A_1517 = tpu.vector_load %arg10[%get3A_1516] {strides = array<i32>} : memref<1048xi32, #tpu.memory_space<vmem>>, vector<16xi32>,
        %get3A_1518 = vector.shape_cast %get3A_1517 : vector<16xi32> to vector<16xi32>
        %mul3A_1519 = arith.constant 16 : i32
        %mul3A_1520 = arith.muli %while3A_1512, %mul3A_1519 : i32
        %add3A_1521 = arith.addi %add3A_1081, %mul3A_1520 : i32
        %swap3A_1522 = arith.index_cast %add3A_1521 : i32 to index
        %swap3A_1523 = tpu.vector_load %arg11[%swap3A_1522] {strides = array<i32>} : memref<1056xi32, #tpu.memory_space<vmem>>, vector<16xi32>,
        %swap3A_1524 = vector.shape_cast %swap3A_1523 : vector<16xi32> to vector<16xi32>
        %swap3A_1525 = vector.shape_cast %get3A_1518 : vector<16xi32> to vector<16xi32>
        tpu.vector_store %arg11[%swap3A_1522], %swap3A_1525 {strides = array<i32>} : memref<1056xi32, #tpu.memory_space<vmem>>, vector<16xi32>,
        %while3A_1526 = arith.constant 0 : i32
        scf.yield %while3A_1526 : i32
      }
      %while3A_1121 = arith.constant 1 : i32
      %while3A_1122 = scf.for %while3A_1512 = %while3A_1118 to %while3A_1114 step %while3A_1121 iter_args(%while3A_1513 = %while3A_1120) -> (i32)  : i32 {
        %mul3A_1514 = arith.constant 16 : i32
        %mul3A_1515 = arith.muli %while3A_1512, %mul3A_1514 : i32
        %get3A_1516 = arith.index_cast %mul3A_1515 : i32 to index
        %get3A_1517 = tpu.vector_load %arg10[%get3A_1516] {strides = array<i32>} : memref<1048xi32, #tpu.memory_space<vmem>>, vector<16xi32>,
        %get3A_1518 = vector.shape_cast %get3A_1517 : vector<16xi32> to vector<16xi32>
        %mul3A_1519 = arith.constant 16 : i32
        %mul3A_1520 = arith.muli %while3A_1512, %mul3A_1519 : i32
        %add3A_1521 = arith.addi %add3A_1081, %mul3A_1520 : i32
        %swap3A_1522 = arith.index_cast %add3A_1521 : i32 to index
        %swap3A_1523 = tpu.vector_load %arg11[%swap3A_1522] {strides = array<i32>} : memref<1056xi32, #tpu.memory_space<vmem>>, vector<16xi32>,
        %swap3A_1524 = vector.shape_cast %swap3A_1523 : vector<16xi32> to vector<16xi32>
        %swap3A_1525 = vector.shape_cast %get3A_1518 : vector<16xi32> to vector<16xi32>
        tpu.vector_store %arg11[%swap3A_1522], %swap3A_1525 {strides = array<i32>} : memref<1056xi32, #tpu.memory_space<vmem>>, vector<16xi32>,
        %while3A_1526 = arith.constant 0 : i32
        scf.yield %while3A_1526 : i32
      }
      %add3A_1123 = arith.addi %add3A_1081, %add3A_1105 : i32
      %add3A_1124 = arith.constant 7 : i32
      %add3A_1125 = arith.addi %add3A_1105, %add3A_1124 : i32
      %shift_right_arithmetic3A_1126 = arith.constant 3 : i32
      %shift_right_arithmetic3A_1127 = arith.shrsi %add3A_1125, %shift_right_arithmetic3A_1126 : i32
      %shift_left3A_1128 = arith.constant 3 : i32
      %shift_left3A_1129 = arith.shli %shift_right_arithmetic3A_1127, %shift_left3A_1128 : i32
      %add3A_1130 = arith.addi %add3A_1088, %shift_left3A_1129 : i32
      %slice3A_1131 = vector.extract_strided_slice %get3A_1096 {offsets = [1], sizes = [1], strides = [1]} : vector<16xi32> to vector<1xi32>
      %squeeze3A_1132 = vector.extract %slice3A_1131[0] : i32 from vector<1xi32>
      %add3A_1133 = arith.addi %add3A_1091, %squeeze3A_1132 : i32
      %get3A_1134 = arith.constant 7 : i32
      %get3A_1135 = arith.index_cast %get3A_1134 : i32 to index
      %get3A_1136 = arith.constant 0 : index
      %get3A_1137 = tpu.vector_load %arg8[%get3A_1135, %get3A_1136] {strides = array<i32>} : memref<16x16xi32, #tpu.memory_space<vmem>>, vector<1x16xi32>,
      %get3A_1138 = vector.shape_cast %get3A_1137 : vector<1x16xi32> to vector<16xi32>
      %slice3A_1139 = vector.extract_strided_slice %get3A_1138 {offsets = [0], sizes = [1], strides = [1]} : vector<16xi32> to vector<1xi32>
      %squeeze3A_1140 = vector.extract %slice3A_1139[0] : i32 from vector<1xi32>
      %sub3A_1141 = arith.subi %sub3A_277, %add3A_1133 : i32
      %slice3A_1142 = vector.extract_strided_slice %get3A_1138 {offsets = [1], sizes = [1], strides = [1]} : vector<16xi32> to vector<1xi32>
      %squeeze3A_1143 = vector.extract %slice3A_1142[0] : i32 from vector<1xi32>
      %jit3A_1144 = arith.constant 0 : i32
      %max3A_1145 = arith.maxsi %jit3A_1144, %sub3A_1141 : i32
      %min3A_1146 = arith.minsi %squeeze3A_1143, %max3A_1145 : i32
      %add3A_1147 = arith.addi %squeeze3A_1140, %min3A_1146 : i32
      %multiple_of3A_1148 = tpu.assume_multiple %add3A_1130, 8 : i32
      "tpu.region"() ({
        %run_scoped3A = tpu.sem_alloc : memref<!tpu.dma_semaphore, #tpu.memory_space<semaphore_mem>>
        %dma_start3A = tpu.memref_slice %arg13[%multiple_of3A_1148] : memref<2208xi32, #tpu.memory_space<vmem_shared>> -> memref<1048xi32, #tpu.memory_space<vmem_shared>>
        %dma_start3A_1512 = tpu.memref_slice %arg13[%multiple_of3A_1148] : memref<2208xi32, #tpu.memory_space<vmem_shared>> -> memref<1048xi32, #tpu.memory_space<vmem_shared>>
        tpu.enqueue_dma source(%dma_start3A_1512 : memref<1048xi32, #tpu.memory_space<vmem_shared>>) target(%arg10 : memref<1048xi32, #tpu.memory_space<vmem>>) target_semaphore(%run_scoped3A : memref<!tpu.dma_semaphore, #tpu.memory_space<semaphore_mem>>)
        %dma_wait3A = tpu.memref_slice %arg13[%multiple_of3A_1148] : memref<2208xi32, #tpu.memory_space<vmem_shared>> -> memref<1048xi32, #tpu.memory_space<vmem_shared>>
        %dma_wait3A_1513 = tpu.memref_slice %arg13[%multiple_of3A_1148] : memref<2208xi32, #tpu.memory_space<vmem_shared>> -> memref<1048xi32, #tpu.memory_space<vmem_shared>>
        tpu.wait_dma2 semaphore(%run_scoped3A : memref<!tpu.dma_semaphore, #tpu.memory_space<semaphore_mem>>) src(%dma_wait3A_1513 : memref<1048xi32, #tpu.memory_space<vmem_shared>>) dst(%arg10 : memref<1048xi32, #tpu.memory_space<vmem>>)
        tpu.yield
      }) : () -> ()
      %add3A_1149 = arith.constant 15 : i32
      %add3A_1150 = arith.addi %add3A_1147, %add3A_1149 : i32
      %shift_right_arithmetic3A_1151 = arith.constant 4 : i32
      %shift_right_arithmetic3A_1152 = arith.shrsi %add3A_1150, %shift_right_arithmetic3A_1151 : i32
      %while3A_1153 = arith.constant 0 : i32
      %while3A_1154 = arith.constant 0 : i32
      %while3A_1155 = arith.subi %shift_right_arithmetic3A_1152, %while3A_1153 : i32
      %while3A_1156 = arith.addi %while3A_1153, %while3A_1155 : i32
      %while3A_1157 = arith.constant 1 : i32
      %while3A_1158 = arith.divsi %while3A_1155, %while3A_1157 : i32
      %while3A_1159 = arith.muli %while3A_1158, %while3A_1157 : i32
      %while3A_1160 = arith.addi %while3A_1153, %while3A_1159 : i32
      %while3A_1161 = arith.constant 1 : i32
      %while3A_1162 = scf.for %while3A_1512 = %while3A_1153 to %while3A_1160 step %while3A_1161 iter_args(%while3A_1513 = %while3A_1154) -> (i32)  : i32 {
        %mul3A_1514 = arith.constant 16 : i32
        %mul3A_1515 = arith.muli %while3A_1512, %mul3A_1514 : i32
        %get3A_1516 = arith.index_cast %mul3A_1515 : i32 to index
        %get3A_1517 = tpu.vector_load %arg10[%get3A_1516] {strides = array<i32>} : memref<1048xi32, #tpu.memory_space<vmem>>, vector<16xi32>,
        %get3A_1518 = vector.shape_cast %get3A_1517 : vector<16xi32> to vector<16xi32>
        %mul3A_1519 = arith.constant 16 : i32
        %mul3A_1520 = arith.muli %while3A_1512, %mul3A_1519 : i32
        %add3A_1521 = arith.addi %add3A_1123, %mul3A_1520 : i32
        %swap3A_1522 = arith.index_cast %add3A_1521 : i32 to index
        %swap3A_1523 = tpu.vector_load %arg11[%swap3A_1522] {strides = array<i32>} : memref<1056xi32, #tpu.memory_space<vmem>>, vector<16xi32>,
        %swap3A_1524 = vector.shape_cast %swap3A_1523 : vector<16xi32> to vector<16xi32>
        %swap3A_1525 = vector.shape_cast %get3A_1518 : vector<16xi32> to vector<16xi32>
        tpu.vector_store %arg11[%swap3A_1522], %swap3A_1525 {strides = array<i32>} : memref<1056xi32, #tpu.memory_space<vmem>>, vector<16xi32>,
        %while3A_1526 = arith.constant 0 : i32
        scf.yield %while3A_1526 : i32
      }
      %while3A_1163 = arith.constant 1 : i32
      %while3A_1164 = scf.for %while3A_1512 = %while3A_1160 to %while3A_1156 step %while3A_1163 iter_args(%while3A_1513 = %while3A_1162) -> (i32)  : i32 {
        %mul3A_1514 = arith.constant 16 : i32
        %mul3A_1515 = arith.muli %while3A_1512, %mul3A_1514 : i32
        %get3A_1516 = arith.index_cast %mul3A_1515 : i32 to index
        %get3A_1517 = tpu.vector_load %arg10[%get3A_1516] {strides = array<i32>} : memref<1048xi32, #tpu.memory_space<vmem>>, vector<16xi32>,
        %get3A_1518 = vector.shape_cast %get3A_1517 : vector<16xi32> to vector<16xi32>
        %mul3A_1519 = arith.constant 16 : i32
        %mul3A_1520 = arith.muli %while3A_1512, %mul3A_1519 : i32
        %add3A_1521 = arith.addi %add3A_1123, %mul3A_1520 : i32
        %swap3A_1522 = arith.index_cast %add3A_1521 : i32 to index
        %swap3A_1523 = tpu.vector_load %arg11[%swap3A_1522] {strides = array<i32>} : memref<1056xi32, #tpu.memory_space<vmem>>, vector<16xi32>,
        %swap3A_1524 = vector.shape_cast %swap3A_1523 : vector<16xi32> to vector<16xi32>
        %swap3A_1525 = vector.shape_cast %get3A_1518 : vector<16xi32> to vector<16xi32>
        tpu.vector_store %arg11[%swap3A_1522], %swap3A_1525 {strides = array<i32>} : memref<1056xi32, #tpu.memory_space<vmem>>, vector<16xi32>,
        %while3A_1526 = arith.constant 0 : i32
        scf.yield %while3A_1526 : i32
      }
      %add3A_1165 = arith.addi %add3A_1123, %add3A_1147 : i32
      %add3A_1166 = arith.constant 7 : i32
      %add3A_1167 = arith.addi %add3A_1147, %add3A_1166 : i32
      %shift_right_arithmetic3A_1168 = arith.constant 3 : i32
      %shift_right_arithmetic3A_1169 = arith.shrsi %add3A_1167, %shift_right_arithmetic3A_1168 : i32
      %shift_left3A_1170 = arith.constant 3 : i32
      %shift_left3A_1171 = arith.shli %shift_right_arithmetic3A_1169, %shift_left3A_1170 : i32
      %add3A_1172 = arith.addi %add3A_1130, %shift_left3A_1171 : i32
      %slice3A_1173 = vector.extract_strided_slice %get3A_1138 {offsets = [1], sizes = [1], strides = [1]} : vector<16xi32> to vector<1xi32>
      %squeeze3A_1174 = vector.extract %slice3A_1173[0] : i32 from vector<1xi32>
      %add3A_1175 = arith.addi %add3A_1133, %squeeze3A_1174 : i32
      %get3A_1176 = arith.constant 8 : i32
      %get3A_1177 = arith.index_cast %get3A_1176 : i32 to index
      %get3A_1178 = arith.constant 0 : index
      %get3A_1179 = tpu.vector_load %arg8[%get3A_1177, %get3A_1178] {strides = array<i32>} : memref<16x16xi32, #tpu.memory_space<vmem>>, vector<1x16xi32>,
      %get3A_1180 = vector.shape_cast %get3A_1179 : vector<1x16xi32> to vector<16xi32>
      %slice3A_1181 = vector.extract_strided_slice %get3A_1180 {offsets = [0], sizes = [1], strides = [1]} : vector<16xi32> to vector<1xi32>
      %squeeze3A_1182 = vector.extract %slice3A_1181[0] : i32 from vector<1xi32>
      %sub3A_1183 = arith.subi %sub3A_277, %add3A_1175 : i32
      %slice3A_1184 = vector.extract_strided_slice %get3A_1180 {offsets = [1], sizes = [1], strides = [1]} : vector<16xi32> to vector<1xi32>
      %squeeze3A_1185 = vector.extract %slice3A_1184[0] : i32 from vector<1xi32>
      %jit3A_1186 = arith.constant 0 : i32
      %max3A_1187 = arith.maxsi %jit3A_1186, %sub3A_1183 : i32
      %min3A_1188 = arith.minsi %squeeze3A_1185, %max3A_1187 : i32
      %add3A_1189 = arith.addi %squeeze3A_1182, %min3A_1188 : i32
      %multiple_of3A_1190 = tpu.assume_multiple %add3A_1172, 8 : i32
      "tpu.region"() ({
        %run_scoped3A = tpu.sem_alloc : memref<!tpu.dma_semaphore, #tpu.memory_space<semaphore_mem>>
        %dma_start3A = tpu.memref_slice %arg13[%multiple_of3A_1190] : memref<2208xi32, #tpu.memory_space<vmem_shared>> -> memref<1048xi32, #tpu.memory_space<vmem_shared>>
        %dma_start3A_1512 = tpu.memref_slice %arg13[%multiple_of3A_1190] : memref<2208xi32, #tpu.memory_space<vmem_shared>> -> memref<1048xi32, #tpu.memory_space<vmem_shared>>
        tpu.enqueue_dma source(%dma_start3A_1512 : memref<1048xi32, #tpu.memory_space<vmem_shared>>) target(%arg10 : memref<1048xi32, #tpu.memory_space<vmem>>) target_semaphore(%run_scoped3A : memref<!tpu.dma_semaphore, #tpu.memory_space<semaphore_mem>>)
        %dma_wait3A = tpu.memref_slice %arg13[%multiple_of3A_1190] : memref<2208xi32, #tpu.memory_space<vmem_shared>> -> memref<1048xi32, #tpu.memory_space<vmem_shared>>
        %dma_wait3A_1513 = tpu.memref_slice %arg13[%multiple_of3A_1190] : memref<2208xi32, #tpu.memory_space<vmem_shared>> -> memref<1048xi32, #tpu.memory_space<vmem_shared>>
        tpu.wait_dma2 semaphore(%run_scoped3A : memref<!tpu.dma_semaphore, #tpu.memory_space<semaphore_mem>>) src(%dma_wait3A_1513 : memref<1048xi32, #tpu.memory_space<vmem_shared>>) dst(%arg10 : memref<1048xi32, #tpu.memory_space<vmem>>)
        tpu.yield
      }) : () -> ()
      %add3A_1191 = arith.constant 15 : i32
      %add3A_1192 = arith.addi %add3A_1189, %add3A_1191 : i32
      %shift_right_arithmetic3A_1193 = arith.constant 4 : i32
      %shift_right_arithmetic3A_1194 = arith.shrsi %add3A_1192, %shift_right_arithmetic3A_1193 : i32
      %while3A_1195 = arith.constant 0 : i32
      %while3A_1196 = arith.constant 0 : i32
      %while3A_1197 = arith.subi %shift_right_arithmetic3A_1194, %while3A_1195 : i32
      %while3A_1198 = arith.addi %while3A_1195, %while3A_1197 : i32
      %while3A_1199 = arith.constant 1 : i32
      %while3A_1200 = arith.divsi %while3A_1197, %while3A_1199 : i32
      %while3A_1201 = arith.muli %while3A_1200, %while3A_1199 : i32
      %while3A_1202 = arith.addi %while3A_1195, %while3A_1201 : i32
      %while3A_1203 = arith.constant 1 : i32
      %while3A_1204 = scf.for %while3A_1512 = %while3A_1195 to %while3A_1202 step %while3A_1203 iter_args(%while3A_1513 = %while3A_1196) -> (i32)  : i32 {
        %mul3A_1514 = arith.constant 16 : i32
        %mul3A_1515 = arith.muli %while3A_1512, %mul3A_1514 : i32
        %get3A_1516 = arith.index_cast %mul3A_1515 : i32 to index
        %get3A_1517 = tpu.vector_load %arg10[%get3A_1516] {strides = array<i32>} : memref<1048xi32, #tpu.memory_space<vmem>>, vector<16xi32>,
        %get3A_1518 = vector.shape_cast %get3A_1517 : vector<16xi32> to vector<16xi32>
        %mul3A_1519 = arith.constant 16 : i32
        %mul3A_1520 = arith.muli %while3A_1512, %mul3A_1519 : i32
        %add3A_1521 = arith.addi %add3A_1165, %mul3A_1520 : i32
        %swap3A_1522 = arith.index_cast %add3A_1521 : i32 to index
        %swap3A_1523 = tpu.vector_load %arg11[%swap3A_1522] {strides = array<i32>} : memref<1056xi32, #tpu.memory_space<vmem>>, vector<16xi32>,
        %swap3A_1524 = vector.shape_cast %swap3A_1523 : vector<16xi32> to vector<16xi32>
        %swap3A_1525 = vector.shape_cast %get3A_1518 : vector<16xi32> to vector<16xi32>
        tpu.vector_store %arg11[%swap3A_1522], %swap3A_1525 {strides = array<i32>} : memref<1056xi32, #tpu.memory_space<vmem>>, vector<16xi32>,
        %while3A_1526 = arith.constant 0 : i32
        scf.yield %while3A_1526 : i32
      }
      %while3A_1205 = arith.constant 1 : i32
      %while3A_1206 = scf.for %while3A_1512 = %while3A_1202 to %while3A_1198 step %while3A_1205 iter_args(%while3A_1513 = %while3A_1204) -> (i32)  : i32 {
        %mul3A_1514 = arith.constant 16 : i32
        %mul3A_1515 = arith.muli %while3A_1512, %mul3A_1514 : i32
        %get3A_1516 = arith.index_cast %mul3A_1515 : i32 to index
        %get3A_1517 = tpu.vector_load %arg10[%get3A_1516] {strides = array<i32>} : memref<1048xi32, #tpu.memory_space<vmem>>, vector<16xi32>,
        %get3A_1518 = vector.shape_cast %get3A_1517 : vector<16xi32> to vector<16xi32>
        %mul3A_1519 = arith.constant 16 : i32
        %mul3A_1520 = arith.muli %while3A_1512, %mul3A_1519 : i32
        %add3A_1521 = arith.addi %add3A_1165, %mul3A_1520 : i32
        %swap3A_1522 = arith.index_cast %add3A_1521 : i32 to index
        %swap3A_1523 = tpu.vector_load %arg11[%swap3A_1522] {strides = array<i32>} : memref<1056xi32, #tpu.memory_space<vmem>>, vector<16xi32>,
        %swap3A_1524 = vector.shape_cast %swap3A_1523 : vector<16xi32> to vector<16xi32>
        %swap3A_1525 = vector.shape_cast %get3A_1518 : vector<16xi32> to vector<16xi32>
        tpu.vector_store %arg11[%swap3A_1522], %swap3A_1525 {strides = array<i32>} : memref<1056xi32, #tpu.memory_space<vmem>>, vector<16xi32>,
        %while3A_1526 = arith.constant 0 : i32
        scf.yield %while3A_1526 : i32
      }
      %add3A_1207 = arith.addi %add3A_1165, %add3A_1189 : i32
      %add3A_1208 = arith.constant 7 : i32
      %add3A_1209 = arith.addi %add3A_1189, %add3A_1208 : i32
      %shift_right_arithmetic3A_1210 = arith.constant 3 : i32
      %shift_right_arithmetic3A_1211 = arith.shrsi %add3A_1209, %shift_right_arithmetic3A_1210 : i32
      %shift_left3A_1212 = arith.constant 3 : i32
      %shift_left3A_1213 = arith.shli %shift_right_arithmetic3A_1211, %shift_left3A_1212 : i32
      %add3A_1214 = arith.addi %add3A_1172, %shift_left3A_1213 : i32
      %slice3A_1215 = vector.extract_strided_slice %get3A_1180 {offsets = [1], sizes = [1], strides = [1]} : vector<16xi32> to vector<1xi32>
      %squeeze3A_1216 = vector.extract %slice3A_1215[0] : i32 from vector<1xi32>
      %add3A_1217 = arith.addi %add3A_1175, %squeeze3A_1216 : i32
      %get3A_1218 = arith.constant 9 : i32
      %get3A_1219 = arith.index_cast %get3A_1218 : i32 to index
      %get3A_1220 = arith.constant 0 : index
      %get3A_1221 = tpu.vector_load %arg8[%get3A_1219, %get3A_1220] {strides = array<i32>} : memref<16x16xi32, #tpu.memory_space<vmem>>, vector<1x16xi32>,
      %get3A_1222 = vector.shape_cast %get3A_1221 : vector<1x16xi32> to vector<16xi32>
      %slice3A_1223 = vector.extract_strided_slice %get3A_1222 {offsets = [0], sizes = [1], strides = [1]} : vector<16xi32> to vector<1xi32>
      %squeeze3A_1224 = vector.extract %slice3A_1223[0] : i32 from vector<1xi32>
      %sub3A_1225 = arith.subi %sub3A_277, %add3A_1217 : i32
      %slice3A_1226 = vector.extract_strided_slice %get3A_1222 {offsets = [1], sizes = [1], strides = [1]} : vector<16xi32> to vector<1xi32>
      %squeeze3A_1227 = vector.extract %slice3A_1226[0] : i32 from vector<1xi32>
      %jit3A_1228 = arith.constant 0 : i32
      %max3A_1229 = arith.maxsi %jit3A_1228, %sub3A_1225 : i32
      %min3A_1230 = arith.minsi %squeeze3A_1227, %max3A_1229 : i32
      %add3A_1231 = arith.addi %squeeze3A_1224, %min3A_1230 : i32
      %multiple_of3A_1232 = tpu.assume_multiple %add3A_1214, 8 : i32
      "tpu.region"() ({
        %run_scoped3A = tpu.sem_alloc : memref<!tpu.dma_semaphore, #tpu.memory_space<semaphore_mem>>
        %dma_start3A = tpu.memref_slice %arg13[%multiple_of3A_1232] : memref<2208xi32, #tpu.memory_space<vmem_shared>> -> memref<1048xi32, #tpu.memory_space<vmem_shared>>
        %dma_start3A_1512 = tpu.memref_slice %arg13[%multiple_of3A_1232] : memref<2208xi32, #tpu.memory_space<vmem_shared>> -> memref<1048xi32, #tpu.memory_space<vmem_shared>>
        tpu.enqueue_dma source(%dma_start3A_1512 : memref<1048xi32, #tpu.memory_space<vmem_shared>>) target(%arg10 : memref<1048xi32, #tpu.memory_space<vmem>>) target_semaphore(%run_scoped3A : memref<!tpu.dma_semaphore, #tpu.memory_space<semaphore_mem>>)
        %dma_wait3A = tpu.memref_slice %arg13[%multiple_of3A_1232] : memref<2208xi32, #tpu.memory_space<vmem_shared>> -> memref<1048xi32, #tpu.memory_space<vmem_shared>>
        %dma_wait3A_1513 = tpu.memref_slice %arg13[%multiple_of3A_1232] : memref<2208xi32, #tpu.memory_space<vmem_shared>> -> memref<1048xi32, #tpu.memory_space<vmem_shared>>
        tpu.wait_dma2 semaphore(%run_scoped3A : memref<!tpu.dma_semaphore, #tpu.memory_space<semaphore_mem>>) src(%dma_wait3A_1513 : memref<1048xi32, #tpu.memory_space<vmem_shared>>) dst(%arg10 : memref<1048xi32, #tpu.memory_space<vmem>>)
        tpu.yield
      }) : () -> ()
      %add3A_1233 = arith.constant 15 : i32
      %add3A_1234 = arith.addi %add3A_1231, %add3A_1233 : i32
      %shift_right_arithmetic3A_1235 = arith.constant 4 : i32
      %shift_right_arithmetic3A_1236 = arith.shrsi %add3A_1234, %shift_right_arithmetic3A_1235 : i32
      %while3A_1237 = arith.constant 0 : i32
      %while3A_1238 = arith.constant 0 : i32
      %while3A_1239 = arith.subi %shift_right_arithmetic3A_1236, %while3A_1237 : i32
      %while3A_1240 = arith.addi %while3A_1237, %while3A_1239 : i32
      %while3A_1241 = arith.constant 1 : i32
      %while3A_1242 = arith.divsi %while3A_1239, %while3A_1241 : i32
      %while3A_1243 = arith.muli %while3A_1242, %while3A_1241 : i32
      %while3A_1244 = arith.addi %while3A_1237, %while3A_1243 : i32
      %while3A_1245 = arith.constant 1 : i32
      %while3A_1246 = scf.for %while3A_1512 = %while3A_1237 to %while3A_1244 step %while3A_1245 iter_args(%while3A_1513 = %while3A_1238) -> (i32)  : i32 {
        %mul3A_1514 = arith.constant 16 : i32
        %mul3A_1515 = arith.muli %while3A_1512, %mul3A_1514 : i32
        %get3A_1516 = arith.index_cast %mul3A_1515 : i32 to index
        %get3A_1517 = tpu.vector_load %arg10[%get3A_1516] {strides = array<i32>} : memref<1048xi32, #tpu.memory_space<vmem>>, vector<16xi32>,
        %get3A_1518 = vector.shape_cast %get3A_1517 : vector<16xi32> to vector<16xi32>
        %mul3A_1519 = arith.constant 16 : i32
        %mul3A_1520 = arith.muli %while3A_1512, %mul3A_1519 : i32
        %add3A_1521 = arith.addi %add3A_1207, %mul3A_1520 : i32
        %swap3A_1522 = arith.index_cast %add3A_1521 : i32 to index
        %swap3A_1523 = tpu.vector_load %arg11[%swap3A_1522] {strides = array<i32>} : memref<1056xi32, #tpu.memory_space<vmem>>, vector<16xi32>,
        %swap3A_1524 = vector.shape_cast %swap3A_1523 : vector<16xi32> to vector<16xi32>
        %swap3A_1525 = vector.shape_cast %get3A_1518 : vector<16xi32> to vector<16xi32>
        tpu.vector_store %arg11[%swap3A_1522], %swap3A_1525 {strides = array<i32>} : memref<1056xi32, #tpu.memory_space<vmem>>, vector<16xi32>,
        %while3A_1526 = arith.constant 0 : i32
        scf.yield %while3A_1526 : i32
      }
      %while3A_1247 = arith.constant 1 : i32
      %while3A_1248 = scf.for %while3A_1512 = %while3A_1244 to %while3A_1240 step %while3A_1247 iter_args(%while3A_1513 = %while3A_1246) -> (i32)  : i32 {
        %mul3A_1514 = arith.constant 16 : i32
        %mul3A_1515 = arith.muli %while3A_1512, %mul3A_1514 : i32
        %get3A_1516 = arith.index_cast %mul3A_1515 : i32 to index
        %get3A_1517 = tpu.vector_load %arg10[%get3A_1516] {strides = array<i32>} : memref<1048xi32, #tpu.memory_space<vmem>>, vector<16xi32>,
        %get3A_1518 = vector.shape_cast %get3A_1517 : vector<16xi32> to vector<16xi32>
        %mul3A_1519 = arith.constant 16 : i32
        %mul3A_1520 = arith.muli %while3A_1512, %mul3A_1519 : i32
        %add3A_1521 = arith.addi %add3A_1207, %mul3A_1520 : i32
        %swap3A_1522 = arith.index_cast %add3A_1521 : i32 to index
        %swap3A_1523 = tpu.vector_load %arg11[%swap3A_1522] {strides = array<i32>} : memref<1056xi32, #tpu.memory_space<vmem>>, vector<16xi32>,
        %swap3A_1524 = vector.shape_cast %swap3A_1523 : vector<16xi32> to vector<16xi32>
        %swap3A_1525 = vector.shape_cast %get3A_1518 : vector<16xi32> to vector<16xi32>
        tpu.vector_store %arg11[%swap3A_1522], %swap3A_1525 {strides = array<i32>} : memref<1056xi32, #tpu.memory_space<vmem>>, vector<16xi32>,
        %while3A_1526 = arith.constant 0 : i32
        scf.yield %while3A_1526 : i32
      }
      %add3A_1249 = arith.addi %add3A_1207, %add3A_1231 : i32
      %add3A_1250 = arith.constant 7 : i32
      %add3A_1251 = arith.addi %add3A_1231, %add3A_1250 : i32
      %shift_right_arithmetic3A_1252 = arith.constant 3 : i32
      %shift_right_arithmetic3A_1253 = arith.shrsi %add3A_1251, %shift_right_arithmetic3A_1252 : i32
      %shift_left3A_1254 = arith.constant 3 : i32
      %shift_left3A_1255 = arith.shli %shift_right_arithmetic3A_1253, %shift_left3A_1254 : i32
      %add3A_1256 = arith.addi %add3A_1214, %shift_left3A_1255 : i32
      %slice3A_1257 = vector.extract_strided_slice %get3A_1222 {offsets = [1], sizes = [1], strides = [1]} : vector<16xi32> to vector<1xi32>
      %squeeze3A_1258 = vector.extract %slice3A_1257[0] : i32 from vector<1xi32>
      %add3A_1259 = arith.addi %add3A_1217, %squeeze3A_1258 : i32
      %get3A_1260 = arith.constant 10 : i32
      %get3A_1261 = arith.index_cast %get3A_1260 : i32 to index
      %get3A_1262 = arith.constant 0 : index
      %get3A_1263 = tpu.vector_load %arg8[%get3A_1261, %get3A_1262] {strides = array<i32>} : memref<16x16xi32, #tpu.memory_space<vmem>>, vector<1x16xi32>,
      %get3A_1264 = vector.shape_cast %get3A_1263 : vector<1x16xi32> to vector<16xi32>
      %slice3A_1265 = vector.extract_strided_slice %get3A_1264 {offsets = [0], sizes = [1], strides = [1]} : vector<16xi32> to vector<1xi32>
      %squeeze3A_1266 = vector.extract %slice3A_1265[0] : i32 from vector<1xi32>
      %sub3A_1267 = arith.subi %sub3A_277, %add3A_1259 : i32
      %slice3A_1268 = vector.extract_strided_slice %get3A_1264 {offsets = [1], sizes = [1], strides = [1]} : vector<16xi32> to vector<1xi32>
      %squeeze3A_1269 = vector.extract %slice3A_1268[0] : i32 from vector<1xi32>
      %jit3A_1270 = arith.constant 0 : i32
      %max3A_1271 = arith.maxsi %jit3A_1270, %sub3A_1267 : i32
      %min3A_1272 = arith.minsi %squeeze3A_1269, %max3A_1271 : i32
      %add3A_1273 = arith.addi %squeeze3A_1266, %min3A_1272 : i32
      %multiple_of3A_1274 = tpu.assume_multiple %add3A_1256, 8 : i32
      "tpu.region"() ({
        %run_scoped3A = tpu.sem_alloc : memref<!tpu.dma_semaphore, #tpu.memory_space<semaphore_mem>>
        %dma_start3A = tpu.memref_slice %arg13[%multiple_of3A_1274] : memref<2208xi32, #tpu.memory_space<vmem_shared>> -> memref<1048xi32, #tpu.memory_space<vmem_shared>>
        %dma_start3A_1512 = tpu.memref_slice %arg13[%multiple_of3A_1274] : memref<2208xi32, #tpu.memory_space<vmem_shared>> -> memref<1048xi32, #tpu.memory_space<vmem_shared>>
        tpu.enqueue_dma source(%dma_start3A_1512 : memref<1048xi32, #tpu.memory_space<vmem_shared>>) target(%arg10 : memref<1048xi32, #tpu.memory_space<vmem>>) target_semaphore(%run_scoped3A : memref<!tpu.dma_semaphore, #tpu.memory_space<semaphore_mem>>)
        %dma_wait3A = tpu.memref_slice %arg13[%multiple_of3A_1274] : memref<2208xi32, #tpu.memory_space<vmem_shared>> -> memref<1048xi32, #tpu.memory_space<vmem_shared>>
        %dma_wait3A_1513 = tpu.memref_slice %arg13[%multiple_of3A_1274] : memref<2208xi32, #tpu.memory_space<vmem_shared>> -> memref<1048xi32, #tpu.memory_space<vmem_shared>>
        tpu.wait_dma2 semaphore(%run_scoped3A : memref<!tpu.dma_semaphore, #tpu.memory_space<semaphore_mem>>) src(%dma_wait3A_1513 : memref<1048xi32, #tpu.memory_space<vmem_shared>>) dst(%arg10 : memref<1048xi32, #tpu.memory_space<vmem>>)
        tpu.yield
      }) : () -> ()
      %add3A_1275 = arith.constant 15 : i32
      %add3A_1276 = arith.addi %add3A_1273, %add3A_1275 : i32
      %shift_right_arithmetic3A_1277 = arith.constant 4 : i32
      %shift_right_arithmetic3A_1278 = arith.shrsi %add3A_1276, %shift_right_arithmetic3A_1277 : i32
      %while3A_1279 = arith.constant 0 : i32
      %while3A_1280 = arith.constant 0 : i32
      %while3A_1281 = arith.subi %shift_right_arithmetic3A_1278, %while3A_1279 : i32
      %while3A_1282 = arith.addi %while3A_1279, %while3A_1281 : i32
      %while3A_1283 = arith.constant 1 : i32
      %while3A_1284 = arith.divsi %while3A_1281, %while3A_1283 : i32
      %while3A_1285 = arith.muli %while3A_1284, %while3A_1283 : i32
      %while3A_1286 = arith.addi %while3A_1279, %while3A_1285 : i32
      %while3A_1287 = arith.constant 1 : i32
      %while3A_1288 = scf.for %while3A_1512 = %while3A_1279 to %while3A_1286 step %while3A_1287 iter_args(%while3A_1513 = %while3A_1280) -> (i32)  : i32 {
        %mul3A_1514 = arith.constant 16 : i32
        %mul3A_1515 = arith.muli %while3A_1512, %mul3A_1514 : i32
        %get3A_1516 = arith.index_cast %mul3A_1515 : i32 to index
        %get3A_1517 = tpu.vector_load %arg10[%get3A_1516] {strides = array<i32>} : memref<1048xi32, #tpu.memory_space<vmem>>, vector<16xi32>,
        %get3A_1518 = vector.shape_cast %get3A_1517 : vector<16xi32> to vector<16xi32>
        %mul3A_1519 = arith.constant 16 : i32
        %mul3A_1520 = arith.muli %while3A_1512, %mul3A_1519 : i32
        %add3A_1521 = arith.addi %add3A_1249, %mul3A_1520 : i32
        %swap3A_1522 = arith.index_cast %add3A_1521 : i32 to index
        %swap3A_1523 = tpu.vector_load %arg11[%swap3A_1522] {strides = array<i32>} : memref<1056xi32, #tpu.memory_space<vmem>>, vector<16xi32>,
        %swap3A_1524 = vector.shape_cast %swap3A_1523 : vector<16xi32> to vector<16xi32>
        %swap3A_1525 = vector.shape_cast %get3A_1518 : vector<16xi32> to vector<16xi32>
        tpu.vector_store %arg11[%swap3A_1522], %swap3A_1525 {strides = array<i32>} : memref<1056xi32, #tpu.memory_space<vmem>>, vector<16xi32>,
        %while3A_1526 = arith.constant 0 : i32
        scf.yield %while3A_1526 : i32
      }
      %while3A_1289 = arith.constant 1 : i32
      %while3A_1290 = scf.for %while3A_1512 = %while3A_1286 to %while3A_1282 step %while3A_1289 iter_args(%while3A_1513 = %while3A_1288) -> (i32)  : i32 {
        %mul3A_1514 = arith.constant 16 : i32
        %mul3A_1515 = arith.muli %while3A_1512, %mul3A_1514 : i32
        %get3A_1516 = arith.index_cast %mul3A_1515 : i32 to index
        %get3A_1517 = tpu.vector_load %arg10[%get3A_1516] {strides = array<i32>} : memref<1048xi32, #tpu.memory_space<vmem>>, vector<16xi32>,
        %get3A_1518 = vector.shape_cast %get3A_1517 : vector<16xi32> to vector<16xi32>
        %mul3A_1519 = arith.constant 16 : i32
        %mul3A_1520 = arith.muli %while3A_1512, %mul3A_1519 : i32
        %add3A_1521 = arith.addi %add3A_1249, %mul3A_1520 : i32
        %swap3A_1522 = arith.index_cast %add3A_1521 : i32 to index
        %swap3A_1523 = tpu.vector_load %arg11[%swap3A_1522] {strides = array<i32>} : memref<1056xi32, #tpu.memory_space<vmem>>, vector<16xi32>,
        %swap3A_1524 = vector.shape_cast %swap3A_1523 : vector<16xi32> to vector<16xi32>
        %swap3A_1525 = vector.shape_cast %get3A_1518 : vector<16xi32> to vector<16xi32>
        tpu.vector_store %arg11[%swap3A_1522], %swap3A_1525 {strides = array<i32>} : memref<1056xi32, #tpu.memory_space<vmem>>, vector<16xi32>,
        %while3A_1526 = arith.constant 0 : i32
        scf.yield %while3A_1526 : i32
      }
      %add3A_1291 = arith.addi %add3A_1249, %add3A_1273 : i32
      %add3A_1292 = arith.constant 7 : i32
      %add3A_1293 = arith.addi %add3A_1273, %add3A_1292 : i32
      %shift_right_arithmetic3A_1294 = arith.constant 3 : i32
      %shift_right_arithmetic3A_1295 = arith.shrsi %add3A_1293, %shift_right_arithmetic3A_1294 : i32
      %shift_left3A_1296 = arith.constant 3 : i32
      %shift_left3A_1297 = arith.shli %shift_right_arithmetic3A_1295, %shift_left3A_1296 : i32
      %add3A_1298 = arith.addi %add3A_1256, %shift_left3A_1297 : i32
      %slice3A_1299 = vector.extract_strided_slice %get3A_1264 {offsets = [1], sizes = [1], strides = [1]} : vector<16xi32> to vector<1xi32>
      %squeeze3A_1300 = vector.extract %slice3A_1299[0] : i32 from vector<1xi32>
      %add3A_1301 = arith.addi %add3A_1259, %squeeze3A_1300 : i32
      %get3A_1302 = arith.constant 11 : i32
      %get3A_1303 = arith.index_cast %get3A_1302 : i32 to index
      %get3A_1304 = arith.constant 0 : index
      %get3A_1305 = tpu.vector_load %arg8[%get3A_1303, %get3A_1304] {strides = array<i32>} : memref<16x16xi32, #tpu.memory_space<vmem>>, vector<1x16xi32>,
      %get3A_1306 = vector.shape_cast %get3A_1305 : vector<1x16xi32> to vector<16xi32>
      %slice3A_1307 = vector.extract_strided_slice %get3A_1306 {offsets = [0], sizes = [1], strides = [1]} : vector<16xi32> to vector<1xi32>
      %squeeze3A_1308 = vector.extract %slice3A_1307[0] : i32 from vector<1xi32>
      %sub3A_1309 = arith.subi %sub3A_277, %add3A_1301 : i32
      %slice3A_1310 = vector.extract_strided_slice %get3A_1306 {offsets = [1], sizes = [1], strides = [1]} : vector<16xi32> to vector<1xi32>
      %squeeze3A_1311 = vector.extract %slice3A_1310[0] : i32 from vector<1xi32>
      %jit3A_1312 = arith.constant 0 : i32
      %max3A_1313 = arith.maxsi %jit3A_1312, %sub3A_1309 : i32
      %min3A_1314 = arith.minsi %squeeze3A_1311, %max3A_1313 : i32
      %add3A_1315 = arith.addi %squeeze3A_1308, %min3A_1314 : i32
      %multiple_of3A_1316 = tpu.assume_multiple %add3A_1298, 8 : i32
      "tpu.region"() ({
        %run_scoped3A = tpu.sem_alloc : memref<!tpu.dma_semaphore, #tpu.memory_space<semaphore_mem>>
        %dma_start3A = tpu.memref_slice %arg13[%multiple_of3A_1316] : memref<2208xi32, #tpu.memory_space<vmem_shared>> -> memref<1048xi32, #tpu.memory_space<vmem_shared>>
        %dma_start3A_1512 = tpu.memref_slice %arg13[%multiple_of3A_1316] : memref<2208xi32, #tpu.memory_space<vmem_shared>> -> memref<1048xi32, #tpu.memory_space<vmem_shared>>
        tpu.enqueue_dma source(%dma_start3A_1512 : memref<1048xi32, #tpu.memory_space<vmem_shared>>) target(%arg10 : memref<1048xi32, #tpu.memory_space<vmem>>) target_semaphore(%run_scoped3A : memref<!tpu.dma_semaphore, #tpu.memory_space<semaphore_mem>>)
        %dma_wait3A = tpu.memref_slice %arg13[%multiple_of3A_1316] : memref<2208xi32, #tpu.memory_space<vmem_shared>> -> memref<1048xi32, #tpu.memory_space<vmem_shared>>
        %dma_wait3A_1513 = tpu.memref_slice %arg13[%multiple_of3A_1316] : memref<2208xi32, #tpu.memory_space<vmem_shared>> -> memref<1048xi32, #tpu.memory_space<vmem_shared>>
        tpu.wait_dma2 semaphore(%run_scoped3A : memref<!tpu.dma_semaphore, #tpu.memory_space<semaphore_mem>>) src(%dma_wait3A_1513 : memref<1048xi32, #tpu.memory_space<vmem_shared>>) dst(%arg10 : memref<1048xi32, #tpu.memory_space<vmem>>)
        tpu.yield
      }) : () -> ()
      %add3A_1317 = arith.constant 15 : i32
      %add3A_1318 = arith.addi %add3A_1315, %add3A_1317 : i32
      %shift_right_arithmetic3A_1319 = arith.constant 4 : i32
      %shift_right_arithmetic3A_1320 = arith.shrsi %add3A_1318, %shift_right_arithmetic3A_1319 : i32
      %while3A_1321 = arith.constant 0 : i32
      %while3A_1322 = arith.constant 0 : i32
      %while3A_1323 = arith.subi %shift_right_arithmetic3A_1320, %while3A_1321 : i32
      %while3A_1324 = arith.addi %while3A_1321, %while3A_1323 : i32
      %while3A_1325 = arith.constant 1 : i32
      %while3A_1326 = arith.divsi %while3A_1323, %while3A_1325 : i32
      %while3A_1327 = arith.muli %while3A_1326, %while3A_1325 : i32
      %while3A_1328 = arith.addi %while3A_1321, %while3A_1327 : i32
      %while3A_1329 = arith.constant 1 : i32
      %while3A_1330 = scf.for %while3A_1512 = %while3A_1321 to %while3A_1328 step %while3A_1329 iter_args(%while3A_1513 = %while3A_1322) -> (i32)  : i32 {
        %mul3A_1514 = arith.constant 16 : i32
        %mul3A_1515 = arith.muli %while3A_1512, %mul3A_1514 : i32
        %get3A_1516 = arith.index_cast %mul3A_1515 : i32 to index
        %get3A_1517 = tpu.vector_load %arg10[%get3A_1516] {strides = array<i32>} : memref<1048xi32, #tpu.memory_space<vmem>>, vector<16xi32>,
        %get3A_1518 = vector.shape_cast %get3A_1517 : vector<16xi32> to vector<16xi32>
        %mul3A_1519 = arith.constant 16 : i32
        %mul3A_1520 = arith.muli %while3A_1512, %mul3A_1519 : i32
        %add3A_1521 = arith.addi %add3A_1291, %mul3A_1520 : i32
        %swap3A_1522 = arith.index_cast %add3A_1521 : i32 to index
        %swap3A_1523 = tpu.vector_load %arg11[%swap3A_1522] {strides = array<i32>} : memref<1056xi32, #tpu.memory_space<vmem>>, vector<16xi32>,
        %swap3A_1524 = vector.shape_cast %swap3A_1523 : vector<16xi32> to vector<16xi32>
        %swap3A_1525 = vector.shape_cast %get3A_1518 : vector<16xi32> to vector<16xi32>
        tpu.vector_store %arg11[%swap3A_1522], %swap3A_1525 {strides = array<i32>} : memref<1056xi32, #tpu.memory_space<vmem>>, vector<16xi32>,
        %while3A_1526 = arith.constant 0 : i32
        scf.yield %while3A_1526 : i32
      }
      %while3A_1331 = arith.constant 1 : i32
      %while3A_1332 = scf.for %while3A_1512 = %while3A_1328 to %while3A_1324 step %while3A_1331 iter_args(%while3A_1513 = %while3A_1330) -> (i32)  : i32 {
        %mul3A_1514 = arith.constant 16 : i32
        %mul3A_1515 = arith.muli %while3A_1512, %mul3A_1514 : i32
        %get3A_1516 = arith.index_cast %mul3A_1515 : i32 to index
        %get3A_1517 = tpu.vector_load %arg10[%get3A_1516] {strides = array<i32>} : memref<1048xi32, #tpu.memory_space<vmem>>, vector<16xi32>,
        %get3A_1518 = vector.shape_cast %get3A_1517 : vector<16xi32> to vector<16xi32>
        %mul3A_1519 = arith.constant 16 : i32
        %mul3A_1520 = arith.muli %while3A_1512, %mul3A_1519 : i32
        %add3A_1521 = arith.addi %add3A_1291, %mul3A_1520 : i32
        %swap3A_1522 = arith.index_cast %add3A_1521 : i32 to index
        %swap3A_1523 = tpu.vector_load %arg11[%swap3A_1522] {strides = array<i32>} : memref<1056xi32, #tpu.memory_space<vmem>>, vector<16xi32>,
        %swap3A_1524 = vector.shape_cast %swap3A_1523 : vector<16xi32> to vector<16xi32>
        %swap3A_1525 = vector.shape_cast %get3A_1518 : vector<16xi32> to vector<16xi32>
        tpu.vector_store %arg11[%swap3A_1522], %swap3A_1525 {strides = array<i32>} : memref<1056xi32, #tpu.memory_space<vmem>>, vector<16xi32>,
        %while3A_1526 = arith.constant 0 : i32
        scf.yield %while3A_1526 : i32
      }
      %add3A_1333 = arith.addi %add3A_1291, %add3A_1315 : i32
      %add3A_1334 = arith.constant 7 : i32
      %add3A_1335 = arith.addi %add3A_1315, %add3A_1334 : i32
      %shift_right_arithmetic3A_1336 = arith.constant 3 : i32
      %shift_right_arithmetic3A_1337 = arith.shrsi %add3A_1335, %shift_right_arithmetic3A_1336 : i32
      %shift_left3A_1338 = arith.constant 3 : i32
      %shift_left3A_1339 = arith.shli %shift_right_arithmetic3A_1337, %shift_left3A_1338 : i32
      %add3A_1340 = arith.addi %add3A_1298, %shift_left3A_1339 : i32
      %slice3A_1341 = vector.extract_strided_slice %get3A_1306 {offsets = [1], sizes = [1], strides = [1]} : vector<16xi32> to vector<1xi32>
      %squeeze3A_1342 = vector.extract %slice3A_1341[0] : i32 from vector<1xi32>
      %add3A_1343 = arith.addi %add3A_1301, %squeeze3A_1342 : i32
      %get3A_1344 = arith.constant 12 : i32
      %get3A_1345 = arith.index_cast %get3A_1344 : i32 to index
      %get3A_1346 = arith.constant 0 : index
      %get3A_1347 = tpu.vector_load %arg8[%get3A_1345, %get3A_1346] {strides = array<i32>} : memref<16x16xi32, #tpu.memory_space<vmem>>, vector<1x16xi32>,
      %get3A_1348 = vector.shape_cast %get3A_1347 : vector<1x16xi32> to vector<16xi32>
      %slice3A_1349 = vector.extract_strided_slice %get3A_1348 {offsets = [0], sizes = [1], strides = [1]} : vector<16xi32> to vector<1xi32>
      %squeeze3A_1350 = vector.extract %slice3A_1349[0] : i32 from vector<1xi32>
      %sub3A_1351 = arith.subi %sub3A_277, %add3A_1343 : i32
      %slice3A_1352 = vector.extract_strided_slice %get3A_1348 {offsets = [1], sizes = [1], strides = [1]} : vector<16xi32> to vector<1xi32>
      %squeeze3A_1353 = vector.extract %slice3A_1352[0] : i32 from vector<1xi32>
      %jit3A_1354 = arith.constant 0 : i32
      %max3A_1355 = arith.maxsi %jit3A_1354, %sub3A_1351 : i32
      %min3A_1356 = arith.minsi %squeeze3A_1353, %max3A_1355 : i32
      %add3A_1357 = arith.addi %squeeze3A_1350, %min3A_1356 : i32
      %multiple_of3A_1358 = tpu.assume_multiple %add3A_1340, 8 : i32
      "tpu.region"() ({
        %run_scoped3A = tpu.sem_alloc : memref<!tpu.dma_semaphore, #tpu.memory_space<semaphore_mem>>
        %dma_start3A = tpu.memref_slice %arg13[%multiple_of3A_1358] : memref<2208xi32, #tpu.memory_space<vmem_shared>> -> memref<1048xi32, #tpu.memory_space<vmem_shared>>
        %dma_start3A_1512 = tpu.memref_slice %arg13[%multiple_of3A_1358] : memref<2208xi32, #tpu.memory_space<vmem_shared>> -> memref<1048xi32, #tpu.memory_space<vmem_shared>>
        tpu.enqueue_dma source(%dma_start3A_1512 : memref<1048xi32, #tpu.memory_space<vmem_shared>>) target(%arg10 : memref<1048xi32, #tpu.memory_space<vmem>>) target_semaphore(%run_scoped3A : memref<!tpu.dma_semaphore, #tpu.memory_space<semaphore_mem>>)
        %dma_wait3A = tpu.memref_slice %arg13[%multiple_of3A_1358] : memref<2208xi32, #tpu.memory_space<vmem_shared>> -> memref<1048xi32, #tpu.memory_space<vmem_shared>>
        %dma_wait3A_1513 = tpu.memref_slice %arg13[%multiple_of3A_1358] : memref<2208xi32, #tpu.memory_space<vmem_shared>> -> memref<1048xi32, #tpu.memory_space<vmem_shared>>
        tpu.wait_dma2 semaphore(%run_scoped3A : memref<!tpu.dma_semaphore, #tpu.memory_space<semaphore_mem>>) src(%dma_wait3A_1513 : memref<1048xi32, #tpu.memory_space<vmem_shared>>) dst(%arg10 : memref<1048xi32, #tpu.memory_space<vmem>>)
        tpu.yield
      }) : () -> ()
      %add3A_1359 = arith.constant 15 : i32
      %add3A_1360 = arith.addi %add3A_1357, %add3A_1359 : i32
      %shift_right_arithmetic3A_1361 = arith.constant 4 : i32
      %shift_right_arithmetic3A_1362 = arith.shrsi %add3A_1360, %shift_right_arithmetic3A_1361 : i32
      %while3A_1363 = arith.constant 0 : i32
      %while3A_1364 = arith.constant 0 : i32
      %while3A_1365 = arith.subi %shift_right_arithmetic3A_1362, %while3A_1363 : i32
      %while3A_1366 = arith.addi %while3A_1363, %while3A_1365 : i32
      %while3A_1367 = arith.constant 1 : i32
      %while3A_1368 = arith.divsi %while3A_1365, %while3A_1367 : i32
      %while3A_1369 = arith.muli %while3A_1368, %while3A_1367 : i32
      %while3A_1370 = arith.addi %while3A_1363, %while3A_1369 : i32
      %while3A_1371 = arith.constant 1 : i32
      %while3A_1372 = scf.for %while3A_1512 = %while3A_1363 to %while3A_1370 step %while3A_1371 iter_args(%while3A_1513 = %while3A_1364) -> (i32)  : i32 {
        %mul3A_1514 = arith.constant 16 : i32
        %mul3A_1515 = arith.muli %while3A_1512, %mul3A_1514 : i32
        %get3A_1516 = arith.index_cast %mul3A_1515 : i32 to index
        %get3A_1517 = tpu.vector_load %arg10[%get3A_1516] {strides = array<i32>} : memref<1048xi32, #tpu.memory_space<vmem>>, vector<16xi32>,
        %get3A_1518 = vector.shape_cast %get3A_1517 : vector<16xi32> to vector<16xi32>
        %mul3A_1519 = arith.constant 16 : i32
        %mul3A_1520 = arith.muli %while3A_1512, %mul3A_1519 : i32
        %add3A_1521 = arith.addi %add3A_1333, %mul3A_1520 : i32
        %swap3A_1522 = arith.index_cast %add3A_1521 : i32 to index
        %swap3A_1523 = tpu.vector_load %arg11[%swap3A_1522] {strides = array<i32>} : memref<1056xi32, #tpu.memory_space<vmem>>, vector<16xi32>,
        %swap3A_1524 = vector.shape_cast %swap3A_1523 : vector<16xi32> to vector<16xi32>
        %swap3A_1525 = vector.shape_cast %get3A_1518 : vector<16xi32> to vector<16xi32>
        tpu.vector_store %arg11[%swap3A_1522], %swap3A_1525 {strides = array<i32>} : memref<1056xi32, #tpu.memory_space<vmem>>, vector<16xi32>,
        %while3A_1526 = arith.constant 0 : i32
        scf.yield %while3A_1526 : i32
      }
      %while3A_1373 = arith.constant 1 : i32
      %while3A_1374 = scf.for %while3A_1512 = %while3A_1370 to %while3A_1366 step %while3A_1373 iter_args(%while3A_1513 = %while3A_1372) -> (i32)  : i32 {
        %mul3A_1514 = arith.constant 16 : i32
        %mul3A_1515 = arith.muli %while3A_1512, %mul3A_1514 : i32
        %get3A_1516 = arith.index_cast %mul3A_1515 : i32 to index
        %get3A_1517 = tpu.vector_load %arg10[%get3A_1516] {strides = array<i32>} : memref<1048xi32, #tpu.memory_space<vmem>>, vector<16xi32>,
        %get3A_1518 = vector.shape_cast %get3A_1517 : vector<16xi32> to vector<16xi32>
        %mul3A_1519 = arith.constant 16 : i32
        %mul3A_1520 = arith.muli %while3A_1512, %mul3A_1519 : i32
        %add3A_1521 = arith.addi %add3A_1333, %mul3A_1520 : i32
        %swap3A_1522 = arith.index_cast %add3A_1521 : i32 to index
        %swap3A_1523 = tpu.vector_load %arg11[%swap3A_1522] {strides = array<i32>} : memref<1056xi32, #tpu.memory_space<vmem>>, vector<16xi32>,
        %swap3A_1524 = vector.shape_cast %swap3A_1523 : vector<16xi32> to vector<16xi32>
        %swap3A_1525 = vector.shape_cast %get3A_1518 : vector<16xi32> to vector<16xi32>
        tpu.vector_store %arg11[%swap3A_1522], %swap3A_1525 {strides = array<i32>} : memref<1056xi32, #tpu.memory_space<vmem>>, vector<16xi32>,
        %while3A_1526 = arith.constant 0 : i32
        scf.yield %while3A_1526 : i32
      }
      %add3A_1375 = arith.addi %add3A_1333, %add3A_1357 : i32
      %add3A_1376 = arith.constant 7 : i32
      %add3A_1377 = arith.addi %add3A_1357, %add3A_1376 : i32
      %shift_right_arithmetic3A_1378 = arith.constant 3 : i32
      %shift_right_arithmetic3A_1379 = arith.shrsi %add3A_1377, %shift_right_arithmetic3A_1378 : i32
      %shift_left3A_1380 = arith.constant 3 : i32
      %shift_left3A_1381 = arith.shli %shift_right_arithmetic3A_1379, %shift_left3A_1380 : i32
      %add3A_1382 = arith.addi %add3A_1340, %shift_left3A_1381 : i32
      %slice3A_1383 = vector.extract_strided_slice %get3A_1348 {offsets = [1], sizes = [1], strides = [1]} : vector<16xi32> to vector<1xi32>
      %squeeze3A_1384 = vector.extract %slice3A_1383[0] : i32 from vector<1xi32>
      %add3A_1385 = arith.addi %add3A_1343, %squeeze3A_1384 : i32
      %get3A_1386 = arith.constant 13 : i32
      %get3A_1387 = arith.index_cast %get3A_1386 : i32 to index
      %get3A_1388 = arith.constant 0 : index
      %get3A_1389 = tpu.vector_load %arg8[%get3A_1387, %get3A_1388] {strides = array<i32>} : memref<16x16xi32, #tpu.memory_space<vmem>>, vector<1x16xi32>,
      %get3A_1390 = vector.shape_cast %get3A_1389 : vector<1x16xi32> to vector<16xi32>
      %slice3A_1391 = vector.extract_strided_slice %get3A_1390 {offsets = [0], sizes = [1], strides = [1]} : vector<16xi32> to vector<1xi32>
      %squeeze3A_1392 = vector.extract %slice3A_1391[0] : i32 from vector<1xi32>
      %sub3A_1393 = arith.subi %sub3A_277, %add3A_1385 : i32
      %slice3A_1394 = vector.extract_strided_slice %get3A_1390 {offsets = [1], sizes = [1], strides = [1]} : vector<16xi32> to vector<1xi32>
      %squeeze3A_1395 = vector.extract %slice3A_1394[0] : i32 from vector<1xi32>
      %jit3A_1396 = arith.constant 0 : i32
      %max3A_1397 = arith.maxsi %jit3A_1396, %sub3A_1393 : i32
      %min3A_1398 = arith.minsi %squeeze3A_1395, %max3A_1397 : i32
      %add3A_1399 = arith.addi %squeeze3A_1392, %min3A_1398 : i32
      %multiple_of3A_1400 = tpu.assume_multiple %add3A_1382, 8 : i32
      "tpu.region"() ({
        %run_scoped3A = tpu.sem_alloc : memref<!tpu.dma_semaphore, #tpu.memory_space<semaphore_mem>>
        %dma_start3A = tpu.memref_slice %arg13[%multiple_of3A_1400] : memref<2208xi32, #tpu.memory_space<vmem_shared>> -> memref<1048xi32, #tpu.memory_space<vmem_shared>>
        %dma_start3A_1512 = tpu.memref_slice %arg13[%multiple_of3A_1400] : memref<2208xi32, #tpu.memory_space<vmem_shared>> -> memref<1048xi32, #tpu.memory_space<vmem_shared>>
        tpu.enqueue_dma source(%dma_start3A_1512 : memref<1048xi32, #tpu.memory_space<vmem_shared>>) target(%arg10 : memref<1048xi32, #tpu.memory_space<vmem>>) target_semaphore(%run_scoped3A : memref<!tpu.dma_semaphore, #tpu.memory_space<semaphore_mem>>)
        %dma_wait3A = tpu.memref_slice %arg13[%multiple_of3A_1400] : memref<2208xi32, #tpu.memory_space<vmem_shared>> -> memref<1048xi32, #tpu.memory_space<vmem_shared>>
        %dma_wait3A_1513 = tpu.memref_slice %arg13[%multiple_of3A_1400] : memref<2208xi32, #tpu.memory_space<vmem_shared>> -> memref<1048xi32, #tpu.memory_space<vmem_shared>>
        tpu.wait_dma2 semaphore(%run_scoped3A : memref<!tpu.dma_semaphore, #tpu.memory_space<semaphore_mem>>) src(%dma_wait3A_1513 : memref<1048xi32, #tpu.memory_space<vmem_shared>>) dst(%arg10 : memref<1048xi32, #tpu.memory_space<vmem>>)
        tpu.yield
      }) : () -> ()
      %add3A_1401 = arith.constant 15 : i32
      %add3A_1402 = arith.addi %add3A_1399, %add3A_1401 : i32
      %shift_right_arithmetic3A_1403 = arith.constant 4 : i32
      %shift_right_arithmetic3A_1404 = arith.shrsi %add3A_1402, %shift_right_arithmetic3A_1403 : i32
      %while3A_1405 = arith.constant 0 : i32
      %while3A_1406 = arith.constant 0 : i32
      %while3A_1407 = arith.subi %shift_right_arithmetic3A_1404, %while3A_1405 : i32
      %while3A_1408 = arith.addi %while3A_1405, %while3A_1407 : i32
      %while3A_1409 = arith.constant 1 : i32
      %while3A_1410 = arith.divsi %while3A_1407, %while3A_1409 : i32
      %while3A_1411 = arith.muli %while3A_1410, %while3A_1409 : i32
      %while3A_1412 = arith.addi %while3A_1405, %while3A_1411 : i32
      %while3A_1413 = arith.constant 1 : i32
      %while3A_1414 = scf.for %while3A_1512 = %while3A_1405 to %while3A_1412 step %while3A_1413 iter_args(%while3A_1513 = %while3A_1406) -> (i32)  : i32 {
        %mul3A_1514 = arith.constant 16 : i32
        %mul3A_1515 = arith.muli %while3A_1512, %mul3A_1514 : i32
        %get3A_1516 = arith.index_cast %mul3A_1515 : i32 to index
        %get3A_1517 = tpu.vector_load %arg10[%get3A_1516] {strides = array<i32>} : memref<1048xi32, #tpu.memory_space<vmem>>, vector<16xi32>,
        %get3A_1518 = vector.shape_cast %get3A_1517 : vector<16xi32> to vector<16xi32>
        %mul3A_1519 = arith.constant 16 : i32
        %mul3A_1520 = arith.muli %while3A_1512, %mul3A_1519 : i32
        %add3A_1521 = arith.addi %add3A_1375, %mul3A_1520 : i32
        %swap3A_1522 = arith.index_cast %add3A_1521 : i32 to index
        %swap3A_1523 = tpu.vector_load %arg11[%swap3A_1522] {strides = array<i32>} : memref<1056xi32, #tpu.memory_space<vmem>>, vector<16xi32>,
        %swap3A_1524 = vector.shape_cast %swap3A_1523 : vector<16xi32> to vector<16xi32>
        %swap3A_1525 = vector.shape_cast %get3A_1518 : vector<16xi32> to vector<16xi32>
        tpu.vector_store %arg11[%swap3A_1522], %swap3A_1525 {strides = array<i32>} : memref<1056xi32, #tpu.memory_space<vmem>>, vector<16xi32>,
        %while3A_1526 = arith.constant 0 : i32
        scf.yield %while3A_1526 : i32
      }
      %while3A_1415 = arith.constant 1 : i32
      %while3A_1416 = scf.for %while3A_1512 = %while3A_1412 to %while3A_1408 step %while3A_1415 iter_args(%while3A_1513 = %while3A_1414) -> (i32)  : i32 {
        %mul3A_1514 = arith.constant 16 : i32
        %mul3A_1515 = arith.muli %while3A_1512, %mul3A_1514 : i32
        %get3A_1516 = arith.index_cast %mul3A_1515 : i32 to index
        %get3A_1517 = tpu.vector_load %arg10[%get3A_1516] {strides = array<i32>} : memref<1048xi32, #tpu.memory_space<vmem>>, vector<16xi32>,
        %get3A_1518 = vector.shape_cast %get3A_1517 : vector<16xi32> to vector<16xi32>
        %mul3A_1519 = arith.constant 16 : i32
        %mul3A_1520 = arith.muli %while3A_1512, %mul3A_1519 : i32
        %add3A_1521 = arith.addi %add3A_1375, %mul3A_1520 : i32
        %swap3A_1522 = arith.index_cast %add3A_1521 : i32 to index
        %swap3A_1523 = tpu.vector_load %arg11[%swap3A_1522] {strides = array<i32>} : memref<1056xi32, #tpu.memory_space<vmem>>, vector<16xi32>,
        %swap3A_1524 = vector.shape_cast %swap3A_1523 : vector<16xi32> to vector<16xi32>
        %swap3A_1525 = vector.shape_cast %get3A_1518 : vector<16xi32> to vector<16xi32>
        tpu.vector_store %arg11[%swap3A_1522], %swap3A_1525 {strides = array<i32>} : memref<1056xi32, #tpu.memory_space<vmem>>, vector<16xi32>,
        %while3A_1526 = arith.constant 0 : i32
        scf.yield %while3A_1526 : i32
      }
      %add3A_1417 = arith.addi %add3A_1375, %add3A_1399 : i32
      %add3A_1418 = arith.constant 7 : i32
      %add3A_1419 = arith.addi %add3A_1399, %add3A_1418 : i32
      %shift_right_arithmetic3A_1420 = arith.constant 3 : i32
      %shift_right_arithmetic3A_1421 = arith.shrsi %add3A_1419, %shift_right_arithmetic3A_1420 : i32
      %shift_left3A_1422 = arith.constant 3 : i32
      %shift_left3A_1423 = arith.shli %shift_right_arithmetic3A_1421, %shift_left3A_1422 : i32
      %add3A_1424 = arith.addi %add3A_1382, %shift_left3A_1423 : i32
      %slice3A_1425 = vector.extract_strided_slice %get3A_1390 {offsets = [1], sizes = [1], strides = [1]} : vector<16xi32> to vector<1xi32>
      %squeeze3A_1426 = vector.extract %slice3A_1425[0] : i32 from vector<1xi32>
      %add3A_1427 = arith.addi %add3A_1385, %squeeze3A_1426 : i32
      %get3A_1428 = arith.constant 14 : i32
      %get3A_1429 = arith.index_cast %get3A_1428 : i32 to index
      %get3A_1430 = arith.constant 0 : index
      %get3A_1431 = tpu.vector_load %arg8[%get3A_1429, %get3A_1430] {strides = array<i32>} : memref<16x16xi32, #tpu.memory_space<vmem>>, vector<1x16xi32>,
      %get3A_1432 = vector.shape_cast %get3A_1431 : vector<1x16xi32> to vector<16xi32>
      %slice3A_1433 = vector.extract_strided_slice %get3A_1432 {offsets = [0], sizes = [1], strides = [1]} : vector<16xi32> to vector<1xi32>
      %squeeze3A_1434 = vector.extract %slice3A_1433[0] : i32 from vector<1xi32>
      %sub3A_1435 = arith.subi %sub3A_277, %add3A_1427 : i32
      %slice3A_1436 = vector.extract_strided_slice %get3A_1432 {offsets = [1], sizes = [1], strides = [1]} : vector<16xi32> to vector<1xi32>
      %squeeze3A_1437 = vector.extract %slice3A_1436[0] : i32 from vector<1xi32>
      %jit3A_1438 = arith.constant 0 : i32
      %max3A_1439 = arith.maxsi %jit3A_1438, %sub3A_1435 : i32
      %min3A_1440 = arith.minsi %squeeze3A_1437, %max3A_1439 : i32
      %add3A_1441 = arith.addi %squeeze3A_1434, %min3A_1440 : i32
      %multiple_of3A_1442 = tpu.assume_multiple %add3A_1424, 8 : i32
      "tpu.region"() ({
        %run_scoped3A = tpu.sem_alloc : memref<!tpu.dma_semaphore, #tpu.memory_space<semaphore_mem>>
        %dma_start3A = tpu.memref_slice %arg13[%multiple_of3A_1442] : memref<2208xi32, #tpu.memory_space<vmem_shared>> -> memref<1048xi32, #tpu.memory_space<vmem_shared>>
        %dma_start3A_1512 = tpu.memref_slice %arg13[%multiple_of3A_1442] : memref<2208xi32, #tpu.memory_space<vmem_shared>> -> memref<1048xi32, #tpu.memory_space<vmem_shared>>
        tpu.enqueue_dma source(%dma_start3A_1512 : memref<1048xi32, #tpu.memory_space<vmem_shared>>) target(%arg10 : memref<1048xi32, #tpu.memory_space<vmem>>) target_semaphore(%run_scoped3A : memref<!tpu.dma_semaphore, #tpu.memory_space<semaphore_mem>>)
        %dma_wait3A = tpu.memref_slice %arg13[%multiple_of3A_1442] : memref<2208xi32, #tpu.memory_space<vmem_shared>> -> memref<1048xi32, #tpu.memory_space<vmem_shared>>
        %dma_wait3A_1513 = tpu.memref_slice %arg13[%multiple_of3A_1442] : memref<2208xi32, #tpu.memory_space<vmem_shared>> -> memref<1048xi32, #tpu.memory_space<vmem_shared>>
        tpu.wait_dma2 semaphore(%run_scoped3A : memref<!tpu.dma_semaphore, #tpu.memory_space<semaphore_mem>>) src(%dma_wait3A_1513 : memref<1048xi32, #tpu.memory_space<vmem_shared>>) dst(%arg10 : memref<1048xi32, #tpu.memory_space<vmem>>)
        tpu.yield
      }) : () -> ()
      %add3A_1443 = arith.constant 15 : i32
      %add3A_1444 = arith.addi %add3A_1441, %add3A_1443 : i32
      %shift_right_arithmetic3A_1445 = arith.constant 4 : i32
      %shift_right_arithmetic3A_1446 = arith.shrsi %add3A_1444, %shift_right_arithmetic3A_1445 : i32
      %while3A_1447 = arith.constant 0 : i32
      %while3A_1448 = arith.constant 0 : i32
      %while3A_1449 = arith.subi %shift_right_arithmetic3A_1446, %while3A_1447 : i32
      %while3A_1450 = arith.addi %while3A_1447, %while3A_1449 : i32
      %while3A_1451 = arith.constant 1 : i32
      %while3A_1452 = arith.divsi %while3A_1449, %while3A_1451 : i32
      %while3A_1453 = arith.muli %while3A_1452, %while3A_1451 : i32
      %while3A_1454 = arith.addi %while3A_1447, %while3A_1453 : i32
      %while3A_1455 = arith.constant 1 : i32
      %while3A_1456 = scf.for %while3A_1512 = %while3A_1447 to %while3A_1454 step %while3A_1455 iter_args(%while3A_1513 = %while3A_1448) -> (i32)  : i32 {
        %mul3A_1514 = arith.constant 16 : i32
        %mul3A_1515 = arith.muli %while3A_1512, %mul3A_1514 : i32
        %get3A_1516 = arith.index_cast %mul3A_1515 : i32 to index
        %get3A_1517 = tpu.vector_load %arg10[%get3A_1516] {strides = array<i32>} : memref<1048xi32, #tpu.memory_space<vmem>>, vector<16xi32>,
        %get3A_1518 = vector.shape_cast %get3A_1517 : vector<16xi32> to vector<16xi32>
        %mul3A_1519 = arith.constant 16 : i32
        %mul3A_1520 = arith.muli %while3A_1512, %mul3A_1519 : i32
        %add3A_1521 = arith.addi %add3A_1417, %mul3A_1520 : i32
        %swap3A_1522 = arith.index_cast %add3A_1521 : i32 to index
        %swap3A_1523 = tpu.vector_load %arg11[%swap3A_1522] {strides = array<i32>} : memref<1056xi32, #tpu.memory_space<vmem>>, vector<16xi32>,
        %swap3A_1524 = vector.shape_cast %swap3A_1523 : vector<16xi32> to vector<16xi32>
        %swap3A_1525 = vector.shape_cast %get3A_1518 : vector<16xi32> to vector<16xi32>
        tpu.vector_store %arg11[%swap3A_1522], %swap3A_1525 {strides = array<i32>} : memref<1056xi32, #tpu.memory_space<vmem>>, vector<16xi32>,
        %while3A_1526 = arith.constant 0 : i32
        scf.yield %while3A_1526 : i32
      }
      %while3A_1457 = arith.constant 1 : i32
      %while3A_1458 = scf.for %while3A_1512 = %while3A_1454 to %while3A_1450 step %while3A_1457 iter_args(%while3A_1513 = %while3A_1456) -> (i32)  : i32 {
        %mul3A_1514 = arith.constant 16 : i32
        %mul3A_1515 = arith.muli %while3A_1512, %mul3A_1514 : i32
        %get3A_1516 = arith.index_cast %mul3A_1515 : i32 to index
        %get3A_1517 = tpu.vector_load %arg10[%get3A_1516] {strides = array<i32>} : memref<1048xi32, #tpu.memory_space<vmem>>, vector<16xi32>,
        %get3A_1518 = vector.shape_cast %get3A_1517 : vector<16xi32> to vector<16xi32>
        %mul3A_1519 = arith.constant 16 : i32
        %mul3A_1520 = arith.muli %while3A_1512, %mul3A_1519 : i32
        %add3A_1521 = arith.addi %add3A_1417, %mul3A_1520 : i32
        %swap3A_1522 = arith.index_cast %add3A_1521 : i32 to index
        %swap3A_1523 = tpu.vector_load %arg11[%swap3A_1522] {strides = array<i32>} : memref<1056xi32, #tpu.memory_space<vmem>>, vector<16xi32>,
        %swap3A_1524 = vector.shape_cast %swap3A_1523 : vector<16xi32> to vector<16xi32>
        %swap3A_1525 = vector.shape_cast %get3A_1518 : vector<16xi32> to vector<16xi32>
        tpu.vector_store %arg11[%swap3A_1522], %swap3A_1525 {strides = array<i32>} : memref<1056xi32, #tpu.memory_space<vmem>>, vector<16xi32>,
        %while3A_1526 = arith.constant 0 : i32
        scf.yield %while3A_1526 : i32
      }
      %add3A_1459 = arith.addi %add3A_1417, %add3A_1441 : i32
      %add3A_1460 = arith.constant 7 : i32
      %add3A_1461 = arith.addi %add3A_1441, %add3A_1460 : i32
      %shift_right_arithmetic3A_1462 = arith.constant 3 : i32
      %shift_right_arithmetic3A_1463 = arith.shrsi %add3A_1461, %shift_right_arithmetic3A_1462 : i32
      %shift_left3A_1464 = arith.constant 3 : i32
      %shift_left3A_1465 = arith.shli %shift_right_arithmetic3A_1463, %shift_left3A_1464 : i32
      %add3A_1466 = arith.addi %add3A_1424, %shift_left3A_1465 : i32
      %slice3A_1467 = vector.extract_strided_slice %get3A_1432 {offsets = [1], sizes = [1], strides = [1]} : vector<16xi32> to vector<1xi32>
      %squeeze3A_1468 = vector.extract %slice3A_1467[0] : i32 from vector<1xi32>
      %add3A_1469 = arith.addi %add3A_1427, %squeeze3A_1468 : i32
      %get3A_1470 = arith.constant 15 : i32
      %get3A_1471 = arith.index_cast %get3A_1470 : i32 to index
      %get3A_1472 = arith.constant 0 : index
      %get3A_1473 = tpu.vector_load %arg8[%get3A_1471, %get3A_1472] {strides = array<i32>} : memref<16x16xi32, #tpu.memory_space<vmem>>, vector<1x16xi32>,
      %get3A_1474 = vector.shape_cast %get3A_1473 : vector<1x16xi32> to vector<16xi32>
      %slice3A_1475 = vector.extract_strided_slice %get3A_1474 {offsets = [0], sizes = [1], strides = [1]} : vector<16xi32> to vector<1xi32>
      %squeeze3A_1476 = vector.extract %slice3A_1475[0] : i32 from vector<1xi32>
      %sub3A_1477 = arith.subi %sub3A_277, %add3A_1469 : i32
      %slice3A_1478 = vector.extract_strided_slice %get3A_1474 {offsets = [1], sizes = [1], strides = [1]} : vector<16xi32> to vector<1xi32>
      %squeeze3A_1479 = vector.extract %slice3A_1478[0] : i32 from vector<1xi32>
      %jit3A_1480 = arith.constant 0 : i32
      %max3A_1481 = arith.maxsi %jit3A_1480, %sub3A_1477 : i32
      %min3A_1482 = arith.minsi %squeeze3A_1479, %max3A_1481 : i32
      %add3A_1483 = arith.addi %squeeze3A_1476, %min3A_1482 : i32
      %multiple_of3A_1484 = tpu.assume_multiple %add3A_1466, 8 : i32
      "tpu.region"() ({
        %run_scoped3A = tpu.sem_alloc : memref<!tpu.dma_semaphore, #tpu.memory_space<semaphore_mem>>
        %dma_start3A = tpu.memref_slice %arg13[%multiple_of3A_1484] : memref<2208xi32, #tpu.memory_space<vmem_shared>> -> memref<1048xi32, #tpu.memory_space<vmem_shared>>
        %dma_start3A_1512 = tpu.memref_slice %arg13[%multiple_of3A_1484] : memref<2208xi32, #tpu.memory_space<vmem_shared>> -> memref<1048xi32, #tpu.memory_space<vmem_shared>>
        tpu.enqueue_dma source(%dma_start3A_1512 : memref<1048xi32, #tpu.memory_space<vmem_shared>>) target(%arg10 : memref<1048xi32, #tpu.memory_space<vmem>>) target_semaphore(%run_scoped3A : memref<!tpu.dma_semaphore, #tpu.memory_space<semaphore_mem>>)
        %dma_wait3A = tpu.memref_slice %arg13[%multiple_of3A_1484] : memref<2208xi32, #tpu.memory_space<vmem_shared>> -> memref<1048xi32, #tpu.memory_space<vmem_shared>>
        %dma_wait3A_1513 = tpu.memref_slice %arg13[%multiple_of3A_1484] : memref<2208xi32, #tpu.memory_space<vmem_shared>> -> memref<1048xi32, #tpu.memory_space<vmem_shared>>
        tpu.wait_dma2 semaphore(%run_scoped3A : memref<!tpu.dma_semaphore, #tpu.memory_space<semaphore_mem>>) src(%dma_wait3A_1513 : memref<1048xi32, #tpu.memory_space<vmem_shared>>) dst(%arg10 : memref<1048xi32, #tpu.memory_space<vmem>>)
        tpu.yield
      }) : () -> ()
      %add3A_1485 = arith.constant 15 : i32
      %add3A_1486 = arith.addi %add3A_1483, %add3A_1485 : i32
      %shift_right_arithmetic3A_1487 = arith.constant 4 : i32
      %shift_right_arithmetic3A_1488 = arith.shrsi %add3A_1486, %shift_right_arithmetic3A_1487 : i32
      %while3A_1489 = arith.constant 0 : i32
      %while3A_1490 = arith.constant 0 : i32
      %while3A_1491 = arith.subi %shift_right_arithmetic3A_1488, %while3A_1489 : i32
      %while3A_1492 = arith.addi %while3A_1489, %while3A_1491 : i32
      %while3A_1493 = arith.constant 1 : i32
      %while3A_1494 = arith.divsi %while3A_1491, %while3A_1493 : i32
      %while3A_1495 = arith.muli %while3A_1494, %while3A_1493 : i32
      %while3A_1496 = arith.addi %while3A_1489, %while3A_1495 : i32
      %while3A_1497 = arith.constant 1 : i32
      %while3A_1498 = scf.for %while3A_1512 = %while3A_1489 to %while3A_1496 step %while3A_1497 iter_args(%while3A_1513 = %while3A_1490) -> (i32)  : i32 {
        %mul3A_1514 = arith.constant 16 : i32
        %mul3A_1515 = arith.muli %while3A_1512, %mul3A_1514 : i32
        %get3A_1516 = arith.index_cast %mul3A_1515 : i32 to index
        %get3A_1517 = tpu.vector_load %arg10[%get3A_1516] {strides = array<i32>} : memref<1048xi32, #tpu.memory_space<vmem>>, vector<16xi32>,
        %get3A_1518 = vector.shape_cast %get3A_1517 : vector<16xi32> to vector<16xi32>
        %mul3A_1519 = arith.constant 16 : i32
        %mul3A_1520 = arith.muli %while3A_1512, %mul3A_1519 : i32
        %add3A_1521 = arith.addi %add3A_1459, %mul3A_1520 : i32
        %swap3A_1522 = arith.index_cast %add3A_1521 : i32 to index
        %swap3A_1523 = tpu.vector_load %arg11[%swap3A_1522] {strides = array<i32>} : memref<1056xi32, #tpu.memory_space<vmem>>, vector<16xi32>,
        %swap3A_1524 = vector.shape_cast %swap3A_1523 : vector<16xi32> to vector<16xi32>
        %swap3A_1525 = vector.shape_cast %get3A_1518 : vector<16xi32> to vector<16xi32>
        tpu.vector_store %arg11[%swap3A_1522], %swap3A_1525 {strides = array<i32>} : memref<1056xi32, #tpu.memory_space<vmem>>, vector<16xi32>,
        %while3A_1526 = arith.constant 0 : i32
        scf.yield %while3A_1526 : i32
      }
      %while3A_1499 = arith.constant 1 : i32
      %while3A_1500 = scf.for %while3A_1512 = %while3A_1496 to %while3A_1492 step %while3A_1499 iter_args(%while3A_1513 = %while3A_1498) -> (i32)  : i32 {
        %mul3A_1514 = arith.constant 16 : i32
        %mul3A_1515 = arith.muli %while3A_1512, %mul3A_1514 : i32
        %get3A_1516 = arith.index_cast %mul3A_1515 : i32 to index
        %get3A_1517 = tpu.vector_load %arg10[%get3A_1516] {strides = array<i32>} : memref<1048xi32, #tpu.memory_space<vmem>>, vector<16xi32>,
        %get3A_1518 = vector.shape_cast %get3A_1517 : vector<16xi32> to vector<16xi32>
        %mul3A_1519 = arith.constant 16 : i32
        %mul3A_1520 = arith.muli %while3A_1512, %mul3A_1519 : i32
        %add3A_1521 = arith.addi %add3A_1459, %mul3A_1520 : i32
        %swap3A_1522 = arith.index_cast %add3A_1521 : i32 to index
        %swap3A_1523 = tpu.vector_load %arg11[%swap3A_1522] {strides = array<i32>} : memref<1056xi32, #tpu.memory_space<vmem>>, vector<16xi32>,
        %swap3A_1524 = vector.shape_cast %swap3A_1523 : vector<16xi32> to vector<16xi32>
        %swap3A_1525 = vector.shape_cast %get3A_1518 : vector<16xi32> to vector<16xi32>
        tpu.vector_store %arg11[%swap3A_1522], %swap3A_1525 {strides = array<i32>} : memref<1056xi32, #tpu.memory_space<vmem>>, vector<16xi32>,
        %while3A_1526 = arith.constant 0 : i32
        scf.yield %while3A_1526 : i32
      }
      %add3A_1501 = arith.addi %add3A_1459, %add3A_1483 : i32
      %add3A_1502 = arith.constant 7 : i32
      %add3A_1503 = arith.addi %add3A_1483, %add3A_1502 : i32
      %shift_right_arithmetic3A_1504 = arith.constant 3 : i32
      %shift_right_arithmetic3A_1505 = arith.shrsi %add3A_1503, %shift_right_arithmetic3A_1504 : i32
      %shift_left3A_1506 = arith.constant 3 : i32
      %shift_left3A_1507 = arith.shli %shift_right_arithmetic3A_1505, %shift_left3A_1506 : i32
      %add3A_1508 = arith.addi %add3A_1466, %shift_left3A_1507 : i32
      %slice3A_1509 = vector.extract_strided_slice %get3A_1474 {offsets = [1], sizes = [1], strides = [1]} : vector<16xi32> to vector<1xi32>
      %squeeze3A_1510 = vector.extract %slice3A_1509[0] : i32 from vector<1xi32>
      %add3A_1511 = arith.addi %add3A_1469, %squeeze3A_1510 : i32
      "tpu.region"() ({
        %run_scoped3A = tpu.sem_alloc : memref<!tpu.dma_semaphore, #tpu.memory_space<semaphore_mem>>
        %dma_start3A = arith.constant 0 : i32
        %dma_start3A_1512 = tpu.memref_slice %arg11[%dma_start3A] : memref<1056xi32, #tpu.memory_space<vmem>> -> memref<1024xi32, #tpu.memory_space<vmem>>
        %dma_start3A_1513 = arith.constant 0 : i32
        %dma_start3A_1514 = tpu.memref_slice %arg11[%dma_start3A_1513] : memref<1056xi32, #tpu.memory_space<vmem>> -> memref<1024xi32, #tpu.memory_space<vmem>>
        tpu.enqueue_dma source(%dma_start3A_1514 : memref<1024xi32, #tpu.memory_space<vmem>>) target(%arg3 : memref<1024xi32, #tpu.memory_space<hbm>>) target_semaphore(%run_scoped3A : memref<!tpu.dma_semaphore, #tpu.memory_space<semaphore_mem>>)
        %dma_wait3A = arith.constant 0 : i32
        %dma_wait3A_1515 = tpu.memref_slice %arg11[%dma_wait3A] : memref<1056xi32, #tpu.memory_space<vmem>> -> memref<1024xi32, #tpu.memory_space<vmem>>
        %dma_wait3A_1516 = arith.constant 0 : i32
        %dma_wait3A_1517 = tpu.memref_slice %arg11[%dma_wait3A_1516] : memref<1056xi32, #tpu.memory_space<vmem>> -> memref<1024xi32, #tpu.memory_space<vmem>>
        tpu.wait_dma2 semaphore(%run_scoped3A : memref<!tpu.dma_semaphore, #tpu.memory_space<semaphore_mem>>) src(%dma_wait3A_1517 : memref<1024xi32, #tpu.memory_space<vmem>>) dst(%arg3 : memref<1024xi32, #tpu.memory_space<hbm>>)
        tpu.yield
      }) : () -> ()
    } else {
    }
    return
  }
}

module attributes {stable_mosaic.version = 14 : i64} {
  func.func @_importance_body(%arg0: i32, %arg1: memref<8192x64xf32, #tpu.memory_space<vmem>>, %arg2: memref<8192x4xf32, #tpu.memory_space<vmem>>, %arg3: memref<64x64xf32, #tpu.memory_space<vmem>>, %arg4: memref<64xf32, #tpu.memory_space<vmem>>, %arg5: memref<64x64xf32, #tpu.memory_space<vmem>>, %arg6: memref<64xf32, #tpu.memory_space<vmem>>, %arg7: memref<64x64xf32, #tpu.memory_space<vmem>>, %arg8: memref<4x64xf32, #tpu.memory_space<vmem>>, %arg9: memref<64xf32, #tpu.memory_space<vmem>>, %arg10: memref<64xf32, #tpu.memory_space<vmem>>, %arg11: memref<64xf32, #tpu.memory_space<vmem>>, %arg12: memref<64x64xf32, #tpu.memory_space<vmem>>, %arg13: memref<64xf32, #tpu.memory_space<vmem>>, %arg14: memref<64x1xf32, #tpu.memory_space<vmem>>, %arg15: memref<1xf32, #tpu.memory_space<vmem>>, %arg16: memref<8192x1xi32, #tpu.memory_space<vmem>>) attributes {dimension_semantics = [#tpu.dimension_semantics<arbitrary>], iteration_bounds = array<i64: 32>, scalar_prefetch = 0 : i64, scratch_operands = 0 : i64, tpu.core_type = #tpu.core_type<tc>, window_params = [{transform_indices = @transform_0, window_bounds = array<i64: 8192, 64>}, {transform_indices = @transform_1, window_bounds = array<i64: 8192, 4>}, {pipeline_mode = #tpu.pipeline_mode<synchronous>, transform_indices = @transform_2, window_bounds = array<i64: 64, 64>}, {pipeline_mode = #tpu.pipeline_mode<synchronous>, transform_indices = @transform_3, window_bounds = array<i64: 64>}, {pipeline_mode = #tpu.pipeline_mode<synchronous>, transform_indices = @transform_4, window_bounds = array<i64: 64, 64>}, {pipeline_mode = #tpu.pipeline_mode<synchronous>, transform_indices = @transform_5, window_bounds = array<i64: 64>}, {pipeline_mode = #tpu.pipeline_mode<synchronous>, transform_indices = @transform_6, window_bounds = array<i64: 64, 64>}, {pipeline_mode = #tpu.pipeline_mode<synchronous>, transform_indices = @transform_7, window_bounds = array<i64: 4, 64>}, {pipeline_mode = #tpu.pipeline_mode<synchronous>, transform_indices = @transform_8, window_bounds = array<i64: 64>}, {pipeline_mode = #tpu.pipeline_mode<synchronous>, transform_indices = @transform_9, window_bounds = array<i64: 64>}, {pipeline_mode = #tpu.pipeline_mode<synchronous>, transform_indices = @transform_10, window_bounds = array<i64: 64>}, {pipeline_mode = #tpu.pipeline_mode<synchronous>, transform_indices = @transform_11, window_bounds = array<i64: 64, 64>}, {pipeline_mode = #tpu.pipeline_mode<synchronous>, transform_indices = @transform_12, window_bounds = array<i64: 64>}, {pipeline_mode = #tpu.pipeline_mode<synchronous>, transform_indices = @transform_13, window_bounds = array<i64: 64, 1>}, {pipeline_mode = #tpu.pipeline_mode<synchronous>, transform_indices = @transform_14, window_bounds = array<i64: 1>}, {transform_indices = @transform_15, window_bounds = array<i64: 8192, 1>}]} {
    %get3A = arith.constant 0 : index
    %get3A_0 = arith.constant 0 : index
    %get3A_1 = vector.load %arg1[%get3A, %get3A_0] : memref<8192x64xf32, #tpu.memory_space<vmem>>, vector<8192x64xf32>
    %get3A_2 = arith.constant 0 : index
    %get3A_3 = arith.constant 0 : index
    %get3A_4 = vector.load %arg3[%get3A_2, %get3A_3] : memref<64x64xf32, #tpu.memory_space<vmem>>, vector<64x64xf32>
    %dot_general3A = arith.constant dense<0.000000e+00> : vector<8192x64xf32>
    %dot_general3A_5 = tpu.matmul %get3A_1, %get3A_4, %dot_general3A {dimension_numbers = #tpu.dot_dimension_numbers<[1], [0], [0], [1], [0, 0, 1, 1], [], []>, transpose_lhs_hint = false} : vector<8192x64xf32>, vector<64x64xf32>, vector<8192x64xf32> -> vector<8192x64xf32>
    %get3A_6 = arith.constant 0 : index
    %get3A_7 = vector.load %arg4[%get3A_6] : memref<64xf32, #tpu.memory_space<vmem>>, vector<64xf32>
    %broadcast_in_dim3A = vector.shape_cast %get3A_7 : vector<64xf32> to vector<1x64xf32>
    %add3A = vector.broadcast %broadcast_in_dim3A : vector<1x64xf32> to vector<8192x64xf32>
    %add3A_8 = arith.addf %dot_general3A_5, %add3A : vector<8192x64xf32>
    %max3A = arith.constant 0.000000e+00 : f32
    %max3A_9 = vector.broadcast %max3A : f32 to vector<8192x64xf32>
    %max3A_10 = arith.maximumf %add3A_8, %max3A_9 : vector<8192x64xf32>
    %get3A_11 = arith.constant 0 : index
    %get3A_12 = arith.constant 0 : index
    %get3A_13 = vector.load %arg5[%get3A_11, %get3A_12] : memref<64x64xf32, #tpu.memory_space<vmem>>, vector<64x64xf32>
    %dot_general3A_14 = arith.constant dense<0.000000e+00> : vector<8192x64xf32>
    %dot_general3A_15 = tpu.matmul %max3A_10, %get3A_13, %dot_general3A_14 {dimension_numbers = #tpu.dot_dimension_numbers<[1], [0], [0], [1], [0, 0, 1, 1], [], []>, transpose_lhs_hint = false} : vector<8192x64xf32>, vector<64x64xf32>, vector<8192x64xf32> -> vector<8192x64xf32>
    %get3A_16 = arith.constant 0 : index
    %get3A_17 = vector.load %arg6[%get3A_16] : memref<64xf32, #tpu.memory_space<vmem>>, vector<64xf32>
    %broadcast_in_dim3A_18 = vector.shape_cast %get3A_17 : vector<64xf32> to vector<1x64xf32>
    %add3A_19 = vector.broadcast %broadcast_in_dim3A_18 : vector<1x64xf32> to vector<8192x64xf32>
    %add3A_20 = arith.addf %dot_general3A_15, %add3A_19 : vector<8192x64xf32>
    %get3A_21 = arith.constant 0 : index
    %get3A_22 = arith.constant 0 : index
    %get3A_23 = vector.load %arg2[%get3A_21, %get3A_22] : memref<8192x4xf32, #tpu.memory_space<vmem>>, vector<8192x4xf32>
    %get3A_24 = arith.constant 0 : index
    %get3A_25 = arith.constant 0 : index
    %get3A_26 = vector.load %arg7[%get3A_24, %get3A_25] : memref<64x64xf32, #tpu.memory_space<vmem>>, vector<64x64xf32>
    %dot_general3A_27 = arith.constant dense<0.000000e+00> : vector<8192x64xf32>
    %dot_general3A_28 = tpu.matmul %add3A_20, %get3A_26, %dot_general3A_27 {dimension_numbers = #tpu.dot_dimension_numbers<[1], [0], [0], [1], [0, 0, 1, 1], [], []>, transpose_lhs_hint = false} : vector<8192x64xf32>, vector<64x64xf32>, vector<8192x64xf32> -> vector<8192x64xf32>
    %get3A_29 = arith.constant 0 : index
    %get3A_30 = arith.constant 0 : index
    %get3A_31 = vector.load %arg8[%get3A_29, %get3A_30] : memref<4x64xf32, #tpu.memory_space<vmem>>, vector<4x64xf32>
    %dot_general3A_32 = arith.constant dense<0.000000e+00> : vector<8192x64xf32>
    %dot_general3A_33 = tpu.matmul %get3A_23, %get3A_31, %dot_general3A_32 {dimension_numbers = #tpu.dot_dimension_numbers<[1], [0], [0], [1], [0, 0, 1, 1], [], []>, transpose_lhs_hint = false} : vector<8192x4xf32>, vector<4x64xf32>, vector<8192x64xf32> -> vector<8192x64xf32>
    %add3A_34 = arith.addf %dot_general3A_28, %dot_general3A_33 : vector<8192x64xf32>
    %get3A_35 = arith.constant 0 : index
    %get3A_36 = vector.load %arg9[%get3A_35] : memref<64xf32, #tpu.memory_space<vmem>>, vector<64xf32>
    %broadcast_in_dim3A_37 = vector.shape_cast %get3A_36 : vector<64xf32> to vector<1x64xf32>
    %add3A_38 = vector.broadcast %broadcast_in_dim3A_37 : vector<1x64xf32> to vector<8192x64xf32>
    %add3A_39 = arith.addf %add3A_34, %add3A_38 : vector<8192x64xf32>
    %max3A_40 = arith.constant 0.000000e+00 : f32
    %max3A_41 = vector.broadcast %max3A_40 : f32 to vector<8192x64xf32>
    %max3A_42 = arith.maximumf %add3A_39, %max3A_41 : vector<8192x64xf32>
    %reduce_sum3A = arith.constant dense<0.000000e+00> : vector<8192xf32>
    %reduce_sum3A_43 = vector.multi_reduction <add>, %max3A_42, %reduce_sum3A [1] : vector<8192x64xf32> to vector<8192xf32>
    %broadcast_in_dim3A_44 = vector.shape_cast %reduce_sum3A_43 : vector<8192xf32> to vector<8192x1xf32>
    %div3A = arith.constant 6.400000e+01 : f32
    %div3A_45 = vector.broadcast %div3A : f32 to vector<8192x1xf32>
    %div3A_46 = arith.divf %broadcast_in_dim3A_44, %div3A_45 : vector<8192x1xf32>
    %sub3A = vector.broadcast %div3A_46 : vector<8192x1xf32> to vector<8192x64xf32>
    %sub3A_47 = arith.subf %max3A_42, %sub3A : vector<8192x64xf32>
    %integer_pow3A = arith.mulf %sub3A_47, %sub3A_47 : vector<8192x64xf32>
    %reduce_sum3A_48 = arith.constant dense<0.000000e+00> : vector<8192xf32>
    %reduce_sum3A_49 = vector.multi_reduction <add>, %integer_pow3A, %reduce_sum3A_48 [1] : vector<8192x64xf32> to vector<8192xf32>
    %broadcast_in_dim3A_50 = vector.shape_cast %reduce_sum3A_49 : vector<8192xf32> to vector<8192x1xf32>
    %div3A_51 = arith.constant 6.400000e+01 : f32
    %div3A_52 = vector.broadcast %div3A_51 : f32 to vector<8192x1xf32>
    %div3A_53 = arith.divf %broadcast_in_dim3A_50, %div3A_52 : vector<8192x1xf32>
    %sub3A_54 = vector.broadcast %div3A_46 : vector<8192x1xf32> to vector<8192x64xf32>
    %sub3A_55 = arith.subf %max3A_42, %sub3A_54 : vector<8192x64xf32>
    %add3A_56 = arith.constant 9.99999974E-6 : f32
    %add3A_57 = vector.broadcast %add3A_56 : f32 to vector<8192x1xf32>
    %add3A_58 = arith.addf %div3A_53, %add3A_57 : vector<8192x1xf32>
    %sqrt3A = math.sqrt %add3A_58 : vector<8192x1xf32>
    %div3A_59 = vector.broadcast %sqrt3A : vector<8192x1xf32> to vector<8192x64xf32>
    %div3A_60 = arith.divf %sub3A_55, %div3A_59 : vector<8192x64xf32>
    %get3A_61 = arith.constant 0 : index
    %get3A_62 = vector.load %arg10[%get3A_61] : memref<64xf32, #tpu.memory_space<vmem>>, vector<64xf32>
    %broadcast_in_dim3A_63 = vector.shape_cast %get3A_62 : vector<64xf32> to vector<1x64xf32>
    %mul3A = vector.broadcast %broadcast_in_dim3A_63 : vector<1x64xf32> to vector<8192x64xf32>
    %mul3A_64 = arith.mulf %div3A_60, %mul3A : vector<8192x64xf32>
    %get3A_65 = arith.constant 0 : index
    %get3A_66 = vector.load %arg11[%get3A_65] : memref<64xf32, #tpu.memory_space<vmem>>, vector<64xf32>
    %broadcast_in_dim3A_67 = vector.shape_cast %get3A_66 : vector<64xf32> to vector<1x64xf32>
    %add3A_68 = vector.broadcast %broadcast_in_dim3A_67 : vector<1x64xf32> to vector<8192x64xf32>
    %add3A_69 = arith.addf %mul3A_64, %add3A_68 : vector<8192x64xf32>
    %get3A_70 = arith.constant 0 : index
    %get3A_71 = arith.constant 0 : index
    %get3A_72 = vector.load %arg12[%get3A_70, %get3A_71] : memref<64x64xf32, #tpu.memory_space<vmem>>, vector<64x64xf32>
    %dot_general3A_73 = arith.constant dense<0.000000e+00> : vector<8192x64xf32>
    %dot_general3A_74 = tpu.matmul %add3A_69, %get3A_72, %dot_general3A_73 {dimension_numbers = #tpu.dot_dimension_numbers<[1], [0], [0], [1], [0, 0, 1, 1], [], []>, transpose_lhs_hint = false} : vector<8192x64xf32>, vector<64x64xf32>, vector<8192x64xf32> -> vector<8192x64xf32>
    %get3A_75 = arith.constant 0 : index
    %get3A_76 = vector.load %arg13[%get3A_75] : memref<64xf32, #tpu.memory_space<vmem>>, vector<64xf32>
    %broadcast_in_dim3A_77 = vector.shape_cast %get3A_76 : vector<64xf32> to vector<1x64xf32>
    %add3A_78 = vector.broadcast %broadcast_in_dim3A_77 : vector<1x64xf32> to vector<8192x64xf32>
    %add3A_79 = arith.addf %dot_general3A_74, %add3A_78 : vector<8192x64xf32>
    %max3A_80 = arith.constant 0.000000e+00 : f32
    %max3A_81 = vector.broadcast %max3A_80 : f32 to vector<8192x64xf32>
    %max3A_82 = arith.maximumf %add3A_79, %max3A_81 : vector<8192x64xf32>
    %get3A_83 = arith.constant 0 : index
    %get3A_84 = arith.constant 0 : index
    %get3A_85 = vector.load %arg14[%get3A_83, %get3A_84] : memref<64x1xf32, #tpu.memory_space<vmem>>, vector<64x1xf32>
    %dot_general3A_86 = arith.constant dense<0.000000e+00> : vector<8192x1xf32>
    %dot_general3A_87 = tpu.matmul %max3A_82, %get3A_85, %dot_general3A_86 {dimension_numbers = #tpu.dot_dimension_numbers<[1], [0], [0], [1], [0, 0, 1, 1], [], []>, transpose_lhs_hint = false} : vector<8192x64xf32>, vector<64x1xf32>, vector<8192x1xf32> -> vector<8192x1xf32>
    %get3A_88 = arith.constant 0 : index
    %get3A_89 = vector.load %arg15[%get3A_88] : memref<1xf32, #tpu.memory_space<vmem>>, vector<1xf32>
    %broadcast_in_dim3A_90 = vector.shape_cast %get3A_89 : vector<1xf32> to vector<1x1xf32>
    %add3A_91 = vector.broadcast %broadcast_in_dim3A_90 : vector<1x1xf32> to vector<8192x1xf32>
    %add3A_92 = arith.addf %dot_general3A_87, %add3A_91 : vector<8192x1xf32>
    %bitcast_convert_type3A = tpu.bitcast %add3A_92 : vector<8192x1xf32> -> vector<8192x1xi32>
    %ge3A = arith.constant -2147483648 : i32
    %ge3A_93 = vector.broadcast %ge3A : i32 to vector<8192x1xi32>
    %ge3A_94 = arith.cmpi uge, %bitcast_convert_type3A, %ge3A_93 : vector<8192x1xi32>
    %not3A = arith.constant dense<-1> : vector<8192x1xi32>
    %not3A_95 = arith.xori %bitcast_convert_type3A, %not3A : vector<8192x1xi32>
    %and3A = arith.constant 2147483647 : i32
    %and3A_96 = vector.broadcast %and3A : i32 to vector<8192x1xi32>
    %and3A_97 = arith.andi %not3A_95, %and3A_96 : vector<8192x1xi32>
    %select_n3A = arith.select %ge3A_94, %bitcast_convert_type3A, %and3A_97 : vector<8192x1xi1>, vector<8192x1xi32>
    %swap3A = arith.constant 0 : index
    %swap3A_98 = arith.constant 0 : index
    %swap3A_99 = vector.load %arg16[%swap3A, %swap3A_98] : memref<8192x1xi32, #tpu.memory_space<vmem>>, vector<8192x1xi32>
    tpu.vector_store %arg16[%swap3A, %swap3A_98], %select_n3A {strides = array<i32>} : memref<8192x1xi32, #tpu.memory_space<vmem>>, vector<8192x1xi32>,
    return
  }
  func.func @transform_0(%arg0: i32) -> (i32, i32) {
    %c0_i32 = arith.constant 0 : i32
    %c0_i32_0 = arith.constant 0 : i32
    return %arg0, %c0_i32 : i32, i32
  }
  func.func @transform_1(%arg0: i32) -> (i32, i32) {
    %c0_i32 = arith.constant 0 : i32
    %c0_i32_0 = arith.constant 0 : i32
    return %arg0, %c0_i32 : i32, i32
  }
  func.func @transform_2(%arg0: i32) -> (i32, i32) {
    %c0_i32 = arith.constant 0 : i32
    %c0_i32_0 = arith.constant 0 : i32
    %c0_i32_1 = arith.constant 0 : i32
    return %c0_i32, %c0_i32_0 : i32, i32
  }
  func.func @transform_3(%arg0: i32) -> i32 {
    %c0_i32 = arith.constant 0 : i32
    %c0_i32_0 = arith.constant 0 : i32
    return %c0_i32 : i32
  }
  func.func @transform_4(%arg0: i32) -> (i32, i32) {
    %c0_i32 = arith.constant 0 : i32
    %c0_i32_0 = arith.constant 0 : i32
    %c0_i32_1 = arith.constant 0 : i32
    return %c0_i32, %c0_i32_0 : i32, i32
  }
  func.func @transform_5(%arg0: i32) -> i32 {
    %c0_i32 = arith.constant 0 : i32
    %c0_i32_0 = arith.constant 0 : i32
    return %c0_i32 : i32
  }
  func.func @transform_6(%arg0: i32) -> (i32, i32) {
    %c0_i32 = arith.constant 0 : i32
    %c0_i32_0 = arith.constant 0 : i32
    %c0_i32_1 = arith.constant 0 : i32
    return %c0_i32, %c0_i32_0 : i32, i32
  }
  func.func @transform_7(%arg0: i32) -> (i32, i32) {
    %c0_i32 = arith.constant 0 : i32
    %c0_i32_0 = arith.constant 0 : i32
    %c0_i32_1 = arith.constant 0 : i32
    return %c0_i32, %c0_i32_0 : i32, i32
  }
  func.func @transform_8(%arg0: i32) -> i32 {
    %c0_i32 = arith.constant 0 : i32
    %c0_i32_0 = arith.constant 0 : i32
    return %c0_i32 : i32
  }
  func.func @transform_9(%arg0: i32) -> i32 {
    %c0_i32 = arith.constant 0 : i32
    %c0_i32_0 = arith.constant 0 : i32
    return %c0_i32 : i32
  }
  func.func @transform_10(%arg0: i32) -> i32 {
    %c0_i32 = arith.constant 0 : i32
    %c0_i32_0 = arith.constant 0 : i32
    return %c0_i32 : i32
  }
  func.func @transform_11(%arg0: i32) -> (i32, i32) {
    %c0_i32 = arith.constant 0 : i32
    %c0_i32_0 = arith.constant 0 : i32
    %c0_i32_1 = arith.constant 0 : i32
    return %c0_i32, %c0_i32_0 : i32, i32
  }
  func.func @transform_12(%arg0: i32) -> i32 {
    %c0_i32 = arith.constant 0 : i32
    %c0_i32_0 = arith.constant 0 : i32
    return %c0_i32 : i32
  }
  func.func @transform_13(%arg0: i32) -> (i32, i32) {
    %c0_i32 = arith.constant 0 : i32
    %c0_i32_0 = arith.constant 0 : i32
    %c0_i32_1 = arith.constant 0 : i32
    return %c0_i32, %c0_i32_0 : i32, i32
  }
  func.func @transform_14(%arg0: i32) -> i32 {
    %c0_i32 = arith.constant 0 : i32
    %c0_i32_0 = arith.constant 0 : i32
    return %c0_i32 : i32
  }
  func.func @transform_15(%arg0: i32) -> (i32, i32) {
    %c0_i32 = arith.constant 0 : i32
    %c0_i32_0 = arith.constant 0 : i32
    return %arg0, %c0_i32 : i32, i32
  }
}

</mosaic_0001>

<sc_bundles>
// kernel: kernel.4.cloned.1.call-start
scs
__scs_entry_jumppad:
0x0: {  	(pc) =	sbr.rel $0x88, $3  }
0x1: {  	(tag) =	ssettag $0x0;
	lr =	simm.s32 $0x1  }
0x2: {  	[smem:$0x3F8F] =	sst lr;
	_ =	strace $0xD0000000  }
0x3: {  	_ = 	snop  }
0x4: {  	_ = 	snop  }
0x5: {  	_ = 	snop  }
0x6: {  	_ = 	snop  }
0x7: {  	_ = 	snop  }
__scs_overlays_trampoline_lowered:
0x8: {  	[smem:$0x3F9E] =	sst s0  }
0x9: {  	[smem:$0x3F9F] =	sst s1  }
0xa: {  	[smem:$0x3FA0] =	sst s2  }
0xb: {  	[smem:$0x3FA1] =	sst s3  }
0xc: {  	[smem:$0x3FA2] =	sst s4  }
0xd: {  	[smem:$0x3FA3] =	sst s5  }
0xe: {  	[smem:$0x3FA4] =	sst s6  }
0xf: {  	[smem:$0x3FA5] =	sst s7  }
0x10: {  	[smem:$0x3FA6] =	sst s8  }
0x11: {  	[smem:$0x3FA7] =	sst s9;
	s0 =	simm.s32 @!p0 $0x0  }
0x12: {  	s1 =	sld [smem:$0x3F8D];
	s0 =	simm.s32 @p0 $0x1  }
0x13: {  	[smem:$0x3FA8] =	sst s0;
	s0 =	simm.s32 @!p1 $0x0  }
0x14: {  	s2 =	sld [smem:$0x3F8C];
	s0 =	simm.s32 @p1 $0x1  }
0x15: {  	[smem:$0x3FA9] =	sst s0;
	s0 =	simm.s32 @!p2 $0x0  }
0x16: {  	s3 =	sld [smem:$0x3FDB];
	s0 =	simm.s32 @p2 $0x1  }
0x17: {  	s4 =	simm.s32 $0x1BF5;
	[smem:$0x3FAB] =	sst s0  }
0x18: {  	s0 =	sld [smem:$0x3F8E];
	_ =	swait.ge [sflag:s4], $0x0  }
0x19: {  	s7 =	sld [smem:$0x3F8F]  }
0x1a: {  	s8 =	sadd.s32 $0xFFFFE003, lr  }
0x1b: {  	s9 =	sadd.s32 $0xFFFFFEF7, lr;
	s5 =	simm.s32 $0xFFFFFFFF;
	p2 =	slt.u32 s8, $0xFFFFF086  }
0x1c: {  	p1 =	slt.u32 s9, $0xF7A;
	s5 =	simm.s32 @!p2 $0x0  }
0x1d: {  	s5 =	simm.s32 @p1 $0x1;
	p0 =	seq.s32 s7, s2  }
0x1e: {  	s7 =	smul.u32 @!p0 $0xF7A, s2;
	p2 =	seq.s32 @!p0 s5, $0x0  }
0x1f: {  	s9 =	smul.u32 $0xF7A, s1;
	s8 =	simm.s32 @!p0 $0x1BF5;
	p2 =	por !p2, p0  }
0x20: {  	[sflag:s8] =	ssyncset.s32 @!p0 $0xFFFFF086;
	s6 =	sadd.s32 @!p0 s3, s7;
	s7 =	simm.s32 @!p0 $0x108  }
0x21: {  	s3 =	sadd.s32 s3, s9;
	s6 =	sadd.s32 @!p0 $0x88, s6;
	s7 =	simm.s32 @p2 $0x1082  }
0x22: {  	[simem:s7], [sflag:s8] =	dma.local @!p0 [hbm:s6], $0xF7A  }
0x23: {  	s9 =	sor.u32 $0xD0000000, s2;
	s6 =	simm.s32 $0x108;
	_ =	swait.ge @!p0 [sflag:s8], $0x0  }
0x24: {  	s3 =	sadd.s32 $0x88, s3;
	s6 =	simm.s32 @!p1 $0x1082;
	[sflag:s4] =	ssyncset.s32 $0xFFFFF086  }
0x25: {  	[simem:s6], [sflag:s4] =	dma.local [hbm:s3], $0xF7A  }
0x26: {  	[smem:$0x3F8F] =	sst s1;
	(tag) =	ssettag s2;
	_ =	strace s9  }
0x27: {  	s1 =	sld [smem:$0x3F9F]  }
0x28: {  	s2 =	sld [smem:$0x3FA0]  }
0x29: {  	s4 =	sld [smem:$0x3FA2]  }
0x2a: {  	p0 =	seq.s32 s5, $0x0;
	s5 =	sld [smem:$0x3FA3]  }
0x2b: {  	s6 =	sld [smem:$0x3FA4]  }
0x2c: {  	s7 =	sld [smem:$0x3FA5]  }
0x2d: {  	s3 =	simm.s32 $0x108;
	s8 =	sld [smem:$0x3FA6]  }
0x2e: {  	s3 =	simm.s32 @!p0 $0x1082;
	s9 =	sld [smem:$0x3FA7]  }
0x2f: {  	lr =	sadd.s32 s0, s3;
	s0 =	sld [smem:$0x3F9E]  }
0x30: {  	s3 =	sld [smem:$0x3FA1]  }
0x31: {  	[smem:$0x3FAA] =	sst s10  }
0x32: {  	s10 =	sld [smem:$0x3FA8];
	_ =	sdelay $0x3  }
0x33: {  	p0 =	seq.s32 s10, $0x1;
	s10 =	sld [smem:$0x3FAA];
	_ =	sdelay $0x3  }
0x34: {  	[smem:$0x3FAA] =	sst s10  }
0x35: {  	s10 =	sld [smem:$0x3FA9];
	_ =	sdelay $0x3  }
0x36: {  	p1 =	seq.s32 s10, $0x1;
	s10 =	sld [smem:$0x3FAA];
	_ =	sdelay $0x3  }
0x37: {  	[smem:$0x3FAA] =	sst s10  }
0x38: {  	s10 =	sld [smem:$0x3FAB]  }
0x39: {  	_ = 	snop;
	(pc) =	sbr.ind lr, $3  }
0x3a: {  	_ = 	snop  }
0x3b: {  	_ = 	snop  }
0x3c: {  	p2 =	seq.s32 s10, $0x1;
	s10 =	sld [smem:$0x3FAA]  }
0x3d: {  	_ =	shalt  }
0x3e: {  	_ =	shalt  }
0x3f: {  	_ =	shalt  }
0x40: {  	_ =	shalt  }
0x41: {  	_ =	shalt  }
0x42: {  	_ =	shalt  }
0x43: {  	_ =	shalt  }
0x44: {  	_ =	shalt  }
0x45: {  	_ =	shalt  }
0x46: {  	_ =	shalt  }
0x47: {  	_ =	shalt  }
0x48: {  	_ =	shalt  }
0x49: {  	_ =	shalt  }
0x4a: {  	_ =	shalt  }
0x4b: {  	_ =	shalt  }
0x4c: {  	_ =	shalt  }
0x4d: {  	_ =	shalt  }
0x4e: {  	_ =	shalt  }
0x4f: {  	_ =	shalt  }
0x50: {  	_ =	shalt  }
0x51: {  	_ =	shalt  }
0x52: {  	_ =	shalt  }
0x53: {  	_ =	shalt  }
0x54: {  	_ =	shalt  }
0x55: {  	_ =	shalt  }
0x56: {  	_ =	shalt  }
0x57: {  	_ =	shalt  }
0x58: {  	_ =	shalt  }
0x59: {  	_ =	shalt  }
0x5a: {  	_ =	shalt  }
0x5b: {  	_ =	shalt  }
0x5c: {  	_ =	shalt  }
0x5d: {  	_ =	shalt  }
0x5e: {  	_ =	shalt  }
0x5f: {  	_ =	shalt  }
0x60: {  	_ =	shalt  }
0x61: {  	_ =	shalt  }
0x62: {  	_ =	shalt  }
0x63: {  	_ =	shalt  }
0x64: {  	_ =	shalt  }
0x65: {  	_ =	shalt  }
0x66: {  	_ =	shalt  }
0x67: {  	_ =	shalt  }
0x68: {  	_ =	shalt  }
0x69: {  	_ =	shalt  }
0x6a: {  	_ =	shalt  }
0x6b: {  	_ =	shalt  }
0x6c: {  	_ =	shalt  }
0x6d: {  	_ =	shalt  }
0x6e: {  	_ =	shalt  }
0x6f: {  	_ =	shalt  }
0x70: {  	_ =	shalt  }
0x71: {  	_ =	shalt  }
0x72: {  	_ =	shalt  }
0x73: {  	_ =	shalt  }
0x74: {  	_ =	shalt  }
0x75: {  	_ =	shalt  }
0x76: {  	_ =	shalt  }
0x77: {  	_ =	shalt  }
0x78: {  	_ =	shalt  }
0x79: {  	_ =	shalt  }
0x7a: {  	_ =	shalt  }
0x7b: {  	_ =	shalt  }
0x7c: {  	_ =	shalt  }
0x7d: {  	_ =	shalt  }
0x7e: {  	_ =	shalt  }
0x7f: {  	_ =	shalt  }
0x80: {  	_ =	shalt  }
0x81: {  	_ =	shalt  }
0x82: {  	_ =	shalt  }
0x83: {  	_ =	shalt  }
0x84: {  	_ =	shalt  }
0x85: {  	_ =	shalt  }
0x86: {  	_ =	shalt  }
0x87: {  	_ =	shalt  }
.Lfunc_end0:
.L_simem_size_0:
called_computation_lowered:
.L_overlay_start_0:
0x88: {  	s0 =	sld [smem:$0x3FD9]  }
0x89: {  	s1 =	sld [smem:$0x3FFE];
	_ =	sdelay $0x3  }
0x8a: {  	s0 =	sadd.s32 s1, s0  }
0x8b: {  	[smem:$0x3FB6] =	sst s0  }
0x8c: {  	_ = 	snop  }
0x8d: {  	s0 =	sld [smem:$0x3FD0];
	_ =	sdelay $0x2  }
0x8e: {  	s13 =	simm.s32 $0xA;
	s2 =	simm.s32 $0x10  }
0x8f: {  	[smem:s2], [sflag:s13] =	dma.local [hbm:s0], $0x1  }
0x90: {  	_ =	swait.eq [sflag:s13], $0x1  }
0x91: {  	[sflag:s13] =	ssyncset.done $0x0  }
0x92: {  	[sflag:s13] =	ssyncadd.s32 $0xFFFFFFFF  }
0x93: {  	s14 =	sld [smem:$0x12];
	(tm) =	ssettm $0x1  }
0x94: {  	s15 =	sld [smem:$0x3FFB];
	_ =	sdelay $0x3  }
0x95: {  	_ =	strace s15  }
0x96: {  	s1 =	sld [smem:$0x3FFC];
	_ =	sdelay $0x3  }
0x97: {  	_ =	strace s1  }
0x98: {  	s1 =	sld [smem:$0x3FFD];
	_ =	sdelay $0x3  }
0x99: {  	_ =	strace s1  }
0x9a: {  	_ =	strace $0x8FFFFFFF  }
0x9b: {  	s16 =	sld [smem:$0x3FDB];
	_ =	sdelay $0x1  }
0x9c: {  	s17 =	simm.s32 $_scs_section_size  }
0x9d: {  	s3 =	simm.s32 $_size__tile_overlayer_lowered;
	s4 =	simm.s32 $_tile_overlayer_lowered  }
0x9e: {  	s20 =	simm.s32 $0x1BFF;
	s19 =	sshll.u32 s4, $0x1;
	s1 =	sadd.s32 s17, s16  }
0x9f: {  	s5 =	simm.s32 $0x0;
	s18 =	sshll.u32 s3, $0x1;
	s3 =	sadd.s32 s19, s1  }
0xa0: {  	[timem:s5], [sflag:s20] =	dma.local [hbm:s3], s18  }
0xa1: {  	_ =	swait.ge [sflag:s20], s18  }
0xa2: {  	s2 =	ssub.s32 $0x0, s18;
	[sflag:s20] =	ssyncset.done $0x0  }
0xa3: {  	[sflag:s20] =	ssyncadd.s32 s2;
	_ =	sdelay $0x1  }
0xa4: {  	s21 =	simm.s32 $0x1B8B  }
0xa5: {  	_ =	swait.ge [sflag:s21], $0x1  }
0xa6: {  	[sflag:s21] =	ssyncset.done $0x0  }
0xa7: {  	s23 =	simm.s32 $0x1B8E;
	s22 =	sld [smem:$0x3FFE];
	[sflag:s21] =	ssyncadd.s32 $0xFFFFFFFF  }
0xa8: {  	s24 =	simm.s32 $execute0_lowered;
	[smem:$0x3FD2] =	sst s23  }
0xa9: {  	s3 =	sshll.u32 s24, $0x1;
	_ =	strace $0x80000046;
	[dreg:$0x1] =	wrdreg $0xFFFFFFFF  }
0xaa: {  	s25 =	simm.s32 $_size_execute0_lowered;
	s1 =	sadd.s32 s1, s3;
	[dreg:$0x0] =	wrdreg $0x0  }
0xab: {  	s3 =	sshll.u32 s25, $0x1;
	[dreg:$0x2] =	wrdreg s1  }
0xac: {  	[dreg:$0x3] =	wrdreg s3  }
0xad: {  	[dreg:$0x4] =	wrdreg $0xC0  }
0xae: {  	_ =	task [dreg:s5], $0x5FFFF  }
0xaf: {  	[dreg:$0x1] =	wrdreg $0xFFFFFFFF  }
0xb0: {  	[dreg:$0x0] =	wrdreg $0x60  }
0xb1: {  	[dreg:$0x2] =	wrdreg s22  }
0xb2: {  	[dreg:$0x3] =	wrdreg s14  }
0xb3: {  	[dreg:$0x4] =	wrdreg $0x57000  }
0xb4: {  	[dreg:$0x5] =	wrdreg $0x57100  }
0xb5: {  	[dreg:$0x6] =	wrdreg $0x9  }
0xb6: {  	_ =	task.clear_ibuf [dreg:s5], $0x7FFFF;
	_ =	strace $0x90000046  }
0xb7: {  	s26 =	simm.s32 $0x9;
	_ =	strace $0x80000048  }
0xb8: {  	_ =	swait.ge [sflag:s26], $0x1  }
0xb9: {  	[sflag:s26] =	ssyncadd.s32 $0xFFFFFFFF  }
0xba: {  	_ =	strace $0x90000048  }
0xbb: {  	_ =	sfence  }
0xbc: {  	s28 =	sld [smem:$0x0];
	_ =	sdelay $0x1  }
0xbd: {  	s29 =	srdreg.scid  }
0xbe: {  	s30 =	sshll.u32 s29, $0xD;
	s31 =	sshrl.u32 s29, $0x2  }
0xbf: {  	s2 =	sand.u32 $0x4000, s30;
	s1 =	sand.u32 $0x1, s29;
	s0 =	sadd.s32 s31, s28  }
0xc0: {  	s1 =	sor.u32 s2, s1;
	s0 =	sshll.u32 s0, $0x11  }
0xc1: {  	s0 =	sor.u32 s0, s1  }
0xc2: {  	s0 =	sadd.s32 $0x8F2B, s0  }
0xc3: {  	[sflag:s0] =	ssyncadd.remote.s32 $0x1  }
0xc4: {  	_ =	sfence.sel $0xFFFF  }
0xc5: {  	[dreg:$0x0] =	wrdreg $0xFFFFFFFF;
	(pc) =	sbr.abs _section_cstart, $3  }
0xc6: {  	[dreg:$0x1] =	wrdreg $0xFFFFFFFF  }
0xc7: {  	_ =	task.clear_ibuf [dreg:s5], $0x2FFFF;
	_ =	strace $0x9FFFFFFF  }
0xc8: {  	(tm) =	ssettm $0x7FFFFFFF  }
0xc9: {  	_ =	shalt  }
tec
execute0_lowered:
.L_overlay_start_1:
0x0: {  	(tag) =	ssettag $0x1  }
0x1: {  	s3 =	stileid.u32  }
0x2: {  	s1 =	rddreg [dreg:$0x0];
	s0 =	simm.s32 $0x0;
	s2 =	sshll.u32 s3, $0xB  }
0x3: {  	[smem:$0x7FF] =	sst s0;
	s1 =	sadd.s32 s2, s1  }
0x4: {  	s4 =	rddreg [dreg:$0x2];
	_ =	strace $0x80000047;
	s1 =	sadd.s32 $0xC00000, s1  }
0x5: {  	[tilespmem:s0], [sflag:$0x1] =	stream.linear.gather [hbm4b:s1+s0], $0x4000, $0x38;
	[tilespmem:$0x57A0] =	vst v63  }
0x6: {  	s1 =	simm.s32 $0x1  }
0x7: {  	_ =	swait.ge [sflag:s1], $0x4000  }
0x8: {  	[sflag:s1] =	ssyncset.done $0x0  }
0x9: {  	v0 =	vimm.s32 $0x0;
	[sflag:s1] =	ssyncadd.s32 $0xFFFFC000  }
0xa: {  	v1 =	vimm.s32 $0xFFFFFFFF;
	s7 =	simm.s32 $0x4100;
	s8 =	simm.s32 $0x4180;
	s31 =	sshll.u32 s3, $0x7;
	[tilespmem:$0x4010] =	vst v0  }
0xb: {  	vm0 =	vcmask $0x300;
	s9 =	simm.s32 $0x0;
	s6 =	sadd.s32 s31, s4;
	s2 =	simm.s32 $0xFFFFFFFF;
	[tilespmem:$0x4090] =	vst v1  }
.LBB2_1:
0xc: {  	s5 =	simm.s32 $0x0  }
0xd: {  	v2 =	vld [tilespmem:s5+$0x10]  }
0xe: {  	v3 =	vld [tilespmem:s5+$0x0]  }
0xf: {  	s10 =	ssub.s32 s2, s0;
	v4 =	vld [tilespmem:s5+$0x20]  }
0x10: {  	s10 =	sshrl.u32 s10, $0x1;
	v5 =	vld [tilespmem:s5+$0x30]  }
0x11: {  	v6 =	vld [tilespmem:s5+$0x40];
	s10 =	sadd.s32 s0, s10  }
0x12: {  	v7 =	vld [tilespmem:s5+$0x50];
	v1 =	vmov s10  }
0x13: {  	vm1 =	vle.u32 v3, v1;
	vm2 =	vle.u32 v2, v1;
	v2 =	vld [tilespmem:s5+$0x60]  }
0x14: {  	v47 =	vld [tilespmem:s5+$0x70];
	v3 =	vsel vm1, $0x1, v0;
	v8 =	vsel vm2, $0x1, v0;
	vm1 =	vle.u32 v4, v1  }
0x15: {  	v49 =	vld [tilespmem:s5+$0x80];
	v3 =	vadd.s32 v3, v8;
	v48 =	vsel vm1, $0x1, v0;
	vm1 =	vle.u32 v5, v1  }
0x16: {  	v51 =	vld [tilespmem:s5+$0x90];
	v3 =	vadd.s32 v48, v3;
	v50 =	vsel vm1, $0x1, v0;
	vm1 =	vle.u32 v6, v1  }
0x17: {  	v53 =	vld [tilespmem:s5+$0xA0];
	v3 =	vadd.s32 v50, v3;
	v52 =	vsel vm1, $0x1, v0;
	vm1 =	vle.u32 v7, v1  }
0x18: {  	v3 =	vadd.s32 v52, v3;
	v54 =	vsel vm1, $0x1, v0;
	vm1 =	vle.u32 v2, v1;
	v2 =	vld [tilespmem:s5+$0xB0]  }
0x19: {  	v56 =	vld [tilespmem:s5+$0xC0];
	v3 =	vadd.s32 v54, v3;
	v55 =	vsel vm1, $0x1, v0;
	vm1 =	vle.u32 v47, v1  }
0x1a: {  	v58 =	vld [tilespmem:s5+$0xD0];
	v3 =	vadd.s32 v55, v3;
	v57 =	vsel vm1, $0x1, v0;
	vm1 =	vle.u32 v49, v1  }
0x1b: {  	v60 =	vld [tilespmem:s5+$0xE0];
	v3 =	vadd.s32 v57, v3;
	v59 =	vsel vm1, $0x1, v0;
	vm1 =	vle.u32 v51, v1  }
0x1c: {  	v62 =	vld [tilespmem:s5+$0xF0];
	v3 =	vadd.s32 v59, v3;
	v61 =	vsel vm1, $0x1, v0;
	vm1 =	vle.u32 v53, v1  }
0x1d: {  	v3 =	vadd.s32 v61, v3;
	v63 =	vsel vm1, $0x1, v0;
	vm1 =	vle.u32 v2, v1  }
0x1e: {  	v2 =	vadd.s32 v63, v3;
	v3 =	vsel vm1, $0x1, v0;
	vm1 =	vle.u32 v56, v1  }
0x1f: {  	v2 =	vadd.s32 v3, v2;
	v3 =	vsel vm1, $0x1, v0;
	vm1 =	vle.u32 v58, v1  }
0x20: {  	v2 =	vadd.s32 v3, v2;
	v3 =	vsel vm1, $0x1, v0;
	vm1 =	vle.u32 v60, v1  }
0x21: {  	v2 =	vadd.s32 v3, v2;
	v3 =	vsel vm1, $0x1, v0;
	vm1 =	vle.u32 v62, v1  }
0x22: {  	v2 =	vadd.s32 v3, v2;
	v3 =	vsel vm1, $0x1, v0  }
0x23: {  	v2 =	vadd.s32 v3, v2  }
0x24: {  	[tilespmem:$0x4000] =	vst v2  }
0x25: {  	v3 =	vld [tilespmem:$0x4008];
	_ =	sdelay $0x4  }
0x26: {  	v2 =	vadd.s32 v3, v2  }
0x27: {  	[tilespmem:$0x4000] =	vst v2  }
0x28: {  	v3 =	vld [tilespmem:$0x4004];
	_ =	sdelay $0x4  }
0x29: {  	v2 =	vadd.s32 v3, v2  }
0x2a: {  	[tilespmem:$0x4000] =	vst v2  }
0x2b: {  	v3 =	vld [tilespmem:$0x4002];
	_ =	sdelay $0x4  }
0x2c: {  	v2 =	vadd.s32 v2, v3  }
0x2d: {  	s12 =	simm.s32 $0x100;
	[tilespmem:$0x4000] =	vst v2;
	(v2sf) =	vpush v2, $0x0  }
0x2e: {  	s11 =	simm.s32 $0x800;
	s5 =	simm.s32 $0x0;
	v2 =	vld [tilespmem:s12+$0x10]  }
.LBB2_2:
0x2f: {  	p0 =	sne.s32 s11, $0xFC00;
	v3 =	vld [tilespmem:s12+$0x0]  }
0x30: {  	v4 =	vld [tilespmem:s12+$0x20]  }
0x31: {  	v5 =	vld [tilespmem:s12+$0x30]  }
0x32: {  	v6 =	vld [tilespmem:s12+$0x40]  }
0x33: {  	v7 =	vld [tilespmem:s12+$0x50]  }
0x34: {  	vm2 =	vle.u32 v2, v1;
	vm1 =	vle.u32 v3, v1;
	v2 =	vld [tilespmem:s12+$0x60]  }
0x35: {  	v8 =	vsel vm2, $0x1, v0;
	v3 =	vsel vm1, $0x1, v0;
	vm1 =	vle.u32 v4, v1;
	v4 =	vld [tilespmem:s12+$0x70]  }
0x36: {  	v3 =	vadd.s32 v3, v8;
	v8 =	vsel vm1, $0x1, v0;
	vm1 =	vle.u32 v5, v1;
	v5 =	vld [tilespmem:s12+$0x80]  }
0x37: {  	v3 =	vadd.s32 v8, v3;
	v8 =	vsel vm1, $0x1, v0;
	vm1 =	vle.u32 v6, v1;
	v6 =	vld [tilespmem:s12+$0x90]  }
0x38: {  	v3 =	vadd.s32 v8, v3;
	v8 =	vsel vm1, $0x1, v0;
	vm1 =	vle.u32 v7, v1;
	v7 =	vld [tilespmem:s12+$0xA0]  }
0x39: {  	v3 =	vadd.s32 v8, v3;
	v8 =	vsel vm1, $0x1, v0;
	vm1 =	vle.u32 v2, v1;
	v2 =	vld [tilespmem:s12+$0xB0]  }
0x3a: {  	v3 =	vadd.s32 v8, v3;
	v8 =	vsel vm1, $0x1, v0;
	vm1 =	vle.u32 v4, v1;
	v4 =	vld [tilespmem:s12+$0xC0]  }
0x3b: {  	v3 =	vadd.s32 v8, v3;
	v8 =	vsel vm1, $0x1, v0;
	vm1 =	vle.u32 v5, v1;
	v5 =	vld [tilespmem:s12+$0xD0]  }
0x3c: {  	v3 =	vadd.s32 v8, v3;
	v8 =	vsel vm1, $0x1, v0;
	vm1 =	vle.u32 v6, v1;
	v6 =	vld [tilespmem:s12+$0xE0];
	s13 =	spop (v2sf)  }
0x3d: {  	v3 =	vadd.s32 v8, v3;
	v8 =	vsel vm1, $0x1, v0;
	vm1 =	vle.u32 v7, v1;
	v7 =	vld [tilespmem:s12+$0xF0];
	s5 =	sadd.s32 s5, s13  }
0x3e: {  	v3 =	vadd.s32 v8, v3;
	v8 =	vsel vm1, $0x1, v0;
	vm1 =	vle.u32 v2, v1;
	v2 =	vld [tilespmem:$0x4001]  }
0x3f: {  	v3 =	vadd.s32 v8, v3;
	v8 =	vsel vm1, $0x1, v0;
	vm1 =	vle.u32 v4, v1  }
0x40: {  	v3 =	vadd.s32 v8, v3;
	v4 =	vsel vm1, $0x1, v0;
	vm1 =	vle.u32 v5, v1  }
0x41: {  	v3 =	vadd.s32 v4, v3;
	v4 =	vsel vm1, $0x1, v0;
	vm1 =	vle.u32 v6, v1  }
0x42: {  	v3 =	vadd.s32 v4, v3;
	v4 =	vsel vm1, $0x1, v0;
	vm1 =	vle.u32 v7, v1  }
0x43: {  	v3 =	vadd.s32 v4, v3;
	v4 =	vsel vm1, $0x1, v0;
	(v2sf) =	vpush v2, $0x0  }
0x44: {  	v2 =	vadd.s32 v4, v3  }
0x45: {  	[tilespmem:$0x4000] =	vst v2  }
0x46: {  	v3 =	vld [tilespmem:$0x4008];
	_ =	sdelay $0x4  }
0x47: {  	v2 =	vadd.s32 v3, v2  }
0x48: {  	[tilespmem:$0x4000] =	vst v2  }
0x49: {  	v3 =	vld [tilespmem:$0x4004];
	_ =	sdelay $0x4  }
0x4a: {  	v2 =	vadd.s32 v3, v2;
	s12 =	spop (v2sf)  }
0x4b: {  	[tilespmem:$0x4000] =	vst v2;
	s5 =	sadd.s32 s12, s5  }
0x4c: {  	v3 =	vld [tilespmem:$0x4002];
	_ =	sdelay $0x2  }
.Ltmp0:
0x4d: {  	(pc) =	sbr.rel @p0 .LBB2_2-.Ltmp0, $4  }
0x4e: {  	_ = 	snop  }
0x4f: {  	v2 =	vadd.s32 v2, v3  }
0x50: {  	s12 =	sshra.s32 s11, $0x2;
	[tilespmem:$0x4000] =	vst v2;
	(v2sf) =	vpush v2, $0x0  }
0x51: {  	s11 =	sadd.s32 $0x400, s11;
	v2 =	vld [tilespmem:s12+$0x10]  }
0x52: {  	v3 =	vld [tilespmem:s12+$0x0]  }
0x53: {  	v4 =	vld [tilespmem:s12+$0x20]  }
0x54: {  	v5 =	vld [tilespmem:s12+$0x30]  }
0x55: {  	v6 =	vld [tilespmem:s12+$0x40]  }
0x56: {  	v7 =	vld [tilespmem:s12+$0x50]  }
0x57: {  	vm2 =	vle.u32 v2, v1;
	v2 =	vld [tilespmem:s12+$0x60];
	vm1 =	vle.u32 v3, v1  }
0x58: {  	v41 =	vld [tilespmem:s12+$0x70];
	v8 =	vsel vm2, $0x1, v0;
	v3 =	vsel vm1, $0x1, v0;
	vm1 =	vle.u32 v4, v1  }
0x59: {  	v43 =	vld [tilespmem:s12+$0x80];
	v3 =	vadd.s32 v3, v8;
	v42 =	vsel vm1, $0x1, v0;
	vm1 =	vle.u32 v5, v1  }
0x5a: {  	v45 =	vld [tilespmem:s12+$0x90];
	v3 =	vadd.s32 v42, v3;
	v44 =	vsel vm1, $0x1, v0;
	vm1 =	vle.u32 v6, v1  }
0x5b: {  	v47 =	vld [tilespmem:s12+$0xA0];
	v3 =	vadd.s32 v44, v3;
	v46 =	vsel vm1, $0x1, v0;
	vm1 =	vle.u32 v7, v1  }
0x5c: {  	v3 =	vadd.s32 v46, v3;
	v48 =	vsel vm1, $0x1, v0;
	vm1 =	vle.u32 v2, v1;
	v2 =	vld [tilespmem:s12+$0xB0]  }
0x5d: {  	v50 =	vld [tilespmem:s12+$0xC0];
	v3 =	vadd.s32 v48, v3;
	v49 =	vsel vm1, $0x1, v0;
	vm1 =	vle.u32 v41, v1  }
0x5e: {  	v52 =	vld [tilespmem:s12+$0xD0];
	v3 =	vadd.s32 v49, v3;
	v51 =	vsel vm1, $0x1, v0;
	vm1 =	vle.u32 v43, v1  }
0x5f: {  	v54 =	vld [tilespmem:s12+$0xE0];
	v3 =	vadd.s32 v51, v3;
	v53 =	vsel vm1, $0x1, v0;
	vm1 =	vle.u32 v45, v1  }
0x60: {  	v56 =	vld [tilespmem:s12+$0xF0];
	v3 =	vadd.s32 v53, v3;
	v55 =	vsel vm1, $0x1, v0;
	vm1 =	vle.u32 v47, v1  }
0x61: {  	v3 =	vadd.s32 v55, v3;
	v57 =	vsel vm1, $0x1, v0;
	vm1 =	vle.u32 v2, v1  }
0x62: {  	v2 =	vadd.s32 v57, v3;
	v3 =	vsel vm1, $0x1, v0;
	vm1 =	vle.u32 v50, v1  }
0x63: {  	v2 =	vadd.s32 v3, v2;
	v3 =	vsel vm1, $0x1, v0;
	vm1 =	vle.u32 v52, v1  }
0x64: {  	v2 =	vadd.s32 v3, v2;
	v3 =	vsel vm1, $0x1, v0;
	vm1 =	vle.u32 v54, v1  }
0x65: {  	v2 =	vadd.s32 v3, v2;
	v3 =	vsel vm1, $0x1, v0;
	vm1 =	vle.u32 v56, v1  }
0x66: {  	v1 =	vadd.s32 v3, v2;
	v2 =	vsel vm1, $0x1, v0  }
0x67: {  	v1 =	vadd.s32 v2, v1  }
0x68: {  	v3 =	vld [tilespmem:$0x4001];
	[tilespmem:$0x4000] =	vst v1  }
0x69: {  	v2 =	vld [tilespmem:$0x4008];
	_ =	sdelay $0x4  }
0x6a: {  	v1 =	vadd.s32 v2, v1  }
0x6b: {  	[tilespmem:$0x4000] =	vst v1  }
0x6c: {  	v2 =	vld [tilespmem:$0x4004];
	_ =	sdelay $0x4  }
0x6d: {  	v1 =	vadd.s32 v2, v1  }
0x6e: {  	[tilespmem:$0x4000] =	vst v1  }
0x6f: {  	v2 =	vld [tilespmem:$0x4002];
	_ =	sdelay $0x4  }
0x70: {  	v1 =	vadd.s32 v1, v2  }
0x71: {  	[tilespmem:$0x4000] =	vst v1  }
0x72: {  	v2 =	vld [tilespmem:$0x4001];
	_ =	sdelay $0x2  }
0x73: {  	(v2sf) =	vpush v3, $0x0  }
0x74: {  	(v2sf) =	vpush v1, $0x0  }
0x75: {  	(v2sf) =	vpush v2, $0x0;
	_ =	sdelay $0xb  }
0x76: {  	s11 =	spop (v2sf)  }
0x77: {  	s5 =	sadd.s32 s5, s11;
	s12 =	spop (v2sf)  }
0x78: {  	s5 =	sadd.s32 s12, s5;
	s13 =	spop (v2sf)  }
0x79: {  	s5 =	sadd.s32 s5, s13;
	s14 =	spop (v2sf)  }
0x7a: {  	s5 =	sadd.s32 s14, s5  }
0x7b: {  	v1 =	vmov s5  }
0x7c: {  	v1 =	vnsel vm0, $0x0, v1  }
0x7d: {  	[tilespmem:$0x4100] =	vst v1  }
0x7e: {  	[spmem:s6] =	stream.linear.scatter [tilespmem:s7], [sflag:$0x1], $0x80, $0x38;
	[tilespmem:$0x57A0] =	vst v63  }
0x7f: {  	_ =	swait.ge [sflag:s1], $0x80  }
0x80: {  	[sflag:s1] =	ssyncset.done $0x0  }
0x81: {  	[sflag:s1] =	ssyncadd.s32 $0xFFFFFF80  }
0x82: {  	[bflag:$0x0] =	sbarrier.arrive $0xFFFF  }
0x83: {  	[tilespmem:s8], [sflag:$0x1] =	stream.linear.gather [spmem:s4], $0x800, $0x38;
	[tilespmem:$0x57A0] =	vst v63  }
0x84: {  	_ =	swait.ge [sflag:s1], $0x800  }
0x85: {  	[sflag:s1] =	ssyncset.done $0x0  }
0x86: {  	[sflag:s1] =	ssyncadd.s32 $0xFFFFF800  }
0x87: {  	[bflag:$0x0] =	sbarrier.arrive $0xFFFF  }
0x88: {  	v1 =	vld [tilespmem:$0x4180]  }
0x89: {  	v2 =	vld [tilespmem:$0x4200]  }
0x8a: {  	v3 =	vld [tilespmem:$0x4280]  }
0x8b: {  	v58 =	vld [tilespmem:$0x4300]  }
0x8c: {  	v59 =	vld [tilespmem:$0x4380]  }
0x8d: {  	(v2sf) =	vpush v1, $0x0;
	v1 =	vld [tilespmem:$0x4400]  }
0x8e: {  	(v2sf) =	vpush v2, $0x0;
	v2 =	vld [tilespmem:$0x4480]  }
0x8f: {  	(v2sf) =	vpush v3, $0x0;
	v3 =	vld [tilespmem:$0x4500]  }
0x90: {  	v60 =	vld [tilespmem:$0x4580];
	(v2sf) =	vpush v58, $0x0  }
0x91: {  	v61 =	vld [tilespmem:$0x4600];
	(v2sf) =	vpush v59, $0x0  }
0x92: {  	(v2sf) =	vpush v1, $0x0;
	v1 =	vld [tilespmem:$0x4680]  }
0x93: {  	(v2sf) =	vpush v2, $0x0;
	v2 =	vld [tilespmem:$0x4700]  }
0x94: {  	(v2sf) =	vpush v3, $0x0;
	v3 =	vld [tilespmem:$0x4780]  }
0x95: {  	v62 =	vld [tilespmem:$0x4800];
	(v2sf) =	vpush v60, $0x0  }
0x96: {  	v63 =	vld [tilespmem:$0x4880];
	(v2sf) =	vpush v61, $0x0  }
0x97: {  	(v2sf) =	vpush v1, $0x0;
	v1 =	vld [tilespmem:$0x4900]  }
0x98: {  	(v2sf) =	vpush v2, $0x0  }
0x99: {  	(v2sf) =	vpush v3, $0x0  }
0x9a: {  	(v2sf) =	vpush v62, $0x0  }
0x9b: {  	(v2sf) =	vpush v63, $0x0  }
0x9c: {  	s15 =	spop (v2sf);
	(v2sf) =	vpush v1, $0x0  }
0x9d: {  	s16 =	spop (v2sf)  }
0x9e: {  	s17 =	spop (v2sf);
	s5 =	sadd.s32 s15, s16  }
0x9f: {  	s18 =	spop (v2sf);
	s5 =	sadd.s32 s17, s5  }
0xa0: {  	s19 =	spop (v2sf);
	s5 =	sadd.s32 s18, s5  }
0xa1: {  	s20 =	spop (v2sf);
	s5 =	sadd.s32 s19, s5  }
0xa2: {  	s21 =	spop (v2sf);
	s5 =	sadd.s32 s20, s5  }
0xa3: {  	s22 =	spop (v2sf);
	s5 =	sadd.s32 s21, s5  }
0xa4: {  	s23 =	spop (v2sf);
	s5 =	sadd.s32 s22, s5  }
0xa5: {  	s24 =	spop (v2sf);
	s5 =	sadd.s32 s23, s5  }
0xa6: {  	s25 =	spop (v2sf);
	s5 =	sadd.s32 s24, s5  }
0xa7: {  	s26 =	spop (v2sf);
	s5 =	sadd.s32 s25, s5  }
0xa8: {  	s28 =	spop (v2sf);
	s5 =	sadd.s32 s26, s5  }
0xa9: {  	s9 =	sadd.s32 $0x1, s9;
	s29 =	spop (v2sf);
	s5 =	sadd.s32 s28, s5  }
0xaa: {  	p1 =	seq.s32 s9, $0x20;
	s30 =	spop (v2sf);
	s5 =	sadd.s32 s29, s5  }
.Ltmp1:
0xab: {  	s5 =	sadd.s32 s30, s5;
	s31 =	spop (v2sf);
	(pc) =	sbr.rel @!p1 .LBB2_1-.Ltmp1, $4  }
0xac: {  	s5 =	sadd.s32 s31, s5  }
0xad: {  	p0 =	sgt.s32 s5, $0x3FF;
	s5 =	sadd.s32 $0x1, s10  }
0xae: {  	s5 =	smov.u32 @p0 s0  }
0xaf: {  	s2 =	smov.u32 @p0 s10;
	s0 =	smov.u32 s5  }
0xb0: {  	s0 =	simm.s32 $0x0  }
0xb1: {  	v2 =	vld [tilespmem:s0+$0x0]  }
0xb2: {  	v3 =	vld [tilespmem:s0+$0x10]  }
0xb3: {  	v4 =	vld [tilespmem:s0+$0x20]  }
0xb4: {  	v5 =	vld [tilespmem:s0+$0x30]  }
0xb5: {  	v6 =	vld [tilespmem:s0+$0x40]  }
0xb6: {  	v1 =	vmov s5;
	v7 =	vld [tilespmem:s0+$0x50]  }
0xb7: {  	v0 =	vimm.s32 $0x0;
	v8 =	vld [tilespmem:s0+$0x60];
	vm1 =	vlt.u32 v2, v1;
	vm2 =	vlt.u32 v3, v1  }
0xb8: {  	v10 =	vld [tilespmem:s0+$0x70];
	vm3 =	vlt.u32 v4, v1;
	v9 =	vsel vm1, $0x1, v0;
	v11 =	vsel vm2, $0x1, v0  }
0xb9: {  	v13 =	vld [tilespmem:s0+$0x80];
	v12 =	vsel vm3, $0x1, v0;
	vm1 =	vlt.u32 v5, v1;
	v9 =	vadd.s32 v9, v11  }
0xba: {  	v14 =	vld [tilespmem:s0+$0x90];
	v49 =	vsel vm1, $0x1, v0;
	vm1 =	vlt.u32 v6, v1;
	v9 =	vadd.s32 v12, v9  }
0xbb: {  	v15 =	vld [tilespmem:s0+$0xA0];
	v50 =	vsel vm1, $0x1, v0;
	vm1 =	vlt.u32 v7, v1;
	v9 =	vadd.s32 v49, v9  }
0xbc: {  	v16 =	vld [tilespmem:s0+$0xB0];
	v51 =	vsel vm1, $0x1, v0;
	vm1 =	vlt.u32 v8, v1;
	v9 =	vadd.s32 v50, v9  }
0xbd: {  	v17 =	vld [tilespmem:s0+$0xC0];
	v52 =	vsel vm1, $0x1, v0;
	vm1 =	vlt.u32 v10, v1;
	v9 =	vadd.s32 v51, v9  }
0xbe: {  	v18 =	vld [tilespmem:s0+$0xD0];
	v53 =	vsel vm1, $0x1, v0;
	vm1 =	vlt.u32 v13, v1;
	v9 =	vadd.s32 v52, v9  }
0xbf: {  	v19 =	vld [tilespmem:s0+$0xE0];
	v54 =	vsel vm1, $0x1, v0;
	vm1 =	vlt.u32 v14, v1;
	v9 =	vadd.s32 v53, v9  }
0xc0: {  	v56 =	vld [tilespmem:s0+$0xF0];
	v55 =	vsel vm1, $0x1, v0;
	vm1 =	vlt.u32 v15, v1;
	v9 =	vadd.s32 v54, v9  }
0xc1: {  	v57 =	vsel vm1, $0x1, v0;
	vm1 =	vlt.u32 v16, v1;
	v9 =	vadd.s32 v55, v9  }
0xc2: {  	v58 =	vsel vm1, $0x1, v0;
	vm1 =	vlt.u32 v17, v1;
	v9 =	vadd.s32 v57, v9  }
0xc3: {  	v59 =	vsel vm1, $0x1, v0;
	vm1 =	vlt.u32 v18, v1;
	v9 =	vadd.s32 v58, v9  }
0xc4: {  	v60 =	vsel vm1, $0x1, v0;
	vm1 =	vlt.u32 v19, v1;
	v9 =	vadd.s32 v59, v9  }
0xc5: {  	v61 =	vsel vm1, $0x1, v0;
	vm1 =	vlt.u32 v56, v1;
	v9 =	vadd.s32 v60, v9  }
0xc6: {  	v62 =	vsel vm1, $0x1, v0;
	v9 =	vadd.s32 v61, v9  }
0xc7: {  	v9 =	vadd.s32 v62, v9  }
0xc8: {  	[tilespmem:$0x4000] =	vst v9  }
0xc9: {  	v63 =	vld [tilespmem:$0x4008];
	_ =	sdelay $0x2  }
0xca: {  	vm2 =	veq.s32 v2, v1;
	vm3 =	veq.s32 v3, v1;
	vm1 =	veq.s32 v4, v1  }
0xcb: {  	v3 =	vsel vm2, $0x1, v0;
	v4 =	vsel vm3, $0x1, v0;
	v2 =	vsel vm1, $0x1, v0  }
0xcc: {  	v3 =	vadd.s32 v3, v4;
	vm1 =	veq.s32 v5, v1;
	v4 =	vadd.s32 v63, v9  }
0xcd: {  	v2 =	vadd.s32 v2, v3;
	v3 =	vsel vm1, $0x1, v0;
	vm1 =	veq.s32 v6, v1;
	[tilespmem:$0x4000] =	vst v4  }
0xce: {  	v2 =	vadd.s32 v3, v2;
	v3 =	vsel vm1, $0x1, v0;
	vm1 =	veq.s32 v7, v1;
	v5 =	vld [tilespmem:$0x4004]  }
0xcf: {  	v2 =	vadd.s32 v3, v2;
	v3 =	vsel vm1, $0x1, v0;
	vm1 =	veq.s32 v8, v1  }
0xd0: {  	v2 =	vadd.s32 v3, v2;
	v3 =	vsel vm1, $0x1, v0;
	vm1 =	veq.s32 v10, v1  }
0xd1: {  	v2 =	vadd.s32 v3, v2;
	v3 =	vsel vm1, $0x1, v0  }
0xd2: {  	vm1 =	veq.s32 v13, v1;
	v2 =	vadd.s32 v3, v2  }
0xd3: {  	v3 =	vsel vm1, $0x1, v0;
	vm1 =	veq.s32 v14, v1;
	v4 =	vadd.s32 v5, v4  }
0xd4: {  	vm2 =	veq.s32 v15, v1;
	v2 =	vadd.s32 v3, v2;
	v3 =	vsel vm1, $0x1, v0;
	[tilespmem:$0x4000] =	vst v4  }
0xd5: {  	vm1 =	veq.s32 v16, v1;
	v2 =	vadd.s32 v3, v2;
	v3 =	vsel vm2, $0x1, v0;
	v5 =	vld [tilespmem:$0x4002]  }
0xd6: {  	v2 =	vadd.s32 v3, v2;
	v3 =	vsel vm1, $0x1, v0;
	vm1 =	veq.s32 v17, v1  }
0xd7: {  	v2 =	vadd.s32 v3, v2;
	v3 =	vsel vm1, $0x1, v0;
	vm1 =	veq.s32 v18, v1  }
0xd8: {  	v2 =	vadd.s32 v3, v2;
	v3 =	vsel vm1, $0x1, v0;
	vm1 =	veq.s32 v19, v1  }
0xd9: {  	v2 =	vadd.s32 v3, v2;
	v3 =	vsel vm1, $0x1, v0;
	vm1 =	veq.s32 v56, v1  }
0xda: {  	v2 =	vadd.s32 v3, v2;
	v3 =	vsel vm1, $0x1, v0;
	v4 =	vadd.s32 v4, v5  }
0xdb: {  	v2 =	vadd.s32 v3, v2;
	[tilespmem:$0x4000] =	vst v4  }
0xdc: {  	v3 =	vld [tilespmem:$0x4001];
	[tilespmem:$0x4000] =	vst v2  }
0xdd: {  	v5 =	vld [tilespmem:$0x4008];
	_ =	sdelay $0x4  }
0xde: {  	(v2sf) =	vpush v4, $0x0;
	v2 =	vadd.s32 v2, v5  }
0xdf: {  	[tilespmem:$0x4000] =	vst v2  }
0xe0: {  	v5 =	vld [tilespmem:$0x4004];
	_ =	sdelay $0x1  }
0xe1: {  	(v2sf) =	vpush v3, $0x0;
	_ =	sdelay $0x2  }
0xe2: {  	v2 =	vadd.s32 v2, v5  }
0xe3: {  	[tilespmem:$0x4000] =	vst v2  }
0xe4: {  	v3 =	vld [tilespmem:$0x4002];
	_ =	sdelay $0x4  }
0xe5: {  	v3 =	vadd.s32 v2, v3  }
0xe6: {  	s1 =	simm.s32 $0x100;
	s31 =	spop (v2sf);
	[tilespmem:$0x4000] =	vst v3;
	(v2sf) =	vpush v3, $0x0  }
0xe7: {  	v5 =	vld [tilespmem:s1+$0x20]  }
0xe8: {  	v2 =	vld [tilespmem:$0x4001]  }
0xe9: {  	v6 =	vld [tilespmem:s1+$0x0]  }
0xea: {  	s7 =	simm.s32 $0x0;
	s0 =	sadd.s32 $0x0, s31;
	s9 =	spop (v2sf);
	v4 =	vld [tilespmem:s1+$0x10]  }
0xeb: {  	s8 =	simm.s32 $0xC00;
	s2 =	simm.s32 $0x200;
	s0 =	sadd.s32 s9, s0;
	v3 =	vld [tilespmem:s1+$0x30]  }
.LBB2_5:
0xec: {  	p0 =	sne.s32 s8, $0xFC00;
	v7 =	vld [tilespmem:s1+$0x40];
	s9 =	smov.u32 s8;
	s8 =	sadd.s32 $0x400, s8  }
0xed: {  	vm3 =	vlt.u32 v5, v1;
	vm2 =	veq.s32 v5, v1;
	v5 =	vld [tilespmem:s1+$0x50];
	(v2sf) =	vpush v2, $0x0  }
0xee: {  	v2 =	vsel vm2, $0x1, v0;
	vm4 =	vlt.u32 v6, v1;
	vm1 =	veq.s32 v6, v1;
	v6 =	vld [tilespmem:s1+$0x60]  }
0xef: {  	v8 =	vsel vm4, $0x1, v0;
	vm4 =	vlt.u32 v4, v1;
	vm2 =	veq.s32 v4, v1;
	v4 =	vld [tilespmem:s1+$0x70]  }
0xf0: {  	v10 =	vsel vm3, $0x1, v0;
	v9 =	vsel vm4, $0x1, v0;
	vm3 =	vlt.u32 v3, v1;
	v11 =	vld [tilespmem:s1+$0x80]  }
0xf1: {  	v8 =	vadd.s32 v8, v9;
	v9 =	vsel vm3, $0x1, v0;
	vm3 =	vlt.u32 v7, v1;
	v12 =	vld [tilespmem:s1+$0x90]  }
0xf2: {  	v8 =	vadd.s32 v10, v8;
	v10 =	vsel vm3, $0x1, v0;
	vm3 =	vlt.u32 v5, v1;
	v13 =	vld [tilespmem:s1+$0xA0]  }
0xf3: {  	v8 =	vadd.s32 v9, v8;
	v9 =	vsel vm3, $0x1, v0;
	vm3 =	vlt.u32 v6, v1;
	v14 =	vld [tilespmem:s1+$0xB0]  }
0xf4: {  	v8 =	vadd.s32 v10, v8;
	v10 =	vsel vm3, $0x1, v0;
	vm3 =	vlt.u32 v4, v1;
	v15 =	vld [tilespmem:s1+$0xC0]  }
0xf5: {  	v8 =	vadd.s32 v9, v8;
	v9 =	vsel vm3, $0x1, v0;
	vm3 =	vlt.u32 v11, v1;
	v16 =	vld [tilespmem:s1+$0xD0];
	s10 =	spop (v2sf)  }
0xf6: {  	v8 =	vadd.s32 v10, v8;
	v10 =	vsel vm3, $0x1, v0;
	vm3 =	vlt.u32 v12, v1;
	v17 =	vld [tilespmem:s1+$0xE0]  }
0xf7: {  	v8 =	vadd.s32 v9, v8;
	v9 =	vsel vm3, $0x1, v0;
	vm3 =	vlt.u32 v13, v1;
	v18 =	vld [tilespmem:s1+$0xF0];
	s1 =	smov.u32 s2  }
0xf8: {  	v8 =	vadd.s32 v10, v8;
	v10 =	vsel vm3, $0x1, v0;
	vm3 =	vlt.u32 v14, v1  }
0xf9: {  	v8 =	vadd.s32 v9, v8;
	v9 =	vsel vm3, $0x1, v0;
	vm3 =	vlt.u32 v15, v1  }
0xfa: {  	v8 =	vadd.s32 v10, v8;
	v10 =	vsel vm3, $0x1, v0;
	vm3 =	vlt.u32 v16, v1  }
0xfb: {  	v8 =	vadd.s32 v9, v8;
	v9 =	vsel vm3, $0x1, v0;
	vm3 =	vlt.u32 v17, v1  }
0xfc: {  	s2 =	sadd.s32 s7, s10;
	v8 =	vadd.s32 v10, v8;
	v10 =	vsel vm3, $0x1, v0;
	vm4 =	vlt.u32 v18, v1;
	s7 =	spop (v2sf)  }
0xfd: {  	vm3 =	veq.s32 v13, v1;
	v8 =	vadd.s32 v9, v8;
	v9 =	vsel vm4, $0x1, v0;
	s7 =	sadd.s32 s7, s2  }
0xfe: {  	v19 =	vsel vm2, $0x1, v0;
	v13 =	vsel vm1, $0x1, v0;
	v8 =	vadd.s32 v10, v8  }
0xff: {  	vm1 =	veq.s32 v3, v1;
	v10 =	vadd.s32 v13, v19;
	v3 =	vadd.s32 v9, v8  }
0x100: {  	v2 =	vadd.s32 v2, v10;
	v8 =	vsel vm1, $0x1, v0;
	vm1 =	veq.s32 v7, v1;
	[tilespmem:$0x4000] =	vst v3  }
0x101: {  	v2 =	vadd.s32 v8, v2;
	v7 =	vsel vm1, $0x1, v0;
	vm1 =	veq.s32 v5, v1;
	v5 =	vld [tilespmem:$0x4008]  }
0x102: {  	v2 =	vadd.s32 v7, v2;
	v7 =	vsel vm1, $0x1, v0;
	vm1 =	veq.s32 v6, v1  }
0x103: {  	v2 =	vadd.s32 v7, v2;
	v6 =	vsel vm1, $0x1, v0;
	vm1 =	veq.s32 v4, v1  }
0x104: {  	v2 =	vadd.s32 v6, v2;
	v4 =	vsel vm1, $0x1, v0;
	vm1 =	veq.s32 v11, v1  }
0x105: {  	v2 =	vadd.s32 v4, v2;
	v4 =	vsel vm1, $0x1, v0;
	vm1 =	veq.s32 v12, v1  }
0x106: {  	v2 =	vadd.s32 v4, v2;
	v4 =	vsel vm1, $0x1, v0;
	v3 =	vadd.s32 v5, v3  }
0x107: {  	vm1 =	veq.s32 v14, v1;
	v2 =	vadd.s32 v4, v2;
	v4 =	vsel vm3, $0x1, v0;
	[tilespmem:$0x4000] =	vst v3  }
0x108: {  	v2 =	vadd.s32 v4, v2;
	v4 =	vsel vm1, $0x1, v0;
	vm1 =	veq.s32 v15, v1;
	v5 =	vld [tilespmem:$0x4004]  }
0x109: {  	v2 =	vadd.s32 v4, v2;
	v4 =	vsel vm1, $0x1, v0;
	vm1 =	veq.s32 v16, v1  }
0x10a: {  	v2 =	vadd.s32 v4, v2;
	v4 =	vsel vm1, $0x1, v0;
	vm1 =	veq.s32 v17, v1  }
0x10b: {  	v2 =	vadd.s32 v4, v2;
	v4 =	vsel vm1, $0x1, v0;
	vm1 =	veq.s32 v18, v1  }
0x10c: {  	v2 =	vadd.s32 v4, v2  }
0x10d: {  	v3 =	vadd.s32 v5, v3  }
0x10e: {  	[tilespmem:$0x4000] =	vst v3  }
0x10f: {  	v4 =	vld [tilespmem:$0x4002];
	_ =	sdelay $0x4  }
0x110: {  	v5 =	vsel vm1, $0x1, v0;
	v3 =	vadd.s32 v3, v4  }
0x111: {  	v2 =	vadd.s32 v5, v2;
	[tilespmem:$0x4000] =	vst v3;
	(v2sf) =	vpush v3, $0x0  }
0x112: {  	v3 =	vld [tilespmem:$0x4001]  }
0x113: {  	[tilespmem:$0x4000] =	vst v2  }
0x114: {  	v4 =	vld [tilespmem:$0x4008];
	_ =	sdelay $0x2  }
0x115: {  	(v2sf) =	vpush v3, $0x0;
	_ =	sdelay $0x1  }
0x116: {  	v2 =	vadd.s32 v2, v4  }
0x117: {  	[tilespmem:$0x4000] =	vst v2  }
0x118: {  	s2 =	sshra.s32 s9, $0x2;
	v3 =	vld [tilespmem:$0x4004];
	_ =	sdelay $0x4  }
0x119: {  	v2 =	vadd.s32 v2, v3;
	s9 =	spop (v2sf)  }
0x11a: {  	[tilespmem:$0x4000] =	vst v2  }
0x11b: {  	v3 =	vld [tilespmem:$0x4002];
	_ =	sdelay $0x3  }
0x11c: {  	s0 =	sadd.s32 s0, s9;
	s9 =	spop (v2sf)  }
0x11d: {  	s0 =	sadd.s32 s9, s0;
	v2 =	vadd.s32 v2, v3  }
0x11e: {  	[tilespmem:$0x4000] =	vst v2;
	(v2sf) =	vpush v2, $0x0  }
.Ltmp2:
0x11f: {  	v5 =	vld [tilespmem:s1+$0x20];
	(pc) =	sbr.rel @p0 .LBB2_5-.Ltmp2, $4  }
0x120: {  	v2 =	vld [tilespmem:$0x4001]  }
0x121: {  	v6 =	vld [tilespmem:s1+$0x0]  }
0x122: {  	v4 =	vld [tilespmem:s1+$0x10]  }
0x123: {  	v3 =	vld [tilespmem:s1+$0x30]  }
0x124: {  	_ = 	snop  }
0x125: {  	v7 =	vld [tilespmem:s1+$0x40]  }
0x126: {  	v8 =	vld [tilespmem:s1+$0x50]  }
0x127: {  	v9 =	vld [tilespmem:s1+$0x60];
	vm1 =	vlt.u32 v6, v1;
	vm2 =	vlt.u32 v4, v1  }
0x128: {  	vm3 =	vlt.u32 v5, v1;
	v11 =	vld [tilespmem:s1+$0x70];
	v10 =	vsel vm1, $0x1, v0;
	v12 =	vsel vm2, $0x1, v0  }
0x129: {  	v14 =	vld [tilespmem:s1+$0x80];
	v13 =	vsel vm3, $0x1, v0;
	vm12 =	vlt.u32 v3, v1;
	v10 =	vadd.s32 v10, v12  }
0x12a: {  	v15 =	vld [tilespmem:s1+$0x90];
	v57 =	vsel vm12, $0x1, v0;
	vm13 =	vlt.u32 v7, v1;
	v10 =	vadd.s32 v13, v10  }
0x12b: {  	v16 =	vld [tilespmem:s1+$0xA0];
	vm14 =	vlt.u32 v8, v1;
	v58 =	vsel vm13, $0x1, v0;
	v10 =	vadd.s32 v57, v10  }
0x12c: {  	v17 =	vld [tilespmem:s1+$0xB0];
	vm15 =	vlt.u32 v9, v1;
	v59 =	vsel vm14, $0x1, v0;
	v10 =	vadd.s32 v58, v10  }
0x12d: {  	v18 =	vld [tilespmem:s1+$0xC0];
	vm4 =	vlt.u32 v11, v1;
	v60 =	vsel vm15, $0x1, v0;
	v10 =	vadd.s32 v59, v10  }
0x12e: {  	v19 =	vld [tilespmem:s1+$0xD0];
	vm5 =	vlt.u32 v14, v1;
	v61 =	vsel vm4, $0x1, v0;
	v10 =	vadd.s32 v60, v10  }
0x12f: {  	v20 =	vld [tilespmem:s1+$0xE0];
	vm6 =	vlt.u32 v15, v1;
	v62 =	vsel vm5, $0x1, v0;
	v10 =	vadd.s32 v61, v10  }
0x130: {  	v21 =	vld [tilespmem:s1+$0xF0];
	vm7 =	vlt.u32 v16, v1;
	v63 =	vsel vm6, $0x1, v0;
	v10 =	vadd.s32 v62, v10  }
0x131: {  	vm8 =	vlt.u32 v17, v1;
	v22 =	vsel vm7, $0x1, v0;
	v10 =	vadd.s32 v63, v10  }
0x132: {  	vm9 =	vlt.u32 v18, v1;
	v23 =	vsel vm8, $0x1, v0;
	v10 =	vadd.s32 v22, v10  }
0x133: {  	vm10 =	vlt.u32 v19, v1;
	v24 =	vsel vm9, $0x1, v0;
	v10 =	vadd.s32 v23, v10  }
0x134: {  	vm11 =	vlt.u32 v20, v1;
	v25 =	vsel vm10, $0x1, v0;
	v10 =	vadd.s32 v24, v10  }
0x135: {  	vm12 =	vlt.u32 v21, v1;
	v26 =	vsel vm11, $0x1, v0;
	v10 =	vadd.s32 v25, v10  }
0x136: {  	v27 =	vsel vm12, $0x1, v0;
	v10 =	vadd.s32 v26, v10  }
0x137: {  	v10 =	vadd.s32 v27, v10  }
0x138: {  	[tilespmem:$0x4000] =	vst v10  }
0x139: {  	v28 =	vld [tilespmem:$0x4008];
	_ =	sdelay $0x2  }
0x13a: {  	vm13 =	veq.s32 v5, v1  }
0x13b: {  	vm14 =	veq.s32 v6, v1;
	vm15 =	veq.s32 v4, v1;
	vm6 =	veq.s32 v3, v1  }
0x13c: {  	v30 =	vsel vm14, $0x1, v0;
	v31 =	vsel vm15, $0x1, v0;
	v3 =	vadd.s32 v28, v10  }
0x13d: {  	vm7 =	veq.s32 v7, v1;
	v29 =	vsel vm13, $0x1, v0;
	v5 =	vadd.s32 v30, v31;
	[tilespmem:$0x4000] =	vst v3  }
0x13e: {  	vm8 =	veq.s32 v8, v1;
	v32 =	vsel vm6, $0x1, v0;
	v4 =	vadd.s32 v29, v5;
	v34 =	vld [tilespmem:$0x4004]  }
0x13f: {  	vm9 =	veq.s32 v9, v1;
	v33 =	vsel vm7, $0x1, v0;
	v4 =	vadd.s32 v32, v4  }
0x140: {  	vm10 =	veq.s32 v11, v1;
	v35 =	vsel vm8, $0x1, v0;
	v4 =	vadd.s32 v33, v4  }
0x141: {  	vm11 =	veq.s32 v14, v1;
	v36 =	vsel vm9, $0x1, v0;
	v4 =	vadd.s32 v35, v4  }
0x142: {  	vm12 =	veq.s32 v15, v1;
	v37 =	vsel vm10, $0x1, v0;
	v4 =	vadd.s32 v36, v4  }
0x143: {  	v38 =	vsel vm11, $0x1, v0;
	v4 =	vadd.s32 v37, v4;
	v3 =	vadd.s32 v34, v3  }
0x144: {  	vm13 =	veq.s32 v16, v1;
	v39 =	vsel vm12, $0x1, v0;
	v4 =	vadd.s32 v38, v4;
	[tilespmem:$0x4000] =	vst v3  }
0x145: {  	vm14 =	veq.s32 v17, v1;
	v40 =	vsel vm13, $0x1, v0;
	v4 =	vadd.s32 v39, v4;
	v41 =	vld [tilespmem:$0x4002]  }
0x146: {  	vm15 =	veq.s32 v18, v1;
	v42 =	vsel vm14, $0x1, v0;
	v4 =	vadd.s32 v40, v4  }
0x147: {  	vm4 =	veq.s32 v19, v1;
	v43 =	vsel vm15, $0x1, v0;
	v4 =	vadd.s32 v42, v4  }
0x148: {  	vm5 =	veq.s32 v20, v1;
	v44 =	vsel vm4, $0x1, v0;
	v4 =	vadd.s32 v43, v4  }
0x149: {  	v45 =	vsel vm5, $0x1, v0;
	vm6 =	veq.s32 v21, v1;
	v4 =	vadd.s32 v44, v4  }
0x14a: {  	v46 =	vsel vm6, $0x1, v0;
	v4 =	vadd.s32 v45, v4;
	v3 =	vadd.s32 v3, v41  }
0x14b: {  	v5 =	vadd.s32 v46, v4;
	[tilespmem:$0x4000] =	vst v3  }
0x14c: {  	v4 =	vld [tilespmem:$0x4001];
	[tilespmem:$0x4000] =	vst v5  }
0x14d: {  	v47 =	vld [tilespmem:$0x4008];
	_ =	sdelay $0x4  }
0x14e: {  	v5 =	vadd.s32 v5, v47  }
0x14f: {  	[tilespmem:$0x4000] =	vst v5  }
0x150: {  	v48 =	vld [tilespmem:$0x4004];
	_ =	sdelay $0x4  }
0x151: {  	v5 =	vadd.s32 v5, v48  }
0x152: {  	[tilespmem:$0x4000] =	vst v5  }
0x153: {  	v49 =	vld [tilespmem:$0x4002];
	_ =	sdelay $0x4  }
0x154: {  	v5 =	vadd.s32 v5, v49  }
0x155: {  	[tilespmem:$0x4000] =	vst v5  }
0x156: {  	v50 =	vld [tilespmem:s2+$0x0]  }
0x157: {  	v51 =	vld [tilespmem:s2+$0x10]  }
0x158: {  	v52 =	vld [tilespmem:s2+$0x20]  }
0x159: {  	v53 =	vld [tilespmem:s2+$0x30]  }
0x15a: {  	v54 =	vld [tilespmem:s2+$0x40]  }
0x15b: {  	v55 =	vld [tilespmem:s2+$0x50]  }
0x15c: {  	v56 =	vld [tilespmem:s2+$0x60];
	vm7 =	vlt.u32 v50, v1;
	vm8 =	vlt.u32 v51, v1  }
0x15d: {  	v58 =	vld [tilespmem:s2+$0x70];
	vm9 =	vlt.u32 v52, v1;
	v57 =	vsel vm7, $0x1, v0;
	v59 =	vsel vm8, $0x1, v0  }
0x15e: {  	v61 =	vld [tilespmem:s2+$0x80];
	vm10 =	vlt.u32 v53, v1;
	v60 =	vsel vm9, $0x1, v0;
	v13 =	vadd.s32 v57, v59  }
0x15f: {  	v63 =	vld [tilespmem:s2+$0x90];
	vm11 =	vlt.u32 v54, v1;
	v62 =	vsel vm10, $0x1, v0;
	v13 =	vadd.s32 v60, v13  }
0x160: {  	v29 =	vld [tilespmem:s2+$0xA0];
	vm12 =	vlt.u32 v55, v1;
	v28 =	vsel vm11, $0x1, v0;
	v13 =	vadd.s32 v62, v13  }
0x161: {  	v31 =	vld [tilespmem:s2+$0xB0];
	vm13 =	vlt.u32 v56, v1;
	v30 =	vsel vm12, $0x1, v0;
	v13 =	vadd.s32 v28, v13  }
0x162: {  	v33 =	vld [tilespmem:s2+$0xC0];
	vm14 =	vlt.u32 v58, v1;
	v32 =	vsel vm13, $0x1, v0;
	v13 =	vadd.s32 v30, v13  }
0x163: {  	v22 =	vld [tilespmem:s2+$0xD0];
	vm15 =	vlt.u32 v61, v1;
	v34 =	vsel vm14, $0x1, v0;
	v13 =	vadd.s32 v32, v13  }
0x164: {  	v23 =	vld [tilespmem:s2+$0xE0];
	vm4 =	vlt.u32 v63, v1;
	v35 =	vsel vm15, $0x1, v0;
	v13 =	vadd.s32 v34, v13  }
0x165: {  	v37 =	vld [tilespmem:s2+$0xF0];
	vm5 =	vlt.u32 v29, v1;
	v36 =	vsel vm4, $0x1, v0;
	v13 =	vadd.s32 v35, v13  }
0x166: {  	vm6 =	vlt.u32 v31, v1;
	v24 =	vsel vm5, $0x1, v0;
	v13 =	vadd.s32 v36, v13  }
0x167: {  	v38 =	vsel vm6, $0x1, v0;
	vm7 =	vlt.u32 v33, v1;
	v13 =	vadd.s32 v24, v13  }
0x168: {  	vm8 =	vlt.u32 v22, v1;
	v39 =	vsel vm7, $0x1, v0;
	v13 =	vadd.s32 v38, v13  }
0x169: {  	vm9 =	vlt.u32 v23, v1;
	v40 =	vsel vm8, $0x1, v0;
	v13 =	vadd.s32 v39, v13  }
0x16a: {  	vm10 =	vlt.u32 v37, v1;
	v41 =	vsel vm9, $0x1, v0;
	v13 =	vadd.s32 v40, v13  }
0x16b: {  	v42 =	vsel vm10, $0x1, v0;
	v13 =	vadd.s32 v41, v13  }
0x16c: {  	v13 =	vadd.s32 v42, v13  }
0x16d: {  	v43 =	vld [tilespmem:$0x4001];
	[tilespmem:$0x4000] =	vst v13  }
0x16e: {  	v44 =	vld [tilespmem:$0x4008];
	_ =	sdelay $0x2  }
0x16f: {  	vm11 =	veq.s32 v50, v1  }
0x170: {  	vm12 =	veq.s32 v51, v1;
	vm13 =	veq.s32 v52, v1;
	vm14 =	veq.s32 v53, v1  }
0x171: {  	v6 =	vsel vm11, $0x1, v0;
	v7 =	vsel vm12, $0x1, v0;
	v45 =	vadd.s32 v44, v13  }
0x172: {  	vm15 =	veq.s32 v54, v1;
	v8 =	vsel vm13, $0x1, v0;
	v6 =	vadd.s32 v6, v7;
	[tilespmem:$0x4000] =	vst v45  }
0x173: {  	vm4 =	veq.s32 v55, v1;
	v46 =	vsel vm14, $0x1, v0;
	v6 =	vadd.s32 v8, v6;
	v48 =	vld [tilespmem:$0x4004]  }
0x174: {  	vm5 =	veq.s32 v56, v1;
	v47 =	vsel vm15, $0x1, v0;
	v6 =	vadd.s32 v46, v6  }
0x175: {  	vm6 =	veq.s32 v58, v1;
	v49 =	vsel vm4, $0x1, v0;
	v6 =	vadd.s32 v47, v6  }
0x176: {  	v50 =	vsel vm5, $0x1, v0;
	v51 =	vsel vm6, $0x1, v0;
	v6 =	vadd.s32 v49, v6  }
0x177: {  	vm7 =	veq.s32 v61, v1;
	vm8 =	veq.s32 v63, v1;
	v6 =	vadd.s32 v50, v6  }
0x178: {  	v52 =	vsel vm7, $0x1, v0;
	v6 =	vadd.s32 v51, v6;
	v7 =	vadd.s32 v48, v45  }
0x179: {  	vm9 =	veq.s32 v29, v1;
	v53 =	vsel vm8, $0x1, v0;
	v6 =	vadd.s32 v52, v6;
	[tilespmem:$0x4000] =	vst v7  }
0x17a: {  	vm10 =	veq.s32 v31, v1;
	v54 =	vsel vm9, $0x1, v0;
	v6 =	vadd.s32 v53, v6;
	v55 =	vld [tilespmem:$0x4002]  }
0x17b: {  	vm11 =	veq.s32 v33, v1;
	v56 =	vsel vm10, $0x1, v0;
	v6 =	vadd.s32 v54, v6  }
0x17c: {  	vm12 =	veq.s32 v22, v1;
	v57 =	vsel vm11, $0x1, v0;
	v6 =	vadd.s32 v56, v6  }
0x17d: {  	vm13 =	veq.s32 v23, v1;
	v58 =	vsel vm12, $0x1, v0;
	v6 =	vadd.s32 v57, v6  }
0x17e: {  	vm14 =	veq.s32 v37, v1;
	v59 =	vsel vm13, $0x1, v0;
	v6 =	vadd.s32 v58, v6  }
0x17f: {  	v0 =	vsel vm14, $0x1, v0;
	v6 =	vadd.s32 v59, v6;
	v1 =	vadd.s32 v7, v55  }
0x180: {  	v0 =	vadd.s32 v0, v6;
	[tilespmem:$0x4000] =	vst v1  }
0x181: {  	v60 =	vld [tilespmem:$0x4001];
	[tilespmem:$0x4000] =	vst v0  }
0x182: {  	v61 =	vld [tilespmem:$0x4008];
	_ =	sdelay $0x4  }
0x183: {  	v0 =	vadd.s32 v0, v61  }
0x184: {  	[tilespmem:$0x4000] =	vst v0  }
0x185: {  	v62 =	vld [tilespmem:$0x4004];
	_ =	sdelay $0x4  }
0x186: {  	v0 =	vadd.s32 v0, v62  }
0x187: {  	[tilespmem:$0x4000] =	vst v0  }
0x188: {  	v63 =	vld [tilespmem:$0x4002];
	_ =	sdelay $0x3  }
0x189: {  	(v2sf) =	vpush v2, $0x0  }
0x18a: {  	(v2sf) =	vpush v3, $0x0;
	v0 =	vadd.s32 v0, v63  }
0x18b: {  	(v2sf) =	vpush v4, $0x0;
	[tilespmem:$0x4000] =	vst v0  }
0x18c: {  	(v2sf) =	vpush v5, $0x0;
	v2 =	vld [tilespmem:$0x4001]  }
0x18d: {  	(v2sf) =	vpush v43, $0x0  }
0x18e: {  	(v2sf) =	vpush v1, $0x0  }
0x18f: {  	(v2sf) =	vpush v60, $0x0  }
0x190: {  	(v2sf) =	vpush v0, $0x0  }
0x191: {  	(v2sf) =	vpush v2, $0x0;
	_ =	sdelay $0x5  }
0x192: {  	s17 =	spop (v2sf)  }
0x193: {  	s18 =	spop (v2sf)  }
0x194: {  	s8 =	spop (v2sf)  }
0x195: {  	s9 =	spop (v2sf)  }
0x196: {  	s10 =	spop (v2sf)  }
0x197: {  	s1 =	sadd.s32 s7, s17;
	s0 =	sadd.s32 s0, s8;
	s19 =	spop (v2sf)  }
0x198: {  	s1 =	sadd.s32 s18, s1;
	s0 =	sadd.s32 s9, s0;
	s20 =	spop (v2sf)  }
0x199: {  	s1 =	sadd.s32 s1, s10;
	s0 =	sadd.s32 s0, s20;
	s21 =	spop (v2sf)  }
0x19a: {  	s1 =	sadd.s32 s19, s1;
	s0 =	sadd.s32 s21, s0;
	s22 =	spop (v2sf)  }
0x19b: {  	v0 =	vmov s0;
	s1 =	sadd.s32 s1, s22;
	s23 =	spop (v2sf)  }
0x19c: {  	vm15 =	vcmask $0x704;
	v0 =	vnsel vm0, $0x0, v0;
	s9 =	sadd.s32 s23, s1  }
0x19d: {  	v0 =	vsel vm15, s9, v0  }
0x19e: {  	s24 =	simm.s32 $0x4100;
	s25 =	simm.s32 $0x1;
	[tilespmem:$0x4100] =	vst v0  }
0x19f: {  	[spmem:s6] =	stream.linear.scatter [tilespmem:s24], [sflag:$0x1], $0x80, $0x38;
	[tilespmem:$0x57A0] =	vst v63  }
0x1a0: {  	_ =	swait.ge [sflag:s25], $0x80  }
0x1a1: {  	[sflag:s25] =	ssyncset.done $0x0  }
0x1a2: {  	[sflag:s25] =	ssyncadd.s32 $0xFFFFFF80  }
0x1a3: {  	s26 =	simm.s32 $0x4180;
	[bflag:$0x0] =	sbarrier.arrive $0xFFFF  }
0x1a4: {  	[tilespmem:s26], [sflag:$0x1] =	stream.linear.gather [spmem:s4], $0x800, $0x38;
	[tilespmem:$0x57A0] =	vst v63  }
0x1a5: {  	_ =	swait.ge [sflag:s25], $0x800  }
0x1a6: {  	[sflag:s25] =	ssyncset.done $0x0  }
0x1a7: {  	[sflag:s25] =	ssyncadd.s32 $0xFFFFF800  }
0x1a8: {  	[bflag:$0x0] =	sbarrier.arrive $0xFFFF  }
0x1a9: {  	v0 =	vld [tilespmem:$0x4180];
	_ =	sdelay $0x1  }
0x1aa: {  	v1 =	vld [tilespmem:$0x4200];
	_ =	sdelay $0x1  }
0x1ab: {  	v2 =	vld [tilespmem:$0x4280]  }
0x1ac: {  	(v2sf) =	vpush v0, $0x0  }
0x1ad: {  	(v2sf) =	vpush v0, $0x1;
	v0 =	vld [tilespmem:$0x4300]  }
0x1ae: {  	(v2sf) =	vpush v1, $0x0  }
0x1af: {  	(v2sf) =	vpush v1, $0x1  }
0x1b0: {  	v1 =	vld [tilespmem:$0x4380];
	(v2sf) =	vpush v2, $0x0  }
0x1b1: {  	(v2sf) =	vpush v2, $0x1  }
0x1b2: {  	(v2sf) =	vpush v0, $0x0  }
0x1b3: {  	v2 =	vld [tilespmem:$0x4400];
	(v2sf) =	vpush v0, $0x1;
	_ =	sdelay $0x1  }
0x1b4: {  	(v2sf) =	vpush v1, $0x0  }
0x1b5: {  	v0 =	vld [tilespmem:$0x4480];
	(v2sf) =	vpush v1, $0x1  }
0x1b6: {  	p5 =	seq.s32 s3, $0x0  }
0x1b7: {  	p0 =	sgt.u32 s3, $0x1;
	p1 =	sgt.u32 s3, $0x2;
	p2 =	sgt.u32 s3, $0x3;
	(v2sf) =	vpush v2, $0x0  }
0x1b8: {  	p3 =	sgt.u32 s3, $0x4;
	p4 =	sgt.u32 s3, $0x5;
	s0 =	simm.s32 @!p5 $0x0;
	v1 =	vld [tilespmem:$0x4500]  }
0x1b9: {  	s11 =	simm.s32 @!p1 $0x0;
	s12 =	simm.s32 @!p2 $0x0;
	s0 =	simm.s32 @p5 $0x1;
	(v2sf) =	vpush v2, $0x1  }
0x1ba: {  	s11 =	simm.s32 @p1 $0x1;
	[smem:$0x7F3] =	sst s0;
	v2 =	vld [tilespmem:$0x4580];
	(v2sf) =	vpush v0, $0x0;
	s1 =	spop (v2sf)  }
0x1bb: {  	s12 =	simm.s32 @p2 $0x1;
	[smem:$0x7F4] =	sst s11;
	s2 =	spop (v2sf)  }
0x1bc: {  	[smem:$0x7F5] =	sst s12;
	(v2sf) =	vpush v0, $0x1;
	s6 =	spop (v2sf);
	s4 =	smov.u32 s2  }
0x1bd: {  	v0 =	vld [tilespmem:$0x4600];
	(v2sf) =	vpush v1, $0x0;
	s7 =	spop (v2sf);
	s4 =	simm.s32 @p5 $0x0;
	p5 =	sgt.u32 s3, $0x6  }
0x1be: {  	(v2sf) =	vpush v1, $0x1;
	s28 =	sadd.s32 s6, s1;
	s19 =	spop (v2sf);
	s8 =	smov.u32 s7  }
0x1bf: {  	v1 =	vld [tilespmem:$0x4680];
	(v2sf) =	vpush v2, $0x0;
	s30 =	spop (v2sf);
	s8 =	simm.s32 @!p0 $0x0;
	[dreg:$0xf] =	wrdreg s19  }
0x1c0: {  	(v2sf) =	vpush v2, $0x1;
	s21 =	spop (v2sf);
	s10 =	smov.u32 s30;
	s4 =	sadd.s32 s4, s8  }
0x1c1: {  	s8 =	simm.s32 @!p3 $0x0;
	s31 =	spop (v2sf);
	s10 =	simm.s32 @!p1 $0x0  }
0x1c2: {  	(v2sf) =	vpush v0, $0x0;
	s8 =	simm.s32 @p3 $0x1;
	p1 =	sgt.u32 s3, $0x9;
	[dreg:$0x10] =	wrdreg s21  }
0x1c3: {  	(v2sf) =	vpush v0, $0x1;
	s22 =	spop (v2sf);
	s11 =	smov.u32 s31;
	[smem:$0x7F6] =	sst s8  }
0x1c4: {  	(v2sf) =	vpush v1, $0x0;
	s4 =	sadd.s32 s10, s4;
	s10 =	simm.s32 @!p4 $0x0;
	s29 =	spop (v2sf)  }
0x1c5: {  	v0 =	vld [tilespmem:$0x4700];
	(v2sf) =	vpush v1, $0x1;
	s11 =	simm.s32 @!p2 $0x0;
	s10 =	simm.s32 @p4 $0x1;
	p2 =	sgt.u32 s3, $0x8  }
0x1c6: {  	[dreg:$0x11] =	wrdreg s22;
	s17 =	spop (v2sf);
	s13 =	smov.u32 s29  }
0x1c7: {  	v2 =	vld [tilespmem:$0x4780];
	[smem:$0x7F7] =	sst s10;
	s4 =	sadd.s32 s11, s4;
	s11 =	simm.s32 @!p5 $0x0  }
0x1c8: {  	s23 =	spop (v2sf);
	s13 =	simm.s32 @!p3 $0x0;
	s11 =	simm.s32 @p5 $0x1  }
0x1c9: {  	[dreg:$0xd] =	wrdreg s17;
	p3 =	sgt.u32 s3, $0xC;
	s15 =	spop (v2sf)  }
0x1ca: {  	(v2sf) =	vpush v0, $0x0;
	s8 =	smov.u32 s23;
	[smem:$0x7F8] =	sst s11;
	s4 =	sadd.s32 s13, s4  }
0x1cb: {  	(v2sf) =	vpush v0, $0x1;
	s24 =	spop (v2sf);
	s8 =	simm.s32 @!p4 $0x0;
	p4 =	sgt.u32 s3, $0x7  }
0x1cc: {  	v1 =	vld [tilespmem:$0x4800];
	(v2sf) =	vpush v2, $0x0;
	[dreg:$0x6] =	wrdreg s15;
	s18 =	spop (v2sf);
	s10 =	smov.u32 s24  }
0x1cd: {  	s4 =	sadd.s32 s8, s4;
	s0 =	spop (v2sf);
	s10 =	simm.s32 @!p5 $0x0  }
0x1ce: {  	[dreg:$0x9] =	wrdreg s18;
	s20 =	spop (v2sf);
	s11 =	smov.u32 s0  }
0x1cf: {  	v0 =	vld [tilespmem:$0x4880];
	s4 =	sadd.s32 s10, s4;
	s10 =	sadd.s32 s19, s28;
	s16 =	spop (v2sf)  }
0x1d0: {  	(v2sf) =	vpush v2, $0x1;
	s11 =	simm.s32 @!p4 $0x0;
	s25 =	sadd.s32 s21, s10;
	[dreg:$0xb] =	wrdreg s20  }
0x1d1: {  	v2 =	vld [tilespmem:$0x4900];
	(v2sf) =	vpush v1, $0x0;
	s14 =	spop (v2sf);
	s8 =	smov.u32 s16;
	s4 =	sadd.s32 s11, s4  }
0x1d2: {  	(v2sf) =	vpush v1, $0x1;
	s12 =	spop (v2sf);
	s8 =	simm.s32 @!p2 $0x0;
	[dreg:$0x5] =	wrdreg s14  }
0x1d3: {  	s13 =	spop (v2sf);
	s4 =	sadd.s32 s8, s4;
	s8 =	simm.s32 @!p1 $0x0  }
0x1d4: {  	(v2sf) =	vpush v0, $0x0;
	s11 =	smov.u32 s12;
	s19 =	spop (v2sf);
	s8 =	simm.s32 @p1 $0x1  }
0x1d5: {  	(v2sf) =	vpush v0, $0x1;
	s11 =	simm.s32 @!p1 $0x0;
	p1 =	sgt.u32 s3, $0xA;
	[dreg:$0x7] =	wrdreg s13  }
0x1d6: {  	(v2sf) =	vpush v2, $0x0;
	[smem:$0x7F9] =	sst s8;
	s4 =	sadd.s32 s11, s4;
	s11 =	simm.s32 @!p1 $0x0  }
0x1d7: {  	s10 =	smov.u32 s19;
	s8 =	sadd.s32 s22, s25;
	s11 =	simm.s32 @p1 $0x1  }
0x1d8: {  	s10 =	simm.s32 @!p1 $0x0;
	s8 =	sadd.s32 s17, s8;
	p1 =	sgt.u32 s3, $0xB  }
0x1d9: {  	[smem:$0x7FA] =	sst s11;
	s26 =	spop (v2sf);
	s8 =	sadd.s32 s15, s8  }
0x1da: {  	s4 =	sadd.s32 s10, s4;
	s17 =	spop (v2sf);
	s8 =	sadd.s32 s18, s8  }
0x1db: {  	[dreg:$0xe] =	wrdreg s26;
	s28 =	spop (v2sf);
	s8 =	sadd.s32 s20, s8  }
0x1dc: {  	s10 =	smov.u32 s17;
	s8 =	sadd.s32 s14, s8;
	s14 =	simm.s32 @!p3 $0x0  }
0x1dd: {  	s10 =	simm.s32 @!p1 $0x0;
	[dreg:$0x8] =	wrdreg s28;
	s14 =	simm.s32 @p3 $0x1  }
0x1de: {  	s4 =	sadd.s32 s10, s4;
	s8 =	sadd.s32 s13, s8;
	[smem:$0x7FB] =	sst s14  }
0x1df: {  	s8 =	sadd.s32 s26, s8;
	s14 =	simm.s32 $0x0;
	s11 =	spop (v2sf)  }
0x1e0: {  	s8 =	sadd.s32 s28, s8;
	s10 =	smov.u32 s11;
	s22 =	spop (v2sf)  }
0x1e1: {  	s10 =	simm.s32 @!p3 $0x0;
	s18 =	spop (v2sf);
	p3 =	sgt.u32 s3, $0xD  }
0x1e2: {  	s8 =	sadd.s32 s22, s8;
	s4 =	sadd.s32 s10, s4;
	s15 =	simm.s32 @!p3 $0x0  }
0x1e3: {  	s25 =	spop (v2sf);
	s10 =	smov.u32 s18;
	s15 =	simm.s32 @p3 $0x1  }
0x1e4: {  	s10 =	simm.s32 @!p3 $0x0;
	s20 =	spop (v2sf);
	s8 =	sadd.s32 s25, s8  }
0x1e5: {  	p3 =	seq.s32 s3, $0xF;
	s13 =	smov.u32 s20;
	s26 =	spop (v2sf)  }
0x1e6: {  	s4 =	sadd.s32 s10, s4;
	s8 =	sadd.s32 s26, s8;
	s13 =	simm.s32 @!p3 $0x0  }
0x1e7: {  	[dreg:$0xa] =	wrdreg s22;
	s28 =	sadd.s32 s13, s4;
	s4 =	ssub.s32 $0x400, s8  }
.Ltmp3:
0x1e8: {  	[dreg:$0xc] =	wrdreg s25;
	s8 =	ssub.s32 s4, s28;
	(pc) =	sbr.rel .LBB2_7-.Ltmp3, $4  }
0x1e9: {  	[smem:$0x7FC] =	sst s15;
	s10 =	simm.s32 @!p3 $0x0;
	p5 =	sgt.s32 s8, $0x0  }
0x1ea: {  	s15 =	simm.s32 $0x0;
	s10 =	simm.s32 @p3 $0x1;
	s8 =	simm.s32 @!p5 $0x0  }
0x1eb: {  	[smem:$0x7FD] =	sst s10;
	s10 =	simm.s32 $0x0;
	p5 =	slt.s32 s9, s8  }
0x1ec: {  	v0 =	vlaneseq.u32;
	s13 =	simm.s32 $0x0;
	s8 =	smov.u32 @p5 s9;
	s9 =	sshll.u32 s3, $0xE  }
.LBB2_9:
0x1ed: {  	s13 =	sadd.s32 $0x10, s13  }
0x1ee: {  	p3 =	sne.s32 s13, $0x4000  }
.Ltmp4:
0x1ef: {  	_ = 	snop;
	(pc) =	sbr.rel @!p3 .LBB2_10-.Ltmp4, $2  }
0x1f0: {  	_ =	sdelay $0x2  }
0x1f1: {  	s10 =	sadd.s32 $0x10, s10  }
.LBB2_7:
0x1f2: {  	v1 =	vld [tilespmem:s10+$0x0];
	_ =	sdelay $0x4  }
0x1f3: {  	[tilespmem:$0x4080] =	vst v1  }
0x1f4: {  	v2 =	vld [tilespmem:$0x4088];
	_ =	sdelay $0x4  }
0x1f5: {  	v1 =	vmin.u32 v1, v2  }
0x1f6: {  	[tilespmem:$0x4080] =	vst v1  }
0x1f7: {  	v2 =	vld [tilespmem:$0x4084];
	_ =	sdelay $0x4  }
0x1f8: {  	v1 =	vmin.u32 v1, v2  }
0x1f9: {  	[tilespmem:$0x4080] =	vst v1  }
0x1fa: {  	v2 =	vld [tilespmem:$0x4082];
	_ =	sdelay $0x4  }
0x1fb: {  	v1 =	vmin.u32 v1, v2  }
0x1fc: {  	[tilespmem:$0x4080] =	vst v1  }
0x1fd: {  	v2 =	vld [tilespmem:$0x4081];
	_ =	sdelay $0x4  }
0x1fe: {  	v1 =	vmin.u32 v1, v2  }
0x1ff: {  	(v2sf) =	vpush v1, $0x0;
	_ =	sdelay $0xe  }
0x200: {  	s21 =	spop (v2sf)  }
0x201: {  	p5 =	sgt.u32 s21, s5  }
.Ltmp5:
0x202: {  	_ = 	snop;
	(pc) =	sbr.rel @p5 .LBB2_9-.Ltmp5, $1  }
0x203: {  	_ =	sdelay $0x3  }
0x204: {  	v1 =	vld [tilespmem:s10+$0x0];
	_ =	sdelay $0x4  }
0x205: {  	(v2sf) =	vpush v1, $0x0;
	_ =	sdelay $0x6  }
0x206: {  	(v2sf) =	vpush v1, $0x1;
	_ =	sdelay $0x6  }
0x207: {  	(v2sf) =	vpush v1, $0x2  }
0x208: {  	s21 =	spop (v2sf)  }
0x209: {  	p6 =	slt.s32 s15, s8;
	p5 =	seq.s32 s21, s5  }
0x20a: {  	p6 =	por !p6, !p5  }
0x20b: {  	p3 =	slt.u32 s21, s5;
	p6 =	por !p6, !p6  }
0x20c: {  	s21 =	smov.u32 s14;
	p3 =	por p3, p6  }
0x20d: {  	s22 =	simm.s32 $0x1;
	s21 =	simm.s32 @!p3 $0x40F  }
0x20e: {  	(v2sf) =	vpush v1, $0x3;
	s22 =	simm.s32 @!p5 $0x0;
	s25 =	sand.u32 $0xFFFFFFF0, s21  }
0x20f: {  	s28 =	spop (v2sf);
	s15 =	sadd.s32 s22, s15;
	v2 =	vld [tilespmem:s25+$0x4980]  }
0x210: {  	s26 =	simm.s32 $0x1;
	p5 =	seq.s32 s28, s5;
	p6 =	slt.s32 s15, s8  }
0x211: {  	s26 =	simm.s32 @!p3 $0x0;
	p3 =	por !p5, !p6;
	s21 =	sand.u32 $0xF, s21  }
0x212: {  	p6 =	slt.u32 s28, s5;
	p3 =	por !p3, !p3;
	v3 =	vmov s21;
	s21 =	sadd.s32 s26, s14  }
0x213: {  	s14 =	sadd.s32 s13, s9;
	p6 =	por p6, p3;
	vm0 =	veq.s32 v3, v0;
	s22 =	smov.u32 s21  }
0x214: {  	s26 =	simm.s32 $0x1;
	s22 =	simm.s32 @!p6 $0x40F;
	v2 =	vsel vm0, s14, v2  }
0x215: {  	(v2sf) =	vpush v1, $0x4;
	s26 =	simm.s32 @!p5 $0x0;
	[tilespmem:s25+$0x4980] =	vst v2;
	s25 =	sand.u32 $0xFFFFFFF0, s22  }
0x216: {  	s15 =	sadd.s32 s26, s15;
	s26 =	spop (v2sf);
	v2 =	vld [tilespmem:s25+$0x4980]  }
0x217: {  	s28 =	simm.s32 $0x1;
	p5 =	seq.s32 s26, s5;
	p3 =	slt.s32 s15, s8  }
0x218: {  	s28 =	simm.s32 @!p6 $0x0;
	p3 =	por !p5, !p3;
	s22 =	sand.u32 $0xF, s22  }
0x219: {  	s21 =	sadd.s32 s28, s21;
	p6 =	slt.u32 s26, s5;
	p3 =	por !p3, !p3;
	v3 =	vmov s22  }
0x21a: {  	s28 =	sadd.s32 $0x1, s14;
	s26 =	smov.u32 s21;
	p6 =	por p6, p3;
	vm13 =	veq.s32 v3, v0  }
0x21b: {  	s26 =	simm.s32 @!p6 $0x40F;
	s22 =	simm.s32 $0x1;
	v2 =	vsel vm13, s28, v2  }
0x21c: {  	(v2sf) =	vpush v1, $0x5;
	s22 =	simm.s32 @!p5 $0x0;
	[tilespmem:s25+$0x4980] =	vst v2;
	s25 =	sand.u32 $0xFFFFFFF0, s26  }
0x21d: {  	s15 =	sadd.s32 s22, s15;
	s22 =	spop (v2sf);
	v2 =	vld [tilespmem:s25+$0x4980]  }
0x21e: {  	p5 =	seq.s32 s22, s5;
	p3 =	slt.s32 s15, s8;
	s28 =	simm.s32 $0x1  }
0x21f: {  	p3 =	por !p5, !p3;
	s26 =	sand.u32 $0xF, s26;
	s28 =	simm.s32 @!p6 $0x0  }
0x220: {  	p3 =	por !p3, !p3;
	p6 =	slt.u32 s22, s5;
	v3 =	vmov s26;
	s21 =	sadd.s32 s28, s21  }
0x221: {  	s28 =	sadd.s32 $0x2, s14;
	p6 =	por p6, p3;
	vm14 =	veq.s32 v3, v0;
	s26 =	smov.u32 s21  }
0x222: {  	s22 =	simm.s32 $0x1;
	s26 =	simm.s32 @!p6 $0x40F;
	v2 =	vsel vm14, s28, v2  }
0x223: {  	(v2sf) =	vpush v1, $0x6;
	s22 =	simm.s32 @!p5 $0x0;
	[tilespmem:s25+$0x4980] =	vst v2;
	s25 =	sand.u32 $0xFFFFFFF0, s26  }
0x224: {  	s15 =	sadd.s32 s22, s15;
	s22 =	spop (v2sf);
	v2 =	vld [tilespmem:s25+$0x4980]  }
0x225: {  	p5 =	seq.s32 s22, s5;
	p3 =	slt.s32 s15, s8;
	s28 =	simm.s32 $0x1  }
0x226: {  	p3 =	por !p5, !p3;
	s26 =	sand.u32 $0xF, s26;
	s28 =	simm.s32 @!p6 $0x0  }
0x227: {  	p3 =	por !p3, !p3;
	p6 =	slt.u32 s22, s5;
	v3 =	vmov s26;
	s21 =	sadd.s32 s28, s21  }
0x228: {  	s28 =	sadd.s32 $0x3, s14;
	p6 =	por p6, p3;
	vm15 =	veq.s32 v3, v0;
	s26 =	smov.u32 s21  }
0x229: {  	s22 =	simm.s32 $0x1;
	s26 =	simm.s32 @!p6 $0x40F;
	v2 =	vsel vm15, s28, v2  }
0x22a: {  	(v2sf) =	vpush v1, $0x7;
	s22 =	simm.s32 @!p5 $0x0;
	[tilespmem:s25+$0x4980] =	vst v2;
	s25 =	sand.u32 $0xFFFFFFF0, s26  }
0x22b: {  	s15 =	sadd.s32 s22, s15;
	s22 =	spop (v2sf);
	v2 =	vld [tilespmem:s25+$0x4980]  }
0x22c: {  	p5 =	seq.s32 s22, s5;
	p3 =	slt.s32 s15, s8;
	s28 =	simm.s32 $0x1  }
0x22d: {  	p3 =	por !p5, !p3;
	s26 =	sand.u32 $0xF, s26;
	s28 =	simm.s32 @!p6 $0x0  }
0x22e: {  	p3 =	por !p3, !p3;
	p6 =	slt.u32 s22, s5;
	v3 =	vmov s26;
	s21 =	sadd.s32 s28, s21  }
0x22f: {  	s28 =	sadd.s32 $0x4, s14;
	p6 =	por p6, p3;
	vm4 =	veq.s32 v3, v0;
	s26 =	smov.u32 s21  }
0x230: {  	s22 =	simm.s32 $0x1;
	s26 =	simm.s32 @!p6 $0x40F;
	v2 =	vsel vm4, s28, v2  }
0x231: {  	(v2sf) =	vpush v1, $0x8;
	s22 =	simm.s32 @!p5 $0x0;
	[tilespmem:s25+$0x4980] =	vst v2;
	s25 =	sand.u32 $0xFFFFFFF0, s26  }
0x232: {  	s15 =	sadd.s32 s22, s15;
	s22 =	spop (v2sf);
	v2 =	vld [tilespmem:s25+$0x4980]  }
0x233: {  	p5 =	seq.s32 s22, s5;
	p3 =	slt.s32 s15, s8;
	s28 =	simm.s32 $0x1  }
0x234: {  	p3 =	por !p5, !p3;
	s26 =	sand.u32 $0xF, s26;
	s28 =	simm.s32 @!p6 $0x0  }
0x235: {  	p3 =	por !p3, !p3;
	p6 =	slt.u32 s22, s5;
	v3 =	vmov s26;
	s21 =	sadd.s32 s28, s21  }
0x236: {  	s28 =	sadd.s32 $0x5, s14;
	p6 =	por p6, p3;
	vm5 =	veq.s32 v3, v0;
	s26 =	smov.u32 s21  }
0x237: {  	s22 =	simm.s32 $0x1;
	s26 =	simm.s32 @!p6 $0x40F;
	v2 =	vsel vm5, s28, v2  }
0x238: {  	(v2sf) =	vpush v1, $0x9;
	s22 =	simm.s32 @!p5 $0x0;
	[tilespmem:s25+$0x4980] =	vst v2;
	s25 =	sand.u32 $0xFFFFFFF0, s26  }
0x239: {  	s15 =	sadd.s32 s22, s15;
	s22 =	spop (v2sf);
	v2 =	vld [tilespmem:s25+$0x4980]  }
0x23a: {  	p5 =	seq.s32 s22, s5;
	p3 =	slt.s32 s15, s8;
	s28 =	simm.s32 $0x1  }
0x23b: {  	p3 =	por !p5, !p3;
	s26 =	sand.u32 $0xF, s26;
	s28 =	simm.s32 @!p6 $0x0  }
0x23c: {  	p3 =	por !p3, !p3;
	p6 =	slt.u32 s22, s5;
	v3 =	vmov s26;
	s21 =	sadd.s32 s28, s21  }
0x23d: {  	s28 =	sadd.s32 $0x6, s14;
	p6 =	por p6, p3;
	vm6 =	veq.s32 v3, v0;
	s26 =	smov.u32 s21  }
0x23e: {  	s22 =	simm.s32 $0x1;
	s26 =	simm.s32 @!p6 $0x40F;
	v2 =	vsel vm6, s28, v2  }
0x23f: {  	(v2sf) =	vpush v1, $0xA;
	s22 =	simm.s32 @!p5 $0x0;
	[tilespmem:s25+$0x4980] =	vst v2;
	s25 =	sand.u32 $0xFFFFFFF0, s26  }
0x240: {  	s15 =	sadd.s32 s22, s15;
	s22 =	spop (v2sf);
	v2 =	vld [tilespmem:s25+$0x4980]  }
0x241: {  	p5 =	seq.s32 s22, s5;
	p3 =	slt.s32 s15, s8;
	s28 =	simm.s32 $0x1  }
0x242: {  	p3 =	por !p5, !p3;
	s26 =	sand.u32 $0xF, s26;
	s28 =	simm.s32 @!p6 $0x0  }
0x243: {  	p3 =	por !p3, !p3;
	p6 =	slt.u32 s22, s5;
	v3 =	vmov s26;
	s21 =	sadd.s32 s28, s21  }
0x244: {  	s28 =	sadd.s32 $0x7, s14;
	p6 =	por p6, p3;
	vm7 =	veq.s32 v3, v0;
	s26 =	smov.u32 s21  }
0x245: {  	s22 =	simm.s32 $0x1;
	s26 =	simm.s32 @!p6 $0x40F;
	v2 =	vsel vm7, s28, v2  }
0x246: {  	(v2sf) =	vpush v1, $0xB;
	s22 =	simm.s32 @!p5 $0x0;
	[tilespmem:s25+$0x4980] =	vst v2;
	s25 =	sand.u32 $0xFFFFFFF0, s26  }
0x247: {  	s15 =	sadd.s32 s22, s15;
	s22 =	spop (v2sf);
	v2 =	vld [tilespmem:s25+$0x4980]  }
0x248: {  	p5 =	seq.s32 s22, s5;
	p3 =	slt.s32 s15, s8;
	s28 =	simm.s32 $0x1  }
0x249: {  	p3 =	por !p5, !p3;
	s26 =	sand.u32 $0xF, s26;
	s28 =	simm.s32 @!p6 $0x0  }
0x24a: {  	p3 =	por !p3, !p3;
	p6 =	slt.u32 s22, s5;
	v3 =	vmov s26;
	s21 =	sadd.s32 s28, s21  }
0x24b: {  	s28 =	sadd.s32 $0x8, s14;
	p6 =	por p6, p3;
	vm8 =	veq.s32 v3, v0;
	s26 =	smov.u32 s21  }
0x24c: {  	s22 =	simm.s32 $0x1;
	s26 =	simm.s32 @!p6 $0x40F;
	v2 =	vsel vm8, s28, v2  }
0x24d: {  	(v2sf) =	vpush v1, $0xC;
	s22 =	simm.s32 @!p5 $0x0;
	[tilespmem:s25+$0x4980] =	vst v2;
	s25 =	sand.u32 $0xFFFFFFF0, s26  }
0x24e: {  	s15 =	sadd.s32 s22, s15;
	s22 =	spop (v2sf);
	v2 =	vld [tilespmem:s25+$0x4980]  }
0x24f: {  	p5 =	seq.s32 s22, s5;
	p3 =	slt.s32 s15, s8;
	s28 =	simm.s32 $0x1  }
0x250: {  	p3 =	por !p5, !p3;
	s26 =	sand.u32 $0xF, s26;
	s28 =	simm.s32 @!p6 $0x0  }
0x251: {  	p3 =	por !p3, !p3;
	p6 =	slt.u32 s22, s5;
	v3 =	vmov s26;
	s21 =	sadd.s32 s28, s21  }
0x252: {  	s28 =	sadd.s32 $0x9, s14;
	p6 =	por p6, p3;
	vm9 =	veq.s32 v3, v0;
	s26 =	smov.u32 s21  }
0x253: {  	s22 =	simm.s32 $0x1;
	s26 =	simm.s32 @!p6 $0x40F;
	v2 =	vsel vm9, s28, v2  }
0x254: {  	(v2sf) =	vpush v1, $0xD;
	s22 =	simm.s32 @!p5 $0x0;
	[tilespmem:s25+$0x4980] =	vst v2;
	s25 =	sand.u32 $0xFFFFFFF0, s26  }
0x255: {  	s15 =	sadd.s32 s22, s15;
	s22 =	spop (v2sf);
	v2 =	vld [tilespmem:s25+$0x4980]  }
0x256: {  	p5 =	seq.s32 s22, s5;
	p3 =	slt.s32 s15, s8;
	s28 =	simm.s32 $0x1  }
0x257: {  	p3 =	por !p5, !p3;
	s26 =	sand.u32 $0xF, s26;
	s28 =	simm.s32 @!p6 $0x0  }
0x258: {  	p3 =	por !p3, !p3;
	p6 =	slt.u32 s22, s5;
	v3 =	vmov s26;
	s21 =	sadd.s32 s28, s21  }
0x259: {  	s28 =	sadd.s32 $0xA, s14;
	p6 =	por p6, p3;
	vm10 =	veq.s32 v3, v0;
	s26 =	smov.u32 s21  }
0x25a: {  	s22 =	simm.s32 $0x1;
	s26 =	simm.s32 @!p6 $0x40F;
	v2 =	vsel vm10, s28, v2  }
0x25b: {  	(v2sf) =	vpush v1, $0xE;
	s22 =	simm.s32 @!p5 $0x0;
	[tilespmem:s25+$0x4980] =	vst v2;
	s25 =	sand.u32 $0xFFFFFFF0, s26  }
0x25c: {  	s15 =	sadd.s32 s22, s15;
	s22 =	spop (v2sf);
	v2 =	vld [tilespmem:s25+$0x4980]  }
0x25d: {  	p5 =	seq.s32 s22, s5;
	p3 =	slt.s32 s15, s8;
	s28 =	simm.s32 $0x1  }
0x25e: {  	p3 =	por !p5, !p3;
	s26 =	sand.u32 $0xF, s26;
	s28 =	simm.s32 @!p6 $0x0  }
0x25f: {  	p3 =	por !p3, !p3;
	p6 =	slt.u32 s22, s5;
	v3 =	vmov s26;
	s21 =	sadd.s32 s28, s21  }
0x260: {  	s28 =	sadd.s32 $0xB, s14;
	p6 =	por p6, p3;
	vm11 =	veq.s32 v3, v0;
	s26 =	smov.u32 s21  }
0x261: {  	s22 =	simm.s32 $0x1;
	s26 =	simm.s32 @!p6 $0x40F;
	v2 =	vsel vm11, s28, v2  }
0x262: {  	(v2sf) =	vpush v1, $0xF;
	s22 =	simm.s32 @!p5 $0x0;
	[tilespmem:s25+$0x4980] =	vst v2;
	s25 =	sand.u32 $0xFFFFFFF0, s26  }
0x263: {  	s15 =	sadd.s32 s22, s15;
	s28 =	spop (v2sf);
	v1 =	vld [tilespmem:s25+$0x4980]  }
0x264: {  	s22 =	simm.s32 $0x1;
	p3 =	slt.s32 s15, s8;
	p5 =	seq.s32 s28, s5  }
0x265: {  	s22 =	simm.s32 @!p6 $0x0;
	s26 =	sand.u32 $0xF, s26;
	p3 =	por !p5, !p3  }
0x266: {  	s21 =	sadd.s32 s22, s21;
	p6 =	slt.u32 s28, s5;
	v2 =	vmov s26;
	p3 =	por !p3, !p3  }
0x267: {  	s28 =	sadd.s32 $0xC, s14;
	s26 =	smov.u32 s21;
	vm12 =	veq.s32 v2, v0;
	p6 =	por p6, p3  }
0x268: {  	s22 =	simm.s32 $0x1;
	s26 =	simm.s32 @!p6 $0x40F;
	v1 =	vsel vm12, s28, v1  }
0x269: {  	s22 =	simm.s32 @!p5 $0x0;
	[tilespmem:s25+$0x4980] =	vst v1;
	s25 =	sand.u32 $0xFFFFFFF0, s26  }
0x26a: {  	s15 =	sadd.s32 s22, s15;
	s28 =	spop (v2sf);
	v1 =	vld [tilespmem:s25+$0x4980]  }
0x26b: {  	s22 =	simm.s32 $0x1;
	p3 =	slt.s32 s15, s8;
	p5 =	seq.s32 s28, s5  }
0x26c: {  	s22 =	simm.s32 @!p6 $0x0;
	s26 =	sand.u32 $0xF, s26;
	p3 =	por !p5, !p3  }
0x26d: {  	s21 =	sadd.s32 s22, s21;
	p6 =	slt.u32 s28, s5;
	v2 =	vmov s26;
	p3 =	por !p3, !p3  }
0x26e: {  	s28 =	sadd.s32 $0xD, s14;
	s26 =	smov.u32 s21;
	vm13 =	veq.s32 v2, v0;
	p6 =	por p6, p3  }
0x26f: {  	s22 =	simm.s32 $0x1;
	s26 =	simm.s32 @!p6 $0x40F;
	v1 =	vsel vm13, s28, v1  }
0x270: {  	s22 =	simm.s32 @!p5 $0x0;
	[tilespmem:s25+$0x4980] =	vst v1;
	s25 =	sand.u32 $0xFFFFFFF0, s26  }
0x271: {  	s15 =	sadd.s32 s22, s15;
	s22 =	spop (v2sf);
	v1 =	vld [tilespmem:s25+$0x4980]  }
0x272: {  	p5 =	seq.s32 s22, s5;
	p3 =	slt.s32 s15, s8;
	s28 =	simm.s32 $0x1  }
0x273: {  	p3 =	por !p5, !p3;
	s26 =	sand.u32 $0xF, s26;
	s28 =	simm.s32 @!p6 $0x0  }
0x274: {  	p3 =	por !p3, !p3;
	p6 =	slt.u32 s22, s5;
	v2 =	vmov s26;
	s21 =	sadd.s32 s28, s21  }
0x275: {  	s28 =	sadd.s32 $0xE, s14;
	p3 =	por p6, p3;
	vm14 =	veq.s32 v2, v0;
	s26 =	smov.u32 s21  }
0x276: {  	s26 =	simm.s32 @!p3 $0x40F;
	v1 =	vsel vm14, s28, v1  }
0x277: {  	s22 =	sand.u32 $0xFFFFFFF0, s26;
	[tilespmem:s25+$0x4980] =	vst v1  }
0x278: {  	v1 =	vld [tilespmem:s22+$0x4980];
	_ =	sdelay $0x1  }
.Ltmp6:
0x279: {  	s28 =	sand.u32 $0xF, s26;
	(pc) =	sbr.rel .LBB2_9-.Ltmp6, $4  }
0x27a: {  	v2 =	vmov s28  }
0x27b: {  	s14 =	sadd.s32 $0xF, s14;
	s26 =	simm.s32 $0x1;
	s25 =	simm.s32 $0x1;
	vm15 =	veq.s32 v2, v0  }
0x27c: {  	s26 =	simm.s32 @!p5 $0x0;
	s25 =	simm.s32 @!p3 $0x0;
	v1 =	vsel vm15, s14, v1  }
0x27d: {  	s15 =	sadd.s32 s26, s15;
	s14 =	sadd.s32 s25, s21;
	[tilespmem:s22+$0x4980] =	vst v1  }
.LBB2_10:
0x27e: {  	p3 =	sgt.s32 s4, $0x0;
	s5 =	smov.u32 s4  }
0x27f: {  	s8 =	ssub.s32 s4, s2;
	s26 =	sadd.s32 s2, s7;
	s10 =	rddreg [dreg:$0xf]  }
0x280: {  	s28 =	rddreg [dreg:$0x10];
	s5 =	simm.s32 @!p3 $0x0;
	p3 =	sgt.s32 s8, $0x0  }
0x281: {  	s8 =	simm.s32 @!p3 $0x0;
	p3 =	slt.s32 s2, s5;
	s9 =	smov.u32 s5  }
0x282: {  	s15 =	rddreg [dreg:$0xd];
	s9 =	smov.u32 @p3 s2;
	p3 =	slt.s32 s7, s8  }
0x283: {  	s25 =	sld [smem:$0x7F6];
	s2 =	sadd.s32 s30, s26;
	s8 =	smov.u32 @p3 s7  }
0x284: {  	s1 =	sadd.s32 s9, s1;
	s7 =	ssub.s32 s4, s26;
	s6 =	sadd.s32 s8, s6  }
0x285: {  	s8 =	ssub.s32 s4, s2;
	s2 =	sadd.s32 s31, s2;
	p3 =	sgt.s32 s7, $0x0  }
0x286: {  	s1 =	sadd.s32 $0x7, s1;
	s7 =	simm.s32 @!p3 $0x0;
	p3 =	sgt.s32 s8, $0x0  }
0x287: {  	s9 =	ssub.s32 s4, s2;
	s2 =	sadd.s32 s29, s2;
	s6 =	sadd.s32 $0x7, s6  }
0x288: {  	s8 =	simm.s32 @!p3 $0x0;
	p3 =	slt.s32 s30, s7;
	p5 =	sgt.s32 s9, $0x0  }
0x289: {  	s1 =	sand.u32 $0xFFFFFFF8, s1;
	s7 =	smov.u32 @p3 s30;
	s9 =	simm.s32 @!p5 $0x0  }
0x28a: {  	p3 =	slt.s32 s31, s8;
	s30 =	rddreg [dreg:$0x11];
	s7 =	sadd.s32 s7, s10  }
0x28b: {  	s8 =	smov.u32 @p3 s31;
	p3 =	slt.s32 s29, s9;
	s10 =	ssub.s32 s4, s2  }
0x28c: {  	s2 =	sadd.s32 s23, s2;
	s31 =	sld [smem:$0x7F3];
	s8 =	sadd.s32 s8, s28  }
0x28d: {  	s9 =	smov.u32 @p3 s29;
	s13 =	ssub.s32 s4, s2;
	s28 =	rddreg [dreg:$0x6]  }
0x28e: {  	s2 =	sadd.s32 s24, s2;
	p3 =	sgt.s32 s10, $0x0;
	s29 =	sld [smem:$0x7F7]  }
0x28f: {  	s9 =	sadd.s32 s9, s30;
	s10 =	simm.s32 @!p3 $0x0;
	p3 =	sgt.s32 s13, $0x0  }
0x290: {  	s14 =	ssub.s32 s4, s2;
	s21 =	sadd.s32 $0x7, s8;
	s30 =	rddreg [dreg:$0x9]  }
0x291: {  	s13 =	simm.s32 @!p3 $0x0;
	p3 =	slt.s32 s23, s10;
	p5 =	sgt.s32 s14, $0x0  }
0x292: {  	s22 =	sadd.s32 $0x7, s9;
	s10 =	smov.u32 @p3 s23;
	s14 =	simm.s32 @!p5 $0x0  }
0x293: {  	p3 =	slt.s32 s24, s13;
	s23 =	sld [smem:$0x7F4];
	s8 =	sand.u32 $0xFFFFFFF8, s22  }
0x294: {  	s22 =	rddreg [dreg:$0xe];
	s10 =	sadd.s32 s10, s15;
	s13 =	smov.u32 @p3 s24  }
0x295: {  	p3 =	slt.s32 s0, s14;
	s15 =	sadd.s32 $0x7, s7;
	s24 =	sld [smem:$0x7F5]  }
0x296: {  	s7 =	sand.u32 $0xFFFFFFF8, s21;
	s21 =	rddreg [dreg:$0x7];
	s14 =	smov.u32 @p3 s0  }
0x297: {  	s0 =	sadd.s32 s0, s2;
	p3 =	seq.s32 s31, $0x1;
	s31 =	sld [smem:$0x7F8]  }
0x298: {  	s2 =	sand.u32 $0xFFFFFFF8, s6;
	s6 =	sand.u32 $0xFFFFFFF8, s15;
	s15 =	rddreg [dreg:$0xb]  }
0x299: {  	s26 =	sadd.s32 $0x7, s10;
	s10 =	sadd.s32 s13, s28;
	s28 =	rddreg [dreg:$0xc]  }
0x29a: {  	s1 =	simm.s32 @p3 $0x0;
	s2 =	simm.s32 @!p0 $0x0;
	p0 =	seq.s32 s23, $0x1  }
0x29b: {  	s9 =	sand.u32 $0xFFFFFFF8, s26;
	s13 =	ssub.s32 s4, s0;
	s23 =	sld [smem:$0x7F9]  }
0x29c: {  	s10 =	sadd.s32 $0x7, s10;
	s14 =	sadd.s32 s14, s30;
	s26 =	rddreg [dreg:$0xa]  }
0x29d: {  	s0 =	sadd.s32 s16, s0;
	s30 =	sld [smem:$0x7FC];
	s6 =	simm.s32 @!p0 $0x0  }
0x29e: {  	p0 =	seq.s32 s24, $0x1;
	s10 =	sand.u32 $0xFFFFFFF8, s10;
	s14 =	sadd.s32 $0x7, s14  }
0x29f: {  	s1 =	sadd.s32 s1, s2;
	s24 =	sld [smem:$0x7FA];
	s7 =	simm.s32 @!p0 $0x0  }
0x2a0: {  	p0 =	seq.s32 s25, $0x1;
	s2 =	sand.u32 $0xFFFFFFF8, s14;
	s1 =	sadd.s32 s6, s1  }
0x2a1: {  	s25 =	rddreg [dreg:$0x8];
	s8 =	simm.s32 @!p0 $0x0;
	p0 =	seq.s32 s29, $0x1  }
0x2a2: {  	s2 =	simm.s32 @!p4 $0x0;
	s1 =	sadd.s32 s7, s1;
	s7 =	ssub.s32 s4, s0  }
0x2a3: {  	s0 =	sadd.s32 s12, s0;
	s29 =	sld [smem:$0x7FB];
	s9 =	simm.s32 @!p0 $0x0  }
0x2a4: {  	p0 =	sgt.s32 s13, $0x0;
	s1 =	sadd.s32 s8, s1;
	s8 =	ssub.s32 s4, s0  }
0x2a5: {  	s0 =	sadd.s32 s19, s0;
	s13 =	simm.s32 @!p0 $0x0;
	p0 =	seq.s32 s31, $0x1  }
0x2a6: {  	s1 =	sadd.s32 s9, s1;
	s10 =	simm.s32 @!p0 $0x0;
	p0 =	slt.s32 s16, s13  }
0x2a7: {  	s9 =	ssub.s32 s4, s0;
	s13 =	smov.u32 @p0 s16;
	p0 =	sgt.s32 s7, $0x0  }
0x2a8: {  	s1 =	sadd.s32 s10, s1;
	s6 =	sadd.s32 s13, s15;
	s7 =	simm.s32 @!p0 $0x0  }
0x2a9: {  	s16 =	rddreg [dreg:$0x5];
	s6 =	sadd.s32 $0x7, s6;
	p0 =	slt.s32 s12, s7  }
0x2aa: {  	s6 =	sand.u32 $0xFFFFFFF8, s6;
	s7 =	smov.u32 @p0 s12;
	p0 =	sgt.s32 s8, $0x0  }
0x2ab: {  	s1 =	sadd.s32 s2, s1;
	s6 =	simm.s32 @!p2 $0x0;
	s8 =	simm.s32 @!p0 $0x0  }
0x2ac: {  	p0 =	sgt.s32 s9, $0x0;
	s2 =	sadd.s32 s7, s16;
	s1 =	sadd.s32 s6, s1  }
0x2ad: {  	s9 =	simm.s32 @!p0 $0x0;
	p0 =	slt.s32 s19, s8;
	s2 =	sadd.s32 $0x7, s2  }
0x2ae: {  	s8 =	smov.u32 @p0 s19;
	p0 =	slt.s32 s17, s9;
	s2 =	sand.u32 $0xFFFFFFF8, s2  }
0x2af: {  	s6 =	sadd.s32 s8, s21;
	s9 =	smov.u32 @p0 s17;
	p0 =	seq.s32 s23, $0x1  }
0x2b0: {  	s7 =	sadd.s32 s9, s22;
	s6 =	sadd.s32 $0x7, s6;
	s2 =	simm.s32 @!p0 $0x0  }
0x2b1: {  	p0 =	seq.s32 s24, $0x1;
	s6 =	sand.u32 $0xFFFFFFF8, s6;
	s7 =	sadd.s32 $0x7, s7  }
0x2b2: {  	s1 =	sadd.s32 s2, s1;
	s6 =	simm.s32 @!p0 $0x0;
	s2 =	sand.u32 $0xFFFFFFF8, s7  }
0x2b3: {  	s0 =	sadd.s32 s17, s0;
	s1 =	sadd.s32 s6, s1;
	s2 =	simm.s32 @!p1 $0x0  }
0x2b4: {  	s1 =	sadd.s32 s2, s1;
	s2 =	ssub.s32 s4, s0;
	s0 =	sadd.s32 s11, s0  }
0x2b5: {  	p0 =	sgt.s32 s2, $0x0;
	s6 =	ssub.s32 s4, s0;
	s0 =	sadd.s32 s18, s0  }
0x2b6: {  	s2 =	simm.s32 @!p0 $0x0;
	p0 =	sgt.s32 s6, $0x0;
	s0 =	ssub.s32 s4, s0  }
0x2b7: {  	p1 =	slt.s32 s11, s2;
	s6 =	simm.s32 @!p0 $0x0;
	p0 =	sgt.s32 s0, $0x0  }
0x2b8: {  	s2 =	smov.u32 @p1 s11;
	s0 =	simm.s32 @!p0 $0x0;
	p0 =	slt.s32 s18, s6  }
0x2b9: {  	s31 =	sld [smem:$0x7FD];
	s2 =	sadd.s32 s2, s25;
	s6 =	smov.u32 @p0 s18  }
0x2ba: {  	p0 =	slt.s32 s20, s0;
	s6 =	sadd.s32 s6, s26;
	s2 =	sadd.s32 $0x7, s2  }
0x2bb: {  	s0 =	smov.u32 @p0 s20;
	p0 =	seq.s32 s29, $0x1;
	s2 =	sand.u32 $0xFFFFFFF8, s2  }
0x2bc: {  	s0 =	sadd.s32 s0, s28;
	s6 =	sadd.s32 $0x7, s6;
	s2 =	simm.s32 @!p0 $0x0  }
0x2bd: {  	s6 =	sand.u32 $0xFFFFFFF8, s6;
	s0 =	sadd.s32 $0x7, s0;
	p0 =	seq.s32 s30, $0x1  }
0x2be: {  	s6 =	simm.s32 @!p0 $0x0;
	s0 =	sand.u32 $0xFFFFFFF8, s0;
	p0 =	seq.s32 s31, $0x1  }
0x2bf: {  	s0 =	simm.s32 @!p0 $0x0;
	p0 =	sne.s32 s3, $0x0  }
.Ltmp7:
0x2c0: {  	_ = 	snop;
	(pc) =	sbr.rel @!p0 .LBB2_11-.Ltmp7, $4  }
0x2c1: {  	_ = 	snop  }
0x2c2: {  	s1 =	sadd.s32 s2, s1  }
0x2c3: {  	s1 =	sadd.s32 s6, s1  }
0x2c4: {  	s0 =	sadd.s32 s0, s1  }
0x2c5: {  	p1 =	sne.s32 s3, $0x1  }
.Ltmp8:
0x2c6: {  	_ = 	snop;
	(pc) =	sbr.rel @p1 .LBB2_14-.Ltmp8, $3  }
0x2c7: {  	_ =	sdelay $0x1  }
0x2c8: {  	[bflag:$0x0] =	sbarrier.arrive $0xFFFF  }
0x2c9: {  	s11 =	rddreg [dreg:$0x3]  }
0x2ca: {  	s0 =	sadd.s32 s0, s11;
	s1 =	simm.s32 $0x4980;
	s31 =	simm.s32 $0x1  }
0x2cb: {  	[spmem:s0] =	stream.linear.scatter [tilespmem:s1], [sflag:$0x1], $0x410, $0x38;
	[tilespmem:$0x57A0] =	vst v63  }
0x2cc: {  	_ =	swait.ge [sflag:s31], $0x410  }
0x2cd: {  	[sflag:s31] =	ssyncset.done $0x0  }
0x2ce: {  	[sflag:s31] =	ssyncadd.s32 $0xFFFFFBF0  }
0x2cf: {  	[bflag:$0x0] =	sbarrier.arrive $0xFFFF  }
0x2d0: {  	[bflag:$0x0] =	sbarrier.arrive $0xFFFF  }
0x2d1: {  	[bflag:$0x0] =	sbarrier.arrive $0xFFFF  }
0x2d2: {  	[bflag:$0x0] =	sbarrier.arrive $0xFFFF  }
0x2d3: {  	[bflag:$0x0] =	sbarrier.arrive $0xFFFF  }
0x2d4: {  	[bflag:$0x0] =	sbarrier.arrive $0xFFFF  }
0x2d5: {  	[bflag:$0x0] =	sbarrier.arrive $0xFFFF  }
.Ltmp9:
0x2d6: {  	[bflag:$0x0] =	sbarrier.arrive $0xFFFF;
	(pc) =	sbr.rel .LBB2_36-.Ltmp9, $3  }
0x2d7: {  	[bflag:$0x0] =	sbarrier.arrive $0xFFFF  }
0x2d8: {  	[bflag:$0x0] =	sbarrier.arrive $0xFFFF  }
0x2d9: {  	[bflag:$0x0] =	sbarrier.arrive $0xFFFF;
	_ =	sdelay $0x1  }
.LBB2_11:
0x2da: {  	s11 =	rddreg [dreg:$0x3]  }
0x2db: {  	s1 =	simm.s32 $0x4980;
	s31 =	simm.s32 $0x1;
	s0 =	sadd.s32 s0, s11  }
0x2dc: {  	[spmem:s0] =	stream.linear.scatter [tilespmem:s1], [sflag:$0x1], $0x410, $0x38;
	[tilespmem:$0x57A0] =	vst v63  }
0x2dd: {  	_ =	swait.ge [sflag:s31], $0x410  }
0x2de: {  	[sflag:s31] =	ssyncset.done $0x0  }
0x2df: {  	[sflag:s31] =	ssyncadd.s32 $0xFFFFFBF0  }
0x2e0: {  	[bflag:$0x0] =	sbarrier.arrive $0xFFFF  }
0x2e1: {  	[bflag:$0x0] =	sbarrier.arrive $0xFFFF  }
0x2e2: {  	[bflag:$0x0] =	sbarrier.arrive $0xFFFF  }
0x2e3: {  	[bflag:$0x0] =	sbarrier.arrive $0xFFFF  }
0x2e4: {  	[bflag:$0x0] =	sbarrier.arrive $0xFFFF  }
0x2e5: {  	[bflag:$0x0] =	sbarrier.arrive $0xFFFF  }
0x2e6: {  	[bflag:$0x0] =	sbarrier.arrive $0xFFFF  }
0x2e7: {  	[bflag:$0x0] =	sbarrier.arrive $0xFFFF  }
.Ltmp10:
0x2e8: {  	[bflag:$0x0] =	sbarrier.arrive $0xFFFF;
	(pc) =	sbr.rel .LBB2_36-.Ltmp10, $3  }
0x2e9: {  	[bflag:$0x0] =	sbarrier.arrive $0xFFFF  }
0x2ea: {  	[bflag:$0x0] =	sbarrier.arrive $0xFFFF  }
0x2eb: {  	[bflag:$0x0] =	sbarrier.arrive $0xFFFF;
	_ =	sdelay $0x1  }
.LBB2_14:
0x2ec: {  	p1 =	sne.s32 s3, $0x2  }
.Ltmp11:
0x2ed: {  	_ = 	snop;
	(pc) =	sbr.rel @p1 .LBB2_16-.Ltmp11, $2  }
0x2ee: {  	_ =	sdelay $0x1  }
0x2ef: {  	[bflag:$0x0] =	sbarrier.arrive $0xFFFF;
	_ =	sdelay $0x1  }
0x2f0: {  	s0 =	sadd.s32 s0, s11;
	s1 =	simm.s32 $0x4980;
	s31 =	simm.s32 $0x1  }
0x2f1: {  	[spmem:s0] =	stream.linear.scatter [tilespmem:s1], [sflag:$0x1], $0x410, $0x38;
	[tilespmem:$0x57A0] =	vst v63  }
0x2f2: {  	_ =	swait.ge [sflag:s31], $0x410  }
0x2f3: {  	[sflag:s31] =	ssyncset.done $0x0  }
0x2f4: {  	[sflag:s31] =	ssyncadd.s32 $0xFFFFFBF0  }
0x2f5: {  	[bflag:$0x0] =	sbarrier.arrive $0xFFFF  }
0x2f6: {  	[bflag:$0x0] =	sbarrier.arrive $0xFFFF  }
0x2f7: {  	[bflag:$0x0] =	sbarrier.arrive $0xFFFF  }
0x2f8: {  	[bflag:$0x0] =	sbarrier.arrive $0xFFFF  }
0x2f9: {  	[bflag:$0x0] =	sbarrier.arrive $0xFFFF  }
0x2fa: {  	[bflag:$0x0] =	sbarrier.arrive $0xFFFF  }
.Ltmp12:
0x2fb: {  	[bflag:$0x0] =	sbarrier.arrive $0xFFFF;
	(pc) =	sbr.rel .LBB2_36-.Ltmp12, $3  }
0x2fc: {  	[bflag:$0x0] =	sbarrier.arrive $0xFFFF  }
0x2fd: {  	[bflag:$0x0] =	sbarrier.arrive $0xFFFF  }
0x2fe: {  	[bflag:$0x0] =	sbarrier.arrive $0xFFFF;
	_ =	sdelay $0x1  }
.LBB2_16:
0x2ff: {  	p1 =	sne.s32 s3, $0x3  }
.Ltmp13:
0x300: {  	_ = 	snop;
	(pc) =	sbr.rel @p1 .LBB2_18-.Ltmp13, $2  }
0x301: {  	_ =	sdelay $0x1  }
0x302: {  	[bflag:$0x0] =	sbarrier.arrive $0xFFFF;
	_ =	sdelay $0x1  }
0x303: {  	s0 =	sadd.s32 s0, s11;
	s1 =	simm.s32 $0x4980;
	s31 =	simm.s32 $0x1  }
0x304: {  	[spmem:s0] =	stream.linear.scatter [tilespmem:s1], [sflag:$0x1], $0x410, $0x38;
	[tilespmem:$0x57A0] =	vst v63  }
0x305: {  	_ =	swait.ge [sflag:s31], $0x410  }
0x306: {  	[sflag:s31] =	ssyncset.done $0x0  }
0x307: {  	[sflag:s31] =	ssyncadd.s32 $0xFFFFFBF0  }
0x308: {  	[bflag:$0x0] =	sbarrier.arrive $0xFFFF  }
0x309: {  	[bflag:$0x0] =	sbarrier.arrive $0xFFFF  }
0x30a: {  	[bflag:$0x0] =	sbarrier.arrive $0xFFFF  }
0x30b: {  	[bflag:$0x0] =	sbarrier.arrive $0xFFFF  }
0x30c: {  	[bflag:$0x0] =	sbarrier.arrive $0xFFFF  }
.Ltmp14:
0x30d: {  	[bflag:$0x0] =	sbarrier.arrive $0xFFFF;
	(pc) =	sbr.rel .LBB2_36-.Ltmp14, $3  }
0x30e: {  	[bflag:$0x0] =	sbarrier.arrive $0xFFFF  }
0x30f: {  	[bflag:$0x0] =	sbarrier.arrive $0xFFFF  }
0x310: {  	[bflag:$0x0] =	sbarrier.arrive $0xFFFF;
	_ =	sdelay $0x1  }
.LBB2_18:
0x311: {  	p1 =	sne.s32 s3, $0x4  }
.Ltmp15:
0x312: {  	_ = 	snop;
	(pc) =	sbr.rel @p1 .LBB2_20-.Ltmp15, $2  }
0x313: {  	_ =	sdelay $0x1  }
0x314: {  	[bflag:$0x0] =	sbarrier.arrive $0xFFFF;
	_ =	sdelay $0x1  }
0x315: {  	s0 =	sadd.s32 s0, s11;
	s1 =	simm.s32 $0x4980;
	s31 =	simm.s32 $0x1  }
0x316: {  	[spmem:s0] =	stream.linear.scatter [tilespmem:s1], [sflag:$0x1], $0x410, $0x38;
	[tilespmem:$0x57A0] =	vst v63  }
0x317: {  	_ =	swait.ge [sflag:s31], $0x410  }
0x318: {  	[sflag:s31] =	ssyncset.done $0x0  }
0x319: {  	[sflag:s31] =	ssyncadd.s32 $0xFFFFFBF0  }
0x31a: {  	[bflag:$0x0] =	sbarrier.arrive $0xFFFF  }
0x31b: {  	[bflag:$0x0] =	sbarrier.arrive $0xFFFF  }
0x31c: {  	[bflag:$0x0] =	sbarrier.arrive $0xFFFF  }
0x31d: {  	[bflag:$0x0] =	sbarrier.arrive $0xFFFF  }
.Ltmp16:
0x31e: {  	[bflag:$0x0] =	sbarrier.arrive $0xFFFF;
	(pc) =	sbr.rel .LBB2_36-.Ltmp16, $3  }
0x31f: {  	[bflag:$0x0] =	sbarrier.arrive $0xFFFF  }
0x320: {  	[bflag:$0x0] =	sbarrier.arrive $0xFFFF  }
0x321: {  	[bflag:$0x0] =	sbarrier.arrive $0xFFFF;
	_ =	sdelay $0x1  }
.LBB2_20:
0x322: {  	p1 =	sne.s32 s3, $0x5  }
.Ltmp17:
0x323: {  	_ = 	snop;
	(pc) =	sbr.rel @p1 .LBB2_22-.Ltmp17, $2  }
0x324: {  	_ =	sdelay $0x1  }
0x325: {  	[bflag:$0x0] =	sbarrier.arrive $0xFFFF;
	_ =	sdelay $0x1  }
0x326: {  	s0 =	sadd.s32 s0, s11;
	s1 =	simm.s32 $0x4980;
	s31 =	simm.s32 $0x1  }
0x327: {  	[spmem:s0] =	stream.linear.scatter [tilespmem:s1], [sflag:$0x1], $0x410, $0x38;
	[tilespmem:$0x57A0] =	vst v63  }
0x328: {  	_ =	swait.ge [sflag:s31], $0x410  }
0x329: {  	[sflag:s31] =	ssyncset.done $0x0  }
0x32a: {  	[sflag:s31] =	ssyncadd.s32 $0xFFFFFBF0  }
0x32b: {  	[bflag:$0x0] =	sbarrier.arrive $0xFFFF  }
0x32c: {  	[bflag:$0x0] =	sbarrier.arrive $0xFFFF  }
0x32d: {  	[bflag:$0x0] =	sbarrier.arrive $0xFFFF  }
.Ltmp18:
0x32e: {  	[bflag:$0x0] =	sbarrier.arrive $0xFFFF;
	(pc) =	sbr.rel .LBB2_36-.Ltmp18, $3  }
0x32f: {  	[bflag:$0x0] =	sbarrier.arrive $0xFFFF  }
0x330: {  	[bflag:$0x0] =	sbarrier.arrive $0xFFFF  }
0x331: {  	[bflag:$0x0] =	sbarrier.arrive $0xFFFF;
	_ =	sdelay $0x1  }
.LBB2_22:
0x332: {  	p1 =	sne.s32 s3, $0x6  }
.Ltmp19:
0x333: {  	_ = 	snop;
	(pc) =	sbr.rel @p1 .LBB2_24-.Ltmp19, $2  }
0x334: {  	_ =	sdelay $0x1  }
0x335: {  	[bflag:$0x0] =	sbarrier.arrive $0xFFFF;
	_ =	sdelay $0x1  }
0x336: {  	s0 =	sadd.s32 s0, s11;
	s1 =	simm.s32 $0x4980;
	s31 =	simm.s32 $0x1  }
0x337: {  	[spmem:s0] =	stream.linear.scatter [tilespmem:s1], [sflag:$0x1], $0x410, $0x38;
	[tilespmem:$0x57A0] =	vst v63  }
0x338: {  	_ =	swait.ge [sflag:s31], $0x410  }
0x339: {  	[sflag:s31] =	ssyncset.done $0x0  }
0x33a: {  	[sflag:s31] =	ssyncadd.s32 $0xFFFFFBF0  }
0x33b: {  	[bflag:$0x0] =	sbarrier.arrive $0xFFFF  }
0x33c: {  	[bflag:$0x0] =	sbarrier.arrive $0xFFFF  }
.Ltmp20:
0x33d: {  	[bflag:$0x0] =	sbarrier.arrive $0xFFFF;
	(pc) =	sbr.rel .LBB2_36-.Ltmp20, $3  }
0x33e: {  	[bflag:$0x0] =	sbarrier.arrive $0xFFFF  }
0x33f: {  	[bflag:$0x0] =	sbarrier.arrive $0xFFFF  }
0x340: {  	[bflag:$0x0] =	sbarrier.arrive $0xFFFF;
	_ =	sdelay $0x1  }
.LBB2_24:
0x341: {  	p1 =	sne.s32 s3, $0x7  }
.Ltmp21:
0x342: {  	_ = 	snop;
	(pc) =	sbr.rel @p1 .LBB2_26-.Ltmp21, $2  }
0x343: {  	_ =	sdelay $0x1  }
0x344: {  	[bflag:$0x0] =	sbarrier.arrive $0xFFFF;
	_ =	sdelay $0x1  }
0x345: {  	s0 =	sadd.s32 s0, s11;
	s1 =	simm.s32 $0x4980;
	s31 =	simm.s32 $0x1  }
0x346: {  	[spmem:s0] =	stream.linear.scatter [tilespmem:s1], [sflag:$0x1], $0x410, $0x38;
	[tilespmem:$0x57A0] =	vst v63  }
0x347: {  	_ =	swait.ge [sflag:s31], $0x410  }
0x348: {  	[sflag:s31] =	ssyncset.done $0x0  }
0x349: {  	[sflag:s31] =	ssyncadd.s32 $0xFFFFFBF0  }
0x34a: {  	[bflag:$0x0] =	sbarrier.arrive $0xFFFF  }
.Ltmp22:
0x34b: {  	[bflag:$0x0] =	sbarrier.arrive $0xFFFF;
	(pc) =	sbr.rel .LBB2_36-.Ltmp22, $3  }
0x34c: {  	[bflag:$0x0] =	sbarrier.arrive $0xFFFF  }
0x34d: {  	[bflag:$0x0] =	sbarrier.arrive $0xFFFF  }
0x34e: {  	[bflag:$0x0] =	sbarrier.arrive $0xFFFF;
	_ =	sdelay $0x1  }
.LBB2_26:
0x34f: {  	p1 =	sne.s32 s3, $0x8  }
.Ltmp23:
0x350: {  	_ = 	snop;
	(pc) =	sbr.rel @p1 .LBB2_28-.Ltmp23, $2  }
0x351: {  	_ =	sdelay $0x1  }
0x352: {  	[bflag:$0x0] =	sbarrier.arrive $0xFFFF;
	_ =	sdelay $0x1  }
0x353: {  	s0 =	sadd.s32 s0, s11;
	s1 =	simm.s32 $0x4980;
	s31 =	simm.s32 $0x1  }
0x354: {  	[spmem:s0] =	stream.linear.scatter [tilespmem:s1], [sflag:$0x1], $0x410, $0x38;
	[tilespmem:$0x57A0] =	vst v63  }
0x355: {  	_ =	swait.ge [sflag:s31], $0x410  }
0x356: {  	[sflag:s31] =	ssyncset.done $0x0  }
0x357: {  	[sflag:s31] =	ssyncadd.s32 $0xFFFFFBF0  }
.Ltmp24:
0x358: {  	[bflag:$0x0] =	sbarrier.arrive $0xFFFF;
	(pc) =	sbr.rel .LBB2_36-.Ltmp24, $3  }
0x359: {  	[bflag:$0x0] =	sbarrier.arrive $0xFFFF  }
0x35a: {  	[bflag:$0x0] =	sbarrier.arrive $0xFFFF  }
0x35b: {  	[bflag:$0x0] =	sbarrier.arrive $0xFFFF;
	_ =	sdelay $0x1  }
.LBB2_28:
0x35c: {  	p1 =	sne.s32 s3, $0x9  }
.Ltmp25:
0x35d: {  	_ = 	snop;
	(pc) =	sbr.rel @p1 .LBB2_30-.Ltmp25, $2  }
0x35e: {  	_ =	sdelay $0x1  }
0x35f: {  	[bflag:$0x0] =	sbarrier.arrive $0xFFFF;
	_ =	sdelay $0x1  }
0x360: {  	s0 =	sadd.s32 s0, s11;
	s1 =	simm.s32 $0x4980;
	s31 =	simm.s32 $0x1  }
0x361: {  	[spmem:s0] =	stream.linear.scatter [tilespmem:s1], [sflag:$0x1], $0x410, $0x38;
	[tilespmem:$0x57A0] =	vst v63  }
0x362: {  	_ =	swait.ge [sflag:s31], $0x410  }
0x363: {  	[sflag:s31] =	ssyncset.done $0x0  }
.Ltmp26:
0x364: {  	[sflag:s31] =	ssyncadd.s32 $0xFFFFFBF0;
	(pc) =	sbr.rel .LBB2_36-.Ltmp26, $3  }
0x365: {  	[bflag:$0x0] =	sbarrier.arrive $0xFFFF  }
0x366: {  	[bflag:$0x0] =	sbarrier.arrive $0xFFFF  }
0x367: {  	[bflag:$0x0] =	sbarrier.arrive $0xFFFF;
	_ =	sdelay $0x1  }
.LBB2_30:
0x368: {  	p1 =	sne.s32 s3, $0xA  }
.Ltmp27:
0x369: {  	_ = 	snop;
	(pc) =	sbr.rel @p1 .LBB2_32-.Ltmp27, $2  }
0x36a: {  	_ =	sdelay $0x1  }
0x36b: {  	[bflag:$0x0] =	sbarrier.arrive $0xFFFF;
	_ =	sdelay $0x1  }
0x36c: {  	s0 =	sadd.s32 s0, s11;
	s1 =	simm.s32 $0x4980;
	s31 =	simm.s32 $0x1  }
0x36d: {  	[spmem:s0] =	stream.linear.scatter [tilespmem:s1], [sflag:$0x1], $0x410, $0x38;
	[tilespmem:$0x57A0] =	vst v63  }
0x36e: {  	_ =	swait.ge [sflag:s31], $0x410  }
.Ltmp28:
0x36f: {  	[sflag:s31] =	ssyncset.done $0x0;
	(pc) =	sbr.rel .LBB2_36-.Ltmp28, $3  }
0x370: {  	[sflag:s31] =	ssyncadd.s32 $0xFFFFFBF0  }
0x371: {  	[bflag:$0x0] =	sbarrier.arrive $0xFFFF  }
0x372: {  	[bflag:$0x0] =	sbarrier.arrive $0xFFFF;
	_ =	sdelay $0x1  }
.LBB2_32:
0x373: {  	p1 =	sne.s32 s3, $0xB  }
.Ltmp29:
0x374: {  	_ = 	snop;
	(pc) =	sbr.rel @p1 .LBB2_34-.Ltmp29, $2  }
0x375: {  	_ =	sdelay $0x1  }
0x376: {  	[bflag:$0x0] =	sbarrier.arrive $0xFFFF;
	_ =	sdelay $0x1  }
0x377: {  	s0 =	sadd.s32 s0, s11;
	s1 =	simm.s32 $0x4980;
	s31 =	simm.s32 $0x1  }
0x378: {  	[spmem:s0] =	stream.linear.scatter [tilespmem:s1], [sflag:$0x1], $0x410, $0x38;
	[tilespmem:$0x57A0] =	vst v63  }
.Ltmp30:
0x379: {  	_ =	swait.ge [sflag:s31], $0x410;
	(pc) =	sbr.rel .LBB2_36-.Ltmp30, $3  }
0x37a: {  	[sflag:s31] =	ssyncset.done $0x0  }
0x37b: {  	[sflag:s31] =	ssyncadd.s32 $0xFFFFFBF0  }
0x37c: {  	[bflag:$0x0] =	sbarrier.arrive $0xFFFF;
	_ =	sdelay $0x1  }
.LBB2_34:
0x37d: {  	p1 =	sne.s32 s3, $0xC  }
.Ltmp31:
0x37e: {  	_ = 	snop;
	(pc) =	sbr.rel @p1 .LBB2_87-.Ltmp31, $2  }
0x37f: {  	_ =	sdelay $0x1  }
0x380: {  	[bflag:$0x0] =	sbarrier.arrive $0xFFFF;
	_ =	sdelay $0x1  }
0x381: {  	s0 =	sadd.s32 s0, s11;
	s1 =	simm.s32 $0x4980;
	s31 =	simm.s32 $0x1  }
0x382: {  	[spmem:s0] =	stream.linear.scatter [tilespmem:s1], [sflag:$0x1], $0x410, $0x38;
	[tilespmem:$0x57A0] =	vst v63  }
0x383: {  	_ =	swait.ge [sflag:s31], $0x410  }
0x384: {  	[sflag:s31] =	ssyncset.done $0x0  }
0x385: {  	[sflag:s31] =	ssyncadd.s32 $0xFFFFFBF0  }
.LBB2_36:
0x386: {  	[bflag:$0x0] =	sbarrier.arrive $0xFFFF  }
0x387: {  	[bflag:$0x0] =	sbarrier.arrive $0xFFFF  }
0x388: {  	[bflag:$0x0] =	sbarrier.arrive $0xFFFF  }
0x389: {  	[bflag:$0x0] =	sbarrier.arrive $0xFFFF  }
0x38a: {  	_ =	sfence.sel @p0 $0x180000  }
0x38b: {  	[bflag:$0x0] =	sbarrier.arrive @p0 $0xFFFF  }
0x38c: {  	_ =	strace @p0 $0x90000047  }
0x38d: {  	[bflag:$0x2] =	sbarrier.arrive @p0 $0xFFFF  }
0x38e: {  	_ =	shalt @p0  }
.LBB2_37:
0x38f: {  	v0 =	vld [tilespmem:$0x4180];
	_ =	sdelay $0x4  }
0x390: {  	(v2sf) =	vpush v0, $0x0  }
0x391: {  	(v2sf) =	vpush v0, $0x1;
	_ =	sdelay $0xd  }
0x392: {  	s0 =	spop (v2sf)  }
0x393: {  	s2 =	spop (v2sf)  }
0x394: {  	p1 =	slt.s32 s2, s5  }
0x395: {  	s5 =	smov.u32 @p1 s2  }
0x396: {  	s0 =	sadd.s32 s0, s5  }
0x397: {  	s5 =	sadd.s32 $0xF, s0  }
0x398: {  	s6 =	sshra.s32 s5, $0x4  }
0x399: {  	p1 =	slt.s32 s6, $0x1  }
.Ltmp32:
0x39a: {  	s1 =	simm.s32 $0x4E00;
	s3 =	simm.s32 $0x1;
	(pc) =	sbr.rel @p1 .LBB2_40-.Ltmp32, $4  }
0x39b: {  	[tilespmem:s1], [sflag:$0x1] =	stream.linear.gather [spmem:s11], $0x418, $0x38;
	[tilespmem:$0x57A0] =	vst v63  }
0x39c: {  	_ =	swait.ge [sflag:s3], $0x418  }
0x39d: {  	[sflag:s3] =	ssyncset.done $0x0  }
0x39e: {  	[sflag:s3] =	ssyncadd.s32 $0xFFFFFBE8  }
0x39f: {  	v0 =	vld [tilespmem:s1+$0x0];
	p1 =	sne.s32 s6, $0x1  }
.Ltmp33:
0x3a0: {  	_ = 	snop;
	(pc) =	sbr.rel @!p1 .LBB2_40-.Ltmp33, $3  }
0x3a1: {  	_ =	sdelay $0x1  }
0x3a2: {  	s5 =	simm.s32 $0x5280  }
0x3a3: {  	s6 =	sadd.s32 $0xFFFFFFFF, s6;
	s7 =	simm.s32 $0x4E10;
	[tilespmem:s5+$0x0] =	vst v0  }
.LBB2_39:
0x3a4: {  	v0 =	vld [tilespmem:s7+$0x0];
	p1 =	sne.s32 s6, $0x1;
	s6 =	sadd.s32 $0xFFFFFFFF, s6  }
.Ltmp34:
0x3a5: {  	(pc) =	sbr.rel @p1 .LBB2_39-.Ltmp34, $3  }
0x3a6: {  	_ =	sdelay $0x1  }
0x3a7: {  	s5 =	sadd.s32 $0x10, s5  }
0x3a8: {  	s7 =	sadd.s32 $0x10, s7;
	[tilespmem:s5+$0x0] =	vst v0  }
.LBB2_40:
0x3a9: {  	v0 =	vld [tilespmem:$0x4200];
	_ =	sdelay $0x4  }
0x3aa: {  	(v2sf) =	vpush v0, $0x0  }
0x3ab: {  	(v2sf) =	vpush v0, $0x1;
	_ =	sdelay $0xc  }
0x3ac: {  	s5 =	ssub.s32 s4, s2  }
0x3ad: {  	p1 =	sgt.s32 s5, $0x0;
	s8 =	spop (v2sf)  }
0x3ae: {  	s5 =	simm.s32 @!p1 $0x0;
	s7 =	spop (v2sf)  }
0x3af: {  	p1 =	slt.s32 s7, s5  }
0x3b0: {  	s5 =	smov.u32 @p1 s7  }
0x3b1: {  	s5 =	sadd.s32 s8, s5  }
0x3b2: {  	s31 =	sadd.s32 $0xF, s5  }
0x3b3: {  	s6 =	sadd.s32 $0x7, s0;
	s8 =	sshra.s32 s31, $0x4  }
0x3b4: {  	s6 =	sand.u32 $0xFFFFFFF8, s6;
	p1 =	slt.s32 s8, $0x1  }
.Ltmp35:
0x3b5: {  	s30 =	sadd.s32 s6, s11;
	(pc) =	sbr.rel @p1 .LBB2_43-.Ltmp35, $4  }
0x3b6: {  	[tilespmem:s1], [sflag:$0x1] =	stream.linear.gather [spmem:s30], $0x418, $0x38;
	[tilespmem:$0x57A0] =	vst v63  }
0x3b7: {  	_ =	swait.ge [sflag:s3], $0x418  }
0x3b8: {  	[sflag:s3] =	ssyncset.done $0x0  }
0x3b9: {  	[sflag:s3] =	ssyncadd.s32 $0xFFFFFBE8  }
0x3ba: {  	v0 =	vld [tilespmem:s1+$0x0];
	p1 =	sne.s32 s8, $0x1  }
.Ltmp36:
0x3bb: {  	_ = 	snop;
	(pc) =	sbr.rel @!p1 .LBB2_43-.Ltmp36, $3  }
0x3bc: {  	_ =	sdelay $0x1  }
0x3bd: {  	s3 =	sadd.s32 $0x5280, s0  }
0x3be: {  	s8 =	sadd.s32 $0xFFFFFFFF, s8;
	s9 =	simm.s32 $0x4E10;
	[tilespmem:s3+$0x0] =	vst v0  }
.LBB2_42:
0x3bf: {  	v0 =	vld [tilespmem:s9+$0x0];
	p1 =	sne.s32 s8, $0x1;
	s8 =	sadd.s32 $0xFFFFFFFF, s8  }
.Ltmp37:
0x3c0: {  	(pc) =	sbr.rel @p1 .LBB2_42-.Ltmp37, $3  }
0x3c1: {  	_ =	sdelay $0x1  }
0x3c2: {  	s3 =	sadd.s32 $0x10, s3  }
0x3c3: {  	s9 =	sadd.s32 $0x10, s9;
	[tilespmem:s3+$0x0] =	vst v0  }
.LBB2_43:
0x3c4: {  	v0 =	vld [tilespmem:$0x4280];
	_ =	sdelay $0x4  }
0x3c5: {  	(v2sf) =	vpush v0, $0x0  }
0x3c6: {  	(v2sf) =	vpush v0, $0x1;
	_ =	sdelay $0x8  }
0x3c7: {  	s9 =	sadd.s32 $0x7, s5  }
0x3c8: {  	s9 =	sand.u32 $0xFFFFFFF8, s9  }
0x3c9: {  	s7 =	sadd.s32 s2, s7;
	s6 =	sadd.s32 s6, s9  }
0x3ca: {  	s2 =	ssub.s32 s4, s7;
	s30 =	sadd.s32 s6, s11  }
0x3cb: {  	[tilespmem:s1], [sflag:$0x1] =	stream.linear.gather [spmem:s30], $0x418, $0x38;
	[tilespmem:$0x57A0] =	vst v63  }
0x3cc: {  	p1 =	sgt.s32 s2, $0x0;
	s3 =	spop (v2sf)  }
0x3cd: {  	s2 =	simm.s32 @!p1 $0x0;
	s8 =	spop (v2sf)  }
0x3ce: {  	p1 =	slt.s32 s8, s2  }
0x3cf: {  	s2 =	smov.u32 @p1 s8  }
0x3d0: {  	s2 =	sadd.s32 s3, s2  }
0x3d1: {  	s31 =	sadd.s32 $0xF, s2  }
0x3d2: {  	s9 =	sshra.s32 s31, $0x4  }
0x3d3: {  	p1 =	slt.s32 s9, $0x1  }
.Ltmp38:
0x3d4: {  	_ = 	snop;
	(pc) =	sbr.rel @p1 .LBB2_46-.Ltmp38, $4  }
0x3d5: {  	s3 =	simm.s32 $0x1  }
0x3d6: {  	_ =	swait.ge [sflag:s3], $0x418  }
0x3d7: {  	[sflag:s3] =	ssyncset.done $0x0  }
0x3d8: {  	s0 =	sadd.s32 s0, s5;
	[sflag:s3] =	ssyncadd.s32 $0xFFFFFBE8  }
0x3d9: {  	s1 =	simm.s32 $0x4E00  }
0x3da: {  	p1 =	sne.s32 s9, $0x1;
	v0 =	vld [tilespmem:s1+$0x0]  }
.Ltmp39:
0x3db: {  	_ = 	snop;
	(pc) =	sbr.rel @!p1 .LBB2_46-.Ltmp39, $3  }
0x3dc: {  	_ =	sdelay $0x1  }
0x3dd: {  	s1 =	sadd.s32 $0x5280, s0  }
0x3de: {  	s5 =	sadd.s32 $0xFFFFFFFF, s9;
	s9 =	simm.s32 $0x4E10;
	[tilespmem:s1+$0x0] =	vst v0  }
.LBB2_45:
0x3df: {  	v0 =	vld [tilespmem:s9+$0x0];
	p1 =	sne.s32 s5, $0x1;
	s5 =	sadd.s32 $0xFFFFFFFF, s5  }
.Ltmp40:
0x3e0: {  	(pc) =	sbr.rel @p1 .LBB2_45-.Ltmp40, $3  }
0x3e1: {  	_ =	sdelay $0x1  }
0x3e2: {  	s1 =	sadd.s32 $0x10, s1  }
0x3e3: {  	s9 =	sadd.s32 $0x10, s9;
	[tilespmem:s1+$0x0] =	vst v0  }
.LBB2_46:
0x3e4: {  	v0 =	vld [tilespmem:$0x4300];
	_ =	sdelay $0x4  }
0x3e5: {  	(v2sf) =	vpush v0, $0x0  }
0x3e6: {  	(v2sf) =	vpush v0, $0x1;
	_ =	sdelay $0x8  }
0x3e7: {  	s5 =	sadd.s32 $0x7, s2  }
0x3e8: {  	s5 =	sand.u32 $0xFFFFFFF8, s5  }
0x3e9: {  	s8 =	sadd.s32 s7, s8;
	s5 =	sadd.s32 s6, s5  }
0x3ea: {  	s9 =	simm.s32 $0x4E00;
	s1 =	ssub.s32 s4, s8;
	s6 =	sadd.s32 s5, s11  }
0x3eb: {  	[tilespmem:s9], [sflag:$0x1] =	stream.linear.gather [spmem:s6], $0x418, $0x38;
	[tilespmem:$0x57A0] =	vst v63  }
0x3ec: {  	p1 =	sgt.s32 s1, $0x0;
	s30 =	spop (v2sf)  }
0x3ed: {  	s1 =	simm.s32 @!p1 $0x0;
	s10 =	spop (v2sf)  }
0x3ee: {  	p1 =	slt.s32 s10, s1  }
0x3ef: {  	s1 =	smov.u32 @p1 s10  }
0x3f0: {  	s1 =	sadd.s32 s30, s1  }
0x3f1: {  	s31 =	sadd.s32 $0xF, s1  }
0x3f2: {  	s6 =	sshra.s32 s31, $0x4  }
0x3f3: {  	p1 =	slt.s32 s6, $0x1  }
.Ltmp41:
0x3f4: {  	_ = 	snop;
	(pc) =	sbr.rel @p1 .LBB2_49-.Ltmp41, $4  }
0x3f5: {  	_ = 	snop  }
0x3f6: {  	_ =	swait.ge [sflag:s3], $0x418  }
0x3f7: {  	[sflag:s3] =	ssyncset.done $0x0  }
0x3f8: {  	s7 =	sadd.s32 s0, s2;
	[sflag:s3] =	ssyncadd.s32 $0xFFFFFBE8  }
0x3f9: {  	v0 =	vld [tilespmem:s9+$0x0];
	p1 =	sne.s32 s6, $0x1  }
.Ltmp42:
0x3fa: {  	_ = 	snop;
	(pc) =	sbr.rel @!p1 .LBB2_49-.Ltmp42, $3  }
0x3fb: {  	_ =	sdelay $0x1  }
0x3fc: {  	s0 =	sadd.s32 $0x5280, s7  }
0x3fd: {  	s2 =	sadd.s32 $0xFFFFFFFF, s6;
	s3 =	simm.s32 $0x4E10;
	[tilespmem:s0+$0x0] =	vst v0  }
.LBB2_48:
0x3fe: {  	v0 =	vld [tilespmem:s3+$0x0];
	p1 =	sne.s32 s2, $0x1;
	s2 =	sadd.s32 $0xFFFFFFFF, s2  }
.Ltmp43:
0x3ff: {  	(pc) =	sbr.rel @p1 .LBB2_48-.Ltmp43, $3  }
0x400: {  	_ =	sdelay $0x1  }
0x401: {  	s0 =	sadd.s32 $0x10, s0  }
0x402: {  	s3 =	sadd.s32 $0x10, s3;
	[tilespmem:s0+$0x0] =	vst v0  }
.LBB2_49:
0x403: {  	v0 =	vld [tilespmem:$0x4380];
	_ =	sdelay $0x4  }
0x404: {  	(v2sf) =	vpush v0, $0x0  }
0x405: {  	(v2sf) =	vpush v0, $0x1;
	_ =	sdelay $0x8  }
0x406: {  	s3 =	sadd.s32 $0x7, s1  }
0x407: {  	s3 =	sand.u32 $0xFFFFFFF8, s3  }
0x408: {  	s6 =	sadd.s32 s8, s10;
	s5 =	sadd.s32 s5, s3  }
0x409: {  	s0 =	ssub.s32 s4, s6;
	s30 =	sadd.s32 s5, s11  }
0x40a: {  	[tilespmem:s9], [sflag:$0x1] =	stream.linear.gather [spmem:s30], $0x418, $0x38;
	[tilespmem:$0x57A0] =	vst v63  }
0x40b: {  	p1 =	sgt.s32 s0, $0x0;
	s2 =	spop (v2sf)  }
0x40c: {  	s0 =	simm.s32 @!p1 $0x0;
	s8 =	spop (v2sf)  }
0x40d: {  	p1 =	slt.s32 s8, s0  }
0x40e: {  	s0 =	smov.u32 @p1 s8  }
0x40f: {  	s0 =	sadd.s32 s2, s0  }
0x410: {  	s31 =	sadd.s32 $0xF, s0  }
0x411: {  	s9 =	sshra.s32 s31, $0x4  }
0x412: {  	p1 =	slt.s32 s9, $0x1  }
.Ltmp44:
0x413: {  	_ = 	snop;
	(pc) =	sbr.rel @p1 .LBB2_52-.Ltmp44, $4  }
0x414: {  	s2 =	simm.s32 $0x1  }
0x415: {  	_ =	swait.ge [sflag:s2], $0x418  }
0x416: {  	[sflag:s2] =	ssyncset.done $0x0  }
0x417: {  	s3 =	sadd.s32 s7, s1;
	[sflag:s2] =	ssyncadd.s32 $0xFFFFFBE8  }
0x418: {  	s1 =	simm.s32 $0x4E00  }
0x419: {  	p1 =	sne.s32 s9, $0x1;
	v0 =	vld [tilespmem:s1+$0x0]  }
.Ltmp45:
0x41a: {  	_ = 	snop;
	(pc) =	sbr.rel @!p1 .LBB2_52-.Ltmp45, $3  }
0x41b: {  	_ =	sdelay $0x1  }
0x41c: {  	s1 =	sadd.s32 $0x5280, s3  }
0x41d: {  	s7 =	sadd.s32 $0xFFFFFFFF, s9;
	s9 =	simm.s32 $0x4E10;
	[tilespmem:s1+$0x0] =	vst v0  }
.LBB2_51:
0x41e: {  	v0 =	vld [tilespmem:s9+$0x0];
	p1 =	sne.s32 s7, $0x1;
	s7 =	sadd.s32 $0xFFFFFFFF, s7  }
.Ltmp46:
0x41f: {  	(pc) =	sbr.rel @p1 .LBB2_51-.Ltmp46, $3  }
0x420: {  	_ =	sdelay $0x1  }
0x421: {  	s1 =	sadd.s32 $0x10, s1  }
0x422: {  	s9 =	sadd.s32 $0x10, s9;
	[tilespmem:s1+$0x0] =	vst v0  }
.LBB2_52:
0x423: {  	v0 =	vld [tilespmem:$0x4400];
	_ =	sdelay $0x4  }
0x424: {  	(v2sf) =	vpush v0, $0x0  }
0x425: {  	(v2sf) =	vpush v0, $0x1;
	_ =	sdelay $0xb  }
0x426: {  	s6 =	sadd.s32 s6, s8  }
0x427: {  	s1 =	ssub.s32 s4, s6  }
0x428: {  	p1 =	sgt.s32 s1, $0x0;
	s7 =	spop (v2sf)  }
0x429: {  	s9 =	sadd.s32 $0x7, s0;
	s1 =	simm.s32 @!p1 $0x0;
	s8 =	spop (v2sf)  }
0x42a: {  	s9 =	sand.u32 $0xFFFFFFF8, s9;
	p1 =	slt.s32 s8, s1  }
0x42b: {  	s5 =	sadd.s32 s5, s9;
	s1 =	smov.u32 @p1 s8  }
0x42c: {  	s9 =	sadd.s32 s5, s11;
	s1 =	sadd.s32 s7, s1;
	s7 =	simm.s32 $0x4E00  }
0x42d: {  	[tilespmem:s7], [sflag:$0x1] =	stream.linear.gather [spmem:s9], $0x418, $0x38;
	[tilespmem:$0x57A0] =	vst v63  }
0x42e: {  	s31 =	sadd.s32 $0xF, s1  }
0x42f: {  	s9 =	sshra.s32 s31, $0x4  }
0x430: {  	p1 =	slt.s32 s9, $0x1  }
.Ltmp47:
0x431: {  	_ = 	snop;
	(pc) =	sbr.rel @p1 .LBB2_55-.Ltmp47, $4  }
0x432: {  	_ = 	snop  }
0x433: {  	_ =	swait.ge [sflag:s2], $0x418  }
0x434: {  	[sflag:s2] =	ssyncset.done $0x0  }
0x435: {  	s3 =	sadd.s32 s3, s0;
	[sflag:s2] =	ssyncadd.s32 $0xFFFFFBE8  }
0x436: {  	v0 =	vld [tilespmem:s7+$0x0];
	p1 =	sne.s32 s9, $0x1  }
.Ltmp48:
0x437: {  	_ = 	snop;
	(pc) =	sbr.rel @!p1 .LBB2_55-.Ltmp48, $3  }
0x438: {  	_ =	sdelay $0x1  }
0x439: {  	s0 =	sadd.s32 $0x5280, s3  }
0x43a: {  	s2 =	sadd.s32 $0xFFFFFFFF, s9;
	s9 =	simm.s32 $0x4E10;
	[tilespmem:s0+$0x0] =	vst v0  }
.LBB2_54:
0x43b: {  	v0 =	vld [tilespmem:s9+$0x0];
	p1 =	sne.s32 s2, $0x1;
	s2 =	sadd.s32 $0xFFFFFFFF, s2  }
.Ltmp49:
0x43c: {  	(pc) =	sbr.rel @p1 .LBB2_54-.Ltmp49, $3  }
0x43d: {  	_ =	sdelay $0x1  }
0x43e: {  	s0 =	sadd.s32 $0x10, s0  }
0x43f: {  	s9 =	sadd.s32 $0x10, s9;
	[tilespmem:s0+$0x0] =	vst v0  }
.LBB2_55:
0x440: {  	v0 =	vld [tilespmem:$0x4480];
	_ =	sdelay $0x4  }
0x441: {  	(v2sf) =	vpush v0, $0x0  }
0x442: {  	(v2sf) =	vpush v0, $0x1;
	_ =	sdelay $0x8  }
0x443: {  	s9 =	sadd.s32 $0x7, s1  }
0x444: {  	s9 =	sand.u32 $0xFFFFFFF8, s9  }
0x445: {  	s6 =	sadd.s32 s6, s8;
	s5 =	sadd.s32 s5, s9  }
0x446: {  	s0 =	ssub.s32 s4, s6;
	s30 =	sadd.s32 s5, s11  }
0x447: {  	[tilespmem:s7], [sflag:$0x1] =	stream.linear.gather [spmem:s30], $0x418, $0x38;
	[tilespmem:$0x57A0] =	vst v63  }
0x448: {  	p1 =	sgt.s32 s0, $0x0;
	s2 =	spop (v2sf)  }
0x449: {  	s0 =	simm.s32 @!p1 $0x0;
	s8 =	spop (v2sf)  }
0x44a: {  	p1 =	slt.s32 s8, s0  }
0x44b: {  	s0 =	smov.u32 @p1 s8  }
0x44c: {  	s0 =	sadd.s32 s2, s0  }
0x44d: {  	s31 =	sadd.s32 $0xF, s0  }
0x44e: {  	s7 =	sshra.s32 s31, $0x4  }
0x44f: {  	p1 =	slt.s32 s7, $0x1  }
.Ltmp50:
0x450: {  	_ = 	snop;
	(pc) =	sbr.rel @p1 .LBB2_58-.Ltmp50, $4  }
0x451: {  	s2 =	simm.s32 $0x1  }
0x452: {  	_ =	swait.ge [sflag:s2], $0x418  }
0x453: {  	[sflag:s2] =	ssyncset.done $0x0  }
0x454: {  	s3 =	sadd.s32 s3, s1;
	[sflag:s2] =	ssyncadd.s32 $0xFFFFFBE8  }
0x455: {  	s1 =	simm.s32 $0x4E00  }
0x456: {  	p1 =	sne.s32 s7, $0x1;
	v0 =	vld [tilespmem:s1+$0x0]  }
.Ltmp51:
0x457: {  	_ = 	snop;
	(pc) =	sbr.rel @!p1 .LBB2_58-.Ltmp51, $3  }
0x458: {  	_ =	sdelay $0x1  }
0x459: {  	s1 =	sadd.s32 $0x5280, s3  }
0x45a: {  	s7 =	sadd.s32 $0xFFFFFFFF, s7;
	s9 =	simm.s32 $0x4E10;
	[tilespmem:s1+$0x0] =	vst v0  }
.LBB2_57:
0x45b: {  	v0 =	vld [tilespmem:s9+$0x0];
	p1 =	sne.s32 s7, $0x1;
	s7 =	sadd.s32 $0xFFFFFFFF, s7  }
.Ltmp52:
0x45c: {  	(pc) =	sbr.rel @p1 .LBB2_57-.Ltmp52, $3  }
0x45d: {  	_ =	sdelay $0x1  }
0x45e: {  	s1 =	sadd.s32 $0x10, s1  }
0x45f: {  	s9 =	sadd.s32 $0x10, s9;
	[tilespmem:s1+$0x0] =	vst v0  }
.LBB2_58:
0x460: {  	v0 =	vld [tilespmem:$0x4500];
	_ =	sdelay $0x4  }
0x461: {  	(v2sf) =	vpush v0, $0x0  }
0x462: {  	(v2sf) =	vpush v0, $0x1;
	_ =	sdelay $0xb  }
0x463: {  	s6 =	sadd.s32 s6, s8  }
0x464: {  	s1 =	ssub.s32 s4, s6  }
0x465: {  	p1 =	sgt.s32 s1, $0x0;
	s7 =	spop (v2sf)  }
0x466: {  	s9 =	sadd.s32 $0x7, s0;
	s1 =	simm.s32 @!p1 $0x0;
	s8 =	spop (v2sf)  }
0x467: {  	s9 =	sand.u32 $0xFFFFFFF8, s9;
	p1 =	slt.s32 s8, s1  }
0x468: {  	s5 =	sadd.s32 s5, s9;
	s1 =	smov.u32 @p1 s8  }
0x469: {  	s9 =	sadd.s32 s5, s11;
	s1 =	sadd.s32 s7, s1;
	s7 =	simm.s32 $0x4E00  }
0x46a: {  	[tilespmem:s7], [sflag:$0x1] =	stream.linear.gather [spmem:s9], $0x418, $0x38;
	[tilespmem:$0x57A0] =	vst v63  }
0x46b: {  	s31 =	sadd.s32 $0xF, s1  }
0x46c: {  	s9 =	sshra.s32 s31, $0x4  }
0x46d: {  	p1 =	slt.s32 s9, $0x1  }
.Ltmp53:
0x46e: {  	_ = 	snop;
	(pc) =	sbr.rel @p1 .LBB2_61-.Ltmp53, $4  }
0x46f: {  	_ = 	snop  }
0x470: {  	_ =	swait.ge [sflag:s2], $0x418  }
0x471: {  	[sflag:s2] =	ssyncset.done $0x0  }
0x472: {  	s3 =	sadd.s32 s3, s0;
	[sflag:s2] =	ssyncadd.s32 $0xFFFFFBE8  }
0x473: {  	v0 =	vld [tilespmem:s7+$0x0];
	p1 =	sne.s32 s9, $0x1  }
.Ltmp54:
0x474: {  	_ = 	snop;
	(pc) =	sbr.rel @!p1 .LBB2_61-.Ltmp54, $3  }
0x475: {  	_ =	sdelay $0x1  }
0x476: {  	s0 =	sadd.s32 $0x5280, s3  }
0x477: {  	s2 =	sadd.s32 $0xFFFFFFFF, s9;
	s9 =	simm.s32 $0x4E10;
	[tilespmem:s0+$0x0] =	vst v0  }
.LBB2_60:
0x478: {  	v0 =	vld [tilespmem:s9+$0x0];
	p1 =	sne.s32 s2, $0x1;
	s2 =	sadd.s32 $0xFFFFFFFF, s2  }
.Ltmp55:
0x479: {  	(pc) =	sbr.rel @p1 .LBB2_60-.Ltmp55, $3  }
0x47a: {  	_ =	sdelay $0x1  }
0x47b: {  	s0 =	sadd.s32 $0x10, s0  }
0x47c: {  	s9 =	sadd.s32 $0x10, s9;
	[tilespmem:s0+$0x0] =	vst v0  }
.LBB2_61:
0x47d: {  	v0 =	vld [tilespmem:$0x4580];
	_ =	sdelay $0x4  }
0x47e: {  	(v2sf) =	vpush v0, $0x0  }
0x47f: {  	(v2sf) =	vpush v0, $0x1;
	_ =	sdelay $0x8  }
0x480: {  	s9 =	sadd.s32 $0x7, s1  }
0x481: {  	s9 =	sand.u32 $0xFFFFFFF8, s9  }
0x482: {  	s6 =	sadd.s32 s6, s8;
	s5 =	sadd.s32 s5, s9  }
0x483: {  	s0 =	ssub.s32 s4, s6;
	s30 =	sadd.s32 s5, s11  }
0x484: {  	[tilespmem:s7], [sflag:$0x1] =	stream.linear.gather [spmem:s30], $0x418, $0x38;
	[tilespmem:$0x57A0] =	vst v63  }
0x485: {  	p1 =	sgt.s32 s0, $0x0;
	s2 =	spop (v2sf)  }
0x486: {  	s0 =	simm.s32 @!p1 $0x0;
	s8 =	spop (v2sf)  }
0x487: {  	p1 =	slt.s32 s8, s0  }
0x488: {  	s0 =	smov.u32 @p1 s8  }
0x489: {  	s0 =	sadd.s32 s2, s0  }
0x48a: {  	s31 =	sadd.s32 $0xF, s0  }
0x48b: {  	s7 =	sshra.s32 s31, $0x4  }
0x48c: {  	p1 =	slt.s32 s7, $0x1  }
.Ltmp56:
0x48d: {  	_ = 	snop;
	(pc) =	sbr.rel @p1 .LBB2_64-.Ltmp56, $4  }
0x48e: {  	s2 =	simm.s32 $0x1  }
0x48f: {  	_ =	swait.ge [sflag:s2], $0x418  }
0x490: {  	[sflag:s2] =	ssyncset.done $0x0  }
0x491: {  	s3 =	sadd.s32 s3, s1;
	[sflag:s2] =	ssyncadd.s32 $0xFFFFFBE8  }
0x492: {  	s1 =	simm.s32 $0x4E00  }
0x493: {  	p1 =	sne.s32 s7, $0x1;
	v0 =	vld [tilespmem:s1+$0x0]  }
.Ltmp57:
0x494: {  	_ = 	snop;
	(pc) =	sbr.rel @!p1 .LBB2_64-.Ltmp57, $3  }
0x495: {  	_ =	sdelay $0x1  }
0x496: {  	s1 =	sadd.s32 $0x5280, s3  }
0x497: {  	s7 =	sadd.s32 $0xFFFFFFFF, s7;
	s9 =	simm.s32 $0x4E10;
	[tilespmem:s1+$0x0] =	vst v0  }
.LBB2_63:
0x498: {  	v0 =	vld [tilespmem:s9+$0x0];
	p1 =	sne.s32 s7, $0x1;
	s7 =	sadd.s32 $0xFFFFFFFF, s7  }
.Ltmp58:
0x499: {  	(pc) =	sbr.rel @p1 .LBB2_63-.Ltmp58, $3  }
0x49a: {  	_ =	sdelay $0x1  }
0x49b: {  	s1 =	sadd.s32 $0x10, s1  }
0x49c: {  	s9 =	sadd.s32 $0x10, s9;
	[tilespmem:s1+$0x0] =	vst v0  }
.LBB2_64:
0x49d: {  	v0 =	vld [tilespmem:$0x4600];
	_ =	sdelay $0x4  }
0x49e: {  	(v2sf) =	vpush v0, $0x0  }
0x49f: {  	(v2sf) =	vpush v0, $0x1;
	_ =	sdelay $0xb  }
0x4a0: {  	s6 =	sadd.s32 s6, s8  }
0x4a1: {  	s1 =	ssub.s32 s4, s6  }
0x4a2: {  	p1 =	sgt.s32 s1, $0x0;
	s7 =	spop (v2sf)  }
0x4a3: {  	s9 =	sadd.s32 $0x7, s0;
	s1 =	simm.s32 @!p1 $0x0;
	s8 =	spop (v2sf)  }
0x4a4: {  	s9 =	sand.u32 $0xFFFFFFF8, s9;
	p1 =	slt.s32 s8, s1  }
0x4a5: {  	s5 =	sadd.s32 s5, s9;
	s1 =	smov.u32 @p1 s8  }
0x4a6: {  	s9 =	sadd.s32 s5, s11;
	s1 =	sadd.s32 s7, s1;
	s7 =	simm.s32 $0x4E00  }
0x4a7: {  	[tilespmem:s7], [sflag:$0x1] =	stream.linear.gather [spmem:s9], $0x418, $0x38;
	[tilespmem:$0x57A0] =	vst v63  }
0x4a8: {  	s31 =	sadd.s32 $0xF, s1  }
0x4a9: {  	s9 =	sshra.s32 s31, $0x4  }
0x4aa: {  	p1 =	slt.s32 s9, $0x1  }
.Ltmp59:
0x4ab: {  	_ = 	snop;
	(pc) =	sbr.rel @p1 .LBB2_67-.Ltmp59, $4  }
0x4ac: {  	_ = 	snop  }
0x4ad: {  	_ =	swait.ge [sflag:s2], $0x418  }
0x4ae: {  	[sflag:s2] =	ssyncset.done $0x0  }
0x4af: {  	s3 =	sadd.s32 s3, s0;
	[sflag:s2] =	ssyncadd.s32 $0xFFFFFBE8  }
0x4b0: {  	v0 =	vld [tilespmem:s7+$0x0];
	p1 =	sne.s32 s9, $0x1  }
.Ltmp60:
0x4b1: {  	_ = 	snop;
	(pc) =	sbr.rel @!p1 .LBB2_67-.Ltmp60, $3  }
0x4b2: {  	_ =	sdelay $0x1  }
0x4b3: {  	s0 =	sadd.s32 $0x5280, s3  }
0x4b4: {  	s2 =	sadd.s32 $0xFFFFFFFF, s9;
	s9 =	simm.s32 $0x4E10;
	[tilespmem:s0+$0x0] =	vst v0  }
.LBB2_66:
0x4b5: {  	v0 =	vld [tilespmem:s9+$0x0];
	p1 =	sne.s32 s2, $0x1;
	s2 =	sadd.s32 $0xFFFFFFFF, s2  }
.Ltmp61:
0x4b6: {  	(pc) =	sbr.rel @p1 .LBB2_66-.Ltmp61, $3  }
0x4b7: {  	_ =	sdelay $0x1  }
0x4b8: {  	s0 =	sadd.s32 $0x10, s0  }
0x4b9: {  	s9 =	sadd.s32 $0x10, s9;
	[tilespmem:s0+$0x0] =	vst v0  }
.LBB2_67:
0x4ba: {  	v0 =	vld [tilespmem:$0x4680];
	_ =	sdelay $0x4  }
0x4bb: {  	(v2sf) =	vpush v0, $0x0  }
0x4bc: {  	(v2sf) =	vpush v0, $0x1;
	_ =	sdelay $0x8  }
0x4bd: {  	s9 =	sadd.s32 $0x7, s1  }
0x4be: {  	s9 =	sand.u32 $0xFFFFFFF8, s9  }
0x4bf: {  	s6 =	sadd.s32 s6, s8;
	s5 =	sadd.s32 s5, s9  }
0x4c0: {  	s0 =	ssub.s32 s4, s6;
	s30 =	sadd.s32 s5, s11  }
0x4c1: {  	[tilespmem:s7], [sflag:$0x1] =	stream.linear.gather [spmem:s30], $0x418, $0x38;
	[tilespmem:$0x57A0] =	vst v63  }
0x4c2: {  	p1 =	sgt.s32 s0, $0x0;
	s2 =	spop (v2sf)  }
0x4c3: {  	s0 =	simm.s32 @!p1 $0x0;
	s8 =	spop (v2sf)  }
0x4c4: {  	p1 =	slt.s32 s8, s0  }
0x4c5: {  	s0 =	smov.u32 @p1 s8  }
0x4c6: {  	s0 =	sadd.s32 s2, s0  }
0x4c7: {  	s31 =	sadd.s32 $0xF, s0  }
0x4c8: {  	s7 =	sshra.s32 s31, $0x4  }
0x4c9: {  	p1 =	slt.s32 s7, $0x1  }
.Ltmp62:
0x4ca: {  	_ = 	snop;
	(pc) =	sbr.rel @p1 .LBB2_70-.Ltmp62, $4  }
0x4cb: {  	s2 =	simm.s32 $0x1  }
0x4cc: {  	_ =	swait.ge [sflag:s2], $0x418  }
0x4cd: {  	[sflag:s2] =	ssyncset.done $0x0  }
0x4ce: {  	s3 =	sadd.s32 s3, s1;
	[sflag:s2] =	ssyncadd.s32 $0xFFFFFBE8  }
0x4cf: {  	s1 =	simm.s32 $0x4E00  }
0x4d0: {  	p1 =	sne.s32 s7, $0x1;
	v0 =	vld [tilespmem:s1+$0x0]  }
.Ltmp63:
0x4d1: {  	_ = 	snop;
	(pc) =	sbr.rel @!p1 .LBB2_70-.Ltmp63, $3  }
0x4d2: {  	_ =	sdelay $0x1  }
0x4d3: {  	s1 =	sadd.s32 $0x5280, s3  }
0x4d4: {  	s7 =	sadd.s32 $0xFFFFFFFF, s7;
	s9 =	simm.s32 $0x4E10;
	[tilespmem:s1+$0x0] =	vst v0  }
.LBB2_69:
0x4d5: {  	v0 =	vld [tilespmem:s9+$0x0];
	p1 =	sne.s32 s7, $0x1;
	s7 =	sadd.s32 $0xFFFFFFFF, s7  }
.Ltmp64:
0x4d6: {  	(pc) =	sbr.rel @p1 .LBB2_69-.Ltmp64, $3  }
0x4d7: {  	_ =	sdelay $0x1  }
0x4d8: {  	s1 =	sadd.s32 $0x10, s1  }
0x4d9: {  	s9 =	sadd.s32 $0x10, s9;
	[tilespmem:s1+$0x0] =	vst v0  }
.LBB2_70:
0x4da: {  	v0 =	vld [tilespmem:$0x4700];
	_ =	sdelay $0x4  }
0x4db: {  	(v2sf) =	vpush v0, $0x0  }
0x4dc: {  	(v2sf) =	vpush v0, $0x1;
	_ =	sdelay $0xb  }
0x4dd: {  	s6 =	sadd.s32 s6, s8  }
0x4de: {  	s1 =	ssub.s32 s4, s6  }
0x4df: {  	p1 =	sgt.s32 s1, $0x0;
	s30 =	spop (v2sf)  }
0x4e0: {  	s1 =	simm.s32 @!p1 $0x0;
	s9 =	spop (v2sf)  }
0x4e1: {  	p1 =	slt.s32 s9, s1  }
0x4e2: {  	s1 =	smov.u32 @p1 s9  }
0x4e3: {  	s1 =	sadd.s32 s30, s1  }
0x4e4: {  	s7 =	sadd.s32 $0x7, s0;
	s31 =	sadd.s32 $0xF, s1  }
0x4e5: {  	s7 =	sand.u32 $0xFFFFFFF8, s7;
	s10 =	sshra.s32 s31, $0x4  }
0x4e6: {  	s7 =	sadd.s32 s5, s7;
	p1 =	slt.s32 s10, $0x1  }
.Ltmp65:
0x4e7: {  	s8 =	simm.s32 $0x4E00;
	s5 =	sadd.s32 s7, s11;
	(pc) =	sbr.rel @p1 .LBB2_73-.Ltmp65, $4  }
0x4e8: {  	[tilespmem:s8], [sflag:$0x1] =	stream.linear.gather [spmem:s5], $0x418, $0x38;
	[tilespmem:$0x57A0] =	vst v63  }
0x4e9: {  	_ =	swait.ge [sflag:s2], $0x418  }
0x4ea: {  	[sflag:s2] =	ssyncset.done $0x0  }
0x4eb: {  	s5 =	sadd.s32 s3, s0;
	[sflag:s2] =	ssyncadd.s32 $0xFFFFFBE8  }
0x4ec: {  	v0 =	vld [tilespmem:s8+$0x0];
	p1 =	sne.s32 s10, $0x1  }
.Ltmp66:
0x4ed: {  	_ = 	snop;
	(pc) =	sbr.rel @!p1 .LBB2_73-.Ltmp66, $3  }
0x4ee: {  	_ =	sdelay $0x1  }
0x4ef: {  	s0 =	sadd.s32 $0x5280, s5  }
0x4f0: {  	s2 =	sadd.s32 $0xFFFFFFFF, s10;
	s3 =	simm.s32 $0x4E10;
	[tilespmem:s0+$0x0] =	vst v0  }
.LBB2_72:
0x4f1: {  	v0 =	vld [tilespmem:s3+$0x0];
	p1 =	sne.s32 s2, $0x1;
	s2 =	sadd.s32 $0xFFFFFFFF, s2  }
.Ltmp67:
0x4f2: {  	(pc) =	sbr.rel @p1 .LBB2_72-.Ltmp67, $3  }
0x4f3: {  	_ =	sdelay $0x1  }
0x4f4: {  	s0 =	sadd.s32 $0x10, s0  }
0x4f5: {  	s3 =	sadd.s32 $0x10, s3;
	[tilespmem:s0+$0x0] =	vst v0  }
.LBB2_73:
0x4f6: {  	v0 =	vld [tilespmem:$0x4780];
	_ =	sdelay $0x4  }
0x4f7: {  	(v2sf) =	vpush v0, $0x0  }
0x4f8: {  	(v2sf) =	vpush v0, $0x1;
	_ =	sdelay $0x8  }
0x4f9: {  	s3 =	sadd.s32 $0x7, s1  }
0x4fa: {  	s3 =	sand.u32 $0xFFFFFFF8, s3  }
0x4fb: {  	s6 =	sadd.s32 s6, s9;
	s3 =	sadd.s32 s7, s3  }
0x4fc: {  	s0 =	ssub.s32 s4, s6;
	s30 =	sadd.s32 s3, s11  }
0x4fd: {  	[tilespmem:s8], [sflag:$0x1] =	stream.linear.gather [spmem:s30], $0x418, $0x38;
	[tilespmem:$0x57A0] =	vst v63  }
0x4fe: {  	p1 =	sgt.s32 s0, $0x0;
	s2 =	spop (v2sf)  }
0x4ff: {  	s0 =	simm.s32 @!p1 $0x0;
	s9 =	spop (v2sf)  }
0x500: {  	p1 =	slt.s32 s9, s0  }
0x501: {  	s0 =	smov.u32 @p1 s9  }
0x502: {  	s0 =	sadd.s32 s2, s0  }
0x503: {  	s31 =	sadd.s32 $0xF, s0  }
0x504: {  	s7 =	sshra.s32 s31, $0x4  }
0x505: {  	p1 =	slt.s32 s7, $0x1  }
.Ltmp68:
0x506: {  	_ = 	snop;
	(pc) =	sbr.rel @p1 .LBB2_76-.Ltmp68, $4  }
0x507: {  	s2 =	simm.s32 $0x1  }
0x508: {  	_ =	swait.ge [sflag:s2], $0x418  }
0x509: {  	[sflag:s2] =	ssyncset.done $0x0  }
0x50a: {  	s5 =	sadd.s32 s5, s1;
	[sflag:s2] =	ssyncadd.s32 $0xFFFFFBE8  }
0x50b: {  	s1 =	simm.s32 $0x4E00  }
0x50c: {  	p1 =	sne.s32 s7, $0x1;
	v0 =	vld [tilespmem:s1+$0x0]  }
.Ltmp69:
0x50d: {  	_ = 	snop;
	(pc) =	sbr.rel @!p1 .LBB2_76-.Ltmp69, $3  }
0x50e: {  	_ =	sdelay $0x1  }
0x50f: {  	s1 =	sadd.s32 $0x5280, s5  }
0x510: {  	s7 =	sadd.s32 $0xFFFFFFFF, s7;
	s8 =	simm.s32 $0x4E10;
	[tilespmem:s1+$0x0] =	vst v0  }
.LBB2_75:
0x511: {  	v0 =	vld [tilespmem:s8+$0x0];
	p1 =	sne.s32 s7, $0x1;
	s7 =	sadd.s32 $0xFFFFFFFF, s7  }
.Ltmp70:
0x512: {  	(pc) =	sbr.rel @p1 .LBB2_75-.Ltmp70, $3  }
0x513: {  	_ =	sdelay $0x1  }
0x514: {  	s1 =	sadd.s32 $0x10, s1  }
0x515: {  	s8 =	sadd.s32 $0x10, s8;
	[tilespmem:s1+$0x0] =	vst v0  }
.LBB2_76:
0x516: {  	v0 =	vld [tilespmem:$0x4800];
	_ =	sdelay $0x4  }
0x517: {  	(v2sf) =	vpush v0, $0x0  }
0x518: {  	(v2sf) =	vpush v0, $0x1;
	_ =	sdelay $0xb  }
0x519: {  	s6 =	sadd.s32 s6, s9  }
0x51a: {  	s1 =	ssub.s32 s4, s6  }
0x51b: {  	p1 =	sgt.s32 s1, $0x0;
	s7 =	spop (v2sf)  }
0x51c: {  	s1 =	simm.s32 @!p1 $0x0;
	s9 =	spop (v2sf)  }
0x51d: {  	p1 =	slt.s32 s9, s1  }
0x51e: {  	s8 =	sadd.s32 $0x7, s0;
	s1 =	smov.u32 @p1 s9  }
0x51f: {  	s8 =	sand.u32 $0xFFFFFFF8, s8;
	s1 =	sadd.s32 s7, s1  }
0x520: {  	s8 =	sadd.s32 s8, s11;
	s31 =	sadd.s32 $0xF, s1  }
0x521: {  	s7 =	sadd.s32 s3, s8;
	s3 =	sshra.s32 s31, $0x4  }
0x522: {  	p1 =	slt.s32 s3, $0x1  }
.Ltmp71:
0x523: {  	s8 =	simm.s32 $0x4E00;
	(pc) =	sbr.rel @p1 .LBB2_79-.Ltmp71, $4  }
0x524: {  	[tilespmem:s8], [sflag:$0x1] =	stream.linear.gather [spmem:s7], $0x418, $0x38;
	[tilespmem:$0x57A0] =	vst v63  }
0x525: {  	_ =	swait.ge [sflag:s2], $0x418  }
0x526: {  	[sflag:s2] =	ssyncset.done $0x0  }
0x527: {  	s5 =	sadd.s32 s5, s0;
	[sflag:s2] =	ssyncadd.s32 $0xFFFFFBE8  }
0x528: {  	v0 =	vld [tilespmem:s8+$0x0];
	p1 =	sne.s32 s3, $0x1  }
.Ltmp72:
0x529: {  	_ = 	snop;
	(pc) =	sbr.rel @!p1 .LBB2_79-.Ltmp72, $3  }
0x52a: {  	_ =	sdelay $0x1  }
0x52b: {  	s0 =	sadd.s32 $0x5280, s5  }
0x52c: {  	s2 =	sadd.s32 $0xFFFFFFFF, s3;
	s3 =	simm.s32 $0x4E10;
	[tilespmem:s0+$0x0] =	vst v0  }
.LBB2_78:
0x52d: {  	v0 =	vld [tilespmem:s3+$0x0];
	p1 =	sne.s32 s2, $0x1;
	s2 =	sadd.s32 $0xFFFFFFFF, s2  }
.Ltmp73:
0x52e: {  	(pc) =	sbr.rel @p1 .LBB2_78-.Ltmp73, $3  }
0x52f: {  	_ =	sdelay $0x1  }
0x530: {  	s0 =	sadd.s32 $0x10, s0  }
0x531: {  	s3 =	sadd.s32 $0x10, s3;
	[tilespmem:s0+$0x0] =	vst v0  }
.LBB2_79:
0x532: {  	v0 =	vld [tilespmem:$0x4880];
	_ =	sdelay $0x4  }
0x533: {  	(v2sf) =	vpush v0, $0x0  }
0x534: {  	(v2sf) =	vpush v0, $0x1;
	_ =	sdelay $0x9  }
0x535: {  	s30 =	sadd.s32 $0x7, s1  }
0x536: {  	s3 =	sadd.s32 s6, s9;
	s6 =	sand.u32 $0xFFFFFFF8, s30  }
0x537: {  	s0 =	ssub.s32 s4, s3;
	s6 =	sadd.s32 s6, s7  }
0x538: {  	[tilespmem:s8], [sflag:$0x1] =	stream.linear.gather [spmem:s6], $0x418, $0x38;
	[tilespmem:$0x57A0] =	vst v63  }
0x539: {  	p1 =	sgt.s32 s0, $0x0;
	s2 =	spop (v2sf)  }
0x53a: {  	s0 =	simm.s32 @!p1 $0x0;
	s9 =	spop (v2sf)  }
0x53b: {  	p1 =	slt.s32 s9, s0  }
0x53c: {  	s0 =	smov.u32 @p1 s9  }
0x53d: {  	s0 =	sadd.s32 s2, s0  }
0x53e: {  	s31 =	sadd.s32 $0xF, s0  }
0x53f: {  	s7 =	sshra.s32 s31, $0x4  }
0x540: {  	p1 =	slt.s32 s7, $0x1  }
.Ltmp74:
0x541: {  	_ = 	snop;
	(pc) =	sbr.rel @p1 .LBB2_82-.Ltmp74, $4  }
0x542: {  	s2 =	simm.s32 $0x1  }
0x543: {  	_ =	swait.ge [sflag:s2], $0x418  }
0x544: {  	[sflag:s2] =	ssyncset.done $0x0  }
0x545: {  	s1 =	sadd.s32 s5, s1;
	[sflag:s2] =	ssyncadd.s32 $0xFFFFFBE8  }
0x546: {  	s5 =	simm.s32 $0x4E00  }
0x547: {  	p1 =	sne.s32 s7, $0x1;
	v0 =	vld [tilespmem:s5+$0x0]  }
.Ltmp75:
0x548: {  	_ = 	snop;
	(pc) =	sbr.rel @!p1 .LBB2_82-.Ltmp75, $3  }
0x549: {  	_ =	sdelay $0x1  }
0x54a: {  	s5 =	sadd.s32 $0x5280, s1  }
0x54b: {  	s7 =	sadd.s32 $0xFFFFFFFF, s7;
	s8 =	simm.s32 $0x4E10;
	[tilespmem:s5+$0x0] =	vst v0  }
.LBB2_81:
0x54c: {  	v0 =	vld [tilespmem:s8+$0x0];
	p1 =	sne.s32 s7, $0x1;
	s7 =	sadd.s32 $0xFFFFFFFF, s7  }
.Ltmp76:
0x54d: {  	(pc) =	sbr.rel @p1 .LBB2_81-.Ltmp76, $3  }
0x54e: {  	_ =	sdelay $0x1  }
0x54f: {  	s5 =	sadd.s32 $0x10, s5  }
0x550: {  	s8 =	sadd.s32 $0x10, s8;
	[tilespmem:s5+$0x0] =	vst v0  }
.LBB2_82:
0x551: {  	v0 =	vld [tilespmem:$0x4900];
	_ =	sdelay $0x4  }
0x552: {  	(v2sf) =	vpush v0, $0x0  }
0x553: {  	(v2sf) =	vpush v0, $0x1;
	_ =	sdelay $0xb  }
0x554: {  	s3 =	sadd.s32 s9, s3  }
0x555: {  	s4 =	ssub.s32 s4, s3  }
0x556: {  	p1 =	sgt.s32 s4, $0x0;
	s5 =	spop (v2sf)  }
0x557: {  	s4 =	simm.s32 @!p1 $0x0;
	s7 =	spop (v2sf)  }
0x558: {  	p1 =	slt.s32 s7, s4  }
0x559: {  	s4 =	smov.u32 @p1 s7  }
0x55a: {  	s4 =	sadd.s32 s4, s5  }
0x55b: {  	s4 =	sadd.s32 $0xF, s4  }
0x55c: {  	s31 =	sadd.s32 $0x7, s0;
	s4 =	sshra.s32 s4, $0x4  }
0x55d: {  	s3 =	sand.u32 $0xFFFFFFF8, s31;
	p1 =	slt.s32 s4, $0x1  }
.Ltmp77:
0x55e: {  	s6 =	sadd.s32 s3, s6;
	s3 =	simm.s32 $0x4E00;
	(pc) =	sbr.rel @p1 .LBB2_85-.Ltmp77, $4  }
0x55f: {  	[tilespmem:s3], [sflag:$0x1] =	stream.linear.gather [spmem:s6], $0x418, $0x38;
	[tilespmem:$0x57A0] =	vst v63  }
0x560: {  	_ =	swait.ge [sflag:s2], $0x418  }
0x561: {  	[sflag:s2] =	ssyncset.done $0x0  }
0x562: {  	[sflag:s2] =	ssyncadd.s32 $0xFFFFFBE8  }
0x563: {  	v0 =	vld [tilespmem:s3+$0x0];
	p1 =	sne.s32 s4, $0x1  }
.Ltmp78:
0x564: {  	_ = 	snop;
	(pc) =	sbr.rel @!p1 .LBB2_85-.Ltmp78, $4  }
0x565: {  	_ = 	snop  }
0x566: {  	s0 =	sadd.s32 s0, s1  }
0x567: {  	s0 =	sadd.s32 $0x5280, s0  }
0x568: {  	s1 =	sadd.s32 $0xFFFFFFFF, s4;
	s2 =	simm.s32 $0x4E10;
	[tilespmem:s0+$0x0] =	vst v0  }
.LBB2_84:
0x569: {  	v0 =	vld [tilespmem:s2+$0x0];
	p1 =	sne.s32 s1, $0x1;
	s1 =	sadd.s32 $0xFFFFFFFF, s1  }
.Ltmp79:
0x56a: {  	(pc) =	sbr.rel @p1 .LBB2_84-.Ltmp79, $3  }
0x56b: {  	_ =	sdelay $0x1  }
0x56c: {  	s0 =	sadd.s32 $0x10, s0  }
0x56d: {  	s2 =	sadd.s32 $0x10, s2;
	[tilespmem:s0+$0x0] =	vst v0  }
.LBB2_85:
0x56e: {  	s0 =	simm.s32 $0x0  }
0x56f: {  	s1 =	simm.s32 $0x5280;
	s2 =	rddreg [dreg:$0x1];
	s31 =	simm.s32 $0x1  }
0x570: {  	[hbm4b:s2+s0] =	stream.linear.scatter [tilespmem:s1], [sflag:$0x1], $0x400, $0x38;
	[tilespmem:$0x57A0] =	vst v63  }
0x571: {  	_ =	swait.ge [sflag:s31], $0x400  }
0x572: {  	[sflag:s31] =	ssyncset.done $0x0  }
0x573: {  	[sflag:s31] =	ssyncadd.s32 $0xFFFFFC00  }
.LBB2_86:
0x574: {  	_ =	sfence.sel $0x180000  }
0x575: {  	[bflag:$0x0] =	sbarrier.arrive $0xFFFF  }
0x576: {  	_ =	strace $0x90000047  }
0x577: {  	[bflag:$0x2] =	sbarrier.arrive $0xFFFF  }
0x578: {  	s0 =	rddreg [dreg:$0x4]  }
0x579: {  	s0 =	sadd.s32 @!p0 $0x100000, s0  }
0x57a: {  	[sflag:s0] =	ssyncadd.tile.s32 @!p0 $0x1;
	_ =	shalt  }
.LBB2_87:
0x57b: {  	p1 =	sne.s32 s3, $0xD  }
0x57c: {  	p2 =	sne.s32 @p1 s3, $0xE  }
0x57d: {  	p3 =	por !p2, !p1  }
0x57e: {  	p4 =	sne.s32 @!p3 s3, $0xF  }
0x57f: {  	[bflag:$0x0] =	sbarrier.arrive $0xFFFF;
	p4 =	por @p1 p4, !p2  }
0x580: {  	[bflag:$0x0] =	sbarrier.arrive @p1 $0xFFFF;
	p4 =	por p4, !p1  }
0x581: {  	[bflag:$0x0] =	sbarrier.arrive @!p3 $0xFFFF;
	s1 =	sadd.s32 @!p4 s0, s11;
	s2 =	simm.s32 @!p4 $0x4980  }
0x582: {  	[spmem:s1] =	stream.linear.scatter @!p4 [tilespmem:s2], [sflag:$0x1], $0x410, $0x38;
	[tilespmem:$0x57A0] =	vst v63  }
0x583: {  	s1 =	simm.s32 @!p4 $0x1  }
0x584: {  	_ =	swait.ge @!p4 [sflag:s1], $0x410  }
0x585: {  	[sflag:s1] =	ssyncset.done @!p4 $0x0  }
0x586: {  	p2 =	por p2, !p1;
	[sflag:s1] =	ssyncadd.s32 @!p4 $0xFFFFFBF0  }
0x587: {  	s2 =	simm.s32 @!p2 $0x4980;
	s1 =	sadd.s32 @!p2 s0, s11;
	[bflag:$0x0] =	sbarrier.arrive @!p3 $0xFFFF  }
0x588: {  	[spmem:s1] =	stream.linear.scatter @!p2 [tilespmem:s2], [sflag:$0x1], $0x410, $0x38;
	[tilespmem:$0x57A0] =	vst v63  }
0x589: {  	s1 =	simm.s32 @!p2 $0x1  }
0x58a: {  	_ =	swait.ge @!p2 [sflag:s1], $0x410  }
0x58b: {  	[sflag:s1] =	ssyncset.done @!p2 $0x0  }
0x58c: {  	[sflag:s1] =	ssyncadd.s32 @!p2 $0xFFFFFBF0  }
0x58d: {  	[bflag:$0x0] =	sbarrier.arrive @!p2 $0xFFFF  }
0x58e: {  	s0 =	sadd.s32 @!p1 s0, s11;
	s1 =	simm.s32 @!p1 $0x4980;
	[bflag:$0x0] =	sbarrier.arrive @!p2 $0xFFFF  }
0x58f: {  	[spmem:s0] =	stream.linear.scatter @!p1 [tilespmem:s1], [sflag:$0x1], $0x410, $0x38;
	[tilespmem:$0x57A0] =	vst v63  }
0x590: {  	s0 =	simm.s32 @!p1 $0x1  }
0x591: {  	_ =	swait.ge @!p1 [sflag:s0], $0x410  }
0x592: {  	[sflag:s0] =	ssyncset.done @!p1 $0x0  }
.Ltmp80:
0x593: {  	[sflag:s0] =	ssyncadd.s32 @!p1 $0xFFFFFBF0;
	(pc) =	sbr.rel .LBB2_86-.Ltmp80, $3  }
0x594: {  	[bflag:$0x0] =	sbarrier.arrive @!p1 $0xFFFF  }
0x595: {  	[bflag:$0x0] =	sbarrier.arrive @!p1 $0xFFFF  }
0x596: {  	[bflag:$0x0] =	sbarrier.arrive @!p1 $0xFFFF;
	_ =	sdelay $0x1  }
.Lfunc_end2:
_tile_overlayer_lowered:
.L_overlay_start_2:
0x597: {  	(tag) =	ssettag $0x2  }
0x598: {  	s0 =	rddreg [dreg:$0x0];
	s2 =	stileid.u32  }
0x599: {  	s1 =	rddreg [dreg:$0x1];
	p0 =	sne.s32 s2, $0x0  }
0x59a: {  	s3 =	rddreg [dreg:$0x2];
	[bflag:$0x3] =	sbarrier.arrive $0xFFFF;
	s2 =	simm.s32 @!p0 $0x1C01  }
0x59b: {  	[timem:s3], [sflag:s2] =	dma.local @!p0 [hbm:s0], s1  }
0x59c: {  	s0 =	simm.s32 @!p0 $0x1  }
0x59d: {  	_ =	swait.ge @!p0 [sflag:s0], s1  }
0x59e: {  	s1 =	ssub.s32 @!p0 $0x0, s1;
	[sflag:s0] =	ssyncset.done @!p0 $0x0  }
0x59f: {  	[sflag:s0] =	ssyncadd.s32 @!p0 s1  }
0x5a0: {  	[bflag:$0x3] =	sbarrier.arrive $0xFFFF  }
0x5a1: {  	_ =	shalt  }

</sc_bundles>
